<compile_context>
chip_gen: v7x
topology: tpu7x:2x2x1
jax: 0.10.2.dev20260603
libtpu: 0.0.44.dev20260713+nightly
codegen_flags: <defaults>
</compile_context>

<pallas_src>
import functools

import jax
import jax.numpy as jnp
from jax import lax
from jax.experimental import pallas as pl
from jax.experimental.pallas import tpu as pltpu
from jax.experimental.pallas import tpu_sc as plsc

_N = 10000
_E = 160000
_D = 256
_H = 128
_NCHUNK = _E // _H
_NTILE = 16
_RPT = _N // _NTILE
_NHALF = _N // 2
_DEGPAD = 5120
_CH = 80
_NCH2 = _E // _CH
_BM = 1024

_mesh = plsc.VectorSubcoreMesh(core_axis_name="c", subcore_axis_name="s")


def _zero16():
    return jnp.zeros((16,), jnp.float32)


def _one16():
    return jnp.ones((16,), jnp.float32)


def _sc_deg_body(dstf_hbm, deg_hbm,
                 ib0, ib1, ib2, ib3, ib4, ib5, ib6, ib7, onesb, stage, hist,
                 is0, is1, is2, is3, is4, is5, is6, is7,
                 ss0, ss1, ss2, ss3, ss4, ss5, ss6, ss7):
    c = lax.axis_index("c")
    s = lax.axis_index("s")
    ibufs = (ib0, ib1, ib2, ib3, ib4, ib5, ib6, ib7)
    isems = (is0, is1, is2, is3, is4, is5, is6, is7)
    ssems = (ss0, ss1, ss2, ss3, ss4, ss5, ss6, ss7)

    for k in range(20):
        stage[pl.ds(k * 16, 16)] = _zero16()
    for k in range(8):
        onesb[pl.ds(k * 16, 16)] = _one16()
    win = c * _NHALF
    pltpu.sync_copy(stage, hist.at[pl.ds(win + s * 320, 320)])
    plsc.subcore_barrier()

    nj = ((_NCHUNK - 1 - s) // _NTILE) + 1

    def _doff(j):
        return (s + j * _NTILE) * _H

    @pl.loop(0, 11)
    def _steps(g):
        for p in range(8):
            j = g * 8 + p

            @pl.when((j >= 8) & (j - 8 < nj))
            def _():
                pltpu.make_async_copy(onesb, hist.at[ibufs[p]],
                                      ssems[p]).wait()

            @pl.when(j < nj)
            def _():
                pltpu.async_copy(dstf_hbm.at[pl.ds(_doff(j), _H)], ibufs[p],
                                 isems[p])

            q = (p - 4) % 8

            @pl.when((j >= 4) & (j - 4 < nj))
            def _():
                pltpu.make_async_copy(dstf_hbm.at[pl.ds(_doff(j - 4), _H)],
                                      ibufs[q], isems[q]).wait()
                pltpu.async_copy(onesb, hist.at[ibufs[q]], ssems[q],
                                 add=True)

    plsc.subcore_barrier()

    @pl.when(s < 15)
    def _():
        pltpu.sync_copy(hist.at[pl.ds(win + s * 320, 320)], stage)
        pltpu.sync_copy(stage, deg_hbm.at[pl.ds(win + s * 320, 320)])

    @pl.when(s == 15)
    def _():
        pltpu.sync_copy(hist.at[pl.ds(win + 4800, 200)],
                        stage.at[pl.ds(0, 200)])
        pltpu.sync_copy(stage.at[pl.ds(0, 200)],
                        deg_hbm.at[pl.ds(win + 4800, 200)])


_sc_deg = functools.partial(
    pl.kernel,
    out_type=jax.ShapeDtypeStruct((_N,), jnp.float32),
    mesh=_mesh,
    scratch_types=(
        [pltpu.VMEM((_H,), jnp.int32)] * 8
        + [pltpu.VMEM((_H,), jnp.float32)]
        + [pltpu.VMEM((320,), jnp.float32)]
        + [pltpu.VMEM_SHARED((10144,), jnp.float32)]
        + [pltpu.SemaphoreType.DMA] * 16
    ),
)(_sc_deg_body)


def _sc_scatter_body(hp_hbm, srcf_hbm, dstf_hbm, zeros_hbm, acc_hbm,
                     srcb0, srcb1, srcb2, srcb3,
                     dstb0, dstb1, dstb2, dstb3,
                     rows0, rows1, rows2, rows3, shared_acc,
                     isem0, isem1, isem2, isem3,
                     gsem0, gsem1, gsem2, gsem3,
                     ssem0, ssem1, ssem2, ssem3, zsem):
    c = lax.axis_index("c")
    s = lax.axis_index("s")
    row_off = c * _N

    srcbufs = (srcb0, srcb1, srcb2, srcb3)
    dstbufs = (dstb0, dstb1, dstb2, dstb3)
    rowbufs = (rows0, rows1, rows2, rows3)
    isems = (isem0, isem1, isem2, isem3)
    gsems = (gsem0, gsem1, gsem2, gsem3)
    ssems = (ssem0, ssem1, ssem2, ssem3)
    base = s * 640

    @pl.when(s < 15)
    def _():
        pltpu.async_copy(zeros_hbm, shared_acc.at[pl.ds(base, 640), :], zsem)

    @pl.when(s == 15)
    def _():
        pltpu.async_copy(zeros_hbm.at[pl.ds(0, 400), :],
                         shared_acc.at[pl.ds(base, 400), :], zsem)

    nj = _NCH2 // _NTILE

    def _soff(j):
        return (s + j * _NTILE) * _CH

    def _idx_load(j, p):
        pltpu.async_copy(srcf_hbm.at[pl.ds(_soff(j), _CH)], srcbufs[p],
                         isems[p])
        pltpu.async_copy(dstf_hbm.at[pl.ds(_soff(j), _CH)], dstbufs[p],
                         isems[p])

    def _idx_wait(j, p):
        pltpu.make_async_copy(srcf_hbm.at[pl.ds(_soff(j), _CH)], srcbufs[p],
                              isems[p]).wait()
        pltpu.make_async_copy(dstf_hbm.at[pl.ds(_soff(j), _CH)],
                              dstbufs[p], isems[p]).wait()

    def _gather_fire(p):
        for k in range(_CH // 16):
            srcbufs[p][pl.ds(k * 16, 16)] = (
                srcbufs[p][pl.ds(k * 16, 16)] + row_off)
        pltpu.async_copy(hp_hbm.at[srcbufs[p]], rowbufs[p], gsems[p])

    def _scatter_fire(p):
        pltpu.make_async_copy(hp_hbm.at[srcbufs[p]], rowbufs[p],
                              gsems[p]).wait()
        pltpu.async_copy(rowbufs[p], shared_acc.at[dstbufs[p]], ssems[p],
                         add=True)

    def _scatter_wait(p):
        pltpu.make_async_copy(rowbufs[p], shared_acc.at[dstbufs[p]],
                              ssems[p]).wait()

    _idx_load(0, 0)
    _idx_load(1, 1)
    _idx_wait(0, 0)
    _gather_fire(0)
    _idx_load(2, 2)
    _idx_wait(1, 1)
    _gather_fire(1)
    _idx_load(3, 3)
    _idx_wait(2, 2)
    _gather_fire(2)

    @pl.when(s < 15)
    def _():
        pltpu.make_async_copy(zeros_hbm,
                              shared_acc.at[pl.ds(base, 640), :],
                              zsem).wait()

    @pl.when(s == 15)
    def _():
        pltpu.make_async_copy(zeros_hbm.at[pl.ds(0, 400), :],
                              shared_acc.at[pl.ds(base, 400), :],
                              zsem).wait()

    plsc.subcore_barrier()
    _scatter_fire(0)

    @pl.loop(0, 32)
    def _steps(g):
        for pp in range(4):
            j = 4 + g * 4 + pp
            p = pp

            @pl.when(j - 4 < nj)
            def _():
                _scatter_wait(p)

            @pl.when(j < nj)
            def _():
                _idx_load(j, p)

            q = (p - 1) % 4

            @pl.when(j - 1 < nj)
            def _():
                _idx_wait(j - 1, q)
                _gather_fire(q)

            r = (p - 3) % 4

            @pl.when(j - 3 < nj)
            def _():
                _scatter_fire(r)

    plsc.subcore_barrier()

    @pl.when(s < 15)
    def _():
        pltpu.sync_copy(shared_acc.at[pl.ds(base, 640), :],
                        acc_hbm.at[pl.ds(row_off + base, 640), :])

    @pl.when(s == 15)
    def _():
        pltpu.sync_copy(shared_acc.at[pl.ds(base, 400), :],
                        acc_hbm.at[pl.ds(row_off + base, 400), :])


_sc_scatter = functools.partial(
    pl.kernel,
    out_type=jax.ShapeDtypeStruct((2 * _N, _H), jnp.float32),
    mesh=_mesh,
    scratch_types=(
        [pltpu.VMEM((_CH,), jnp.int32)] * 8
        + [pltpu.VMEM((_CH, _H), jnp.float32)] * 4
        + [pltpu.VMEM_SHARED((_N, _H), jnp.float32)]
        + [pltpu.SemaphoreType.DMA] * 13
    ),
)(_sc_scatter_body)


def _dis(deg_ref):
    return lax.rsqrt(deg_ref[...] + 1.0).reshape(_BM, 1)


def _tc1_body(x_ref, w_ref, deg_ref, hp_ref):
    dis = _dis(deg_ref)
    h = jnp.dot(x_ref[...], w_ref[...], preferred_element_type=jnp.float32)
    hp = h * dis
    hp_ref[0] = hp[:, :_H]
    hp_ref[1] = hp[:, _H:]


def _tc_mid_body(acc_ref, hp_ref, deg_ref, b_ref, w_ref, out_ref):
    dis = _dis(deg_ref)
    b = b_ref[...]
    hin_a = jnp.maximum(dis * (acc_ref[0] + hp_ref[0]) + b[:, :_H], 0.0)
    hin_b = jnp.maximum(dis * (acc_ref[1] + hp_ref[1]) + b[:, _H:], 0.0)
    hin = jnp.concatenate([hin_a, hin_b], axis=1)
    h = jnp.dot(hin, w_ref[...], preferred_element_type=jnp.float32)
    hp = h * dis
    out_ref[0] = hp[:, :_H]
    out_ref[1] = hp[:, _H:]


def _tc_final_body(acc_ref, hp_ref, deg_ref, b_ref, out_ref):
    dis = _dis(deg_ref)
    out_a = dis * (acc_ref[0] + hp_ref[0]) + b_ref[...][:, :_H]
    out_b = dis * (acc_ref[1] + hp_ref[1]) + b_ref[...][:, _H:]
    out_ref[...] = jnp.concatenate([out_a, out_b], axis=1)


_GRID = (_N + _BM - 1) // _BM

_spec_rows = pl.BlockSpec((_BM, _D), lambda i: (i, 0))
_spec_halves = pl.BlockSpec((2, _BM, _H), lambda i: (0, i, 0))
_spec_deg = pl.BlockSpec((_BM,), lambda i: (i,))
_spec_w = pl.BlockSpec((_D, _D), lambda i: (0, 0))
_spec_b = pl.BlockSpec((1, _D), lambda i: (0, 0))

_tc1 = pl.pallas_call(
    _tc1_body,
    grid=(_GRID,),
    in_specs=[_spec_rows, _spec_w, _spec_deg],
    out_specs=_spec_halves,
    out_shape=jax.ShapeDtypeStruct((2, _N, _H), jnp.float32),
)

_tc_mid = pl.pallas_call(
    _tc_mid_body,
    grid=(_GRID,),
    in_specs=[_spec_halves, _spec_halves, _spec_deg, _spec_b, _spec_w],
    out_specs=_spec_halves,
    out_shape=jax.ShapeDtypeStruct((2, _N, _H), jnp.float32),
)

_tc_final = pl.pallas_call(
    _tc_final_body,
    grid=(_GRID,),
    in_specs=[_spec_halves, _spec_halves, _spec_deg, _spec_b],
    out_specs=_spec_rows,
    out_shape=jax.ShapeDtypeStruct((_N, _D), jnp.float32),
)


def kernel(x, edge_index, W1, b1, W2, b2, W3, b3):
    srcf = edge_index[0]
    dstf = edge_index[1]

    degc = _sc_deg(dstf)

    b1r = b1.reshape(1, _D)
    b2r = b2.reshape(1, _D)
    b3r = b3.reshape(1, _D)

    hp1 = _tc1(x, W1, degc)
    zrows = jnp.zeros((640, _H), jnp.float32)
    acc1 = _sc_scatter(hp1.reshape(2 * _N, _H), srcf, dstf, zrows)
    hp2 = _tc_mid(acc1.reshape(2, _N, _H), hp1, degc, b1r, W2)
    acc2 = _sc_scatter(hp2.reshape(2 * _N, _H), srcf, dstf, zrows)
    hp3 = _tc_mid(acc2.reshape(2, _N, _H), hp2, degc, b2r, W3)
    acc3 = _sc_scatter(hp3.reshape(2 * _N, _H), srcf, dstf, zrows)
    out = _tc_final(acc3.reshape(2, _N, _H), hp3, degc, b3r)
    return out

# --- scband reference (transcript-rebuilt; emitter-appended) ---
"""Pipeline reference for scband-pyg-model-73839077753050 (READ-ONLY COPY).

The authoritative reference and input builder live on the scoring server;
editing this copy changes nothing except your own understanding.
"""

import jax, jax.numpy as jnp
import numpy as np

N = 10000
E = 160000
D = 256


def setup_inputs(seed: int = 0) -> dict:
    key = jax.random.key(seed)
    ks = jax.random.split(key, 9)
    x = jax.random.normal(ks[0], (N, D), dtype=jnp.float32)
    edge_index = jax.random.randint(ks[1], (2, E), 0, N, dtype=jnp.int32)
    scale = 1.0 / np.sqrt(D)
    W1 = jax.random.normal(ks[2], (D, D), dtype=jnp.float32) * scale
    b1 = jnp.zeros((D,), dtype=jnp.float32)
    W2 = jax.random.normal(ks[3], (D, D), dtype=jnp.float32) * scale
    b2 = jnp.zeros((D,), dtype=jnp.float32)
    W3 = jax.random.normal(ks[4], (D, D), dtype=jnp.float32) * scale
    b3 = jnp.zeros((D,), dtype=jnp.float32)
    return {"x": x, "edge_index": edge_index, "W1": W1, "b1": b1, "W2": W2, "b2": b2, "W3": W3, "b3": b3}


def _gcn_conv(x, src, dst, W, b):
    # PyG GCNConv: h = x @ W, symmetric normalization with self-loops, then bias
    n = x.shape[0]
    h = x @ W
    deg = jnp.zeros((n,), dtype=x.dtype).at[dst].add(1.0)
    dis = jnp.where(deg > 0, jax.lax.rsqrt(jnp.maximum(deg, 1e-12)), 0.0)
    norm = dis[src] * dis[dst]
    msgs = h[src] * norm[:, None]
    out = jnp.zeros_like(h).at[dst].add(msgs)
    return out + b


def reference(x, edge_index, W1, b1, W2, b2, W3, b3):
    # torch_geometric.nn.models.GCN with num_layers=3, relu activations, no dropout,
    # pool=None, ffnet=False, softmax=False
    n = x.shape[0]
    loop = jnp.arange(n, dtype=edge_index.dtype)
    src = jnp.concatenate([edge_index[0], loop])
    dst = jnp.concatenate([edge_index[1], loop])
    h = jax.nn.relu(_gcn_conv(x, src, dst, W1, b1))
    h = jax.nn.relu(_gcn_conv(h, src, dst, W2, b2))
    out = _gcn_conv(h, src, dst, W3, b3)
    return out

if __name__ == "__main__":
    import jax
    _d = setup_inputs()
    print(jax.jit(kernel)(*tuple(_d.values())))

</pallas_src>

<mosaic_0001>
#map = affine_map<(d0, d1) -> (0)>
module attributes {stable_mosaic.version = 14 : i64} {
  func.func @_sc_deg_body(%arg0: i32, %arg1: i32, %arg2: memref<160000xi32, #tpu.memory_space<hbm>>, %arg3: memref<10000xf32, #tpu.memory_space<hbm>>, %arg4: memref<128xi32, #tpu.memory_space<vmem>>, %arg5: memref<128xi32, #tpu.memory_space<vmem>>, %arg6: memref<128xi32, #tpu.memory_space<vmem>>, %arg7: memref<128xi32, #tpu.memory_space<vmem>>, %arg8: memref<128xi32, #tpu.memory_space<vmem>>, %arg9: memref<128xi32, #tpu.memory_space<vmem>>, %arg10: memref<128xi32, #tpu.memory_space<vmem>>, %arg11: memref<128xi32, #tpu.memory_space<vmem>>, %arg12: memref<128xf32, #tpu.memory_space<vmem>>, %arg13: memref<320xf32, #tpu.memory_space<vmem>>, %arg14: memref<10144xf32, #tpu.memory_space<vmem_shared>>, %arg15: memref<!tpu.dma_semaphore, #tpu.memory_space<semaphore_mem>>, %arg16: memref<!tpu.dma_semaphore, #tpu.memory_space<semaphore_mem>>, %arg17: memref<!tpu.dma_semaphore, #tpu.memory_space<semaphore_mem>>, %arg18: memref<!tpu.dma_semaphore, #tpu.memory_space<semaphore_mem>>, %arg19: memref<!tpu.dma_semaphore, #tpu.memory_space<semaphore_mem>>, %arg20: memref<!tpu.dma_semaphore, #tpu.memory_space<semaphore_mem>>, %arg21: memref<!tpu.dma_semaphore, #tpu.memory_space<semaphore_mem>>, %arg22: memref<!tpu.dma_semaphore, #tpu.memory_space<semaphore_mem>>, %arg23: memref<!tpu.dma_semaphore, #tpu.memory_space<semaphore_mem>>, %arg24: memref<!tpu.dma_semaphore, #tpu.memory_space<semaphore_mem>>, %arg25: memref<!tpu.dma_semaphore, #tpu.memory_space<semaphore_mem>>, %arg26: memref<!tpu.dma_semaphore, #tpu.memory_space<semaphore_mem>>, %arg27: memref<!tpu.dma_semaphore, #tpu.memory_space<semaphore_mem>>, %arg28: memref<!tpu.dma_semaphore, #tpu.memory_space<semaphore_mem>>, %arg29: memref<!tpu.dma_semaphore, #tpu.memory_space<semaphore_mem>>, %arg30: memref<!tpu.dma_semaphore, #tpu.memory_space<semaphore_mem>>) attributes {dimension_semantics = [#tpu.dimension_semantics<core_parallel>, #tpu.dimension_semantics<subcore_parallel>], iteration_bounds = array<i64: 2, 16>, scalar_prefetch = 0 : i64, scratch_operands = 27 : i64, tpu.core_type = #tpu.core_type<sc_vector_subcore>, window_params = [{transform_indices = #map}, {transform_indices = #map}]} {
    %broadcast_in_dim3A = arith.constant 0.000000e+00 : f32
    %broadcast_in_dim3A_0 = vector.broadcast %broadcast_in_dim3A : f32 to vector<16xf32>
    %swap3A = arith.constant 0 : index
    %swap3A_1 = tpu.vector_load %arg13[%swap3A] {strides = array<i32>} : memref<320xf32, #tpu.memory_space<vmem>>, vector<16xf32>,
    %swap3A_2 = vector.shape_cast %swap3A_1 : vector<16xf32> to vector<16xf32>
    %swap3A_3 = vector.shape_cast %broadcast_in_dim3A_0 : vector<16xf32> to vector<16xf32>
    tpu.vector_store %arg13[%swap3A], %swap3A_3 {strides = array<i32>} : memref<320xf32, #tpu.memory_space<vmem>>, vector<16xf32>,
    %broadcast_in_dim3A_4 = arith.constant 0.000000e+00 : f32
    %broadcast_in_dim3A_5 = vector.broadcast %broadcast_in_dim3A_4 : f32 to vector<16xf32>
    %swap3A_6 = arith.constant 16 : index
    %swap3A_7 = tpu.vector_load %arg13[%swap3A_6] {strides = array<i32>} : memref<320xf32, #tpu.memory_space<vmem>>, vector<16xf32>,
    %swap3A_8 = vector.shape_cast %swap3A_7 : vector<16xf32> to vector<16xf32>
    %swap3A_9 = vector.shape_cast %broadcast_in_dim3A_5 : vector<16xf32> to vector<16xf32>
    tpu.vector_store %arg13[%swap3A_6], %swap3A_9 {strides = array<i32>} : memref<320xf32, #tpu.memory_space<vmem>>, vector<16xf32>,
    %broadcast_in_dim3A_10 = arith.constant 0.000000e+00 : f32
    %broadcast_in_dim3A_11 = vector.broadcast %broadcast_in_dim3A_10 : f32 to vector<16xf32>
    %swap3A_12 = arith.constant 32 : index
    %swap3A_13 = tpu.vector_load %arg13[%swap3A_12] {strides = array<i32>} : memref<320xf32, #tpu.memory_space<vmem>>, vector<16xf32>,
    %swap3A_14 = vector.shape_cast %swap3A_13 : vector<16xf32> to vector<16xf32>
    %swap3A_15 = vector.shape_cast %broadcast_in_dim3A_11 : vector<16xf32> to vector<16xf32>
    tpu.vector_store %arg13[%swap3A_12], %swap3A_15 {strides = array<i32>} : memref<320xf32, #tpu.memory_space<vmem>>, vector<16xf32>,
    %broadcast_in_dim3A_16 = arith.constant 0.000000e+00 : f32
    %broadcast_in_dim3A_17 = vector.broadcast %broadcast_in_dim3A_16 : f32 to vector<16xf32>
    %swap3A_18 = arith.constant 48 : index
    %swap3A_19 = tpu.vector_load %arg13[%swap3A_18] {strides = array<i32>} : memref<320xf32, #tpu.memory_space<vmem>>, vector<16xf32>,
    %swap3A_20 = vector.shape_cast %swap3A_19 : vector<16xf32> to vector<16xf32>
    %swap3A_21 = vector.shape_cast %broadcast_in_dim3A_17 : vector<16xf32> to vector<16xf32>
    tpu.vector_store %arg13[%swap3A_18], %swap3A_21 {strides = array<i32>} : memref<320xf32, #tpu.memory_space<vmem>>, vector<16xf32>,
    %broadcast_in_dim3A_22 = arith.constant 0.000000e+00 : f32
    %broadcast_in_dim3A_23 = vector.broadcast %broadcast_in_dim3A_22 : f32 to vector<16xf32>
    %swap3A_24 = arith.constant 64 : index
    %swap3A_25 = tpu.vector_load %arg13[%swap3A_24] {strides = array<i32>} : memref<320xf32, #tpu.memory_space<vmem>>, vector<16xf32>,
    %swap3A_26 = vector.shape_cast %swap3A_25 : vector<16xf32> to vector<16xf32>
    %swap3A_27 = vector.shape_cast %broadcast_in_dim3A_23 : vector<16xf32> to vector<16xf32>
    tpu.vector_store %arg13[%swap3A_24], %swap3A_27 {strides = array<i32>} : memref<320xf32, #tpu.memory_space<vmem>>, vector<16xf32>,
    %broadcast_in_dim3A_28 = arith.constant 0.000000e+00 : f32
    %broadcast_in_dim3A_29 = vector.broadcast %broadcast_in_dim3A_28 : f32 to vector<16xf32>
    %swap3A_30 = arith.constant 80 : index
    %swap3A_31 = tpu.vector_load %arg13[%swap3A_30] {strides = array<i32>} : memref<320xf32, #tpu.memory_space<vmem>>, vector<16xf32>,
    %swap3A_32 = vector.shape_cast %swap3A_31 : vector<16xf32> to vector<16xf32>
    %swap3A_33 = vector.shape_cast %broadcast_in_dim3A_29 : vector<16xf32> to vector<16xf32>
    tpu.vector_store %arg13[%swap3A_30], %swap3A_33 {strides = array<i32>} : memref<320xf32, #tpu.memory_space<vmem>>, vector<16xf32>,
    %broadcast_in_dim3A_34 = arith.constant 0.000000e+00 : f32
    %broadcast_in_dim3A_35 = vector.broadcast %broadcast_in_dim3A_34 : f32 to vector<16xf32>
    %swap3A_36 = arith.constant 96 : index
    %swap3A_37 = tpu.vector_load %arg13[%swap3A_36] {strides = array<i32>} : memref<320xf32, #tpu.memory_space<vmem>>, vector<16xf32>,
    %swap3A_38 = vector.shape_cast %swap3A_37 : vector<16xf32> to vector<16xf32>
    %swap3A_39 = vector.shape_cast %broadcast_in_dim3A_35 : vector<16xf32> to vector<16xf32>
    tpu.vector_store %arg13[%swap3A_36], %swap3A_39 {strides = array<i32>} : memref<320xf32, #tpu.memory_space<vmem>>, vector<16xf32>,
    %broadcast_in_dim3A_40 = arith.constant 0.000000e+00 : f32
    %broadcast_in_dim3A_41 = vector.broadcast %broadcast_in_dim3A_40 : f32 to vector<16xf32>
    %swap3A_42 = arith.constant 112 : index
    %swap3A_43 = tpu.vector_load %arg13[%swap3A_42] {strides = array<i32>} : memref<320xf32, #tpu.memory_space<vmem>>, vector<16xf32>,
    %swap3A_44 = vector.shape_cast %swap3A_43 : vector<16xf32> to vector<16xf32>
    %swap3A_45 = vector.shape_cast %broadcast_in_dim3A_41 : vector<16xf32> to vector<16xf32>
    tpu.vector_store %arg13[%swap3A_42], %swap3A_45 {strides = array<i32>} : memref<320xf32, #tpu.memory_space<vmem>>, vector<16xf32>,
    %broadcast_in_dim3A_46 = arith.constant 0.000000e+00 : f32
    %broadcast_in_dim3A_47 = vector.broadcast %broadcast_in_dim3A_46 : f32 to vector<16xf32>
    %swap3A_48 = arith.constant 128 : index
    %swap3A_49 = tpu.vector_load %arg13[%swap3A_48] {strides = array<i32>} : memref<320xf32, #tpu.memory_space<vmem>>, vector<16xf32>,
    %swap3A_50 = vector.shape_cast %swap3A_49 : vector<16xf32> to vector<16xf32>
    %swap3A_51 = vector.shape_cast %broadcast_in_dim3A_47 : vector<16xf32> to vector<16xf32>
    tpu.vector_store %arg13[%swap3A_48], %swap3A_51 {strides = array<i32>} : memref<320xf32, #tpu.memory_space<vmem>>, vector<16xf32>,
    %broadcast_in_dim3A_52 = arith.constant 0.000000e+00 : f32
    %broadcast_in_dim3A_53 = vector.broadcast %broadcast_in_dim3A_52 : f32 to vector<16xf32>
    %swap3A_54 = arith.constant 144 : index
    %swap3A_55 = tpu.vector_load %arg13[%swap3A_54] {strides = array<i32>} : memref<320xf32, #tpu.memory_space<vmem>>, vector<16xf32>,
    %swap3A_56 = vector.shape_cast %swap3A_55 : vector<16xf32> to vector<16xf32>
    %swap3A_57 = vector.shape_cast %broadcast_in_dim3A_53 : vector<16xf32> to vector<16xf32>
    tpu.vector_store %arg13[%swap3A_54], %swap3A_57 {strides = array<i32>} : memref<320xf32, #tpu.memory_space<vmem>>, vector<16xf32>,
    %broadcast_in_dim3A_58 = arith.constant 0.000000e+00 : f32
    %broadcast_in_dim3A_59 = vector.broadcast %broadcast_in_dim3A_58 : f32 to vector<16xf32>
    %swap3A_60 = arith.constant 160 : index
    %swap3A_61 = tpu.vector_load %arg13[%swap3A_60] {strides = array<i32>} : memref<320xf32, #tpu.memory_space<vmem>>, vector<16xf32>,
    %swap3A_62 = vector.shape_cast %swap3A_61 : vector<16xf32> to vector<16xf32>
    %swap3A_63 = vector.shape_cast %broadcast_in_dim3A_59 : vector<16xf32> to vector<16xf32>
    tpu.vector_store %arg13[%swap3A_60], %swap3A_63 {strides = array<i32>} : memref<320xf32, #tpu.memory_space<vmem>>, vector<16xf32>,
    %broadcast_in_dim3A_64 = arith.constant 0.000000e+00 : f32
    %broadcast_in_dim3A_65 = vector.broadcast %broadcast_in_dim3A_64 : f32 to vector<16xf32>
    %swap3A_66 = arith.constant 176 : index
    %swap3A_67 = tpu.vector_load %arg13[%swap3A_66] {strides = array<i32>} : memref<320xf32, #tpu.memory_space<vmem>>, vector<16xf32>,
    %swap3A_68 = vector.shape_cast %swap3A_67 : vector<16xf32> to vector<16xf32>
    %swap3A_69 = vector.shape_cast %broadcast_in_dim3A_65 : vector<16xf32> to vector<16xf32>
    tpu.vector_store %arg13[%swap3A_66], %swap3A_69 {strides = array<i32>} : memref<320xf32, #tpu.memory_space<vmem>>, vector<16xf32>,
    %broadcast_in_dim3A_70 = arith.constant 0.000000e+00 : f32
    %broadcast_in_dim3A_71 = vector.broadcast %broadcast_in_dim3A_70 : f32 to vector<16xf32>
    %swap3A_72 = arith.constant 192 : index
    %swap3A_73 = tpu.vector_load %arg13[%swap3A_72] {strides = array<i32>} : memref<320xf32, #tpu.memory_space<vmem>>, vector<16xf32>,
    %swap3A_74 = vector.shape_cast %swap3A_73 : vector<16xf32> to vector<16xf32>
    %swap3A_75 = vector.shape_cast %broadcast_in_dim3A_71 : vector<16xf32> to vector<16xf32>
    tpu.vector_store %arg13[%swap3A_72], %swap3A_75 {strides = array<i32>} : memref<320xf32, #tpu.memory_space<vmem>>, vector<16xf32>,
    %broadcast_in_dim3A_76 = arith.constant 0.000000e+00 : f32
    %broadcast_in_dim3A_77 = vector.broadcast %broadcast_in_dim3A_76 : f32 to vector<16xf32>
    %swap3A_78 = arith.constant 208 : index
    %swap3A_79 = tpu.vector_load %arg13[%swap3A_78] {strides = array<i32>} : memref<320xf32, #tpu.memory_space<vmem>>, vector<16xf32>,
    %swap3A_80 = vector.shape_cast %swap3A_79 : vector<16xf32> to vector<16xf32>
    %swap3A_81 = vector.shape_cast %broadcast_in_dim3A_77 : vector<16xf32> to vector<16xf32>
    tpu.vector_store %arg13[%swap3A_78], %swap3A_81 {strides = array<i32>} : memref<320xf32, #tpu.memory_space<vmem>>, vector<16xf32>,
    %broadcast_in_dim3A_82 = arith.constant 0.000000e+00 : f32
    %broadcast_in_dim3A_83 = vector.broadcast %broadcast_in_dim3A_82 : f32 to vector<16xf32>
    %swap3A_84 = arith.constant 224 : index
    %swap3A_85 = tpu.vector_load %arg13[%swap3A_84] {strides = array<i32>} : memref<320xf32, #tpu.memory_space<vmem>>, vector<16xf32>,
    %swap3A_86 = vector.shape_cast %swap3A_85 : vector<16xf32> to vector<16xf32>
    %swap3A_87 = vector.shape_cast %broadcast_in_dim3A_83 : vector<16xf32> to vector<16xf32>
    tpu.vector_store %arg13[%swap3A_84], %swap3A_87 {strides = array<i32>} : memref<320xf32, #tpu.memory_space<vmem>>, vector<16xf32>,
    %broadcast_in_dim3A_88 = arith.constant 0.000000e+00 : f32
    %broadcast_in_dim3A_89 = vector.broadcast %broadcast_in_dim3A_88 : f32 to vector<16xf32>
    %swap3A_90 = arith.constant 240 : index
    %swap3A_91 = tpu.vector_load %arg13[%swap3A_90] {strides = array<i32>} : memref<320xf32, #tpu.memory_space<vmem>>, vector<16xf32>,
    %swap3A_92 = vector.shape_cast %swap3A_91 : vector<16xf32> to vector<16xf32>
    %swap3A_93 = vector.shape_cast %broadcast_in_dim3A_89 : vector<16xf32> to vector<16xf32>
    tpu.vector_store %arg13[%swap3A_90], %swap3A_93 {strides = array<i32>} : memref<320xf32, #tpu.memory_space<vmem>>, vector<16xf32>,
    %broadcast_in_dim3A_94 = arith.constant 0.000000e+00 : f32
    %broadcast_in_dim3A_95 = vector.broadcast %broadcast_in_dim3A_94 : f32 to vector<16xf32>
    %swap3A_96 = arith.constant 256 : index
    %swap3A_97 = tpu.vector_load %arg13[%swap3A_96] {strides = array<i32>} : memref<320xf32, #tpu.memory_space<vmem>>, vector<16xf32>,
    %swap3A_98 = vector.shape_cast %swap3A_97 : vector<16xf32> to vector<16xf32>
    %swap3A_99 = vector.shape_cast %broadcast_in_dim3A_95 : vector<16xf32> to vector<16xf32>
    tpu.vector_store %arg13[%swap3A_96], %swap3A_99 {strides = array<i32>} : memref<320xf32, #tpu.memory_space<vmem>>, vector<16xf32>,
    %broadcast_in_dim3A_100 = arith.constant 0.000000e+00 : f32
    %broadcast_in_dim3A_101 = vector.broadcast %broadcast_in_dim3A_100 : f32 to vector<16xf32>
    %swap3A_102 = arith.constant 272 : index
    %swap3A_103 = tpu.vector_load %arg13[%swap3A_102] {strides = array<i32>} : memref<320xf32, #tpu.memory_space<vmem>>, vector<16xf32>,
    %swap3A_104 = vector.shape_cast %swap3A_103 : vector<16xf32> to vector<16xf32>
    %swap3A_105 = vector.shape_cast %broadcast_in_dim3A_101 : vector<16xf32> to vector<16xf32>
    tpu.vector_store %arg13[%swap3A_102], %swap3A_105 {strides = array<i32>} : memref<320xf32, #tpu.memory_space<vmem>>, vector<16xf32>,
    %broadcast_in_dim3A_106 = arith.constant 0.000000e+00 : f32
    %broadcast_in_dim3A_107 = vector.broadcast %broadcast_in_dim3A_106 : f32 to vector<16xf32>
    %swap3A_108 = arith.constant 288 : index
    %swap3A_109 = tpu.vector_load %arg13[%swap3A_108] {strides = array<i32>} : memref<320xf32, #tpu.memory_space<vmem>>, vector<16xf32>,
    %swap3A_110 = vector.shape_cast %swap3A_109 : vector<16xf32> to vector<16xf32>
    %swap3A_111 = vector.shape_cast %broadcast_in_dim3A_107 : vector<16xf32> to vector<16xf32>
    tpu.vector_store %arg13[%swap3A_108], %swap3A_111 {strides = array<i32>} : memref<320xf32, #tpu.memory_space<vmem>>, vector<16xf32>,
    %broadcast_in_dim3A_112 = arith.constant 0.000000e+00 : f32
    %broadcast_in_dim3A_113 = vector.broadcast %broadcast_in_dim3A_112 : f32 to vector<16xf32>
    %swap3A_114 = arith.constant 304 : index
    %swap3A_115 = tpu.vector_load %arg13[%swap3A_114] {strides = array<i32>} : memref<320xf32, #tpu.memory_space<vmem>>, vector<16xf32>,
    %swap3A_116 = vector.shape_cast %swap3A_115 : vector<16xf32> to vector<16xf32>
    %swap3A_117 = vector.shape_cast %broadcast_in_dim3A_113 : vector<16xf32> to vector<16xf32>
    tpu.vector_store %arg13[%swap3A_114], %swap3A_117 {strides = array<i32>} : memref<320xf32, #tpu.memory_space<vmem>>, vector<16xf32>,
    %broadcast_in_dim3A_118 = arith.constant 1.000000e+00 : f32
    %broadcast_in_dim3A_119 = vector.broadcast %broadcast_in_dim3A_118 : f32 to vector<16xf32>
    %swap3A_120 = arith.constant 0 : index
    %swap3A_121 = tpu.vector_load %arg12[%swap3A_120] {strides = array<i32>} : memref<128xf32, #tpu.memory_space<vmem>>, vector<16xf32>,
    %swap3A_122 = vector.shape_cast %swap3A_121 : vector<16xf32> to vector<16xf32>
    %swap3A_123 = vector.shape_cast %broadcast_in_dim3A_119 : vector<16xf32> to vector<16xf32>
    tpu.vector_store %arg12[%swap3A_120], %swap3A_123 {strides = array<i32>} : memref<128xf32, #tpu.memory_space<vmem>>, vector<16xf32>,
    %broadcast_in_dim3A_124 = arith.constant 1.000000e+00 : f32
    %broadcast_in_dim3A_125 = vector.broadcast %broadcast_in_dim3A_124 : f32 to vector<16xf32>
    %swap3A_126 = arith.constant 16 : index
    %swap3A_127 = tpu.vector_load %arg12[%swap3A_126] {strides = array<i32>} : memref<128xf32, #tpu.memory_space<vmem>>, vector<16xf32>,
    %swap3A_128 = vector.shape_cast %swap3A_127 : vector<16xf32> to vector<16xf32>
    %swap3A_129 = vector.shape_cast %broadcast_in_dim3A_125 : vector<16xf32> to vector<16xf32>
    tpu.vector_store %arg12[%swap3A_126], %swap3A_129 {strides = array<i32>} : memref<128xf32, #tpu.memory_space<vmem>>, vector<16xf32>,
    %broadcast_in_dim3A_130 = arith.constant 1.000000e+00 : f32
    %broadcast_in_dim3A_131 = vector.broadcast %broadcast_in_dim3A_130 : f32 to vector<16xf32>
    %swap3A_132 = arith.constant 32 : index
    %swap3A_133 = tpu.vector_load %arg12[%swap3A_132] {strides = array<i32>} : memref<128xf32, #tpu.memory_space<vmem>>, vector<16xf32>,
    %swap3A_134 = vector.shape_cast %swap3A_133 : vector<16xf32> to vector<16xf32>
    %swap3A_135 = vector.shape_cast %broadcast_in_dim3A_131 : vector<16xf32> to vector<16xf32>
    tpu.vector_store %arg12[%swap3A_132], %swap3A_135 {strides = array<i32>} : memref<128xf32, #tpu.memory_space<vmem>>, vector<16xf32>,
    %broadcast_in_dim3A_136 = arith.constant 1.000000e+00 : f32
    %broadcast_in_dim3A_137 = vector.broadcast %broadcast_in_dim3A_136 : f32 to vector<16xf32>
    %swap3A_138 = arith.constant 48 : index
    %swap3A_139 = tpu.vector_load %arg12[%swap3A_138] {strides = array<i32>} : memref<128xf32, #tpu.memory_space<vmem>>, vector<16xf32>,
    %swap3A_140 = vector.shape_cast %swap3A_139 : vector<16xf32> to vector<16xf32>
    %swap3A_141 = vector.shape_cast %broadcast_in_dim3A_137 : vector<16xf32> to vector<16xf32>
    tpu.vector_store %arg12[%swap3A_138], %swap3A_141 {strides = array<i32>} : memref<128xf32, #tpu.memory_space<vmem>>, vector<16xf32>,
    %broadcast_in_dim3A_142 = arith.constant 1.000000e+00 : f32
    %broadcast_in_dim3A_143 = vector.broadcast %broadcast_in_dim3A_142 : f32 to vector<16xf32>
    %swap3A_144 = arith.constant 64 : index
    %swap3A_145 = tpu.vector_load %arg12[%swap3A_144] {strides = array<i32>} : memref<128xf32, #tpu.memory_space<vmem>>, vector<16xf32>,
    %swap3A_146 = vector.shape_cast %swap3A_145 : vector<16xf32> to vector<16xf32>
    %swap3A_147 = vector.shape_cast %broadcast_in_dim3A_143 : vector<16xf32> to vector<16xf32>
    tpu.vector_store %arg12[%swap3A_144], %swap3A_147 {strides = array<i32>} : memref<128xf32, #tpu.memory_space<vmem>>, vector<16xf32>,
    %broadcast_in_dim3A_148 = arith.constant 1.000000e+00 : f32
    %broadcast_in_dim3A_149 = vector.broadcast %broadcast_in_dim3A_148 : f32 to vector<16xf32>
    %swap3A_150 = arith.constant 80 : index
    %swap3A_151 = tpu.vector_load %arg12[%swap3A_150] {strides = array<i32>} : memref<128xf32, #tpu.memory_space<vmem>>, vector<16xf32>,
    %swap3A_152 = vector.shape_cast %swap3A_151 : vector<16xf32> to vector<16xf32>
    %swap3A_153 = vector.shape_cast %broadcast_in_dim3A_149 : vector<16xf32> to vector<16xf32>
    tpu.vector_store %arg12[%swap3A_150], %swap3A_153 {strides = array<i32>} : memref<128xf32, #tpu.memory_space<vmem>>, vector<16xf32>,
    %broadcast_in_dim3A_154 = arith.constant 1.000000e+00 : f32
    %broadcast_in_dim3A_155 = vector.broadcast %broadcast_in_dim3A_154 : f32 to vector<16xf32>
    %swap3A_156 = arith.constant 96 : index
    %swap3A_157 = tpu.vector_load %arg12[%swap3A_156] {strides = array<i32>} : memref<128xf32, #tpu.memory_space<vmem>>, vector<16xf32>,
    %swap3A_158 = vector.shape_cast %swap3A_157 : vector<16xf32> to vector<16xf32>
    %swap3A_159 = vector.shape_cast %broadcast_in_dim3A_155 : vector<16xf32> to vector<16xf32>
    tpu.vector_store %arg12[%swap3A_156], %swap3A_159 {strides = array<i32>} : memref<128xf32, #tpu.memory_space<vmem>>, vector<16xf32>,
    %broadcast_in_dim3A_160 = arith.constant 1.000000e+00 : f32
    %broadcast_in_dim3A_161 = vector.broadcast %broadcast_in_dim3A_160 : f32 to vector<16xf32>
    %swap3A_162 = arith.constant 112 : index
    %swap3A_163 = tpu.vector_load %arg12[%swap3A_162] {strides = array<i32>} : memref<128xf32, #tpu.memory_space<vmem>>, vector<16xf32>,
    %swap3A_164 = vector.shape_cast %swap3A_163 : vector<16xf32> to vector<16xf32>
    %swap3A_165 = vector.shape_cast %broadcast_in_dim3A_161 : vector<16xf32> to vector<16xf32>
    tpu.vector_store %arg12[%swap3A_162], %swap3A_165 {strides = array<i32>} : memref<128xf32, #tpu.memory_space<vmem>>, vector<16xf32>,
    %mul3A = arith.constant 5000 : i32
    %mul3A_166 = arith.muli %arg0, %mul3A : i32
    %mul3A_167 = arith.constant 320 : i32
    %mul3A_168 = arith.muli %arg1, %mul3A_167 : i32
    %add3A = arith.addi %mul3A_166, %mul3A_168 : i32
    "tpu.region"() ({
      %run_scoped3A = tpu.sem_alloc : memref<!tpu.dma_semaphore, #tpu.memory_space<semaphore_mem>>
      %dma_start3A = tpu.memref_slice %arg14[%add3A] : memref<10144xf32, #tpu.memory_space<vmem_shared>> -> memref<320xf32, #tpu.memory_space<vmem_shared>>
      %dma_start3A_200 = tpu.memref_slice %arg14[%add3A] : memref<10144xf32, #tpu.memory_space<vmem_shared>> -> memref<320xf32, #tpu.memory_space<vmem_shared>>
      tpu.enqueue_dma source(%arg13 : memref<320xf32, #tpu.memory_space<vmem>>) target(%dma_start3A_200 : memref<320xf32, #tpu.memory_space<vmem_shared>>) target_semaphore(%run_scoped3A : memref<!tpu.dma_semaphore, #tpu.memory_space<semaphore_mem>>)
      %dma_wait3A = tpu.memref_slice %arg14[%add3A] : memref<10144xf32, #tpu.memory_space<vmem_shared>> -> memref<320xf32, #tpu.memory_space<vmem_shared>>
      %dma_wait3A_201 = tpu.memref_slice %arg14[%add3A] : memref<10144xf32, #tpu.memory_space<vmem_shared>> -> memref<320xf32, #tpu.memory_space<vmem_shared>>
      tpu.wait_dma2 semaphore(%run_scoped3A : memref<!tpu.dma_semaphore, #tpu.memory_space<semaphore_mem>>) src(%arg13 : memref<320xf32, #tpu.memory_space<vmem>>) dst(%dma_wait3A_201 : memref<320xf32, #tpu.memory_space<vmem_shared>>)
      tpu.yield
    }) : () -> ()
    %barrier3A = arith.constant 0 : index
    tpu.barrier barrier_id(%barrier3A)
    %sub3A = arith.constant 1249 : i32
    %sub3A_169 = arith.subi %sub3A, %arg1 : i32
    %jit3A = arith.constant 16 : i32
    %div3A = arith.divsi %sub3A_169, %jit3A : i32
    %sign3A = arith.constant 0 : i32
    %sign3A_170 = arith.cmpi sgt, %sub3A_169, %sign3A : i32
    %sign3A_171 = arith.extui %sign3A_170 : i1 to i32
    %sign3A_172 = arith.constant 0 : i32
    %sign3A_173 = arith.cmpi slt, %sub3A_169, %sign3A_172 : i32
    %sign3A_174 = arith.extui %sign3A_173 : i1 to i32
    %sign3A_175 = arith.subi %sign3A_171, %sign3A_174 : i32
    %sign3A_176 = arith.constant 0 : i32
    %sign3A_177 = arith.cmpi sgt, %jit3A, %sign3A_176 : i32
    %sign3A_178 = arith.extui %sign3A_177 : i1 to i32
    %sign3A_179 = arith.constant 0 : i32
    %sign3A_180 = arith.cmpi slt, %jit3A, %sign3A_179 : i32
    %sign3A_181 = arith.extui %sign3A_180 : i1 to i32
    %sign3A_182 = arith.subi %sign3A_178, %sign3A_181 : i32
    %ne3A = arith.cmpi ne, %sign3A_175, %sign3A_182 : i32
    %rem3A = arith.remsi %sub3A_169, %jit3A : i32
    %ne3A_183 = arith.constant 0 : i32
    %ne3A_184 = arith.cmpi ne, %rem3A, %ne3A_183 : i32
    %and3A = arith.andi %ne3A, %ne3A_184 : i1
    %sub3A_185 = arith.constant 1 : i32
    %sub3A_186 = arith.subi %div3A, %sub3A_185 : i32
    %select_n3A = arith.select %and3A, %sub3A_186, %div3A : i32
    %add3A_187 = arith.constant 1 : i32
    %add3A_188 = arith.addi %select_n3A, %add3A_187 : i32
    %scan3A = arith.constant 0 : i32
    %scan3A_189 = arith.constant 11 : i32
    %scan3A_190 = arith.addi %scan3A, %scan3A_189 : i32
    %scan3A_191 = arith.constant 1 : i32
    scf.for %scan3A_200 = %scan3A to %scan3A_190 step %scan3A_191  : i32 {
      %mul3A_201 = arith.constant 1 : i32
      %mul3A_202 = arith.muli %scan3A_200, %mul3A_201 : i32
      %add3A_203 = arith.constant 0 : i32
      %add3A_204 = arith.addi %add3A_203, %mul3A_202 : i32
      %mul3A_205 = arith.constant 8 : i32
      %mul3A_206 = arith.muli %add3A_204, %mul3A_205 : i32
      %add3A_207 = arith.constant 0 : i32
      %add3A_208 = arith.addi %mul3A_206, %add3A_207 : i32
      %ge3A = arith.constant 8 : i32
      %ge3A_209 = arith.cmpi sge, %add3A_208, %ge3A : i32
      %sub3A_210 = arith.constant 8 : i32
      %sub3A_211 = arith.subi %add3A_208, %sub3A_210 : i32
      %lt3A_212 = arith.cmpi slt, %sub3A_211, %add3A_188 : i32
      %and3A_213 = arith.andi %ge3A_209, %lt3A_212 : i1
      %convert_element_type3A_214 = arith.extui %and3A_213 : i1 to i32
      %cond3A_215 = arith.constant 0 : i32
      %cond3A_216 = arith.cmpi ne, %convert_element_type3A_214, %cond3A_215 : i32
      scf.if %cond3A_216 {
        %dma_wait3A = arith.constant 0 : i32
        %dma_wait3A_412 = tpu.memref_slice %arg14[%dma_wait3A] : memref<10144xf32, #tpu.memory_space<vmem_shared>> -> memref<10144xf32, #tpu.memory_space<vmem_shared>>
        tpu.wait_indirect_dma semaphore(%arg23 : memref<!tpu.dma_semaphore, #tpu.memory_space<semaphore_mem>>) src(%arg12 : memref<128xf32, #tpu.memory_space<vmem>>) dst(%dma_wait3A_412 : memref<10144xf32, #tpu.memory_space<vmem_shared>>)
      } else {
      }
      %lt3A_217 = arith.cmpi slt, %add3A_208, %add3A_188 : i32
      %convert_element_type3A_218 = arith.extui %lt3A_217 : i1 to i32
      %cond3A_219 = arith.constant 0 : i32
      %cond3A_220 = arith.cmpi ne, %convert_element_type3A_218, %cond3A_219 : i32
      scf.if %cond3A_220 {
        %mul3A_412 = arith.constant 16 : i32
        %mul3A_413 = arith.muli %add3A_208, %mul3A_412 : i32
        %add3A_414 = arith.addi %arg1, %mul3A_413 : i32
        %mul3A_415 = arith.constant 128 : i32
        %mul3A_416 = arith.muli %add3A_414, %mul3A_415 : i32
        %dma_start3A = tpu.memref_slice %arg2[%mul3A_416] : memref<160000xi32, #tpu.memory_space<hbm>> -> memref<128xi32, #tpu.memory_space<hbm>>
        %dma_start3A_417 = tpu.memref_slice %arg2[%mul3A_416] : memref<160000xi32, #tpu.memory_space<hbm>> -> memref<128xi32, #tpu.memory_space<hbm>>
        tpu.enqueue_dma source(%dma_start3A_417 : memref<128xi32, #tpu.memory_space<hbm>>) target(%arg4 : memref<128xi32, #tpu.memory_space<vmem>>) target_semaphore(%arg15 : memref<!tpu.dma_semaphore, #tpu.memory_space<semaphore_mem>>)
      } else {
      }
      %ge3A_221 = arith.constant 4 : i32
      %ge3A_222 = arith.cmpi sge, %add3A_208, %ge3A_221 : i32
      %sub3A_223 = arith.constant 4 : i32
      %sub3A_224 = arith.subi %add3A_208, %sub3A_223 : i32
      %lt3A_225 = arith.cmpi slt, %sub3A_224, %add3A_188 : i32
      %and3A_226 = arith.andi %ge3A_222, %lt3A_225 : i1
      %convert_element_type3A_227 = arith.extui %and3A_226 : i1 to i32
      %cond3A_228 = arith.constant 0 : i32
      %cond3A_229 = arith.cmpi ne, %convert_element_type3A_227, %cond3A_228 : i32
      scf.if %cond3A_229 {
        %sub3A_412 = arith.constant 4 : i32
        %sub3A_413 = arith.subi %add3A_208, %sub3A_412 : i32
        %mul3A_414 = arith.constant 16 : i32
        %mul3A_415 = arith.muli %sub3A_413, %mul3A_414 : i32
        %add3A_416 = arith.addi %arg1, %mul3A_415 : i32
        %mul3A_417 = arith.constant 128 : i32
        %mul3A_418 = arith.muli %add3A_416, %mul3A_417 : i32
        %dma_wait3A = tpu.memref_slice %arg2[%mul3A_418] : memref<160000xi32, #tpu.memory_space<hbm>> -> memref<128xi32, #tpu.memory_space<hbm>>
        %dma_wait3A_419 = tpu.memref_slice %arg2[%mul3A_418] : memref<160000xi32, #tpu.memory_space<hbm>> -> memref<128xi32, #tpu.memory_space<hbm>>
        tpu.wait_dma2 semaphore(%arg19 : memref<!tpu.dma_semaphore, #tpu.memory_space<semaphore_mem>>) src(%dma_wait3A_419 : memref<128xi32, #tpu.memory_space<hbm>>) dst(%arg8 : memref<128xi32, #tpu.memory_space<vmem>>)
        %dma_start3A = arith.constant 0 : i32
        %dma_start3A_420 = tpu.memref_slice %arg14[%dma_start3A] : memref<10144xf32, #tpu.memory_space<vmem_shared>> -> memref<10144xf32, #tpu.memory_space<vmem_shared>>
        tpu.enqueue_indirect_dma source(%arg12 : memref<128xf32, #tpu.memory_space<vmem>>) target(%dma_start3A_420 : memref<10144xf32, #tpu.memory_space<vmem_shared>>) offsets(%arg8 : memref<128xi32, #tpu.memory_space<vmem>>) semaphore(%arg27 : memref<!tpu.dma_semaphore, #tpu.memory_space<semaphore_mem>>) {add = true}
      } else {
      }
      %mul3A_230 = arith.constant 8 : i32
      %mul3A_231 = arith.muli %add3A_204, %mul3A_230 : i32
      %add3A_232 = arith.constant 1 : i32
      %add3A_233 = arith.addi %mul3A_231, %add3A_232 : i32
      %ge3A_234 = arith.constant 8 : i32
      %ge3A_235 = arith.cmpi sge, %add3A_233, %ge3A_234 : i32
      %sub3A_236 = arith.constant 8 : i32
      %sub3A_237 = arith.subi %add3A_233, %sub3A_236 : i32
      %lt3A_238 = arith.cmpi slt, %sub3A_237, %add3A_188 : i32
      %and3A_239 = arith.andi %ge3A_235, %lt3A_238 : i1
      %convert_element_type3A_240 = arith.extui %and3A_239 : i1 to i32
      %cond3A_241 = arith.constant 0 : i32
      %cond3A_242 = arith.cmpi ne, %convert_element_type3A_240, %cond3A_241 : i32
      scf.if %cond3A_242 {
        %dma_wait3A = arith.constant 0 : i32
        %dma_wait3A_412 = tpu.memref_slice %arg14[%dma_wait3A] : memref<10144xf32, #tpu.memory_space<vmem_shared>> -> memref<10144xf32, #tpu.memory_space<vmem_shared>>
        tpu.wait_indirect_dma semaphore(%arg24 : memref<!tpu.dma_semaphore, #tpu.memory_space<semaphore_mem>>) src(%arg12 : memref<128xf32, #tpu.memory_space<vmem>>) dst(%dma_wait3A_412 : memref<10144xf32, #tpu.memory_space<vmem_shared>>)
      } else {
      }
      %lt3A_243 = arith.cmpi slt, %add3A_233, %add3A_188 : i32
      %convert_element_type3A_244 = arith.extui %lt3A_243 : i1 to i32
      %cond3A_245 = arith.constant 0 : i32
      %cond3A_246 = arith.cmpi ne, %convert_element_type3A_244, %cond3A_245 : i32
      scf.if %cond3A_246 {
        %mul3A_412 = arith.constant 16 : i32
        %mul3A_413 = arith.muli %add3A_233, %mul3A_412 : i32
        %add3A_414 = arith.addi %arg1, %mul3A_413 : i32
        %mul3A_415 = arith.constant 128 : i32
        %mul3A_416 = arith.muli %add3A_414, %mul3A_415 : i32
        %dma_start3A = tpu.memref_slice %arg2[%mul3A_416] : memref<160000xi32, #tpu.memory_space<hbm>> -> memref<128xi32, #tpu.memory_space<hbm>>
        %dma_start3A_417 = tpu.memref_slice %arg2[%mul3A_416] : memref<160000xi32, #tpu.memory_space<hbm>> -> memref<128xi32, #tpu.memory_space<hbm>>
        tpu.enqueue_dma source(%dma_start3A_417 : memref<128xi32, #tpu.memory_space<hbm>>) target(%arg5 : memref<128xi32, #tpu.memory_space<vmem>>) target_semaphore(%arg16 : memref<!tpu.dma_semaphore, #tpu.memory_space<semaphore_mem>>)
      } else {
      }
      %ge3A_247 = arith.constant 4 : i32
      %ge3A_248 = arith.cmpi sge, %add3A_233, %ge3A_247 : i32
      %sub3A_249 = arith.constant 4 : i32
      %sub3A_250 = arith.subi %add3A_233, %sub3A_249 : i32
      %lt3A_251 = arith.cmpi slt, %sub3A_250, %add3A_188 : i32
      %and3A_252 = arith.andi %ge3A_248, %lt3A_251 : i1
      %convert_element_type3A_253 = arith.extui %and3A_252 : i1 to i32
      %cond3A_254 = arith.constant 0 : i32
      %cond3A_255 = arith.cmpi ne, %convert_element_type3A_253, %cond3A_254 : i32
      scf.if %cond3A_255 {
        %sub3A_412 = arith.constant 4 : i32
        %sub3A_413 = arith.subi %add3A_233, %sub3A_412 : i32
        %mul3A_414 = arith.constant 16 : i32
        %mul3A_415 = arith.muli %sub3A_413, %mul3A_414 : i32
        %add3A_416 = arith.addi %arg1, %mul3A_415 : i32
        %mul3A_417 = arith.constant 128 : i32
        %mul3A_418 = arith.muli %add3A_416, %mul3A_417 : i32
        %dma_wait3A = tpu.memref_slice %arg2[%mul3A_418] : memref<160000xi32, #tpu.memory_space<hbm>> -> memref<128xi32, #tpu.memory_space<hbm>>
        %dma_wait3A_419 = tpu.memref_slice %arg2[%mul3A_418] : memref<160000xi32, #tpu.memory_space<hbm>> -> memref<128xi32, #tpu.memory_space<hbm>>
        tpu.wait_dma2 semaphore(%arg20 : memref<!tpu.dma_semaphore, #tpu.memory_space<semaphore_mem>>) src(%dma_wait3A_419 : memref<128xi32, #tpu.memory_space<hbm>>) dst(%arg9 : memref<128xi32, #tpu.memory_space<vmem>>)
        %dma_start3A = arith.constant 0 : i32
        %dma_start3A_420 = tpu.memref_slice %arg14[%dma_start3A] : memref<10144xf32, #tpu.memory_space<vmem_shared>> -> memref<10144xf32, #tpu.memory_space<vmem_shared>>
        tpu.enqueue_indirect_dma source(%arg12 : memref<128xf32, #tpu.memory_space<vmem>>) target(%dma_start3A_420 : memref<10144xf32, #tpu.memory_space<vmem_shared>>) offsets(%arg9 : memref<128xi32, #tpu.memory_space<vmem>>) semaphore(%arg28 : memref<!tpu.dma_semaphore, #tpu.memory_space<semaphore_mem>>) {add = true}
      } else {
      }
      %mul3A_256 = arith.constant 8 : i32
      %mul3A_257 = arith.muli %add3A_204, %mul3A_256 : i32
      %add3A_258 = arith.constant 2 : i32
      %add3A_259 = arith.addi %mul3A_257, %add3A_258 : i32
      %ge3A_260 = arith.constant 8 : i32
      %ge3A_261 = arith.cmpi sge, %add3A_259, %ge3A_260 : i32
      %sub3A_262 = arith.constant 8 : i32
      %sub3A_263 = arith.subi %add3A_259, %sub3A_262 : i32
      %lt3A_264 = arith.cmpi slt, %sub3A_263, %add3A_188 : i32
      %and3A_265 = arith.andi %ge3A_261, %lt3A_264 : i1
      %convert_element_type3A_266 = arith.extui %and3A_265 : i1 to i32
      %cond3A_267 = arith.constant 0 : i32
      %cond3A_268 = arith.cmpi ne, %convert_element_type3A_266, %cond3A_267 : i32
      scf.if %cond3A_268 {
        %dma_wait3A = arith.constant 0 : i32
        %dma_wait3A_412 = tpu.memref_slice %arg14[%dma_wait3A] : memref<10144xf32, #tpu.memory_space<vmem_shared>> -> memref<10144xf32, #tpu.memory_space<vmem_shared>>
        tpu.wait_indirect_dma semaphore(%arg25 : memref<!tpu.dma_semaphore, #tpu.memory_space<semaphore_mem>>) src(%arg12 : memref<128xf32, #tpu.memory_space<vmem>>) dst(%dma_wait3A_412 : memref<10144xf32, #tpu.memory_space<vmem_shared>>)
      } else {
      }
      %lt3A_269 = arith.cmpi slt, %add3A_259, %add3A_188 : i32
      %convert_element_type3A_270 = arith.extui %lt3A_269 : i1 to i32
      %cond3A_271 = arith.constant 0 : i32
      %cond3A_272 = arith.cmpi ne, %convert_element_type3A_270, %cond3A_271 : i32
      scf.if %cond3A_272 {
        %mul3A_412 = arith.constant 16 : i32
        %mul3A_413 = arith.muli %add3A_259, %mul3A_412 : i32
        %add3A_414 = arith.addi %arg1, %mul3A_413 : i32
        %mul3A_415 = arith.constant 128 : i32
        %mul3A_416 = arith.muli %add3A_414, %mul3A_415 : i32
        %dma_start3A = tpu.memref_slice %arg2[%mul3A_416] : memref<160000xi32, #tpu.memory_space<hbm>> -> memref<128xi32, #tpu.memory_space<hbm>>
        %dma_start3A_417 = tpu.memref_slice %arg2[%mul3A_416] : memref<160000xi32, #tpu.memory_space<hbm>> -> memref<128xi32, #tpu.memory_space<hbm>>
        tpu.enqueue_dma source(%dma_start3A_417 : memref<128xi32, #tpu.memory_space<hbm>>) target(%arg6 : memref<128xi32, #tpu.memory_space<vmem>>) target_semaphore(%arg17 : memref<!tpu.dma_semaphore, #tpu.memory_space<semaphore_mem>>)
      } else {
      }
      %ge3A_273 = arith.constant 4 : i32
      %ge3A_274 = arith.cmpi sge, %add3A_259, %ge3A_273 : i32
      %sub3A_275 = arith.constant 4 : i32
      %sub3A_276 = arith.subi %add3A_259, %sub3A_275 : i32
      %lt3A_277 = arith.cmpi slt, %sub3A_276, %add3A_188 : i32
      %and3A_278 = arith.andi %ge3A_274, %lt3A_277 : i1
      %convert_element_type3A_279 = arith.extui %and3A_278 : i1 to i32
      %cond3A_280 = arith.constant 0 : i32
      %cond3A_281 = arith.cmpi ne, %convert_element_type3A_279, %cond3A_280 : i32
      scf.if %cond3A_281 {
        %sub3A_412 = arith.constant 4 : i32
        %sub3A_413 = arith.subi %add3A_259, %sub3A_412 : i32
        %mul3A_414 = arith.constant 16 : i32
        %mul3A_415 = arith.muli %sub3A_413, %mul3A_414 : i32
        %add3A_416 = arith.addi %arg1, %mul3A_415 : i32
        %mul3A_417 = arith.constant 128 : i32
        %mul3A_418 = arith.muli %add3A_416, %mul3A_417 : i32
        %dma_wait3A = tpu.memref_slice %arg2[%mul3A_418] : memref<160000xi32, #tpu.memory_space<hbm>> -> memref<128xi32, #tpu.memory_space<hbm>>
        %dma_wait3A_419 = tpu.memref_slice %arg2[%mul3A_418] : memref<160000xi32, #tpu.memory_space<hbm>> -> memref<128xi32, #tpu.memory_space<hbm>>
        tpu.wait_dma2 semaphore(%arg21 : memref<!tpu.dma_semaphore, #tpu.memory_space<semaphore_mem>>) src(%dma_wait3A_419 : memref<128xi32, #tpu.memory_space<hbm>>) dst(%arg10 : memref<128xi32, #tpu.memory_space<vmem>>)
        %dma_start3A = arith.constant 0 : i32
        %dma_start3A_420 = tpu.memref_slice %arg14[%dma_start3A] : memref<10144xf32, #tpu.memory_space<vmem_shared>> -> memref<10144xf32, #tpu.memory_space<vmem_shared>>
        tpu.enqueue_indirect_dma source(%arg12 : memref<128xf32, #tpu.memory_space<vmem>>) target(%dma_start3A_420 : memref<10144xf32, #tpu.memory_space<vmem_shared>>) offsets(%arg10 : memref<128xi32, #tpu.memory_space<vmem>>) semaphore(%arg29 : memref<!tpu.dma_semaphore, #tpu.memory_space<semaphore_mem>>) {add = true}
      } else {
      }
      %mul3A_282 = arith.constant 8 : i32
      %mul3A_283 = arith.muli %add3A_204, %mul3A_282 : i32
      %add3A_284 = arith.constant 3 : i32
      %add3A_285 = arith.addi %mul3A_283, %add3A_284 : i32
      %ge3A_286 = arith.constant 8 : i32
      %ge3A_287 = arith.cmpi sge, %add3A_285, %ge3A_286 : i32
      %sub3A_288 = arith.constant 8 : i32
      %sub3A_289 = arith.subi %add3A_285, %sub3A_288 : i32
      %lt3A_290 = arith.cmpi slt, %sub3A_289, %add3A_188 : i32
      %and3A_291 = arith.andi %ge3A_287, %lt3A_290 : i1
      %convert_element_type3A_292 = arith.extui %and3A_291 : i1 to i32
      %cond3A_293 = arith.constant 0 : i32
      %cond3A_294 = arith.cmpi ne, %convert_element_type3A_292, %cond3A_293 : i32
      scf.if %cond3A_294 {
        %dma_wait3A = arith.constant 0 : i32
        %dma_wait3A_412 = tpu.memref_slice %arg14[%dma_wait3A] : memref<10144xf32, #tpu.memory_space<vmem_shared>> -> memref<10144xf32, #tpu.memory_space<vmem_shared>>
        tpu.wait_indirect_dma semaphore(%arg26 : memref<!tpu.dma_semaphore, #tpu.memory_space<semaphore_mem>>) src(%arg12 : memref<128xf32, #tpu.memory_space<vmem>>) dst(%dma_wait3A_412 : memref<10144xf32, #tpu.memory_space<vmem_shared>>)
      } else {
      }
      %lt3A_295 = arith.cmpi slt, %add3A_285, %add3A_188 : i32
      %convert_element_type3A_296 = arith.extui %lt3A_295 : i1 to i32
      %cond3A_297 = arith.constant 0 : i32
      %cond3A_298 = arith.cmpi ne, %convert_element_type3A_296, %cond3A_297 : i32
      scf.if %cond3A_298 {
        %mul3A_412 = arith.constant 16 : i32
        %mul3A_413 = arith.muli %add3A_285, %mul3A_412 : i32
        %add3A_414 = arith.addi %arg1, %mul3A_413 : i32
        %mul3A_415 = arith.constant 128 : i32
        %mul3A_416 = arith.muli %add3A_414, %mul3A_415 : i32
        %dma_start3A = tpu.memref_slice %arg2[%mul3A_416] : memref<160000xi32, #tpu.memory_space<hbm>> -> memref<128xi32, #tpu.memory_space<hbm>>
        %dma_start3A_417 = tpu.memref_slice %arg2[%mul3A_416] : memref<160000xi32, #tpu.memory_space<hbm>> -> memref<128xi32, #tpu.memory_space<hbm>>
        tpu.enqueue_dma source(%dma_start3A_417 : memref<128xi32, #tpu.memory_space<hbm>>) target(%arg7 : memref<128xi32, #tpu.memory_space<vmem>>) target_semaphore(%arg18 : memref<!tpu.dma_semaphore, #tpu.memory_space<semaphore_mem>>)
      } else {
      }
      %ge3A_299 = arith.constant 4 : i32
      %ge3A_300 = arith.cmpi sge, %add3A_285, %ge3A_299 : i32
      %sub3A_301 = arith.constant 4 : i32
      %sub3A_302 = arith.subi %add3A_285, %sub3A_301 : i32
      %lt3A_303 = arith.cmpi slt, %sub3A_302, %add3A_188 : i32
      %and3A_304 = arith.andi %ge3A_300, %lt3A_303 : i1
      %convert_element_type3A_305 = arith.extui %and3A_304 : i1 to i32
      %cond3A_306 = arith.constant 0 : i32
      %cond3A_307 = arith.cmpi ne, %convert_element_type3A_305, %cond3A_306 : i32
      scf.if %cond3A_307 {
        %sub3A_412 = arith.constant 4 : i32
        %sub3A_413 = arith.subi %add3A_285, %sub3A_412 : i32
        %mul3A_414 = arith.constant 16 : i32
        %mul3A_415 = arith.muli %sub3A_413, %mul3A_414 : i32
        %add3A_416 = arith.addi %arg1, %mul3A_415 : i32
        %mul3A_417 = arith.constant 128 : i32
        %mul3A_418 = arith.muli %add3A_416, %mul3A_417 : i32
        %dma_wait3A = tpu.memref_slice %arg2[%mul3A_418] : memref<160000xi32, #tpu.memory_space<hbm>> -> memref<128xi32, #tpu.memory_space<hbm>>
        %dma_wait3A_419 = tpu.memref_slice %arg2[%mul3A_418] : memref<160000xi32, #tpu.memory_space<hbm>> -> memref<128xi32, #tpu.memory_space<hbm>>
        tpu.wait_dma2 semaphore(%arg22 : memref<!tpu.dma_semaphore, #tpu.memory_space<semaphore_mem>>) src(%dma_wait3A_419 : memref<128xi32, #tpu.memory_space<hbm>>) dst(%arg11 : memref<128xi32, #tpu.memory_space<vmem>>)
        %dma_start3A = arith.constant 0 : i32
        %dma_start3A_420 = tpu.memref_slice %arg14[%dma_start3A] : memref<10144xf32, #tpu.memory_space<vmem_shared>> -> memref<10144xf32, #tpu.memory_space<vmem_shared>>
        tpu.enqueue_indirect_dma source(%arg12 : memref<128xf32, #tpu.memory_space<vmem>>) target(%dma_start3A_420 : memref<10144xf32, #tpu.memory_space<vmem_shared>>) offsets(%arg11 : memref<128xi32, #tpu.memory_space<vmem>>) semaphore(%arg30 : memref<!tpu.dma_semaphore, #tpu.memory_space<semaphore_mem>>) {add = true}
      } else {
      }
      %mul3A_308 = arith.constant 8 : i32
      %mul3A_309 = arith.muli %add3A_204, %mul3A_308 : i32
      %add3A_310 = arith.constant 4 : i32
      %add3A_311 = arith.addi %mul3A_309, %add3A_310 : i32
      %ge3A_312 = arith.constant 8 : i32
      %ge3A_313 = arith.cmpi sge, %add3A_311, %ge3A_312 : i32
      %sub3A_314 = arith.constant 8 : i32
      %sub3A_315 = arith.subi %add3A_311, %sub3A_314 : i32
      %lt3A_316 = arith.cmpi slt, %sub3A_315, %add3A_188 : i32
      %and3A_317 = arith.andi %ge3A_313, %lt3A_316 : i1
      %convert_element_type3A_318 = arith.extui %and3A_317 : i1 to i32
      %cond3A_319 = arith.constant 0 : i32
      %cond3A_320 = arith.cmpi ne, %convert_element_type3A_318, %cond3A_319 : i32
      scf.if %cond3A_320 {
        %dma_wait3A = arith.constant 0 : i32
        %dma_wait3A_412 = tpu.memref_slice %arg14[%dma_wait3A] : memref<10144xf32, #tpu.memory_space<vmem_shared>> -> memref<10144xf32, #tpu.memory_space<vmem_shared>>
        tpu.wait_indirect_dma semaphore(%arg27 : memref<!tpu.dma_semaphore, #tpu.memory_space<semaphore_mem>>) src(%arg12 : memref<128xf32, #tpu.memory_space<vmem>>) dst(%dma_wait3A_412 : memref<10144xf32, #tpu.memory_space<vmem_shared>>)
      } else {
      }
      %lt3A_321 = arith.cmpi slt, %add3A_311, %add3A_188 : i32
      %convert_element_type3A_322 = arith.extui %lt3A_321 : i1 to i32
      %cond3A_323 = arith.constant 0 : i32
      %cond3A_324 = arith.cmpi ne, %convert_element_type3A_322, %cond3A_323 : i32
      scf.if %cond3A_324 {
        %mul3A_412 = arith.constant 16 : i32
        %mul3A_413 = arith.muli %add3A_311, %mul3A_412 : i32
        %add3A_414 = arith.addi %arg1, %mul3A_413 : i32
        %mul3A_415 = arith.constant 128 : i32
        %mul3A_416 = arith.muli %add3A_414, %mul3A_415 : i32
        %dma_start3A = tpu.memref_slice %arg2[%mul3A_416] : memref<160000xi32, #tpu.memory_space<hbm>> -> memref<128xi32, #tpu.memory_space<hbm>>
        %dma_start3A_417 = tpu.memref_slice %arg2[%mul3A_416] : memref<160000xi32, #tpu.memory_space<hbm>> -> memref<128xi32, #tpu.memory_space<hbm>>
        tpu.enqueue_dma source(%dma_start3A_417 : memref<128xi32, #tpu.memory_space<hbm>>) target(%arg8 : memref<128xi32, #tpu.memory_space<vmem>>) target_semaphore(%arg19 : memref<!tpu.dma_semaphore, #tpu.memory_space<semaphore_mem>>)
      } else {
      }
      %ge3A_325 = arith.constant 4 : i32
      %ge3A_326 = arith.cmpi sge, %add3A_311, %ge3A_325 : i32
      %sub3A_327 = arith.constant 4 : i32
      %sub3A_328 = arith.subi %add3A_311, %sub3A_327 : i32
      %lt3A_329 = arith.cmpi slt, %sub3A_328, %add3A_188 : i32
      %and3A_330 = arith.andi %ge3A_326, %lt3A_329 : i1
      %convert_element_type3A_331 = arith.extui %and3A_330 : i1 to i32
      %cond3A_332 = arith.constant 0 : i32
      %cond3A_333 = arith.cmpi ne, %convert_element_type3A_331, %cond3A_332 : i32
      scf.if %cond3A_333 {
        %sub3A_412 = arith.constant 4 : i32
        %sub3A_413 = arith.subi %add3A_311, %sub3A_412 : i32
        %mul3A_414 = arith.constant 16 : i32
        %mul3A_415 = arith.muli %sub3A_413, %mul3A_414 : i32
        %add3A_416 = arith.addi %arg1, %mul3A_415 : i32
        %mul3A_417 = arith.constant 128 : i32
        %mul3A_418 = arith.muli %add3A_416, %mul3A_417 : i32
        %dma_wait3A = tpu.memref_slice %arg2[%mul3A_418] : memref<160000xi32, #tpu.memory_space<hbm>> -> memref<128xi32, #tpu.memory_space<hbm>>
        %dma_wait3A_419 = tpu.memref_slice %arg2[%mul3A_418] : memref<160000xi32, #tpu.memory_space<hbm>> -> memref<128xi32, #tpu.memory_space<hbm>>
        tpu.wait_dma2 semaphore(%arg15 : memref<!tpu.dma_semaphore, #tpu.memory_space<semaphore_mem>>) src(%dma_wait3A_419 : memref<128xi32, #tpu.memory_space<hbm>>) dst(%arg4 : memref<128xi32, #tpu.memory_space<vmem>>)
        %dma_start3A = arith.constant 0 : i32
        %dma_start3A_420 = tpu.memref_slice %arg14[%dma_start3A] : memref<10144xf32, #tpu.memory_space<vmem_shared>> -> memref<10144xf32, #tpu.memory_space<vmem_shared>>
        tpu.enqueue_indirect_dma source(%arg12 : memref<128xf32, #tpu.memory_space<vmem>>) target(%dma_start3A_420 : memref<10144xf32, #tpu.memory_space<vmem_shared>>) offsets(%arg4 : memref<128xi32, #tpu.memory_space<vmem>>) semaphore(%arg23 : memref<!tpu.dma_semaphore, #tpu.memory_space<semaphore_mem>>) {add = true}
      } else {
      }
      %mul3A_334 = arith.constant 8 : i32
      %mul3A_335 = arith.muli %add3A_204, %mul3A_334 : i32
      %add3A_336 = arith.constant 5 : i32
      %add3A_337 = arith.addi %mul3A_335, %add3A_336 : i32
      %ge3A_338 = arith.constant 8 : i32
      %ge3A_339 = arith.cmpi sge, %add3A_337, %ge3A_338 : i32
      %sub3A_340 = arith.constant 8 : i32
      %sub3A_341 = arith.subi %add3A_337, %sub3A_340 : i32
      %lt3A_342 = arith.cmpi slt, %sub3A_341, %add3A_188 : i32
      %and3A_343 = arith.andi %ge3A_339, %lt3A_342 : i1
      %convert_element_type3A_344 = arith.extui %and3A_343 : i1 to i32
      %cond3A_345 = arith.constant 0 : i32
      %cond3A_346 = arith.cmpi ne, %convert_element_type3A_344, %cond3A_345 : i32
      scf.if %cond3A_346 {
        %dma_wait3A = arith.constant 0 : i32
        %dma_wait3A_412 = tpu.memref_slice %arg14[%dma_wait3A] : memref<10144xf32, #tpu.memory_space<vmem_shared>> -> memref<10144xf32, #tpu.memory_space<vmem_shared>>
        tpu.wait_indirect_dma semaphore(%arg28 : memref<!tpu.dma_semaphore, #tpu.memory_space<semaphore_mem>>) src(%arg12 : memref<128xf32, #tpu.memory_space<vmem>>) dst(%dma_wait3A_412 : memref<10144xf32, #tpu.memory_space<vmem_shared>>)
      } else {
      }
      %lt3A_347 = arith.cmpi slt, %add3A_337, %add3A_188 : i32
      %convert_element_type3A_348 = arith.extui %lt3A_347 : i1 to i32
      %cond3A_349 = arith.constant 0 : i32
      %cond3A_350 = arith.cmpi ne, %convert_element_type3A_348, %cond3A_349 : i32
      scf.if %cond3A_350 {
        %mul3A_412 = arith.constant 16 : i32
        %mul3A_413 = arith.muli %add3A_337, %mul3A_412 : i32
        %add3A_414 = arith.addi %arg1, %mul3A_413 : i32
        %mul3A_415 = arith.constant 128 : i32
        %mul3A_416 = arith.muli %add3A_414, %mul3A_415 : i32
        %dma_start3A = tpu.memref_slice %arg2[%mul3A_416] : memref<160000xi32, #tpu.memory_space<hbm>> -> memref<128xi32, #tpu.memory_space<hbm>>
        %dma_start3A_417 = tpu.memref_slice %arg2[%mul3A_416] : memref<160000xi32, #tpu.memory_space<hbm>> -> memref<128xi32, #tpu.memory_space<hbm>>
        tpu.enqueue_dma source(%dma_start3A_417 : memref<128xi32, #tpu.memory_space<hbm>>) target(%arg9 : memref<128xi32, #tpu.memory_space<vmem>>) target_semaphore(%arg20 : memref<!tpu.dma_semaphore, #tpu.memory_space<semaphore_mem>>)
      } else {
      }
      %ge3A_351 = arith.constant 4 : i32
      %ge3A_352 = arith.cmpi sge, %add3A_337, %ge3A_351 : i32
      %sub3A_353 = arith.constant 4 : i32
      %sub3A_354 = arith.subi %add3A_337, %sub3A_353 : i32
      %lt3A_355 = arith.cmpi slt, %sub3A_354, %add3A_188 : i32
      %and3A_356 = arith.andi %ge3A_352, %lt3A_355 : i1
      %convert_element_type3A_357 = arith.extui %and3A_356 : i1 to i32
      %cond3A_358 = arith.constant 0 : i32
      %cond3A_359 = arith.cmpi ne, %convert_element_type3A_357, %cond3A_358 : i32
      scf.if %cond3A_359 {
        %sub3A_412 = arith.constant 4 : i32
        %sub3A_413 = arith.subi %add3A_337, %sub3A_412 : i32
        %mul3A_414 = arith.constant 16 : i32
        %mul3A_415 = arith.muli %sub3A_413, %mul3A_414 : i32
        %add3A_416 = arith.addi %arg1, %mul3A_415 : i32
        %mul3A_417 = arith.constant 128 : i32
        %mul3A_418 = arith.muli %add3A_416, %mul3A_417 : i32
        %dma_wait3A = tpu.memref_slice %arg2[%mul3A_418] : memref<160000xi32, #tpu.memory_space<hbm>> -> memref<128xi32, #tpu.memory_space<hbm>>
        %dma_wait3A_419 = tpu.memref_slice %arg2[%mul3A_418] : memref<160000xi32, #tpu.memory_space<hbm>> -> memref<128xi32, #tpu.memory_space<hbm>>
        tpu.wait_dma2 semaphore(%arg16 : memref<!tpu.dma_semaphore, #tpu.memory_space<semaphore_mem>>) src(%dma_wait3A_419 : memref<128xi32, #tpu.memory_space<hbm>>) dst(%arg5 : memref<128xi32, #tpu.memory_space<vmem>>)
        %dma_start3A = arith.constant 0 : i32
        %dma_start3A_420 = tpu.memref_slice %arg14[%dma_start3A] : memref<10144xf32, #tpu.memory_space<vmem_shared>> -> memref<10144xf32, #tpu.memory_space<vmem_shared>>
        tpu.enqueue_indirect_dma source(%arg12 : memref<128xf32, #tpu.memory_space<vmem>>) target(%dma_start3A_420 : memref<10144xf32, #tpu.memory_space<vmem_shared>>) offsets(%arg5 : memref<128xi32, #tpu.memory_space<vmem>>) semaphore(%arg24 : memref<!tpu.dma_semaphore, #tpu.memory_space<semaphore_mem>>) {add = true}
      } else {
      }
      %mul3A_360 = arith.constant 8 : i32
      %mul3A_361 = arith.muli %add3A_204, %mul3A_360 : i32
      %add3A_362 = arith.constant 6 : i32
      %add3A_363 = arith.addi %mul3A_361, %add3A_362 : i32
      %ge3A_364 = arith.constant 8 : i32
      %ge3A_365 = arith.cmpi sge, %add3A_363, %ge3A_364 : i32
      %sub3A_366 = arith.constant 8 : i32
      %sub3A_367 = arith.subi %add3A_363, %sub3A_366 : i32
      %lt3A_368 = arith.cmpi slt, %sub3A_367, %add3A_188 : i32
      %and3A_369 = arith.andi %ge3A_365, %lt3A_368 : i1
      %convert_element_type3A_370 = arith.extui %and3A_369 : i1 to i32
      %cond3A_371 = arith.constant 0 : i32
      %cond3A_372 = arith.cmpi ne, %convert_element_type3A_370, %cond3A_371 : i32
      scf.if %cond3A_372 {
        %dma_wait3A = arith.constant 0 : i32
        %dma_wait3A_412 = tpu.memref_slice %arg14[%dma_wait3A] : memref<10144xf32, #tpu.memory_space<vmem_shared>> -> memref<10144xf32, #tpu.memory_space<vmem_shared>>
        tpu.wait_indirect_dma semaphore(%arg29 : memref<!tpu.dma_semaphore, #tpu.memory_space<semaphore_mem>>) src(%arg12 : memref<128xf32, #tpu.memory_space<vmem>>) dst(%dma_wait3A_412 : memref<10144xf32, #tpu.memory_space<vmem_shared>>)
      } else {
      }
      %lt3A_373 = arith.cmpi slt, %add3A_363, %add3A_188 : i32
      %convert_element_type3A_374 = arith.extui %lt3A_373 : i1 to i32
      %cond3A_375 = arith.constant 0 : i32
      %cond3A_376 = arith.cmpi ne, %convert_element_type3A_374, %cond3A_375 : i32
      scf.if %cond3A_376 {
        %mul3A_412 = arith.constant 16 : i32
        %mul3A_413 = arith.muli %add3A_363, %mul3A_412 : i32
        %add3A_414 = arith.addi %arg1, %mul3A_413 : i32
        %mul3A_415 = arith.constant 128 : i32
        %mul3A_416 = arith.muli %add3A_414, %mul3A_415 : i32
        %dma_start3A = tpu.memref_slice %arg2[%mul3A_416] : memref<160000xi32, #tpu.memory_space<hbm>> -> memref<128xi32, #tpu.memory_space<hbm>>
        %dma_start3A_417 = tpu.memref_slice %arg2[%mul3A_416] : memref<160000xi32, #tpu.memory_space<hbm>> -> memref<128xi32, #tpu.memory_space<hbm>>
        tpu.enqueue_dma source(%dma_start3A_417 : memref<128xi32, #tpu.memory_space<hbm>>) target(%arg10 : memref<128xi32, #tpu.memory_space<vmem>>) target_semaphore(%arg21 : memref<!tpu.dma_semaphore, #tpu.memory_space<semaphore_mem>>)
      } else {
      }
      %ge3A_377 = arith.constant 4 : i32
      %ge3A_378 = arith.cmpi sge, %add3A_363, %ge3A_377 : i32
      %sub3A_379 = arith.constant 4 : i32
      %sub3A_380 = arith.subi %add3A_363, %sub3A_379 : i32
      %lt3A_381 = arith.cmpi slt, %sub3A_380, %add3A_188 : i32
      %and3A_382 = arith.andi %ge3A_378, %lt3A_381 : i1
      %convert_element_type3A_383 = arith.extui %and3A_382 : i1 to i32
      %cond3A_384 = arith.constant 0 : i32
      %cond3A_385 = arith.cmpi ne, %convert_element_type3A_383, %cond3A_384 : i32
      scf.if %cond3A_385 {
        %sub3A_412 = arith.constant 4 : i32
        %sub3A_413 = arith.subi %add3A_363, %sub3A_412 : i32
        %mul3A_414 = arith.constant 16 : i32
        %mul3A_415 = arith.muli %sub3A_413, %mul3A_414 : i32
        %add3A_416 = arith.addi %arg1, %mul3A_415 : i32
        %mul3A_417 = arith.constant 128 : i32
        %mul3A_418 = arith.muli %add3A_416, %mul3A_417 : i32
        %dma_wait3A = tpu.memref_slice %arg2[%mul3A_418] : memref<160000xi32, #tpu.memory_space<hbm>> -> memref<128xi32, #tpu.memory_space<hbm>>
        %dma_wait3A_419 = tpu.memref_slice %arg2[%mul3A_418] : memref<160000xi32, #tpu.memory_space<hbm>> -> memref<128xi32, #tpu.memory_space<hbm>>
        tpu.wait_dma2 semaphore(%arg17 : memref<!tpu.dma_semaphore, #tpu.memory_space<semaphore_mem>>) src(%dma_wait3A_419 : memref<128xi32, #tpu.memory_space<hbm>>) dst(%arg6 : memref<128xi32, #tpu.memory_space<vmem>>)
        %dma_start3A = arith.constant 0 : i32
        %dma_start3A_420 = tpu.memref_slice %arg14[%dma_start3A] : memref<10144xf32, #tpu.memory_space<vmem_shared>> -> memref<10144xf32, #tpu.memory_space<vmem_shared>>
        tpu.enqueue_indirect_dma source(%arg12 : memref<128xf32, #tpu.memory_space<vmem>>) target(%dma_start3A_420 : memref<10144xf32, #tpu.memory_space<vmem_shared>>) offsets(%arg6 : memref<128xi32, #tpu.memory_space<vmem>>) semaphore(%arg25 : memref<!tpu.dma_semaphore, #tpu.memory_space<semaphore_mem>>) {add = true}
      } else {
      }
      %mul3A_386 = arith.constant 8 : i32
      %mul3A_387 = arith.muli %add3A_204, %mul3A_386 : i32
      %add3A_388 = arith.constant 7 : i32
      %add3A_389 = arith.addi %mul3A_387, %add3A_388 : i32
      %ge3A_390 = arith.constant 8 : i32
      %ge3A_391 = arith.cmpi sge, %add3A_389, %ge3A_390 : i32
      %sub3A_392 = arith.constant 8 : i32
      %sub3A_393 = arith.subi %add3A_389, %sub3A_392 : i32
      %lt3A_394 = arith.cmpi slt, %sub3A_393, %add3A_188 : i32
      %and3A_395 = arith.andi %ge3A_391, %lt3A_394 : i1
      %convert_element_type3A_396 = arith.extui %and3A_395 : i1 to i32
      %cond3A_397 = arith.constant 0 : i32
      %cond3A_398 = arith.cmpi ne, %convert_element_type3A_396, %cond3A_397 : i32
      scf.if %cond3A_398 {
        %dma_wait3A = arith.constant 0 : i32
        %dma_wait3A_412 = tpu.memref_slice %arg14[%dma_wait3A] : memref<10144xf32, #tpu.memory_space<vmem_shared>> -> memref<10144xf32, #tpu.memory_space<vmem_shared>>
        tpu.wait_indirect_dma semaphore(%arg30 : memref<!tpu.dma_semaphore, #tpu.memory_space<semaphore_mem>>) src(%arg12 : memref<128xf32, #tpu.memory_space<vmem>>) dst(%dma_wait3A_412 : memref<10144xf32, #tpu.memory_space<vmem_shared>>)
      } else {
      }
      %lt3A_399 = arith.cmpi slt, %add3A_389, %add3A_188 : i32
      %convert_element_type3A_400 = arith.extui %lt3A_399 : i1 to i32
      %cond3A_401 = arith.constant 0 : i32
      %cond3A_402 = arith.cmpi ne, %convert_element_type3A_400, %cond3A_401 : i32
      scf.if %cond3A_402 {
        %mul3A_412 = arith.constant 16 : i32
        %mul3A_413 = arith.muli %add3A_389, %mul3A_412 : i32
        %add3A_414 = arith.addi %arg1, %mul3A_413 : i32
        %mul3A_415 = arith.constant 128 : i32
        %mul3A_416 = arith.muli %add3A_414, %mul3A_415 : i32
        %dma_start3A = tpu.memref_slice %arg2[%mul3A_416] : memref<160000xi32, #tpu.memory_space<hbm>> -> memref<128xi32, #tpu.memory_space<hbm>>
        %dma_start3A_417 = tpu.memref_slice %arg2[%mul3A_416] : memref<160000xi32, #tpu.memory_space<hbm>> -> memref<128xi32, #tpu.memory_space<hbm>>
        tpu.enqueue_dma source(%dma_start3A_417 : memref<128xi32, #tpu.memory_space<hbm>>) target(%arg11 : memref<128xi32, #tpu.memory_space<vmem>>) target_semaphore(%arg22 : memref<!tpu.dma_semaphore, #tpu.memory_space<semaphore_mem>>)
      } else {
      }
      %ge3A_403 = arith.constant 4 : i32
      %ge3A_404 = arith.cmpi sge, %add3A_389, %ge3A_403 : i32
      %sub3A_405 = arith.constant 4 : i32
      %sub3A_406 = arith.subi %add3A_389, %sub3A_405 : i32
      %lt3A_407 = arith.cmpi slt, %sub3A_406, %add3A_188 : i32
      %and3A_408 = arith.andi %ge3A_404, %lt3A_407 : i1
      %convert_element_type3A_409 = arith.extui %and3A_408 : i1 to i32
      %cond3A_410 = arith.constant 0 : i32
      %cond3A_411 = arith.cmpi ne, %convert_element_type3A_409, %cond3A_410 : i32
      scf.if %cond3A_411 {
        %sub3A_412 = arith.constant 4 : i32
        %sub3A_413 = arith.subi %add3A_389, %sub3A_412 : i32
        %mul3A_414 = arith.constant 16 : i32
        %mul3A_415 = arith.muli %sub3A_413, %mul3A_414 : i32
        %add3A_416 = arith.addi %arg1, %mul3A_415 : i32
        %mul3A_417 = arith.constant 128 : i32
        %mul3A_418 = arith.muli %add3A_416, %mul3A_417 : i32
        %dma_wait3A = tpu.memref_slice %arg2[%mul3A_418] : memref<160000xi32, #tpu.memory_space<hbm>> -> memref<128xi32, #tpu.memory_space<hbm>>
        %dma_wait3A_419 = tpu.memref_slice %arg2[%mul3A_418] : memref<160000xi32, #tpu.memory_space<hbm>> -> memref<128xi32, #tpu.memory_space<hbm>>
        tpu.wait_dma2 semaphore(%arg18 : memref<!tpu.dma_semaphore, #tpu.memory_space<semaphore_mem>>) src(%dma_wait3A_419 : memref<128xi32, #tpu.memory_space<hbm>>) dst(%arg7 : memref<128xi32, #tpu.memory_space<vmem>>)
        %dma_start3A = arith.constant 0 : i32
        %dma_start3A_420 = tpu.memref_slice %arg14[%dma_start3A] : memref<10144xf32, #tpu.memory_space<vmem_shared>> -> memref<10144xf32, #tpu.memory_space<vmem_shared>>
        tpu.enqueue_indirect_dma source(%arg12 : memref<128xf32, #tpu.memory_space<vmem>>) target(%dma_start3A_420 : memref<10144xf32, #tpu.memory_space<vmem_shared>>) offsets(%arg7 : memref<128xi32, #tpu.memory_space<vmem>>) semaphore(%arg26 : memref<!tpu.dma_semaphore, #tpu.memory_space<semaphore_mem>>) {add = true}
      } else {
      }
    }
    %scan3A_192 = arith.constant 11 : i32
    %barrier3A_193 = arith.constant 0 : index
    tpu.barrier barrier_id(%barrier3A_193)
    %lt3A = arith.constant 15 : i32
    %lt3A_194 = arith.cmpi slt, %arg1, %lt3A : i32
    %convert_element_type3A = arith.extui %lt3A_194 : i1 to i32
    %cond3A = arith.constant 0 : i32
    %cond3A_195 = arith.cmpi ne, %convert_element_type3A, %cond3A : i32
    scf.if %cond3A_195 {
      %mul3A_200 = arith.constant 320 : i32
      %mul3A_201 = arith.muli %arg1, %mul3A_200 : i32
      %add3A_202 = arith.addi %mul3A_166, %mul3A_201 : i32
      "tpu.region"() ({
        %run_scoped3A = tpu.sem_alloc : memref<!tpu.dma_semaphore, #tpu.memory_space<semaphore_mem>>
        %dma_start3A = tpu.memref_slice %arg14[%add3A_202] : memref<10144xf32, #tpu.memory_space<vmem_shared>> -> memref<320xf32, #tpu.memory_space<vmem_shared>>
        %dma_start3A_206 = tpu.memref_slice %arg14[%add3A_202] : memref<10144xf32, #tpu.memory_space<vmem_shared>> -> memref<320xf32, #tpu.memory_space<vmem_shared>>
        tpu.enqueue_dma source(%dma_start3A_206 : memref<320xf32, #tpu.memory_space<vmem_shared>>) target(%arg13 : memref<320xf32, #tpu.memory_space<vmem>>) target_semaphore(%run_scoped3A : memref<!tpu.dma_semaphore, #tpu.memory_space<semaphore_mem>>)
        %dma_wait3A = tpu.memref_slice %arg14[%add3A_202] : memref<10144xf32, #tpu.memory_space<vmem_shared>> -> memref<320xf32, #tpu.memory_space<vmem_shared>>
        %dma_wait3A_207 = tpu.memref_slice %arg14[%add3A_202] : memref<10144xf32, #tpu.memory_space<vmem_shared>> -> memref<320xf32, #tpu.memory_space<vmem_shared>>
        tpu.wait_dma2 semaphore(%run_scoped3A : memref<!tpu.dma_semaphore, #tpu.memory_space<semaphore_mem>>) src(%dma_wait3A_207 : memref<320xf32, #tpu.memory_space<vmem_shared>>) dst(%arg13 : memref<320xf32, #tpu.memory_space<vmem>>)
        tpu.yield
      }) : () -> ()
      %mul3A_203 = arith.constant 320 : i32
      %mul3A_204 = arith.muli %arg1, %mul3A_203 : i32
      %add3A_205 = arith.addi %mul3A_166, %mul3A_204 : i32
      "tpu.region"() ({
        %run_scoped3A = tpu.sem_alloc : memref<!tpu.dma_semaphore, #tpu.memory_space<semaphore_mem>>
        %dma_start3A = tpu.memref_slice %arg3[%add3A_205] : memref<10000xf32, #tpu.memory_space<hbm>> -> memref<320xf32, #tpu.memory_space<hbm>>
        %dma_start3A_206 = tpu.memref_slice %arg3[%add3A_205] : memref<10000xf32, #tpu.memory_space<hbm>> -> memref<320xf32, #tpu.memory_space<hbm>>
        tpu.enqueue_dma source(%arg13 : memref<320xf32, #tpu.memory_space<vmem>>) target(%dma_start3A_206 : memref<320xf32, #tpu.memory_space<hbm>>) target_semaphore(%run_scoped3A : memref<!tpu.dma_semaphore, #tpu.memory_space<semaphore_mem>>)
        %dma_wait3A = tpu.memref_slice %arg3[%add3A_205] : memref<10000xf32, #tpu.memory_space<hbm>> -> memref<320xf32, #tpu.memory_space<hbm>>
        %dma_wait3A_207 = tpu.memref_slice %arg3[%add3A_205] : memref<10000xf32, #tpu.memory_space<hbm>> -> memref<320xf32, #tpu.memory_space<hbm>>
        tpu.wait_dma2 semaphore(%run_scoped3A : memref<!tpu.dma_semaphore, #tpu.memory_space<semaphore_mem>>) src(%arg13 : memref<320xf32, #tpu.memory_space<vmem>>) dst(%dma_wait3A_207 : memref<320xf32, #tpu.memory_space<hbm>>)
        tpu.yield
      }) : () -> ()
    } else {
    }
    %eq3A = arith.constant 15 : i32
    %eq3A_196 = arith.cmpi eq, %arg1, %eq3A : i32
    %convert_element_type3A_197 = arith.extui %eq3A_196 : i1 to i32
    %cond3A_198 = arith.constant 0 : i32
    %cond3A_199 = arith.cmpi ne, %convert_element_type3A_197, %cond3A_198 : i32
    scf.if %cond3A_199 {
      %add3A_200 = arith.constant 4800 : i32
      %add3A_201 = arith.addi %mul3A_166, %add3A_200 : i32
      "tpu.region"() ({
        %run_scoped3A = tpu.sem_alloc : memref<!tpu.dma_semaphore, #tpu.memory_space<semaphore_mem>>
        %dma_start3A = arith.constant 0 : i32
        %dma_start3A_204 = tpu.memref_slice %arg13[%dma_start3A] : memref<320xf32, #tpu.memory_space<vmem>> -> memref<200xf32, #tpu.memory_space<vmem>>
        %dma_start3A_205 = tpu.memref_slice %arg14[%add3A_201] : memref<10144xf32, #tpu.memory_space<vmem_shared>> -> memref<200xf32, #tpu.memory_space<vmem_shared>>
        %dma_start3A_206 = arith.constant 0 : i32
        %dma_start3A_207 = tpu.memref_slice %arg13[%dma_start3A_206] : memref<320xf32, #tpu.memory_space<vmem>> -> memref<200xf32, #tpu.memory_space<vmem>>
        %dma_start3A_208 = tpu.memref_slice %arg14[%add3A_201] : memref<10144xf32, #tpu.memory_space<vmem_shared>> -> memref<200xf32, #tpu.memory_space<vmem_shared>>
        tpu.enqueue_dma source(%dma_start3A_208 : memref<200xf32, #tpu.memory_space<vmem_shared>>) target(%dma_start3A_207 : memref<200xf32, #tpu.memory_space<vmem>>) target_semaphore(%run_scoped3A : memref<!tpu.dma_semaphore, #tpu.memory_space<semaphore_mem>>)
        %dma_wait3A = arith.constant 0 : i32
        %dma_wait3A_209 = tpu.memref_slice %arg13[%dma_wait3A] : memref<320xf32, #tpu.memory_space<vmem>> -> memref<200xf32, #tpu.memory_space<vmem>>
        %dma_wait3A_210 = tpu.memref_slice %arg14[%add3A_201] : memref<10144xf32, #tpu.memory_space<vmem_shared>> -> memref<200xf32, #tpu.memory_space<vmem_shared>>
        %dma_wait3A_211 = arith.constant 0 : i32
        %dma_wait3A_212 = tpu.memref_slice %arg13[%dma_wait3A_211] : memref<320xf32, #tpu.memory_space<vmem>> -> memref<200xf32, #tpu.memory_space<vmem>>
        %dma_wait3A_213 = tpu.memref_slice %arg14[%add3A_201] : memref<10144xf32, #tpu.memory_space<vmem_shared>> -> memref<200xf32, #tpu.memory_space<vmem_shared>>
        tpu.wait_dma2 semaphore(%run_scoped3A : memref<!tpu.dma_semaphore, #tpu.memory_space<semaphore_mem>>) src(%dma_wait3A_213 : memref<200xf32, #tpu.memory_space<vmem_shared>>) dst(%dma_wait3A_212 : memref<200xf32, #tpu.memory_space<vmem>>)
        tpu.yield
      }) : () -> ()
      %add3A_202 = arith.constant 4800 : i32
      %add3A_203 = arith.addi %mul3A_166, %add3A_202 : i32
      "tpu.region"() ({
        %run_scoped3A = tpu.sem_alloc : memref<!tpu.dma_semaphore, #tpu.memory_space<semaphore_mem>>
        %dma_start3A = arith.constant 0 : i32
        %dma_start3A_204 = tpu.memref_slice %arg13[%dma_start3A] : memref<320xf32, #tpu.memory_space<vmem>> -> memref<200xf32, #tpu.memory_space<vmem>>
        %dma_start3A_205 = tpu.memref_slice %arg3[%add3A_203] : memref<10000xf32, #tpu.memory_space<hbm>> -> memref<200xf32, #tpu.memory_space<hbm>>
        %dma_start3A_206 = tpu.memref_slice %arg3[%add3A_203] : memref<10000xf32, #tpu.memory_space<hbm>> -> memref<200xf32, #tpu.memory_space<hbm>>
        %dma_start3A_207 = arith.constant 0 : i32
        %dma_start3A_208 = tpu.memref_slice %arg13[%dma_start3A_207] : memref<320xf32, #tpu.memory_space<vmem>> -> memref<200xf32, #tpu.memory_space<vmem>>
        tpu.enqueue_dma source(%dma_start3A_208 : memref<200xf32, #tpu.memory_space<vmem>>) target(%dma_start3A_206 : memref<200xf32, #tpu.memory_space<hbm>>) target_semaphore(%run_scoped3A : memref<!tpu.dma_semaphore, #tpu.memory_space<semaphore_mem>>)
        %dma_wait3A = arith.constant 0 : i32
        %dma_wait3A_209 = tpu.memref_slice %arg13[%dma_wait3A] : memref<320xf32, #tpu.memory_space<vmem>> -> memref<200xf32, #tpu.memory_space<vmem>>
        %dma_wait3A_210 = tpu.memref_slice %arg3[%add3A_203] : memref<10000xf32, #tpu.memory_space<hbm>> -> memref<200xf32, #tpu.memory_space<hbm>>
        %dma_wait3A_211 = tpu.memref_slice %arg3[%add3A_203] : memref<10000xf32, #tpu.memory_space<hbm>> -> memref<200xf32, #tpu.memory_space<hbm>>
        %dma_wait3A_212 = arith.constant 0 : i32
        %dma_wait3A_213 = tpu.memref_slice %arg13[%dma_wait3A_212] : memref<320xf32, #tpu.memory_space<vmem>> -> memref<200xf32, #tpu.memory_space<vmem>>
        tpu.wait_dma2 semaphore(%run_scoped3A : memref<!tpu.dma_semaphore, #tpu.memory_space<semaphore_mem>>) src(%dma_wait3A_213 : memref<200xf32, #tpu.memory_space<vmem>>) dst(%dma_wait3A_211 : memref<200xf32, #tpu.memory_space<hbm>>)
        tpu.yield
      }) : () -> ()
    } else {
    }
    return
  }
}

#map = affine_map<(d0, d1) -> (0, 0)>
#map1 = affine_map<(d0, d1) -> (0)>
module attributes {stable_mosaic.version = 14 : i64} {
  func.func @_sc_scatter_body(%arg0: i32, %arg1: i32, %arg2: memref<20000x128xf32, #tpu.memory_space<hbm>>, %arg3: memref<160000xi32, #tpu.memory_space<hbm>>, %arg4: memref<160000xi32, #tpu.memory_space<hbm>>, %arg5: memref<640x128xf32, #tpu.memory_space<hbm>>, %arg6: memref<20000x128xf32, #tpu.memory_space<hbm>>, %arg7: memref<80xi32, #tpu.memory_space<vmem>>, %arg8: memref<80xi32, #tpu.memory_space<vmem>>, %arg9: memref<80xi32, #tpu.memory_space<vmem>>, %arg10: memref<80xi32, #tpu.memory_space<vmem>>, %arg11: memref<80xi32, #tpu.memory_space<vmem>>, %arg12: memref<80xi32, #tpu.memory_space<vmem>>, %arg13: memref<80xi32, #tpu.memory_space<vmem>>, %arg14: memref<80xi32, #tpu.memory_space<vmem>>, %arg15: memref<80x128xf32, #tpu.memory_space<vmem>>, %arg16: memref<80x128xf32, #tpu.memory_space<vmem>>, %arg17: memref<80x128xf32, #tpu.memory_space<vmem>>, %arg18: memref<80x128xf32, #tpu.memory_space<vmem>>, %arg19: memref<10000x128xf32, #tpu.memory_space<vmem_shared>>, %arg20: memref<!tpu.dma_semaphore, #tpu.memory_space<semaphore_mem>>, %arg21: memref<!tpu.dma_semaphore, #tpu.memory_space<semaphore_mem>>, %arg22: memref<!tpu.dma_semaphore, #tpu.memory_space<semaphore_mem>>, %arg23: memref<!tpu.dma_semaphore, #tpu.memory_space<semaphore_mem>>, %arg24: memref<!tpu.dma_semaphore, #tpu.memory_space<semaphore_mem>>, %arg25: memref<!tpu.dma_semaphore, #tpu.memory_space<semaphore_mem>>, %arg26: memref<!tpu.dma_semaphore, #tpu.memory_space<semaphore_mem>>, %arg27: memref<!tpu.dma_semaphore, #tpu.memory_space<semaphore_mem>>, %arg28: memref<!tpu.dma_semaphore, #tpu.memory_space<semaphore_mem>>, %arg29: memref<!tpu.dma_semaphore, #tpu.memory_space<semaphore_mem>>, %arg30: memref<!tpu.dma_semaphore, #tpu.memory_space<semaphore_mem>>, %arg31: memref<!tpu.dma_semaphore, #tpu.memory_space<semaphore_mem>>, %arg32: memref<!tpu.dma_semaphore, #tpu.memory_space<semaphore_mem>>) attributes {dimension_semantics = [#tpu.dimension_semantics<core_parallel>, #tpu.dimension_semantics<subcore_parallel>], iteration_bounds = array<i64: 2, 16>, scalar_prefetch = 0 : i64, scratch_operands = 26 : i64, tpu.core_type = #tpu.core_type<sc_vector_subcore>, window_params = [{transform_indices = #map}, {transform_indices = #map1}, {transform_indices = #map1}, {transform_indices = #map}, {transform_indices = #map}]} {
    %mul3A = arith.constant 10000 : i32
    %mul3A_0 = arith.muli %arg0, %mul3A : i32
    %mul3A_1 = arith.constant 640 : i32
    %mul3A_2 = arith.muli %arg1, %mul3A_1 : i32
    %lt3A = arith.constant 15 : i32
    %lt3A_3 = arith.cmpi slt, %arg1, %lt3A : i32
    %convert_element_type3A = arith.extui %lt3A_3 : i1 to i32
    %cond3A = arith.constant 0 : i32
    %cond3A_4 = arith.cmpi ne, %convert_element_type3A, %cond3A : i32
    scf.if %cond3A_4 {
      %dma_start3A_263 = arith.constant 0 : i32
      %dma_start3A_264 = tpu.memref_slice %arg19[%mul3A_2, %dma_start3A_263] : memref<10000x128xf32, #tpu.memory_space<vmem_shared>> -> memref<640x128xf32, #tpu.memory_space<vmem_shared>>
      tpu.enqueue_dma source(%arg5 : memref<640x128xf32, #tpu.memory_space<hbm>>) target(%dma_start3A_264 : memref<640x128xf32, #tpu.memory_space<vmem_shared>>) target_semaphore(%arg32 : memref<!tpu.dma_semaphore, #tpu.memory_space<semaphore_mem>>)
    } else {
    }
    %eq3A = arith.constant 15 : i32
    %eq3A_5 = arith.cmpi eq, %arg1, %eq3A : i32
    %convert_element_type3A_6 = arith.extui %eq3A_5 : i1 to i32
    %cond3A_7 = arith.constant 0 : i32
    %cond3A_8 = arith.cmpi ne, %convert_element_type3A_6, %cond3A_7 : i32
    scf.if %cond3A_8 {
      %dma_start3A_263 = arith.constant 0 : i32
      %dma_start3A_264 = tpu.memref_slice %arg19[%mul3A_2, %dma_start3A_263] : memref<10000x128xf32, #tpu.memory_space<vmem_shared>> -> memref<400x128xf32, #tpu.memory_space<vmem_shared>>
      %dma_start3A_265 = arith.constant 0 : i32
      %dma_start3A_266 = arith.constant 0 : i32
      %dma_start3A_267 = tpu.memref_slice %arg5[%dma_start3A_265, %dma_start3A_266] : memref<640x128xf32, #tpu.memory_space<hbm>> -> memref<400x128xf32, #tpu.memory_space<hbm>>
      tpu.enqueue_dma source(%dma_start3A_267 : memref<400x128xf32, #tpu.memory_space<hbm>>) target(%dma_start3A_264 : memref<400x128xf32, #tpu.memory_space<vmem_shared>>) target_semaphore(%arg32 : memref<!tpu.dma_semaphore, #tpu.memory_space<semaphore_mem>>)
    } else {
    }
    %add3A = arith.constant 0 : i32
    %add3A_9 = arith.addi %arg1, %add3A : i32
    %mul3A_10 = arith.constant 80 : i32
    %mul3A_11 = arith.muli %add3A_9, %mul3A_10 : i32
    %dma_start3A = tpu.memref_slice %arg3[%mul3A_11] : memref<160000xi32, #tpu.memory_space<hbm>> -> memref<80xi32, #tpu.memory_space<hbm>>
    %dma_start3A_12 = tpu.memref_slice %arg3[%mul3A_11] : memref<160000xi32, #tpu.memory_space<hbm>> -> memref<80xi32, #tpu.memory_space<hbm>>
    tpu.enqueue_dma source(%dma_start3A_12 : memref<80xi32, #tpu.memory_space<hbm>>) target(%arg7 : memref<80xi32, #tpu.memory_space<vmem>>) target_semaphore(%arg20 : memref<!tpu.dma_semaphore, #tpu.memory_space<semaphore_mem>>)
    %add3A_13 = arith.constant 0 : i32
    %add3A_14 = arith.addi %arg1, %add3A_13 : i32
    %mul3A_15 = arith.constant 80 : i32
    %mul3A_16 = arith.muli %add3A_14, %mul3A_15 : i32
    %dma_start3A_17 = tpu.memref_slice %arg4[%mul3A_16] : memref<160000xi32, #tpu.memory_space<hbm>> -> memref<80xi32, #tpu.memory_space<hbm>>
    %dma_start3A_18 = tpu.memref_slice %arg4[%mul3A_16] : memref<160000xi32, #tpu.memory_space<hbm>> -> memref<80xi32, #tpu.memory_space<hbm>>
    tpu.enqueue_dma source(%dma_start3A_18 : memref<80xi32, #tpu.memory_space<hbm>>) target(%arg11 : memref<80xi32, #tpu.memory_space<vmem>>) target_semaphore(%arg20 : memref<!tpu.dma_semaphore, #tpu.memory_space<semaphore_mem>>)
    %add3A_19 = arith.constant 16 : i32
    %add3A_20 = arith.addi %arg1, %add3A_19 : i32
    %mul3A_21 = arith.constant 80 : i32
    %mul3A_22 = arith.muli %add3A_20, %mul3A_21 : i32
    %dma_start3A_23 = tpu.memref_slice %arg3[%mul3A_22] : memref<160000xi32, #tpu.memory_space<hbm>> -> memref<80xi32, #tpu.memory_space<hbm>>
    %dma_start3A_24 = tpu.memref_slice %arg3[%mul3A_22] : memref<160000xi32, #tpu.memory_space<hbm>> -> memref<80xi32, #tpu.memory_space<hbm>>
    tpu.enqueue_dma source(%dma_start3A_24 : memref<80xi32, #tpu.memory_space<hbm>>) target(%arg8 : memref<80xi32, #tpu.memory_space<vmem>>) target_semaphore(%arg21 : memref<!tpu.dma_semaphore, #tpu.memory_space<semaphore_mem>>)
    %add3A_25 = arith.constant 16 : i32
    %add3A_26 = arith.addi %arg1, %add3A_25 : i32
    %mul3A_27 = arith.constant 80 : i32
    %mul3A_28 = arith.muli %add3A_26, %mul3A_27 : i32
    %dma_start3A_29 = tpu.memref_slice %arg4[%mul3A_28] : memref<160000xi32, #tpu.memory_space<hbm>> -> memref<80xi32, #tpu.memory_space<hbm>>
    %dma_start3A_30 = tpu.memref_slice %arg4[%mul3A_28] : memref<160000xi32, #tpu.memory_space<hbm>> -> memref<80xi32, #tpu.memory_space<hbm>>
    tpu.enqueue_dma source(%dma_start3A_30 : memref<80xi32, #tpu.memory_space<hbm>>) target(%arg12 : memref<80xi32, #tpu.memory_space<vmem>>) target_semaphore(%arg21 : memref<!tpu.dma_semaphore, #tpu.memory_space<semaphore_mem>>)
    %add3A_31 = arith.constant 0 : i32
    %add3A_32 = arith.addi %arg1, %add3A_31 : i32
    %mul3A_33 = arith.constant 80 : i32
    %mul3A_34 = arith.muli %add3A_32, %mul3A_33 : i32
    %dma_wait3A = tpu.memref_slice %arg3[%mul3A_34] : memref<160000xi32, #tpu.memory_space<hbm>> -> memref<80xi32, #tpu.memory_space<hbm>>
    %dma_wait3A_35 = tpu.memref_slice %arg3[%mul3A_34] : memref<160000xi32, #tpu.memory_space<hbm>> -> memref<80xi32, #tpu.memory_space<hbm>>
    tpu.wait_dma2 semaphore(%arg20 : memref<!tpu.dma_semaphore, #tpu.memory_space<semaphore_mem>>) src(%dma_wait3A_35 : memref<80xi32, #tpu.memory_space<hbm>>) dst(%arg7 : memref<80xi32, #tpu.memory_space<vmem>>)
    %add3A_36 = arith.constant 0 : i32
    %add3A_37 = arith.addi %arg1, %add3A_36 : i32
    %mul3A_38 = arith.constant 80 : i32
    %mul3A_39 = arith.muli %add3A_37, %mul3A_38 : i32
    %dma_wait3A_40 = tpu.memref_slice %arg4[%mul3A_39] : memref<160000xi32, #tpu.memory_space<hbm>> -> memref<80xi32, #tpu.memory_space<hbm>>
    %dma_wait3A_41 = tpu.memref_slice %arg4[%mul3A_39] : memref<160000xi32, #tpu.memory_space<hbm>> -> memref<80xi32, #tpu.memory_space<hbm>>
    tpu.wait_dma2 semaphore(%arg20 : memref<!tpu.dma_semaphore, #tpu.memory_space<semaphore_mem>>) src(%dma_wait3A_41 : memref<80xi32, #tpu.memory_space<hbm>>) dst(%arg11 : memref<80xi32, #tpu.memory_space<vmem>>)
    %get3A = arith.constant 0 : index
    %get3A_42 = tpu.vector_load %arg7[%get3A] {strides = array<i32>} : memref<80xi32, #tpu.memory_space<vmem>>, vector<16xi32>,
    %get3A_43 = vector.shape_cast %get3A_42 : vector<16xi32> to vector<16xi32>
    %add3A_44 = vector.broadcast %mul3A_0 : i32 to vector<16xi32>
    %add3A_45 = arith.addi %get3A_43, %add3A_44 : vector<16xi32>
    %swap3A = arith.constant 0 : index
    %swap3A_46 = tpu.vector_load %arg7[%swap3A] {strides = array<i32>} : memref<80xi32, #tpu.memory_space<vmem>>, vector<16xi32>,
    %swap3A_47 = vector.shape_cast %swap3A_46 : vector<16xi32> to vector<16xi32>
    %swap3A_48 = vector.shape_cast %add3A_45 : vector<16xi32> to vector<16xi32>
    tpu.vector_store %arg7[%swap3A], %swap3A_48 {strides = array<i32>} : memref<80xi32, #tpu.memory_space<vmem>>, vector<16xi32>,
    %get3A_49 = arith.constant 16 : index
    %get3A_50 = tpu.vector_load %arg7[%get3A_49] {strides = array<i32>} : memref<80xi32, #tpu.memory_space<vmem>>, vector<16xi32>,
    %get3A_51 = vector.shape_cast %get3A_50 : vector<16xi32> to vector<16xi32>
    %add3A_52 = vector.broadcast %mul3A_0 : i32 to vector<16xi32>
    %add3A_53 = arith.addi %get3A_51, %add3A_52 : vector<16xi32>
    %swap3A_54 = arith.constant 16 : index
    %swap3A_55 = tpu.vector_load %arg7[%swap3A_54] {strides = array<i32>} : memref<80xi32, #tpu.memory_space<vmem>>, vector<16xi32>,
    %swap3A_56 = vector.shape_cast %swap3A_55 : vector<16xi32> to vector<16xi32>
    %swap3A_57 = vector.shape_cast %add3A_53 : vector<16xi32> to vector<16xi32>
    tpu.vector_store %arg7[%swap3A_54], %swap3A_57 {strides = array<i32>} : memref<80xi32, #tpu.memory_space<vmem>>, vector<16xi32>,
    %get3A_58 = arith.constant 32 : index
    %get3A_59 = tpu.vector_load %arg7[%get3A_58] {strides = array<i32>} : memref<80xi32, #tpu.memory_space<vmem>>, vector<16xi32>,
    %get3A_60 = vector.shape_cast %get3A_59 : vector<16xi32> to vector<16xi32>
    %add3A_61 = vector.broadcast %mul3A_0 : i32 to vector<16xi32>
    %add3A_62 = arith.addi %get3A_60, %add3A_61 : vector<16xi32>
    %swap3A_63 = arith.constant 32 : index
    %swap3A_64 = tpu.vector_load %arg7[%swap3A_63] {strides = array<i32>} : memref<80xi32, #tpu.memory_space<vmem>>, vector<16xi32>,
    %swap3A_65 = vector.shape_cast %swap3A_64 : vector<16xi32> to vector<16xi32>
    %swap3A_66 = vector.shape_cast %add3A_62 : vector<16xi32> to vector<16xi32>
    tpu.vector_store %arg7[%swap3A_63], %swap3A_66 {strides = array<i32>} : memref<80xi32, #tpu.memory_space<vmem>>, vector<16xi32>,
    %get3A_67 = arith.constant 48 : index
    %get3A_68 = tpu.vector_load %arg7[%get3A_67] {strides = array<i32>} : memref<80xi32, #tpu.memory_space<vmem>>, vector<16xi32>,
    %get3A_69 = vector.shape_cast %get3A_68 : vector<16xi32> to vector<16xi32>
    %add3A_70 = vector.broadcast %mul3A_0 : i32 to vector<16xi32>
    %add3A_71 = arith.addi %get3A_69, %add3A_70 : vector<16xi32>
    %swap3A_72 = arith.constant 48 : index
    %swap3A_73 = tpu.vector_load %arg7[%swap3A_72] {strides = array<i32>} : memref<80xi32, #tpu.memory_space<vmem>>, vector<16xi32>,
    %swap3A_74 = vector.shape_cast %swap3A_73 : vector<16xi32> to vector<16xi32>
    %swap3A_75 = vector.shape_cast %add3A_71 : vector<16xi32> to vector<16xi32>
    tpu.vector_store %arg7[%swap3A_72], %swap3A_75 {strides = array<i32>} : memref<80xi32, #tpu.memory_space<vmem>>, vector<16xi32>,
    %get3A_76 = arith.constant 64 : index
    %get3A_77 = tpu.vector_load %arg7[%get3A_76] {strides = array<i32>} : memref<80xi32, #tpu.memory_space<vmem>>, vector<16xi32>,
    %get3A_78 = vector.shape_cast %get3A_77 : vector<16xi32> to vector<16xi32>
    %add3A_79 = vector.broadcast %mul3A_0 : i32 to vector<16xi32>
    %add3A_80 = arith.addi %get3A_78, %add3A_79 : vector<16xi32>
    %swap3A_81 = arith.constant 64 : index
    %swap3A_82 = tpu.vector_load %arg7[%swap3A_81] {strides = array<i32>} : memref<80xi32, #tpu.memory_space<vmem>>, vector<16xi32>,
    %swap3A_83 = vector.shape_cast %swap3A_82 : vector<16xi32> to vector<16xi32>
    %swap3A_84 = vector.shape_cast %add3A_80 : vector<16xi32> to vector<16xi32>
    tpu.vector_store %arg7[%swap3A_81], %swap3A_84 {strides = array<i32>} : memref<80xi32, #tpu.memory_space<vmem>>, vector<16xi32>,
    %dma_start3A_85 = arith.constant 0 : i32
    %dma_start3A_86 = arith.constant 0 : i32
    %dma_start3A_87 = tpu.memref_slice %arg2[%dma_start3A_85, %dma_start3A_86] : memref<20000x128xf32, #tpu.memory_space<hbm>> -> memref<20000x128xf32, #tpu.memory_space<hbm>>
    tpu.enqueue_indirect_dma source(%dma_start3A_87 : memref<20000x128xf32, #tpu.memory_space<hbm>>) target(%arg15 : memref<80x128xf32, #tpu.memory_space<vmem>>) offsets(%arg7 : memref<80xi32, #tpu.memory_space<vmem>>) semaphore(%arg24 : memref<!tpu.dma_semaphore, #tpu.memory_space<semaphore_mem>>)
    %add3A_88 = arith.constant 32 : i32
    %add3A_89 = arith.addi %arg1, %add3A_88 : i32
    %mul3A_90 = arith.constant 80 : i32
    %mul3A_91 = arith.muli %add3A_89, %mul3A_90 : i32
    %dma_start3A_92 = tpu.memref_slice %arg3[%mul3A_91] : memref<160000xi32, #tpu.memory_space<hbm>> -> memref<80xi32, #tpu.memory_space<hbm>>
    %dma_start3A_93 = tpu.memref_slice %arg3[%mul3A_91] : memref<160000xi32, #tpu.memory_space<hbm>> -> memref<80xi32, #tpu.memory_space<hbm>>
    tpu.enqueue_dma source(%dma_start3A_93 : memref<80xi32, #tpu.memory_space<hbm>>) target(%arg9 : memref<80xi32, #tpu.memory_space<vmem>>) target_semaphore(%arg22 : memref<!tpu.dma_semaphore, #tpu.memory_space<semaphore_mem>>)
    %add3A_94 = arith.constant 32 : i32
    %add3A_95 = arith.addi %arg1, %add3A_94 : i32
    %mul3A_96 = arith.constant 80 : i32
    %mul3A_97 = arith.muli %add3A_95, %mul3A_96 : i32
    %dma_start3A_98 = tpu.memref_slice %arg4[%mul3A_97] : memref<160000xi32, #tpu.memory_space<hbm>> -> memref<80xi32, #tpu.memory_space<hbm>>
    %dma_start3A_99 = tpu.memref_slice %arg4[%mul3A_97] : memref<160000xi32, #tpu.memory_space<hbm>> -> memref<80xi32, #tpu.memory_space<hbm>>
    tpu.enqueue_dma source(%dma_start3A_99 : memref<80xi32, #tpu.memory_space<hbm>>) target(%arg13 : memref<80xi32, #tpu.memory_space<vmem>>) target_semaphore(%arg22 : memref<!tpu.dma_semaphore, #tpu.memory_space<semaphore_mem>>)
    %add3A_100 = arith.constant 16 : i32
    %add3A_101 = arith.addi %arg1, %add3A_100 : i32
    %mul3A_102 = arith.constant 80 : i32
    %mul3A_103 = arith.muli %add3A_101, %mul3A_102 : i32
    %dma_wait3A_104 = tpu.memref_slice %arg3[%mul3A_103] : memref<160000xi32, #tpu.memory_space<hbm>> -> memref<80xi32, #tpu.memory_space<hbm>>
    %dma_wait3A_105 = tpu.memref_slice %arg3[%mul3A_103] : memref<160000xi32, #tpu.memory_space<hbm>> -> memref<80xi32, #tpu.memory_space<hbm>>
    tpu.wait_dma2 semaphore(%arg21 : memref<!tpu.dma_semaphore, #tpu.memory_space<semaphore_mem>>) src(%dma_wait3A_105 : memref<80xi32, #tpu.memory_space<hbm>>) dst(%arg8 : memref<80xi32, #tpu.memory_space<vmem>>)
    %add3A_106 = arith.constant 16 : i32
    %add3A_107 = arith.addi %arg1, %add3A_106 : i32
    %mul3A_108 = arith.constant 80 : i32
    %mul3A_109 = arith.muli %add3A_107, %mul3A_108 : i32
    %dma_wait3A_110 = tpu.memref_slice %arg4[%mul3A_109] : memref<160000xi32, #tpu.memory_space<hbm>> -> memref<80xi32, #tpu.memory_space<hbm>>
    %dma_wait3A_111 = tpu.memref_slice %arg4[%mul3A_109] : memref<160000xi32, #tpu.memory_space<hbm>> -> memref<80xi32, #tpu.memory_space<hbm>>
    tpu.wait_dma2 semaphore(%arg21 : memref<!tpu.dma_semaphore, #tpu.memory_space<semaphore_mem>>) src(%dma_wait3A_111 : memref<80xi32, #tpu.memory_space<hbm>>) dst(%arg12 : memref<80xi32, #tpu.memory_space<vmem>>)
    %get3A_112 = arith.constant 0 : index
    %get3A_113 = tpu.vector_load %arg8[%get3A_112] {strides = array<i32>} : memref<80xi32, #tpu.memory_space<vmem>>, vector<16xi32>,
    %get3A_114 = vector.shape_cast %get3A_113 : vector<16xi32> to vector<16xi32>
    %add3A_115 = vector.broadcast %mul3A_0 : i32 to vector<16xi32>
    %add3A_116 = arith.addi %get3A_114, %add3A_115 : vector<16xi32>
    %swap3A_117 = arith.constant 0 : index
    %swap3A_118 = tpu.vector_load %arg8[%swap3A_117] {strides = array<i32>} : memref<80xi32, #tpu.memory_space<vmem>>, vector<16xi32>,
    %swap3A_119 = vector.shape_cast %swap3A_118 : vector<16xi32> to vector<16xi32>
    %swap3A_120 = vector.shape_cast %add3A_116 : vector<16xi32> to vector<16xi32>
    tpu.vector_store %arg8[%swap3A_117], %swap3A_120 {strides = array<i32>} : memref<80xi32, #tpu.memory_space<vmem>>, vector<16xi32>,
    %get3A_121 = arith.constant 16 : index
    %get3A_122 = tpu.vector_load %arg8[%get3A_121] {strides = array<i32>} : memref<80xi32, #tpu.memory_space<vmem>>, vector<16xi32>,
    %get3A_123 = vector.shape_cast %get3A_122 : vector<16xi32> to vector<16xi32>
    %add3A_124 = vector.broadcast %mul3A_0 : i32 to vector<16xi32>
    %add3A_125 = arith.addi %get3A_123, %add3A_124 : vector<16xi32>
    %swap3A_126 = arith.constant 16 : index
    %swap3A_127 = tpu.vector_load %arg8[%swap3A_126] {strides = array<i32>} : memref<80xi32, #tpu.memory_space<vmem>>, vector<16xi32>,
    %swap3A_128 = vector.shape_cast %swap3A_127 : vector<16xi32> to vector<16xi32>
    %swap3A_129 = vector.shape_cast %add3A_125 : vector<16xi32> to vector<16xi32>
    tpu.vector_store %arg8[%swap3A_126], %swap3A_129 {strides = array<i32>} : memref<80xi32, #tpu.memory_space<vmem>>, vector<16xi32>,
    %get3A_130 = arith.constant 32 : index
    %get3A_131 = tpu.vector_load %arg8[%get3A_130] {strides = array<i32>} : memref<80xi32, #tpu.memory_space<vmem>>, vector<16xi32>,
    %get3A_132 = vector.shape_cast %get3A_131 : vector<16xi32> to vector<16xi32>
    %add3A_133 = vector.broadcast %mul3A_0 : i32 to vector<16xi32>
    %add3A_134 = arith.addi %get3A_132, %add3A_133 : vector<16xi32>
    %swap3A_135 = arith.constant 32 : index
    %swap3A_136 = tpu.vector_load %arg8[%swap3A_135] {strides = array<i32>} : memref<80xi32, #tpu.memory_space<vmem>>, vector<16xi32>,
    %swap3A_137 = vector.shape_cast %swap3A_136 : vector<16xi32> to vector<16xi32>
    %swap3A_138 = vector.shape_cast %add3A_134 : vector<16xi32> to vector<16xi32>
    tpu.vector_store %arg8[%swap3A_135], %swap3A_138 {strides = array<i32>} : memref<80xi32, #tpu.memory_space<vmem>>, vector<16xi32>,
    %get3A_139 = arith.constant 48 : index
    %get3A_140 = tpu.vector_load %arg8[%get3A_139] {strides = array<i32>} : memref<80xi32, #tpu.memory_space<vmem>>, vector<16xi32>,
    %get3A_141 = vector.shape_cast %get3A_140 : vector<16xi32> to vector<16xi32>
    %add3A_142 = vector.broadcast %mul3A_0 : i32 to vector<16xi32>
    %add3A_143 = arith.addi %get3A_141, %add3A_142 : vector<16xi32>
    %swap3A_144 = arith.constant 48 : index
    %swap3A_145 = tpu.vector_load %arg8[%swap3A_144] {strides = array<i32>} : memref<80xi32, #tpu.memory_space<vmem>>, vector<16xi32>,
    %swap3A_146 = vector.shape_cast %swap3A_145 : vector<16xi32> to vector<16xi32>
    %swap3A_147 = vector.shape_cast %add3A_143 : vector<16xi32> to vector<16xi32>
    tpu.vector_store %arg8[%swap3A_144], %swap3A_147 {strides = array<i32>} : memref<80xi32, #tpu.memory_space<vmem>>, vector<16xi32>,
    %get3A_148 = arith.constant 64 : index
    %get3A_149 = tpu.vector_load %arg8[%get3A_148] {strides = array<i32>} : memref<80xi32, #tpu.memory_space<vmem>>, vector<16xi32>,
    %get3A_150 = vector.shape_cast %get3A_149 : vector<16xi32> to vector<16xi32>
    %add3A_151 = vector.broadcast %mul3A_0 : i32 to vector<16xi32>
    %add3A_152 = arith.addi %get3A_150, %add3A_151 : vector<16xi32>
    %swap3A_153 = arith.constant 64 : index
    %swap3A_154 = tpu.vector_load %arg8[%swap3A_153] {strides = array<i32>} : memref<80xi32, #tpu.memory_space<vmem>>, vector<16xi32>,
    %swap3A_155 = vector.shape_cast %swap3A_154 : vector<16xi32> to vector<16xi32>
    %swap3A_156 = vector.shape_cast %add3A_152 : vector<16xi32> to vector<16xi32>
    tpu.vector_store %arg8[%swap3A_153], %swap3A_156 {strides = array<i32>} : memref<80xi32, #tpu.memory_space<vmem>>, vector<16xi32>,
    %dma_start3A_157 = arith.constant 0 : i32
    %dma_start3A_158 = arith.constant 0 : i32
    %dma_start3A_159 = tpu.memref_slice %arg2[%dma_start3A_157, %dma_start3A_158] : memref<20000x128xf32, #tpu.memory_space<hbm>> -> memref<20000x128xf32, #tpu.memory_space<hbm>>
    tpu.enqueue_indirect_dma source(%dma_start3A_159 : memref<20000x128xf32, #tpu.memory_space<hbm>>) target(%arg16 : memref<80x128xf32, #tpu.memory_space<vmem>>) offsets(%arg8 : memref<80xi32, #tpu.memory_space<vmem>>) semaphore(%arg25 : memref<!tpu.dma_semaphore, #tpu.memory_space<semaphore_mem>>)
    %add3A_160 = arith.constant 48 : i32
    %add3A_161 = arith.addi %arg1, %add3A_160 : i32
    %mul3A_162 = arith.constant 80 : i32
    %mul3A_163 = arith.muli %add3A_161, %mul3A_162 : i32
    %dma_start3A_164 = tpu.memref_slice %arg3[%mul3A_163] : memref<160000xi32, #tpu.memory_space<hbm>> -> memref<80xi32, #tpu.memory_space<hbm>>
    %dma_start3A_165 = tpu.memref_slice %arg3[%mul3A_163] : memref<160000xi32, #tpu.memory_space<hbm>> -> memref<80xi32, #tpu.memory_space<hbm>>
    tpu.enqueue_dma source(%dma_start3A_165 : memref<80xi32, #tpu.memory_space<hbm>>) target(%arg10 : memref<80xi32, #tpu.memory_space<vmem>>) target_semaphore(%arg23 : memref<!tpu.dma_semaphore, #tpu.memory_space<semaphore_mem>>)
    %add3A_166 = arith.constant 48 : i32
    %add3A_167 = arith.addi %arg1, %add3A_166 : i32
    %mul3A_168 = arith.constant 80 : i32
    %mul3A_169 = arith.muli %add3A_167, %mul3A_168 : i32
    %dma_start3A_170 = tpu.memref_slice %arg4[%mul3A_169] : memref<160000xi32, #tpu.memory_space<hbm>> -> memref<80xi32, #tpu.memory_space<hbm>>
    %dma_start3A_171 = tpu.memref_slice %arg4[%mul3A_169] : memref<160000xi32, #tpu.memory_space<hbm>> -> memref<80xi32, #tpu.memory_space<hbm>>
    tpu.enqueue_dma source(%dma_start3A_171 : memref<80xi32, #tpu.memory_space<hbm>>) target(%arg14 : memref<80xi32, #tpu.memory_space<vmem>>) target_semaphore(%arg23 : memref<!tpu.dma_semaphore, #tpu.memory_space<semaphore_mem>>)
    %add3A_172 = arith.constant 32 : i32
    %add3A_173 = arith.addi %arg1, %add3A_172 : i32
    %mul3A_174 = arith.constant 80 : i32
    %mul3A_175 = arith.muli %add3A_173, %mul3A_174 : i32
    %dma_wait3A_176 = tpu.memref_slice %arg3[%mul3A_175] : memref<160000xi32, #tpu.memory_space<hbm>> -> memref<80xi32, #tpu.memory_space<hbm>>
    %dma_wait3A_177 = tpu.memref_slice %arg3[%mul3A_175] : memref<160000xi32, #tpu.memory_space<hbm>> -> memref<80xi32, #tpu.memory_space<hbm>>
    tpu.wait_dma2 semaphore(%arg22 : memref<!tpu.dma_semaphore, #tpu.memory_space<semaphore_mem>>) src(%dma_wait3A_177 : memref<80xi32, #tpu.memory_space<hbm>>) dst(%arg9 : memref<80xi32, #tpu.memory_space<vmem>>)
    %add3A_178 = arith.constant 32 : i32
    %add3A_179 = arith.addi %arg1, %add3A_178 : i32
    %mul3A_180 = arith.constant 80 : i32
    %mul3A_181 = arith.muli %add3A_179, %mul3A_180 : i32
    %dma_wait3A_182 = tpu.memref_slice %arg4[%mul3A_181] : memref<160000xi32, #tpu.memory_space<hbm>> -> memref<80xi32, #tpu.memory_space<hbm>>
    %dma_wait3A_183 = tpu.memref_slice %arg4[%mul3A_181] : memref<160000xi32, #tpu.memory_space<hbm>> -> memref<80xi32, #tpu.memory_space<hbm>>
    tpu.wait_dma2 semaphore(%arg22 : memref<!tpu.dma_semaphore, #tpu.memory_space<semaphore_mem>>) src(%dma_wait3A_183 : memref<80xi32, #tpu.memory_space<hbm>>) dst(%arg13 : memref<80xi32, #tpu.memory_space<vmem>>)
    %get3A_184 = arith.constant 0 : index
    %get3A_185 = tpu.vector_load %arg9[%get3A_184] {strides = array<i32>} : memref<80xi32, #tpu.memory_space<vmem>>, vector<16xi32>,
    %get3A_186 = vector.shape_cast %get3A_185 : vector<16xi32> to vector<16xi32>
    %add3A_187 = vector.broadcast %mul3A_0 : i32 to vector<16xi32>
    %add3A_188 = arith.addi %get3A_186, %add3A_187 : vector<16xi32>
    %swap3A_189 = arith.constant 0 : index
    %swap3A_190 = tpu.vector_load %arg9[%swap3A_189] {strides = array<i32>} : memref<80xi32, #tpu.memory_space<vmem>>, vector<16xi32>,
    %swap3A_191 = vector.shape_cast %swap3A_190 : vector<16xi32> to vector<16xi32>
    %swap3A_192 = vector.shape_cast %add3A_188 : vector<16xi32> to vector<16xi32>
    tpu.vector_store %arg9[%swap3A_189], %swap3A_192 {strides = array<i32>} : memref<80xi32, #tpu.memory_space<vmem>>, vector<16xi32>,
    %get3A_193 = arith.constant 16 : index
    %get3A_194 = tpu.vector_load %arg9[%get3A_193] {strides = array<i32>} : memref<80xi32, #tpu.memory_space<vmem>>, vector<16xi32>,
    %get3A_195 = vector.shape_cast %get3A_194 : vector<16xi32> to vector<16xi32>
    %add3A_196 = vector.broadcast %mul3A_0 : i32 to vector<16xi32>
    %add3A_197 = arith.addi %get3A_195, %add3A_196 : vector<16xi32>
    %swap3A_198 = arith.constant 16 : index
    %swap3A_199 = tpu.vector_load %arg9[%swap3A_198] {strides = array<i32>} : memref<80xi32, #tpu.memory_space<vmem>>, vector<16xi32>,
    %swap3A_200 = vector.shape_cast %swap3A_199 : vector<16xi32> to vector<16xi32>
    %swap3A_201 = vector.shape_cast %add3A_197 : vector<16xi32> to vector<16xi32>
    tpu.vector_store %arg9[%swap3A_198], %swap3A_201 {strides = array<i32>} : memref<80xi32, #tpu.memory_space<vmem>>, vector<16xi32>,
    %get3A_202 = arith.constant 32 : index
    %get3A_203 = tpu.vector_load %arg9[%get3A_202] {strides = array<i32>} : memref<80xi32, #tpu.memory_space<vmem>>, vector<16xi32>,
    %get3A_204 = vector.shape_cast %get3A_203 : vector<16xi32> to vector<16xi32>
    %add3A_205 = vector.broadcast %mul3A_0 : i32 to vector<16xi32>
    %add3A_206 = arith.addi %get3A_204, %add3A_205 : vector<16xi32>
    %swap3A_207 = arith.constant 32 : index
    %swap3A_208 = tpu.vector_load %arg9[%swap3A_207] {strides = array<i32>} : memref<80xi32, #tpu.memory_space<vmem>>, vector<16xi32>,
    %swap3A_209 = vector.shape_cast %swap3A_208 : vector<16xi32> to vector<16xi32>
    %swap3A_210 = vector.shape_cast %add3A_206 : vector<16xi32> to vector<16xi32>
    tpu.vector_store %arg9[%swap3A_207], %swap3A_210 {strides = array<i32>} : memref<80xi32, #tpu.memory_space<vmem>>, vector<16xi32>,
    %get3A_211 = arith.constant 48 : index
    %get3A_212 = tpu.vector_load %arg9[%get3A_211] {strides = array<i32>} : memref<80xi32, #tpu.memory_space<vmem>>, vector<16xi32>,
    %get3A_213 = vector.shape_cast %get3A_212 : vector<16xi32> to vector<16xi32>
    %add3A_214 = vector.broadcast %mul3A_0 : i32 to vector<16xi32>
    %add3A_215 = arith.addi %get3A_213, %add3A_214 : vector<16xi32>
    %swap3A_216 = arith.constant 48 : index
    %swap3A_217 = tpu.vector_load %arg9[%swap3A_216] {strides = array<i32>} : memref<80xi32, #tpu.memory_space<vmem>>, vector<16xi32>,
    %swap3A_218 = vector.shape_cast %swap3A_217 : vector<16xi32> to vector<16xi32>
    %swap3A_219 = vector.shape_cast %add3A_215 : vector<16xi32> to vector<16xi32>
    tpu.vector_store %arg9[%swap3A_216], %swap3A_219 {strides = array<i32>} : memref<80xi32, #tpu.memory_space<vmem>>, vector<16xi32>,
    %get3A_220 = arith.constant 64 : index
    %get3A_221 = tpu.vector_load %arg9[%get3A_220] {strides = array<i32>} : memref<80xi32, #tpu.memory_space<vmem>>, vector<16xi32>,
    %get3A_222 = vector.shape_cast %get3A_221 : vector<16xi32> to vector<16xi32>
    %add3A_223 = vector.broadcast %mul3A_0 : i32 to vector<16xi32>
    %add3A_224 = arith.addi %get3A_222, %add3A_223 : vector<16xi32>
    %swap3A_225 = arith.constant 64 : index
    %swap3A_226 = tpu.vector_load %arg9[%swap3A_225] {strides = array<i32>} : memref<80xi32, #tpu.memory_space<vmem>>, vector<16xi32>,
    %swap3A_227 = vector.shape_cast %swap3A_226 : vector<16xi32> to vector<16xi32>
    %swap3A_228 = vector.shape_cast %add3A_224 : vector<16xi32> to vector<16xi32>
    tpu.vector_store %arg9[%swap3A_225], %swap3A_228 {strides = array<i32>} : memref<80xi32, #tpu.memory_space<vmem>>, vector<16xi32>,
    %dma_start3A_229 = arith.constant 0 : i32
    %dma_start3A_230 = arith.constant 0 : i32
    %dma_start3A_231 = tpu.memref_slice %arg2[%dma_start3A_229, %dma_start3A_230] : memref<20000x128xf32, #tpu.memory_space<hbm>> -> memref<20000x128xf32, #tpu.memory_space<hbm>>
    tpu.enqueue_indirect_dma source(%dma_start3A_231 : memref<20000x128xf32, #tpu.memory_space<hbm>>) target(%arg17 : memref<80x128xf32, #tpu.memory_space<vmem>>) offsets(%arg9 : memref<80xi32, #tpu.memory_space<vmem>>) semaphore(%arg26 : memref<!tpu.dma_semaphore, #tpu.memory_space<semaphore_mem>>)
    %lt3A_232 = arith.constant 15 : i32
    %lt3A_233 = arith.cmpi slt, %arg1, %lt3A_232 : i32
    %convert_element_type3A_234 = arith.extui %lt3A_233 : i1 to i32
    %cond3A_235 = arith.constant 0 : i32
    %cond3A_236 = arith.cmpi ne, %convert_element_type3A_234, %cond3A_235 : i32
    scf.if %cond3A_236 {
      %dma_wait3A_263 = arith.constant 0 : i32
      %dma_wait3A_264 = tpu.memref_slice %arg19[%mul3A_2, %dma_wait3A_263] : memref<10000x128xf32, #tpu.memory_space<vmem_shared>> -> memref<640x128xf32, #tpu.memory_space<vmem_shared>>
      tpu.wait_dma2 semaphore(%arg32 : memref<!tpu.dma_semaphore, #tpu.memory_space<semaphore_mem>>) src(%arg5 : memref<640x128xf32, #tpu.memory_space<hbm>>) dst(%dma_wait3A_264 : memref<640x128xf32, #tpu.memory_space<vmem_shared>>)
    } else {
    }
    %eq3A_237 = arith.constant 15 : i32
    %eq3A_238 = arith.cmpi eq, %arg1, %eq3A_237 : i32
    %convert_element_type3A_239 = arith.extui %eq3A_238 : i1 to i32
    %cond3A_240 = arith.constant 0 : i32
    %cond3A_241 = arith.cmpi ne, %convert_element_type3A_239, %cond3A_240 : i32
    scf.if %cond3A_241 {
      %dma_wait3A_263 = arith.constant 0 : i32
      %dma_wait3A_264 = tpu.memref_slice %arg19[%mul3A_2, %dma_wait3A_263] : memref<10000x128xf32, #tpu.memory_space<vmem_shared>> -> memref<400x128xf32, #tpu.memory_space<vmem_shared>>
      %dma_wait3A_265 = arith.constant 0 : i32
      %dma_wait3A_266 = arith.constant 0 : i32
      %dma_wait3A_267 = tpu.memref_slice %arg5[%dma_wait3A_265, %dma_wait3A_266] : memref<640x128xf32, #tpu.memory_space<hbm>> -> memref<400x128xf32, #tpu.memory_space<hbm>>
      tpu.wait_dma2 semaphore(%arg32 : memref<!tpu.dma_semaphore, #tpu.memory_space<semaphore_mem>>) src(%dma_wait3A_267 : memref<400x128xf32, #tpu.memory_space<hbm>>) dst(%dma_wait3A_264 : memref<400x128xf32, #tpu.memory_space<vmem_shared>>)
    } else {
    }
    %barrier3A = arith.constant 0 : index
    tpu.barrier barrier_id(%barrier3A)
    %dma_wait3A_242 = arith.constant 0 : i32
    %dma_wait3A_243 = arith.constant 0 : i32
    %dma_wait3A_244 = tpu.memref_slice %arg2[%dma_wait3A_242, %dma_wait3A_243] : memref<20000x128xf32, #tpu.memory_space<hbm>> -> memref<20000x128xf32, #tpu.memory_space<hbm>>
    tpu.wait_indirect_dma semaphore(%arg24 : memref<!tpu.dma_semaphore, #tpu.memory_space<semaphore_mem>>) src(%dma_wait3A_244 : memref<20000x128xf32, #tpu.memory_space<hbm>>) dst(%arg15 : memref<80x128xf32, #tpu.memory_space<vmem>>)
    %dma_start3A_245 = arith.constant 0 : i32
    %dma_start3A_246 = arith.constant 0 : i32
    %dma_start3A_247 = tpu.memref_slice %arg19[%dma_start3A_245, %dma_start3A_246] : memref<10000x128xf32, #tpu.memory_space<vmem_shared>> -> memref<10000x128xf32, #tpu.memory_space<vmem_shared>>
    tpu.enqueue_indirect_dma source(%arg15 : memref<80x128xf32, #tpu.memory_space<vmem>>) target(%dma_start3A_247 : memref<10000x128xf32, #tpu.memory_space<vmem_shared>>) offsets(%arg11 : memref<80xi32, #tpu.memory_space<vmem>>) semaphore(%arg28 : memref<!tpu.dma_semaphore, #tpu.memory_space<semaphore_mem>>) {add = true}
    %scan3A = arith.constant 0 : i32
    %scan3A_248 = arith.constant 32 : i32
    %scan3A_249 = arith.addi %scan3A, %scan3A_248 : i32
    %scan3A_250 = arith.constant 1 : i32
    scf.for %scan3A_263 = %scan3A to %scan3A_249 step %scan3A_250  : i32 {
      %mul3A_264 = arith.constant 1 : i32
      %mul3A_265 = arith.muli %scan3A_263, %mul3A_264 : i32
      %add3A_266 = arith.constant 0 : i32
      %add3A_267 = arith.addi %add3A_266, %mul3A_265 : i32
      %mul3A_268 = arith.constant 4 : i32
      %mul3A_269 = arith.muli %add3A_267, %mul3A_268 : i32
      %add3A_270 = arith.constant 4 : i32
      %add3A_271 = arith.addi %add3A_270, %mul3A_269 : i32
      %add3A_272 = arith.constant 0 : i32
      %add3A_273 = arith.addi %add3A_271, %add3A_272 : i32
      %sub3A = arith.constant 4 : i32
      %sub3A_274 = arith.subi %add3A_273, %sub3A : i32
      %lt3A_275 = arith.constant 125 : i32
      %lt3A_276 = arith.cmpi slt, %sub3A_274, %lt3A_275 : i32
      %convert_element_type3A_277 = arith.extui %lt3A_276 : i1 to i32
      %cond3A_278 = arith.constant 0 : i32
      %cond3A_279 = arith.cmpi ne, %convert_element_type3A_277, %cond3A_278 : i32
      scf.if %cond3A_279 {
        %dma_wait3A_395 = arith.constant 0 : i32
        %dma_wait3A_396 = arith.constant 0 : i32
        %dma_wait3A_397 = tpu.memref_slice %arg19[%dma_wait3A_395, %dma_wait3A_396] : memref<10000x128xf32, #tpu.memory_space<vmem_shared>> -> memref<10000x128xf32, #tpu.memory_space<vmem_shared>>
        tpu.wait_indirect_dma semaphore(%arg28 : memref<!tpu.dma_semaphore, #tpu.memory_space<semaphore_mem>>) src(%arg15 : memref<80x128xf32, #tpu.memory_space<vmem>>) dst(%dma_wait3A_397 : memref<10000x128xf32, #tpu.memory_space<vmem_shared>>)
      } else {
      }
      %lt3A_280 = arith.constant 125 : i32
      %lt3A_281 = arith.cmpi slt, %add3A_273, %lt3A_280 : i32
      %convert_element_type3A_282 = arith.extui %lt3A_281 : i1 to i32
      %cond3A_283 = arith.constant 0 : i32
      %cond3A_284 = arith.cmpi ne, %convert_element_type3A_282, %cond3A_283 : i32
      scf.if %cond3A_284 {
        %mul3A_395 = arith.constant 16 : i32
        %mul3A_396 = arith.muli %add3A_273, %mul3A_395 : i32
        %add3A_397 = arith.addi %arg1, %mul3A_396 : i32
        %mul3A_398 = arith.constant 80 : i32
        %mul3A_399 = arith.muli %add3A_397, %mul3A_398 : i32
        %dma_start3A_400 = tpu.memref_slice %arg3[%mul3A_399] : memref<160000xi32, #tpu.memory_space<hbm>> -> memref<80xi32, #tpu.memory_space<hbm>>
        %dma_start3A_401 = tpu.memref_slice %arg3[%mul3A_399] : memref<160000xi32, #tpu.memory_space<hbm>> -> memref<80xi32, #tpu.memory_space<hbm>>
        tpu.enqueue_dma source(%dma_start3A_401 : memref<80xi32, #tpu.memory_space<hbm>>) target(%arg7 : memref<80xi32, #tpu.memory_space<vmem>>) target_semaphore(%arg20 : memref<!tpu.dma_semaphore, #tpu.memory_space<semaphore_mem>>)
        %mul3A_402 = arith.constant 16 : i32
        %mul3A_403 = arith.muli %add3A_273, %mul3A_402 : i32
        %add3A_404 = arith.addi %arg1, %mul3A_403 : i32
        %mul3A_405 = arith.constant 80 : i32
        %mul3A_406 = arith.muli %add3A_404, %mul3A_405 : i32
        %dma_start3A_407 = tpu.memref_slice %arg4[%mul3A_406] : memref<160000xi32, #tpu.memory_space<hbm>> -> memref<80xi32, #tpu.memory_space<hbm>>
        %dma_start3A_408 = tpu.memref_slice %arg4[%mul3A_406] : memref<160000xi32, #tpu.memory_space<hbm>> -> memref<80xi32, #tpu.memory_space<hbm>>
        tpu.enqueue_dma source(%dma_start3A_408 : memref<80xi32, #tpu.memory_space<hbm>>) target(%arg11 : memref<80xi32, #tpu.memory_space<vmem>>) target_semaphore(%arg20 : memref<!tpu.dma_semaphore, #tpu.memory_space<semaphore_mem>>)
      } else {
      }
      %sub3A_285 = arith.constant 1 : i32
      %sub3A_286 = arith.subi %add3A_273, %sub3A_285 : i32
      %lt3A_287 = arith.constant 125 : i32
      %lt3A_288 = arith.cmpi slt, %sub3A_286, %lt3A_287 : i32
      %convert_element_type3A_289 = arith.extui %lt3A_288 : i1 to i32
      %cond3A_290 = arith.constant 0 : i32
      %cond3A_291 = arith.cmpi ne, %convert_element_type3A_289, %cond3A_290 : i32
      scf.if %cond3A_291 {
        %sub3A_395 = arith.constant 1 : i32
        %sub3A_396 = arith.subi %add3A_273, %sub3A_395 : i32
        %mul3A_397 = arith.constant 16 : i32
        %mul3A_398 = arith.muli %sub3A_396, %mul3A_397 : i32
        %add3A_399 = arith.addi %arg1, %mul3A_398 : i32
        %mul3A_400 = arith.constant 80 : i32
        %mul3A_401 = arith.muli %add3A_399, %mul3A_400 : i32
        %dma_wait3A_402 = tpu.memref_slice %arg3[%mul3A_401] : memref<160000xi32, #tpu.memory_space<hbm>> -> memref<80xi32, #tpu.memory_space<hbm>>
        %dma_wait3A_403 = tpu.memref_slice %arg3[%mul3A_401] : memref<160000xi32, #tpu.memory_space<hbm>> -> memref<80xi32, #tpu.memory_space<hbm>>
        tpu.wait_dma2 semaphore(%arg23 : memref<!tpu.dma_semaphore, #tpu.memory_space<semaphore_mem>>) src(%dma_wait3A_403 : memref<80xi32, #tpu.memory_space<hbm>>) dst(%arg10 : memref<80xi32, #tpu.memory_space<vmem>>)
        %mul3A_404 = arith.constant 16 : i32
        %mul3A_405 = arith.muli %sub3A_396, %mul3A_404 : i32
        %add3A_406 = arith.addi %arg1, %mul3A_405 : i32
        %mul3A_407 = arith.constant 80 : i32
        %mul3A_408 = arith.muli %add3A_406, %mul3A_407 : i32
        %dma_wait3A_409 = tpu.memref_slice %arg4[%mul3A_408] : memref<160000xi32, #tpu.memory_space<hbm>> -> memref<80xi32, #tpu.memory_space<hbm>>
        %dma_wait3A_410 = tpu.memref_slice %arg4[%mul3A_408] : memref<160000xi32, #tpu.memory_space<hbm>> -> memref<80xi32, #tpu.memory_space<hbm>>
        tpu.wait_dma2 semaphore(%arg23 : memref<!tpu.dma_semaphore, #tpu.memory_space<semaphore_mem>>) src(%dma_wait3A_410 : memref<80xi32, #tpu.memory_space<hbm>>) dst(%arg14 : memref<80xi32, #tpu.memory_space<vmem>>)
        %get3A_411 = arith.constant 0 : index
        %get3A_412 = tpu.vector_load %arg10[%get3A_411] {strides = array<i32>} : memref<80xi32, #tpu.memory_space<vmem>>, vector<16xi32>,
        %get3A_413 = vector.shape_cast %get3A_412 : vector<16xi32> to vector<16xi32>
        %add3A_414 = vector.broadcast %mul3A_0 : i32 to vector<16xi32>
        %add3A_415 = arith.addi %get3A_413, %add3A_414 : vector<16xi32>
        %swap3A_416 = arith.constant 0 : index
        %swap3A_417 = tpu.vector_load %arg10[%swap3A_416] {strides = array<i32>} : memref<80xi32, #tpu.memory_space<vmem>>, vector<16xi32>,
        %swap3A_418 = vector.shape_cast %swap3A_417 : vector<16xi32> to vector<16xi32>
        %swap3A_419 = vector.shape_cast %add3A_415 : vector<16xi32> to vector<16xi32>
        tpu.vector_store %arg10[%swap3A_416], %swap3A_419 {strides = array<i32>} : memref<80xi32, #tpu.memory_space<vmem>>, vector<16xi32>,
        %get3A_420 = arith.constant 16 : index
        %get3A_421 = tpu.vector_load %arg10[%get3A_420] {strides = array<i32>} : memref<80xi32, #tpu.memory_space<vmem>>, vector<16xi32>,
        %get3A_422 = vector.shape_cast %get3A_421 : vector<16xi32> to vector<16xi32>
        %add3A_423 = vector.broadcast %mul3A_0 : i32 to vector<16xi32>
        %add3A_424 = arith.addi %get3A_422, %add3A_423 : vector<16xi32>
        %swap3A_425 = arith.constant 16 : index
        %swap3A_426 = tpu.vector_load %arg10[%swap3A_425] {strides = array<i32>} : memref<80xi32, #tpu.memory_space<vmem>>, vector<16xi32>,
        %swap3A_427 = vector.shape_cast %swap3A_426 : vector<16xi32> to vector<16xi32>
        %swap3A_428 = vector.shape_cast %add3A_424 : vector<16xi32> to vector<16xi32>
        tpu.vector_store %arg10[%swap3A_425], %swap3A_428 {strides = array<i32>} : memref<80xi32, #tpu.memory_space<vmem>>, vector<16xi32>,
        %get3A_429 = arith.constant 32 : index
        %get3A_430 = tpu.vector_load %arg10[%get3A_429] {strides = array<i32>} : memref<80xi32, #tpu.memory_space<vmem>>, vector<16xi32>,
        %get3A_431 = vector.shape_cast %get3A_430 : vector<16xi32> to vector<16xi32>
        %add3A_432 = vector.broadcast %mul3A_0 : i32 to vector<16xi32>
        %add3A_433 = arith.addi %get3A_431, %add3A_432 : vector<16xi32>
        %swap3A_434 = arith.constant 32 : index
        %swap3A_435 = tpu.vector_load %arg10[%swap3A_434] {strides = array<i32>} : memref<80xi32, #tpu.memory_space<vmem>>, vector<16xi32>,
        %swap3A_436 = vector.shape_cast %swap3A_435 : vector<16xi32> to vector<16xi32>
        %swap3A_437 = vector.shape_cast %add3A_433 : vector<16xi32> to vector<16xi32>
        tpu.vector_store %arg10[%swap3A_434], %swap3A_437 {strides = array<i32>} : memref<80xi32, #tpu.memory_space<vmem>>, vector<16xi32>,
        %get3A_438 = arith.constant 48 : index
        %get3A_439 = tpu.vector_load %arg10[%get3A_438] {strides = array<i32>} : memref<80xi32, #tpu.memory_space<vmem>>, vector<16xi32>,
        %get3A_440 = vector.shape_cast %get3A_439 : vector<16xi32> to vector<16xi32>
        %add3A_441 = vector.broadcast %mul3A_0 : i32 to vector<16xi32>
        %add3A_442 = arith.addi %get3A_440, %add3A_441 : vector<16xi32>
        %swap3A_443 = arith.constant 48 : index
        %swap3A_444 = tpu.vector_load %arg10[%swap3A_443] {strides = array<i32>} : memref<80xi32, #tpu.memory_space<vmem>>, vector<16xi32>,
        %swap3A_445 = vector.shape_cast %swap3A_444 : vector<16xi32> to vector<16xi32>
        %swap3A_446 = vector.shape_cast %add3A_442 : vector<16xi32> to vector<16xi32>
        tpu.vector_store %arg10[%swap3A_443], %swap3A_446 {strides = array<i32>} : memref<80xi32, #tpu.memory_space<vmem>>, vector<16xi32>,
        %get3A_447 = arith.constant 64 : index
        %get3A_448 = tpu.vector_load %arg10[%get3A_447] {strides = array<i32>} : memref<80xi32, #tpu.memory_space<vmem>>, vector<16xi32>,
        %get3A_449 = vector.shape_cast %get3A_448 : vector<16xi32> to vector<16xi32>
        %add3A_450 = vector.broadcast %mul3A_0 : i32 to vector<16xi32>
        %add3A_451 = arith.addi %get3A_449, %add3A_450 : vector<16xi32>
        %swap3A_452 = arith.constant 64 : index
        %swap3A_453 = tpu.vector_load %arg10[%swap3A_452] {strides = array<i32>} : memref<80xi32, #tpu.memory_space<vmem>>, vector<16xi32>,
        %swap3A_454 = vector.shape_cast %swap3A_453 : vector<16xi32> to vector<16xi32>
        %swap3A_455 = vector.shape_cast %add3A_451 : vector<16xi32> to vector<16xi32>
        tpu.vector_store %arg10[%swap3A_452], %swap3A_455 {strides = array<i32>} : memref<80xi32, #tpu.memory_space<vmem>>, vector<16xi32>,
        %dma_start3A_456 = arith.constant 0 : i32
        %dma_start3A_457 = arith.constant 0 : i32
        %dma_start3A_458 = tpu.memref_slice %arg2[%dma_start3A_456, %dma_start3A_457] : memref<20000x128xf32, #tpu.memory_space<hbm>> -> memref<20000x128xf32, #tpu.memory_space<hbm>>
        tpu.enqueue_indirect_dma source(%dma_start3A_458 : memref<20000x128xf32, #tpu.memory_space<hbm>>) target(%arg18 : memref<80x128xf32, #tpu.memory_space<vmem>>) offsets(%arg10 : memref<80xi32, #tpu.memory_space<vmem>>) semaphore(%arg27 : memref<!tpu.dma_semaphore, #tpu.memory_space<semaphore_mem>>)
      } else {
      }
      %sub3A_292 = arith.constant 3 : i32
      %sub3A_293 = arith.subi %add3A_273, %sub3A_292 : i32
      %lt3A_294 = arith.constant 125 : i32
      %lt3A_295 = arith.cmpi slt, %sub3A_293, %lt3A_294 : i32
      %convert_element_type3A_296 = arith.extui %lt3A_295 : i1 to i32
      %cond3A_297 = arith.constant 0 : i32
      %cond3A_298 = arith.cmpi ne, %convert_element_type3A_296, %cond3A_297 : i32
      scf.if %cond3A_298 {
        %dma_wait3A_395 = arith.constant 0 : i32
        %dma_wait3A_396 = arith.constant 0 : i32
        %dma_wait3A_397 = tpu.memref_slice %arg2[%dma_wait3A_395, %dma_wait3A_396] : memref<20000x128xf32, #tpu.memory_space<hbm>> -> memref<20000x128xf32, #tpu.memory_space<hbm>>
        tpu.wait_indirect_dma semaphore(%arg25 : memref<!tpu.dma_semaphore, #tpu.memory_space<semaphore_mem>>) src(%dma_wait3A_397 : memref<20000x128xf32, #tpu.memory_space<hbm>>) dst(%arg16 : memref<80x128xf32, #tpu.memory_space<vmem>>)
        %dma_start3A_398 = arith.constant 0 : i32
        %dma_start3A_399 = arith.constant 0 : i32
        %dma_start3A_400 = tpu.memref_slice %arg19[%dma_start3A_398, %dma_start3A_399] : memref<10000x128xf32, #tpu.memory_space<vmem_shared>> -> memref<10000x128xf32, #tpu.memory_space<vmem_shared>>
        tpu.enqueue_indirect_dma source(%arg16 : memref<80x128xf32, #tpu.memory_space<vmem>>) target(%dma_start3A_400 : memref<10000x128xf32, #tpu.memory_space<vmem_shared>>) offsets(%arg12 : memref<80xi32, #tpu.memory_space<vmem>>) semaphore(%arg29 : memref<!tpu.dma_semaphore, #tpu.memory_space<semaphore_mem>>) {add = true}
      } else {
      }
      %mul3A_299 = arith.constant 4 : i32
      %mul3A_300 = arith.muli %add3A_267, %mul3A_299 : i32
      %add3A_301 = arith.constant 4 : i32
      %add3A_302 = arith.addi %add3A_301, %mul3A_300 : i32
      %add3A_303 = arith.constant 1 : i32
      %add3A_304 = arith.addi %add3A_302, %add3A_303 : i32
      %sub3A_305 = arith.constant 4 : i32
      %sub3A_306 = arith.subi %add3A_304, %sub3A_305 : i32
      %lt3A_307 = arith.constant 125 : i32
      %lt3A_308 = arith.cmpi slt, %sub3A_306, %lt3A_307 : i32
      %convert_element_type3A_309 = arith.extui %lt3A_308 : i1 to i32
      %cond3A_310 = arith.constant 0 : i32
      %cond3A_311 = arith.cmpi ne, %convert_element_type3A_309, %cond3A_310 : i32
      scf.if %cond3A_311 {
        %dma_wait3A_395 = arith.constant 0 : i32
        %dma_wait3A_396 = arith.constant 0 : i32
        %dma_wait3A_397 = tpu.memref_slice %arg19[%dma_wait3A_395, %dma_wait3A_396] : memref<10000x128xf32, #tpu.memory_space<vmem_shared>> -> memref<10000x128xf32, #tpu.memory_space<vmem_shared>>
        tpu.wait_indirect_dma semaphore(%arg29 : memref<!tpu.dma_semaphore, #tpu.memory_space<semaphore_mem>>) src(%arg16 : memref<80x128xf32, #tpu.memory_space<vmem>>) dst(%dma_wait3A_397 : memref<10000x128xf32, #tpu.memory_space<vmem_shared>>)
      } else {
      }
      %lt3A_312 = arith.constant 125 : i32
      %lt3A_313 = arith.cmpi slt, %add3A_304, %lt3A_312 : i32
      %convert_element_type3A_314 = arith.extui %lt3A_313 : i1 to i32
      %cond3A_315 = arith.constant 0 : i32
      %cond3A_316 = arith.cmpi ne, %convert_element_type3A_314, %cond3A_315 : i32
      scf.if %cond3A_316 {
        %mul3A_395 = arith.constant 16 : i32
        %mul3A_396 = arith.muli %add3A_304, %mul3A_395 : i32
        %add3A_397 = arith.addi %arg1, %mul3A_396 : i32
        %mul3A_398 = arith.constant 80 : i32
        %mul3A_399 = arith.muli %add3A_397, %mul3A_398 : i32
        %dma_start3A_400 = tpu.memref_slice %arg3[%mul3A_399] : memref<160000xi32, #tpu.memory_space<hbm>> -> memref<80xi32, #tpu.memory_space<hbm>>
        %dma_start3A_401 = tpu.memref_slice %arg3[%mul3A_399] : memref<160000xi32, #tpu.memory_space<hbm>> -> memref<80xi32, #tpu.memory_space<hbm>>
        tpu.enqueue_dma source(%dma_start3A_401 : memref<80xi32, #tpu.memory_space<hbm>>) target(%arg8 : memref<80xi32, #tpu.memory_space<vmem>>) target_semaphore(%arg21 : memref<!tpu.dma_semaphore, #tpu.memory_space<semaphore_mem>>)
        %mul3A_402 = arith.constant 16 : i32
        %mul3A_403 = arith.muli %add3A_304, %mul3A_402 : i32
        %add3A_404 = arith.addi %arg1, %mul3A_403 : i32
        %mul3A_405 = arith.constant 80 : i32
        %mul3A_406 = arith.muli %add3A_404, %mul3A_405 : i32
        %dma_start3A_407 = tpu.memref_slice %arg4[%mul3A_406] : memref<160000xi32, #tpu.memory_space<hbm>> -> memref<80xi32, #tpu.memory_space<hbm>>
        %dma_start3A_408 = tpu.memref_slice %arg4[%mul3A_406] : memref<160000xi32, #tpu.memory_space<hbm>> -> memref<80xi32, #tpu.memory_space<hbm>>
        tpu.enqueue_dma source(%dma_start3A_408 : memref<80xi32, #tpu.memory_space<hbm>>) target(%arg12 : memref<80xi32, #tpu.memory_space<vmem>>) target_semaphore(%arg21 : memref<!tpu.dma_semaphore, #tpu.memory_space<semaphore_mem>>)
      } else {
      }
      %sub3A_317 = arith.constant 1 : i32
      %sub3A_318 = arith.subi %add3A_304, %sub3A_317 : i32
      %lt3A_319 = arith.constant 125 : i32
      %lt3A_320 = arith.cmpi slt, %sub3A_318, %lt3A_319 : i32
      %convert_element_type3A_321 = arith.extui %lt3A_320 : i1 to i32
      %cond3A_322 = arith.constant 0 : i32
      %cond3A_323 = arith.cmpi ne, %convert_element_type3A_321, %cond3A_322 : i32
      scf.if %cond3A_323 {
        %sub3A_395 = arith.constant 1 : i32
        %sub3A_396 = arith.subi %add3A_304, %sub3A_395 : i32
        %mul3A_397 = arith.constant 16 : i32
        %mul3A_398 = arith.muli %sub3A_396, %mul3A_397 : i32
        %add3A_399 = arith.addi %arg1, %mul3A_398 : i32
        %mul3A_400 = arith.constant 80 : i32
        %mul3A_401 = arith.muli %add3A_399, %mul3A_400 : i32
        %dma_wait3A_402 = tpu.memref_slice %arg3[%mul3A_401] : memref<160000xi32, #tpu.memory_space<hbm>> -> memref<80xi32, #tpu.memory_space<hbm>>
        %dma_wait3A_403 = tpu.memref_slice %arg3[%mul3A_401] : memref<160000xi32, #tpu.memory_space<hbm>> -> memref<80xi32, #tpu.memory_space<hbm>>
        tpu.wait_dma2 semaphore(%arg20 : memref<!tpu.dma_semaphore, #tpu.memory_space<semaphore_mem>>) src(%dma_wait3A_403 : memref<80xi32, #tpu.memory_space<hbm>>) dst(%arg7 : memref<80xi32, #tpu.memory_space<vmem>>)
        %mul3A_404 = arith.constant 16 : i32
        %mul3A_405 = arith.muli %sub3A_396, %mul3A_404 : i32
        %add3A_406 = arith.addi %arg1, %mul3A_405 : i32
        %mul3A_407 = arith.constant 80 : i32
        %mul3A_408 = arith.muli %add3A_406, %mul3A_407 : i32
        %dma_wait3A_409 = tpu.memref_slice %arg4[%mul3A_408] : memref<160000xi32, #tpu.memory_space<hbm>> -> memref<80xi32, #tpu.memory_space<hbm>>
        %dma_wait3A_410 = tpu.memref_slice %arg4[%mul3A_408] : memref<160000xi32, #tpu.memory_space<hbm>> -> memref<80xi32, #tpu.memory_space<hbm>>
        tpu.wait_dma2 semaphore(%arg20 : memref<!tpu.dma_semaphore, #tpu.memory_space<semaphore_mem>>) src(%dma_wait3A_410 : memref<80xi32, #tpu.memory_space<hbm>>) dst(%arg11 : memref<80xi32, #tpu.memory_space<vmem>>)
        %get3A_411 = arith.constant 0 : index
        %get3A_412 = tpu.vector_load %arg7[%get3A_411] {strides = array<i32>} : memref<80xi32, #tpu.memory_space<vmem>>, vector<16xi32>,
        %get3A_413 = vector.shape_cast %get3A_412 : vector<16xi32> to vector<16xi32>
        %add3A_414 = vector.broadcast %mul3A_0 : i32 to vector<16xi32>
        %add3A_415 = arith.addi %get3A_413, %add3A_414 : vector<16xi32>
        %swap3A_416 = arith.constant 0 : index
        %swap3A_417 = tpu.vector_load %arg7[%swap3A_416] {strides = array<i32>} : memref<80xi32, #tpu.memory_space<vmem>>, vector<16xi32>,
        %swap3A_418 = vector.shape_cast %swap3A_417 : vector<16xi32> to vector<16xi32>
        %swap3A_419 = vector.shape_cast %add3A_415 : vector<16xi32> to vector<16xi32>
        tpu.vector_store %arg7[%swap3A_416], %swap3A_419 {strides = array<i32>} : memref<80xi32, #tpu.memory_space<vmem>>, vector<16xi32>,
        %get3A_420 = arith.constant 16 : index
        %get3A_421 = tpu.vector_load %arg7[%get3A_420] {strides = array<i32>} : memref<80xi32, #tpu.memory_space<vmem>>, vector<16xi32>,
        %get3A_422 = vector.shape_cast %get3A_421 : vector<16xi32> to vector<16xi32>
        %add3A_423 = vector.broadcast %mul3A_0 : i32 to vector<16xi32>
        %add3A_424 = arith.addi %get3A_422, %add3A_423 : vector<16xi32>
        %swap3A_425 = arith.constant 16 : index
        %swap3A_426 = tpu.vector_load %arg7[%swap3A_425] {strides = array<i32>} : memref<80xi32, #tpu.memory_space<vmem>>, vector<16xi32>,
        %swap3A_427 = vector.shape_cast %swap3A_426 : vector<16xi32> to vector<16xi32>
        %swap3A_428 = vector.shape_cast %add3A_424 : vector<16xi32> to vector<16xi32>
        tpu.vector_store %arg7[%swap3A_425], %swap3A_428 {strides = array<i32>} : memref<80xi32, #tpu.memory_space<vmem>>, vector<16xi32>,
        %get3A_429 = arith.constant 32 : index
        %get3A_430 = tpu.vector_load %arg7[%get3A_429] {strides = array<i32>} : memref<80xi32, #tpu.memory_space<vmem>>, vector<16xi32>,
        %get3A_431 = vector.shape_cast %get3A_430 : vector<16xi32> to vector<16xi32>
        %add3A_432 = vector.broadcast %mul3A_0 : i32 to vector<16xi32>
        %add3A_433 = arith.addi %get3A_431, %add3A_432 : vector<16xi32>
        %swap3A_434 = arith.constant 32 : index
        %swap3A_435 = tpu.vector_load %arg7[%swap3A_434] {strides = array<i32>} : memref<80xi32, #tpu.memory_space<vmem>>, vector<16xi32>,
        %swap3A_436 = vector.shape_cast %swap3A_435 : vector<16xi32> to vector<16xi32>
        %swap3A_437 = vector.shape_cast %add3A_433 : vector<16xi32> to vector<16xi32>
        tpu.vector_store %arg7[%swap3A_434], %swap3A_437 {strides = array<i32>} : memref<80xi32, #tpu.memory_space<vmem>>, vector<16xi32>,
        %get3A_438 = arith.constant 48 : index
        %get3A_439 = tpu.vector_load %arg7[%get3A_438] {strides = array<i32>} : memref<80xi32, #tpu.memory_space<vmem>>, vector<16xi32>,
        %get3A_440 = vector.shape_cast %get3A_439 : vector<16xi32> to vector<16xi32>
        %add3A_441 = vector.broadcast %mul3A_0 : i32 to vector<16xi32>
        %add3A_442 = arith.addi %get3A_440, %add3A_441 : vector<16xi32>
        %swap3A_443 = arith.constant 48 : index
        %swap3A_444 = tpu.vector_load %arg7[%swap3A_443] {strides = array<i32>} : memref<80xi32, #tpu.memory_space<vmem>>, vector<16xi32>,
        %swap3A_445 = vector.shape_cast %swap3A_444 : vector<16xi32> to vector<16xi32>
        %swap3A_446 = vector.shape_cast %add3A_442 : vector<16xi32> to vector<16xi32>
        tpu.vector_store %arg7[%swap3A_443], %swap3A_446 {strides = array<i32>} : memref<80xi32, #tpu.memory_space<vmem>>, vector<16xi32>,
        %get3A_447 = arith.constant 64 : index
        %get3A_448 = tpu.vector_load %arg7[%get3A_447] {strides = array<i32>} : memref<80xi32, #tpu.memory_space<vmem>>, vector<16xi32>,
        %get3A_449 = vector.shape_cast %get3A_448 : vector<16xi32> to vector<16xi32>
        %add3A_450 = vector.broadcast %mul3A_0 : i32 to vector<16xi32>
        %add3A_451 = arith.addi %get3A_449, %add3A_450 : vector<16xi32>
        %swap3A_452 = arith.constant 64 : index
        %swap3A_453 = tpu.vector_load %arg7[%swap3A_452] {strides = array<i32>} : memref<80xi32, #tpu.memory_space<vmem>>, vector<16xi32>,
        %swap3A_454 = vector.shape_cast %swap3A_453 : vector<16xi32> to vector<16xi32>
        %swap3A_455 = vector.shape_cast %add3A_451 : vector<16xi32> to vector<16xi32>
        tpu.vector_store %arg7[%swap3A_452], %swap3A_455 {strides = array<i32>} : memref<80xi32, #tpu.memory_space<vmem>>, vector<16xi32>,
        %dma_start3A_456 = arith.constant 0 : i32
        %dma_start3A_457 = arith.constant 0 : i32
        %dma_start3A_458 = tpu.memref_slice %arg2[%dma_start3A_456, %dma_start3A_457] : memref<20000x128xf32, #tpu.memory_space<hbm>> -> memref<20000x128xf32, #tpu.memory_space<hbm>>
        tpu.enqueue_indirect_dma source(%dma_start3A_458 : memref<20000x128xf32, #tpu.memory_space<hbm>>) target(%arg15 : memref<80x128xf32, #tpu.memory_space<vmem>>) offsets(%arg7 : memref<80xi32, #tpu.memory_space<vmem>>) semaphore(%arg24 : memref<!tpu.dma_semaphore, #tpu.memory_space<semaphore_mem>>)
      } else {
      }
      %sub3A_324 = arith.constant 3 : i32
      %sub3A_325 = arith.subi %add3A_304, %sub3A_324 : i32
      %lt3A_326 = arith.constant 125 : i32
      %lt3A_327 = arith.cmpi slt, %sub3A_325, %lt3A_326 : i32
      %convert_element_type3A_328 = arith.extui %lt3A_327 : i1 to i32
      %cond3A_329 = arith.constant 0 : i32
      %cond3A_330 = arith.cmpi ne, %convert_element_type3A_328, %cond3A_329 : i32
      scf.if %cond3A_330 {
        %dma_wait3A_395 = arith.constant 0 : i32
        %dma_wait3A_396 = arith.constant 0 : i32
        %dma_wait3A_397 = tpu.memref_slice %arg2[%dma_wait3A_395, %dma_wait3A_396] : memref<20000x128xf32, #tpu.memory_space<hbm>> -> memref<20000x128xf32, #tpu.memory_space<hbm>>
        tpu.wait_indirect_dma semaphore(%arg26 : memref<!tpu.dma_semaphore, #tpu.memory_space<semaphore_mem>>) src(%dma_wait3A_397 : memref<20000x128xf32, #tpu.memory_space<hbm>>) dst(%arg17 : memref<80x128xf32, #tpu.memory_space<vmem>>)
        %dma_start3A_398 = arith.constant 0 : i32
        %dma_start3A_399 = arith.constant 0 : i32
        %dma_start3A_400 = tpu.memref_slice %arg19[%dma_start3A_398, %dma_start3A_399] : memref<10000x128xf32, #tpu.memory_space<vmem_shared>> -> memref<10000x128xf32, #tpu.memory_space<vmem_shared>>
        tpu.enqueue_indirect_dma source(%arg17 : memref<80x128xf32, #tpu.memory_space<vmem>>) target(%dma_start3A_400 : memref<10000x128xf32, #tpu.memory_space<vmem_shared>>) offsets(%arg13 : memref<80xi32, #tpu.memory_space<vmem>>) semaphore(%arg30 : memref<!tpu.dma_semaphore, #tpu.memory_space<semaphore_mem>>) {add = true}
      } else {
      }
      %mul3A_331 = arith.constant 4 : i32
      %mul3A_332 = arith.muli %add3A_267, %mul3A_331 : i32
      %add3A_333 = arith.constant 4 : i32
      %add3A_334 = arith.addi %add3A_333, %mul3A_332 : i32
      %add3A_335 = arith.constant 2 : i32
      %add3A_336 = arith.addi %add3A_334, %add3A_335 : i32
      %sub3A_337 = arith.constant 4 : i32
      %sub3A_338 = arith.subi %add3A_336, %sub3A_337 : i32
      %lt3A_339 = arith.constant 125 : i32
      %lt3A_340 = arith.cmpi slt, %sub3A_338, %lt3A_339 : i32
      %convert_element_type3A_341 = arith.extui %lt3A_340 : i1 to i32
      %cond3A_342 = arith.constant 0 : i32
      %cond3A_343 = arith.cmpi ne, %convert_element_type3A_341, %cond3A_342 : i32
      scf.if %cond3A_343 {
        %dma_wait3A_395 = arith.constant 0 : i32
        %dma_wait3A_396 = arith.constant 0 : i32
        %dma_wait3A_397 = tpu.memref_slice %arg19[%dma_wait3A_395, %dma_wait3A_396] : memref<10000x128xf32, #tpu.memory_space<vmem_shared>> -> memref<10000x128xf32, #tpu.memory_space<vmem_shared>>
        tpu.wait_indirect_dma semaphore(%arg30 : memref<!tpu.dma_semaphore, #tpu.memory_space<semaphore_mem>>) src(%arg17 : memref<80x128xf32, #tpu.memory_space<vmem>>) dst(%dma_wait3A_397 : memref<10000x128xf32, #tpu.memory_space<vmem_shared>>)
      } else {
      }
      %lt3A_344 = arith.constant 125 : i32
      %lt3A_345 = arith.cmpi slt, %add3A_336, %lt3A_344 : i32
      %convert_element_type3A_346 = arith.extui %lt3A_345 : i1 to i32
      %cond3A_347 = arith.constant 0 : i32
      %cond3A_348 = arith.cmpi ne, %convert_element_type3A_346, %cond3A_347 : i32
      scf.if %cond3A_348 {
        %mul3A_395 = arith.constant 16 : i32
        %mul3A_396 = arith.muli %add3A_336, %mul3A_395 : i32
        %add3A_397 = arith.addi %arg1, %mul3A_396 : i32
        %mul3A_398 = arith.constant 80 : i32
        %mul3A_399 = arith.muli %add3A_397, %mul3A_398 : i32
        %dma_start3A_400 = tpu.memref_slice %arg3[%mul3A_399] : memref<160000xi32, #tpu.memory_space<hbm>> -> memref<80xi32, #tpu.memory_space<hbm>>
        %dma_start3A_401 = tpu.memref_slice %arg3[%mul3A_399] : memref<160000xi32, #tpu.memory_space<hbm>> -> memref<80xi32, #tpu.memory_space<hbm>>
        tpu.enqueue_dma source(%dma_start3A_401 : memref<80xi32, #tpu.memory_space<hbm>>) target(%arg9 : memref<80xi32, #tpu.memory_space<vmem>>) target_semaphore(%arg22 : memref<!tpu.dma_semaphore, #tpu.memory_space<semaphore_mem>>)
        %mul3A_402 = arith.constant 16 : i32
        %mul3A_403 = arith.muli %add3A_336, %mul3A_402 : i32
        %add3A_404 = arith.addi %arg1, %mul3A_403 : i32
        %mul3A_405 = arith.constant 80 : i32
        %mul3A_406 = arith.muli %add3A_404, %mul3A_405 : i32
        %dma_start3A_407 = tpu.memref_slice %arg4[%mul3A_406] : memref<160000xi32, #tpu.memory_space<hbm>> -> memref<80xi32, #tpu.memory_space<hbm>>
        %dma_start3A_408 = tpu.memref_slice %arg4[%mul3A_406] : memref<160000xi32, #tpu.memory_space<hbm>> -> memref<80xi32, #tpu.memory_space<hbm>>
        tpu.enqueue_dma source(%dma_start3A_408 : memref<80xi32, #tpu.memory_space<hbm>>) target(%arg13 : memref<80xi32, #tpu.memory_space<vmem>>) target_semaphore(%arg22 : memref<!tpu.dma_semaphore, #tpu.memory_space<semaphore_mem>>)
      } else {
      }
      %sub3A_349 = arith.constant 1 : i32
      %sub3A_350 = arith.subi %add3A_336, %sub3A_349 : i32
      %lt3A_351 = arith.constant 125 : i32
      %lt3A_352 = arith.cmpi slt, %sub3A_350, %lt3A_351 : i32
      %convert_element_type3A_353 = arith.extui %lt3A_352 : i1 to i32
      %cond3A_354 = arith.constant 0 : i32
      %cond3A_355 = arith.cmpi ne, %convert_element_type3A_353, %cond3A_354 : i32
      scf.if %cond3A_355 {
        %sub3A_395 = arith.constant 1 : i32
        %sub3A_396 = arith.subi %add3A_336, %sub3A_395 : i32
        %mul3A_397 = arith.constant 16 : i32
        %mul3A_398 = arith.muli %sub3A_396, %mul3A_397 : i32
        %add3A_399 = arith.addi %arg1, %mul3A_398 : i32
        %mul3A_400 = arith.constant 80 : i32
        %mul3A_401 = arith.muli %add3A_399, %mul3A_400 : i32
        %dma_wait3A_402 = tpu.memref_slice %arg3[%mul3A_401] : memref<160000xi32, #tpu.memory_space<hbm>> -> memref<80xi32, #tpu.memory_space<hbm>>
        %dma_wait3A_403 = tpu.memref_slice %arg3[%mul3A_401] : memref<160000xi32, #tpu.memory_space<hbm>> -> memref<80xi32, #tpu.memory_space<hbm>>
        tpu.wait_dma2 semaphore(%arg21 : memref<!tpu.dma_semaphore, #tpu.memory_space<semaphore_mem>>) src(%dma_wait3A_403 : memref<80xi32, #tpu.memory_space<hbm>>) dst(%arg8 : memref<80xi32, #tpu.memory_space<vmem>>)
        %mul3A_404 = arith.constant 16 : i32
        %mul3A_405 = arith.muli %sub3A_396, %mul3A_404 : i32
        %add3A_406 = arith.addi %arg1, %mul3A_405 : i32
        %mul3A_407 = arith.constant 80 : i32
        %mul3A_408 = arith.muli %add3A_406, %mul3A_407 : i32
        %dma_wait3A_409 = tpu.memref_slice %arg4[%mul3A_408] : memref<160000xi32, #tpu.memory_space<hbm>> -> memref<80xi32, #tpu.memory_space<hbm>>
        %dma_wait3A_410 = tpu.memref_slice %arg4[%mul3A_408] : memref<160000xi32, #tpu.memory_space<hbm>> -> memref<80xi32, #tpu.memory_space<hbm>>
        tpu.wait_dma2 semaphore(%arg21 : memref<!tpu.dma_semaphore, #tpu.memory_space<semaphore_mem>>) src(%dma_wait3A_410 : memref<80xi32, #tpu.memory_space<hbm>>) dst(%arg12 : memref<80xi32, #tpu.memory_space<vmem>>)
        %get3A_411 = arith.constant 0 : index
        %get3A_412 = tpu.vector_load %arg8[%get3A_411] {strides = array<i32>} : memref<80xi32, #tpu.memory_space<vmem>>, vector<16xi32>,
        %get3A_413 = vector.shape_cast %get3A_412 : vector<16xi32> to vector<16xi32>
        %add3A_414 = vector.broadcast %mul3A_0 : i32 to vector<16xi32>
        %add3A_415 = arith.addi %get3A_413, %add3A_414 : vector<16xi32>
        %swap3A_416 = arith.constant 0 : index
        %swap3A_417 = tpu.vector_load %arg8[%swap3A_416] {strides = array<i32>} : memref<80xi32, #tpu.memory_space<vmem>>, vector<16xi32>,
        %swap3A_418 = vector.shape_cast %swap3A_417 : vector<16xi32> to vector<16xi32>
        %swap3A_419 = vector.shape_cast %add3A_415 : vector<16xi32> to vector<16xi32>
        tpu.vector_store %arg8[%swap3A_416], %swap3A_419 {strides = array<i32>} : memref<80xi32, #tpu.memory_space<vmem>>, vector<16xi32>,
        %get3A_420 = arith.constant 16 : index
        %get3A_421 = tpu.vector_load %arg8[%get3A_420] {strides = array<i32>} : memref<80xi32, #tpu.memory_space<vmem>>, vector<16xi32>,
        %get3A_422 = vector.shape_cast %get3A_421 : vector<16xi32> to vector<16xi32>
        %add3A_423 = vector.broadcast %mul3A_0 : i32 to vector<16xi32>
        %add3A_424 = arith.addi %get3A_422, %add3A_423 : vector<16xi32>
        %swap3A_425 = arith.constant 16 : index
        %swap3A_426 = tpu.vector_load %arg8[%swap3A_425] {strides = array<i32>} : memref<80xi32, #tpu.memory_space<vmem>>, vector<16xi32>,
        %swap3A_427 = vector.shape_cast %swap3A_426 : vector<16xi32> to vector<16xi32>
        %swap3A_428 = vector.shape_cast %add3A_424 : vector<16xi32> to vector<16xi32>
        tpu.vector_store %arg8[%swap3A_425], %swap3A_428 {strides = array<i32>} : memref<80xi32, #tpu.memory_space<vmem>>, vector<16xi32>,
        %get3A_429 = arith.constant 32 : index
        %get3A_430 = tpu.vector_load %arg8[%get3A_429] {strides = array<i32>} : memref<80xi32, #tpu.memory_space<vmem>>, vector<16xi32>,
        %get3A_431 = vector.shape_cast %get3A_430 : vector<16xi32> to vector<16xi32>
        %add3A_432 = vector.broadcast %mul3A_0 : i32 to vector<16xi32>
        %add3A_433 = arith.addi %get3A_431, %add3A_432 : vector<16xi32>
        %swap3A_434 = arith.constant 32 : index
        %swap3A_435 = tpu.vector_load %arg8[%swap3A_434] {strides = array<i32>} : memref<80xi32, #tpu.memory_space<vmem>>, vector<16xi32>,
        %swap3A_436 = vector.shape_cast %swap3A_435 : vector<16xi32> to vector<16xi32>
        %swap3A_437 = vector.shape_cast %add3A_433 : vector<16xi32> to vector<16xi32>
        tpu.vector_store %arg8[%swap3A_434], %swap3A_437 {strides = array<i32>} : memref<80xi32, #tpu.memory_space<vmem>>, vector<16xi32>,
        %get3A_438 = arith.constant 48 : index
        %get3A_439 = tpu.vector_load %arg8[%get3A_438] {strides = array<i32>} : memref<80xi32, #tpu.memory_space<vmem>>, vector<16xi32>,
        %get3A_440 = vector.shape_cast %get3A_439 : vector<16xi32> to vector<16xi32>
        %add3A_441 = vector.broadcast %mul3A_0 : i32 to vector<16xi32>
        %add3A_442 = arith.addi %get3A_440, %add3A_441 : vector<16xi32>
        %swap3A_443 = arith.constant 48 : index
        %swap3A_444 = tpu.vector_load %arg8[%swap3A_443] {strides = array<i32>} : memref<80xi32, #tpu.memory_space<vmem>>, vector<16xi32>,
        %swap3A_445 = vector.shape_cast %swap3A_444 : vector<16xi32> to vector<16xi32>
        %swap3A_446 = vector.shape_cast %add3A_442 : vector<16xi32> to vector<16xi32>
        tpu.vector_store %arg8[%swap3A_443], %swap3A_446 {strides = array<i32>} : memref<80xi32, #tpu.memory_space<vmem>>, vector<16xi32>,
        %get3A_447 = arith.constant 64 : index
        %get3A_448 = tpu.vector_load %arg8[%get3A_447] {strides = array<i32>} : memref<80xi32, #tpu.memory_space<vmem>>, vector<16xi32>,
        %get3A_449 = vector.shape_cast %get3A_448 : vector<16xi32> to vector<16xi32>
        %add3A_450 = vector.broadcast %mul3A_0 : i32 to vector<16xi32>
        %add3A_451 = arith.addi %get3A_449, %add3A_450 : vector<16xi32>
        %swap3A_452 = arith.constant 64 : index
        %swap3A_453 = tpu.vector_load %arg8[%swap3A_452] {strides = array<i32>} : memref<80xi32, #tpu.memory_space<vmem>>, vector<16xi32>,
        %swap3A_454 = vector.shape_cast %swap3A_453 : vector<16xi32> to vector<16xi32>
        %swap3A_455 = vector.shape_cast %add3A_451 : vector<16xi32> to vector<16xi32>
        tpu.vector_store %arg8[%swap3A_452], %swap3A_455 {strides = array<i32>} : memref<80xi32, #tpu.memory_space<vmem>>, vector<16xi32>,
        %dma_start3A_456 = arith.constant 0 : i32
        %dma_start3A_457 = arith.constant 0 : i32
        %dma_start3A_458 = tpu.memref_slice %arg2[%dma_start3A_456, %dma_start3A_457] : memref<20000x128xf32, #tpu.memory_space<hbm>> -> memref<20000x128xf32, #tpu.memory_space<hbm>>
        tpu.enqueue_indirect_dma source(%dma_start3A_458 : memref<20000x128xf32, #tpu.memory_space<hbm>>) target(%arg16 : memref<80x128xf32, #tpu.memory_space<vmem>>) offsets(%arg8 : memref<80xi32, #tpu.memory_space<vmem>>) semaphore(%arg25 : memref<!tpu.dma_semaphore, #tpu.memory_space<semaphore_mem>>)
      } else {
      }
      %sub3A_356 = arith.constant 3 : i32
      %sub3A_357 = arith.subi %add3A_336, %sub3A_356 : i32
      %lt3A_358 = arith.constant 125 : i32
      %lt3A_359 = arith.cmpi slt, %sub3A_357, %lt3A_358 : i32
      %convert_element_type3A_360 = arith.extui %lt3A_359 : i1 to i32
      %cond3A_361 = arith.constant 0 : i32
      %cond3A_362 = arith.cmpi ne, %convert_element_type3A_360, %cond3A_361 : i32
      scf.if %cond3A_362 {
        %dma_wait3A_395 = arith.constant 0 : i32
        %dma_wait3A_396 = arith.constant 0 : i32
        %dma_wait3A_397 = tpu.memref_slice %arg2[%dma_wait3A_395, %dma_wait3A_396] : memref<20000x128xf32, #tpu.memory_space<hbm>> -> memref<20000x128xf32, #tpu.memory_space<hbm>>
        tpu.wait_indirect_dma semaphore(%arg27 : memref<!tpu.dma_semaphore, #tpu.memory_space<semaphore_mem>>) src(%dma_wait3A_397 : memref<20000x128xf32, #tpu.memory_space<hbm>>) dst(%arg18 : memref<80x128xf32, #tpu.memory_space<vmem>>)
        %dma_start3A_398 = arith.constant 0 : i32
        %dma_start3A_399 = arith.constant 0 : i32
        %dma_start3A_400 = tpu.memref_slice %arg19[%dma_start3A_398, %dma_start3A_399] : memref<10000x128xf32, #tpu.memory_space<vmem_shared>> -> memref<10000x128xf32, #tpu.memory_space<vmem_shared>>
        tpu.enqueue_indirect_dma source(%arg18 : memref<80x128xf32, #tpu.memory_space<vmem>>) target(%dma_start3A_400 : memref<10000x128xf32, #tpu.memory_space<vmem_shared>>) offsets(%arg14 : memref<80xi32, #tpu.memory_space<vmem>>) semaphore(%arg31 : memref<!tpu.dma_semaphore, #tpu.memory_space<semaphore_mem>>) {add = true}
      } else {
      }
      %mul3A_363 = arith.constant 4 : i32
      %mul3A_364 = arith.muli %add3A_267, %mul3A_363 : i32
      %add3A_365 = arith.constant 4 : i32
      %add3A_366 = arith.addi %add3A_365, %mul3A_364 : i32
      %add3A_367 = arith.constant 3 : i32
      %add3A_368 = arith.addi %add3A_366, %add3A_367 : i32
      %sub3A_369 = arith.constant 4 : i32
      %sub3A_370 = arith.subi %add3A_368, %sub3A_369 : i32
      %lt3A_371 = arith.constant 125 : i32
      %lt3A_372 = arith.cmpi slt, %sub3A_370, %lt3A_371 : i32
      %convert_element_type3A_373 = arith.extui %lt3A_372 : i1 to i32
      %cond3A_374 = arith.constant 0 : i32
      %cond3A_375 = arith.cmpi ne, %convert_element_type3A_373, %cond3A_374 : i32
      scf.if %cond3A_375 {
        %dma_wait3A_395 = arith.constant 0 : i32
        %dma_wait3A_396 = arith.constant 0 : i32
        %dma_wait3A_397 = tpu.memref_slice %arg19[%dma_wait3A_395, %dma_wait3A_396] : memref<10000x128xf32, #tpu.memory_space<vmem_shared>> -> memref<10000x128xf32, #tpu.memory_space<vmem_shared>>
        tpu.wait_indirect_dma semaphore(%arg31 : memref<!tpu.dma_semaphore, #tpu.memory_space<semaphore_mem>>) src(%arg18 : memref<80x128xf32, #tpu.memory_space<vmem>>) dst(%dma_wait3A_397 : memref<10000x128xf32, #tpu.memory_space<vmem_shared>>)
      } else {
      }
      %lt3A_376 = arith.constant 125 : i32
      %lt3A_377 = arith.cmpi slt, %add3A_368, %lt3A_376 : i32
      %convert_element_type3A_378 = arith.extui %lt3A_377 : i1 to i32
      %cond3A_379 = arith.constant 0 : i32
      %cond3A_380 = arith.cmpi ne, %convert_element_type3A_378, %cond3A_379 : i32
      scf.if %cond3A_380 {
        %mul3A_395 = arith.constant 16 : i32
        %mul3A_396 = arith.muli %add3A_368, %mul3A_395 : i32
        %add3A_397 = arith.addi %arg1, %mul3A_396 : i32
        %mul3A_398 = arith.constant 80 : i32
        %mul3A_399 = arith.muli %add3A_397, %mul3A_398 : i32
        %dma_start3A_400 = tpu.memref_slice %arg3[%mul3A_399] : memref<160000xi32, #tpu.memory_space<hbm>> -> memref<80xi32, #tpu.memory_space<hbm>>
        %dma_start3A_401 = tpu.memref_slice %arg3[%mul3A_399] : memref<160000xi32, #tpu.memory_space<hbm>> -> memref<80xi32, #tpu.memory_space<hbm>>
        tpu.enqueue_dma source(%dma_start3A_401 : memref<80xi32, #tpu.memory_space<hbm>>) target(%arg10 : memref<80xi32, #tpu.memory_space<vmem>>) target_semaphore(%arg23 : memref<!tpu.dma_semaphore, #tpu.memory_space<semaphore_mem>>)
        %mul3A_402 = arith.constant 16 : i32
        %mul3A_403 = arith.muli %add3A_368, %mul3A_402 : i32
        %add3A_404 = arith.addi %arg1, %mul3A_403 : i32
        %mul3A_405 = arith.constant 80 : i32
        %mul3A_406 = arith.muli %add3A_404, %mul3A_405 : i32
        %dma_start3A_407 = tpu.memref_slice %arg4[%mul3A_406] : memref<160000xi32, #tpu.memory_space<hbm>> -> memref<80xi32, #tpu.memory_space<hbm>>
        %dma_start3A_408 = tpu.memref_slice %arg4[%mul3A_406] : memref<160000xi32, #tpu.memory_space<hbm>> -> memref<80xi32, #tpu.memory_space<hbm>>
        tpu.enqueue_dma source(%dma_start3A_408 : memref<80xi32, #tpu.memory_space<hbm>>) target(%arg14 : memref<80xi32, #tpu.memory_space<vmem>>) target_semaphore(%arg23 : memref<!tpu.dma_semaphore, #tpu.memory_space<semaphore_mem>>)
      } else {
      }
      %sub3A_381 = arith.constant 1 : i32
      %sub3A_382 = arith.subi %add3A_368, %sub3A_381 : i32
      %lt3A_383 = arith.constant 125 : i32
      %lt3A_384 = arith.cmpi slt, %sub3A_382, %lt3A_383 : i32
      %convert_element_type3A_385 = arith.extui %lt3A_384 : i1 to i32
      %cond3A_386 = arith.constant 0 : i32
      %cond3A_387 = arith.cmpi ne, %convert_element_type3A_385, %cond3A_386 : i32
      scf.if %cond3A_387 {
        %sub3A_395 = arith.constant 1 : i32
        %sub3A_396 = arith.subi %add3A_368, %sub3A_395 : i32
        %mul3A_397 = arith.constant 16 : i32
        %mul3A_398 = arith.muli %sub3A_396, %mul3A_397 : i32
        %add3A_399 = arith.addi %arg1, %mul3A_398 : i32
        %mul3A_400 = arith.constant 80 : i32
        %mul3A_401 = arith.muli %add3A_399, %mul3A_400 : i32
        %dma_wait3A_402 = tpu.memref_slice %arg3[%mul3A_401] : memref<160000xi32, #tpu.memory_space<hbm>> -> memref<80xi32, #tpu.memory_space<hbm>>
        %dma_wait3A_403 = tpu.memref_slice %arg3[%mul3A_401] : memref<160000xi32, #tpu.memory_space<hbm>> -> memref<80xi32, #tpu.memory_space<hbm>>
        tpu.wait_dma2 semaphore(%arg22 : memref<!tpu.dma_semaphore, #tpu.memory_space<semaphore_mem>>) src(%dma_wait3A_403 : memref<80xi32, #tpu.memory_space<hbm>>) dst(%arg9 : memref<80xi32, #tpu.memory_space<vmem>>)
        %mul3A_404 = arith.constant 16 : i32
        %mul3A_405 = arith.muli %sub3A_396, %mul3A_404 : i32
        %add3A_406 = arith.addi %arg1, %mul3A_405 : i32
        %mul3A_407 = arith.constant 80 : i32
        %mul3A_408 = arith.muli %add3A_406, %mul3A_407 : i32
        %dma_wait3A_409 = tpu.memref_slice %arg4[%mul3A_408] : memref<160000xi32, #tpu.memory_space<hbm>> -> memref<80xi32, #tpu.memory_space<hbm>>
        %dma_wait3A_410 = tpu.memref_slice %arg4[%mul3A_408] : memref<160000xi32, #tpu.memory_space<hbm>> -> memref<80xi32, #tpu.memory_space<hbm>>
        tpu.wait_dma2 semaphore(%arg22 : memref<!tpu.dma_semaphore, #tpu.memory_space<semaphore_mem>>) src(%dma_wait3A_410 : memref<80xi32, #tpu.memory_space<hbm>>) dst(%arg13 : memref<80xi32, #tpu.memory_space<vmem>>)
        %get3A_411 = arith.constant 0 : index
        %get3A_412 = tpu.vector_load %arg9[%get3A_411] {strides = array<i32>} : memref<80xi32, #tpu.memory_space<vmem>>, vector<16xi32>,
        %get3A_413 = vector.shape_cast %get3A_412 : vector<16xi32> to vector<16xi32>
        %add3A_414 = vector.broadcast %mul3A_0 : i32 to vector<16xi32>
        %add3A_415 = arith.addi %get3A_413, %add3A_414 : vector<16xi32>
        %swap3A_416 = arith.constant 0 : index
        %swap3A_417 = tpu.vector_load %arg9[%swap3A_416] {strides = array<i32>} : memref<80xi32, #tpu.memory_space<vmem>>, vector<16xi32>,
        %swap3A_418 = vector.shape_cast %swap3A_417 : vector<16xi32> to vector<16xi32>
        %swap3A_419 = vector.shape_cast %add3A_415 : vector<16xi32> to vector<16xi32>
        tpu.vector_store %arg9[%swap3A_416], %swap3A_419 {strides = array<i32>} : memref<80xi32, #tpu.memory_space<vmem>>, vector<16xi32>,
        %get3A_420 = arith.constant 16 : index
        %get3A_421 = tpu.vector_load %arg9[%get3A_420] {strides = array<i32>} : memref<80xi32, #tpu.memory_space<vmem>>, vector<16xi32>,
        %get3A_422 = vector.shape_cast %get3A_421 : vector<16xi32> to vector<16xi32>
        %add3A_423 = vector.broadcast %mul3A_0 : i32 to vector<16xi32>
        %add3A_424 = arith.addi %get3A_422, %add3A_423 : vector<16xi32>
        %swap3A_425 = arith.constant 16 : index
        %swap3A_426 = tpu.vector_load %arg9[%swap3A_425] {strides = array<i32>} : memref<80xi32, #tpu.memory_space<vmem>>, vector<16xi32>,
        %swap3A_427 = vector.shape_cast %swap3A_426 : vector<16xi32> to vector<16xi32>
        %swap3A_428 = vector.shape_cast %add3A_424 : vector<16xi32> to vector<16xi32>
        tpu.vector_store %arg9[%swap3A_425], %swap3A_428 {strides = array<i32>} : memref<80xi32, #tpu.memory_space<vmem>>, vector<16xi32>,
        %get3A_429 = arith.constant 32 : index
        %get3A_430 = tpu.vector_load %arg9[%get3A_429] {strides = array<i32>} : memref<80xi32, #tpu.memory_space<vmem>>, vector<16xi32>,
        %get3A_431 = vector.shape_cast %get3A_430 : vector<16xi32> to vector<16xi32>
        %add3A_432 = vector.broadcast %mul3A_0 : i32 to vector<16xi32>
        %add3A_433 = arith.addi %get3A_431, %add3A_432 : vector<16xi32>
        %swap3A_434 = arith.constant 32 : index
        %swap3A_435 = tpu.vector_load %arg9[%swap3A_434] {strides = array<i32>} : memref<80xi32, #tpu.memory_space<vmem>>, vector<16xi32>,
        %swap3A_436 = vector.shape_cast %swap3A_435 : vector<16xi32> to vector<16xi32>
        %swap3A_437 = vector.shape_cast %add3A_433 : vector<16xi32> to vector<16xi32>
        tpu.vector_store %arg9[%swap3A_434], %swap3A_437 {strides = array<i32>} : memref<80xi32, #tpu.memory_space<vmem>>, vector<16xi32>,
        %get3A_438 = arith.constant 48 : index
        %get3A_439 = tpu.vector_load %arg9[%get3A_438] {strides = array<i32>} : memref<80xi32, #tpu.memory_space<vmem>>, vector<16xi32>,
        %get3A_440 = vector.shape_cast %get3A_439 : vector<16xi32> to vector<16xi32>
        %add3A_441 = vector.broadcast %mul3A_0 : i32 to vector<16xi32>
        %add3A_442 = arith.addi %get3A_440, %add3A_441 : vector<16xi32>
        %swap3A_443 = arith.constant 48 : index
        %swap3A_444 = tpu.vector_load %arg9[%swap3A_443] {strides = array<i32>} : memref<80xi32, #tpu.memory_space<vmem>>, vector<16xi32>,
        %swap3A_445 = vector.shape_cast %swap3A_444 : vector<16xi32> to vector<16xi32>
        %swap3A_446 = vector.shape_cast %add3A_442 : vector<16xi32> to vector<16xi32>
        tpu.vector_store %arg9[%swap3A_443], %swap3A_446 {strides = array<i32>} : memref<80xi32, #tpu.memory_space<vmem>>, vector<16xi32>,
        %get3A_447 = arith.constant 64 : index
        %get3A_448 = tpu.vector_load %arg9[%get3A_447] {strides = array<i32>} : memref<80xi32, #tpu.memory_space<vmem>>, vector<16xi32>,
        %get3A_449 = vector.shape_cast %get3A_448 : vector<16xi32> to vector<16xi32>
        %add3A_450 = vector.broadcast %mul3A_0 : i32 to vector<16xi32>
        %add3A_451 = arith.addi %get3A_449, %add3A_450 : vector<16xi32>
        %swap3A_452 = arith.constant 64 : index
        %swap3A_453 = tpu.vector_load %arg9[%swap3A_452] {strides = array<i32>} : memref<80xi32, #tpu.memory_space<vmem>>, vector<16xi32>,
        %swap3A_454 = vector.shape_cast %swap3A_453 : vector<16xi32> to vector<16xi32>
        %swap3A_455 = vector.shape_cast %add3A_451 : vector<16xi32> to vector<16xi32>
        tpu.vector_store %arg9[%swap3A_452], %swap3A_455 {strides = array<i32>} : memref<80xi32, #tpu.memory_space<vmem>>, vector<16xi32>,
        %dma_start3A_456 = arith.constant 0 : i32
        %dma_start3A_457 = arith.constant 0 : i32
        %dma_start3A_458 = tpu.memref_slice %arg2[%dma_start3A_456, %dma_start3A_457] : memref<20000x128xf32, #tpu.memory_space<hbm>> -> memref<20000x128xf32, #tpu.memory_space<hbm>>
        tpu.enqueue_indirect_dma source(%dma_start3A_458 : memref<20000x128xf32, #tpu.memory_space<hbm>>) target(%arg17 : memref<80x128xf32, #tpu.memory_space<vmem>>) offsets(%arg9 : memref<80xi32, #tpu.memory_space<vmem>>) semaphore(%arg26 : memref<!tpu.dma_semaphore, #tpu.memory_space<semaphore_mem>>)
      } else {
      }
      %sub3A_388 = arith.constant 3 : i32
      %sub3A_389 = arith.subi %add3A_368, %sub3A_388 : i32
      %lt3A_390 = arith.constant 125 : i32
      %lt3A_391 = arith.cmpi slt, %sub3A_389, %lt3A_390 : i32
      %convert_element_type3A_392 = arith.extui %lt3A_391 : i1 to i32
      %cond3A_393 = arith.constant 0 : i32
      %cond3A_394 = arith.cmpi ne, %convert_element_type3A_392, %cond3A_393 : i32
      scf.if %cond3A_394 {
        %dma_wait3A_395 = arith.constant 0 : i32
        %dma_wait3A_396 = arith.constant 0 : i32
        %dma_wait3A_397 = tpu.memref_slice %arg2[%dma_wait3A_395, %dma_wait3A_396] : memref<20000x128xf32, #tpu.memory_space<hbm>> -> memref<20000x128xf32, #tpu.memory_space<hbm>>
        tpu.wait_indirect_dma semaphore(%arg24 : memref<!tpu.dma_semaphore, #tpu.memory_space<semaphore_mem>>) src(%dma_wait3A_397 : memref<20000x128xf32, #tpu.memory_space<hbm>>) dst(%arg15 : memref<80x128xf32, #tpu.memory_space<vmem>>)
        %dma_start3A_398 = arith.constant 0 : i32
        %dma_start3A_399 = arith.constant 0 : i32
        %dma_start3A_400 = tpu.memref_slice %arg19[%dma_start3A_398, %dma_start3A_399] : memref<10000x128xf32, #tpu.memory_space<vmem_shared>> -> memref<10000x128xf32, #tpu.memory_space<vmem_shared>>
        tpu.enqueue_indirect_dma source(%arg15 : memref<80x128xf32, #tpu.memory_space<vmem>>) target(%dma_start3A_400 : memref<10000x128xf32, #tpu.memory_space<vmem_shared>>) offsets(%arg11 : memref<80xi32, #tpu.memory_space<vmem>>) semaphore(%arg28 : memref<!tpu.dma_semaphore, #tpu.memory_space<semaphore_mem>>) {add = true}
      } else {
      }
    }
    %scan3A_251 = arith.constant 32 : i32
    %barrier3A_252 = arith.constant 0 : index
    tpu.barrier barrier_id(%barrier3A_252)
    %lt3A_253 = arith.constant 15 : i32
    %lt3A_254 = arith.cmpi slt, %arg1, %lt3A_253 : i32
    %convert_element_type3A_255 = arith.extui %lt3A_254 : i1 to i32
    %cond3A_256 = arith.constant 0 : i32
    %cond3A_257 = arith.cmpi ne, %convert_element_type3A_255, %cond3A_256 : i32
    scf.if %cond3A_257 {
      %add3A_263 = arith.addi %mul3A_0, %mul3A_2 : i32
      "tpu.region"() ({
        %run_scoped3A = tpu.sem_alloc : memref<!tpu.dma_semaphore, #tpu.memory_space<semaphore_mem>>
        %dma_start3A_264 = arith.constant 0 : i32
        %dma_start3A_265 = tpu.memref_slice %arg6[%add3A_263, %dma_start3A_264] : memref<20000x128xf32, #tpu.memory_space<hbm>> -> memref<640x128xf32, #tpu.memory_space<hbm>>
        %dma_start3A_266 = arith.constant 0 : i32
        %dma_start3A_267 = tpu.memref_slice %arg19[%mul3A_2, %dma_start3A_266] : memref<10000x128xf32, #tpu.memory_space<vmem_shared>> -> memref<640x128xf32, #tpu.memory_space<vmem_shared>>
        tpu.enqueue_dma source(%dma_start3A_267 : memref<640x128xf32, #tpu.memory_space<vmem_shared>>) target(%dma_start3A_265 : memref<640x128xf32, #tpu.memory_space<hbm>>) target_semaphore(%run_scoped3A : memref<!tpu.dma_semaphore, #tpu.memory_space<semaphore_mem>>)
        %dma_wait3A_268 = arith.constant 0 : i32
        %dma_wait3A_269 = tpu.memref_slice %arg6[%add3A_263, %dma_wait3A_268] : memref<20000x128xf32, #tpu.memory_space<hbm>> -> memref<640x128xf32, #tpu.memory_space<hbm>>
        %dma_wait3A_270 = arith.constant 0 : i32
        %dma_wait3A_271 = tpu.memref_slice %arg19[%mul3A_2, %dma_wait3A_270] : memref<10000x128xf32, #tpu.memory_space<vmem_shared>> -> memref<640x128xf32, #tpu.memory_space<vmem_shared>>
        tpu.wait_dma2 semaphore(%run_scoped3A : memref<!tpu.dma_semaphore, #tpu.memory_space<semaphore_mem>>) src(%dma_wait3A_271 : memref<640x128xf32, #tpu.memory_space<vmem_shared>>) dst(%dma_wait3A_269 : memref<640x128xf32, #tpu.memory_space<hbm>>)
        tpu.yield
      }) : () -> ()
    } else {
    }
    %eq3A_258 = arith.constant 15 : i32
    %eq3A_259 = arith.cmpi eq, %arg1, %eq3A_258 : i32
    %convert_element_type3A_260 = arith.extui %eq3A_259 : i1 to i32
    %cond3A_261 = arith.constant 0 : i32
    %cond3A_262 = arith.cmpi ne, %convert_element_type3A_260, %cond3A_261 : i32
    scf.if %cond3A_262 {
      %add3A_263 = arith.addi %mul3A_0, %mul3A_2 : i32
      "tpu.region"() ({
        %run_scoped3A = tpu.sem_alloc : memref<!tpu.dma_semaphore, #tpu.memory_space<semaphore_mem>>
        %dma_start3A_264 = arith.constant 0 : i32
        %dma_start3A_265 = tpu.memref_slice %arg6[%add3A_263, %dma_start3A_264] : memref<20000x128xf32, #tpu.memory_space<hbm>> -> memref<400x128xf32, #tpu.memory_space<hbm>>
        %dma_start3A_266 = arith.constant 0 : i32
        %dma_start3A_267 = tpu.memref_slice %arg19[%mul3A_2, %dma_start3A_266] : memref<10000x128xf32, #tpu.memory_space<vmem_shared>> -> memref<400x128xf32, #tpu.memory_space<vmem_shared>>
        tpu.enqueue_dma source(%dma_start3A_267 : memref<400x128xf32, #tpu.memory_space<vmem_shared>>) target(%dma_start3A_265 : memref<400x128xf32, #tpu.memory_space<hbm>>) target_semaphore(%run_scoped3A : memref<!tpu.dma_semaphore, #tpu.memory_space<semaphore_mem>>)
        %dma_wait3A_268 = arith.constant 0 : i32
        %dma_wait3A_269 = tpu.memref_slice %arg6[%add3A_263, %dma_wait3A_268] : memref<20000x128xf32, #tpu.memory_space<hbm>> -> memref<400x128xf32, #tpu.memory_space<hbm>>
        %dma_wait3A_270 = arith.constant 0 : i32
        %dma_wait3A_271 = tpu.memref_slice %arg19[%mul3A_2, %dma_wait3A_270] : memref<10000x128xf32, #tpu.memory_space<vmem_shared>> -> memref<400x128xf32, #tpu.memory_space<vmem_shared>>
        tpu.wait_dma2 semaphore(%run_scoped3A : memref<!tpu.dma_semaphore, #tpu.memory_space<semaphore_mem>>) src(%dma_wait3A_271 : memref<400x128xf32, #tpu.memory_space<vmem_shared>>) dst(%dma_wait3A_269 : memref<400x128xf32, #tpu.memory_space<hbm>>)
        tpu.yield
      }) : () -> ()
    } else {
    }
    return
  }
}

#map = affine_map<(d0, d1) -> (0, 0)>
#map1 = affine_map<(d0, d1) -> (0)>
module attributes {stable_mosaic.version = 14 : i64} {
  func.func @_sc_scatter_body(%arg0: i32, %arg1: i32, %arg2: memref<20000x128xf32, #tpu.memory_space<hbm>>, %arg3: memref<160000xi32, #tpu.memory_space<hbm>>, %arg4: memref<160000xi32, #tpu.memory_space<hbm>>, %arg5: memref<640x128xf32, #tpu.memory_space<hbm>>, %arg6: memref<20000x128xf32, #tpu.memory_space<hbm>>, %arg7: memref<80xi32, #tpu.memory_space<vmem>>, %arg8: memref<80xi32, #tpu.memory_space<vmem>>, %arg9: memref<80xi32, #tpu.memory_space<vmem>>, %arg10: memref<80xi32, #tpu.memory_space<vmem>>, %arg11: memref<80xi32, #tpu.memory_space<vmem>>, %arg12: memref<80xi32, #tpu.memory_space<vmem>>, %arg13: memref<80xi32, #tpu.memory_space<vmem>>, %arg14: memref<80xi32, #tpu.memory_space<vmem>>, %arg15: memref<80x128xf32, #tpu.memory_space<vmem>>, %arg16: memref<80x128xf32, #tpu.memory_space<vmem>>, %arg17: memref<80x128xf32, #tpu.memory_space<vmem>>, %arg18: memref<80x128xf32, #tpu.memory_space<vmem>>, %arg19: memref<10000x128xf32, #tpu.memory_space<vmem_shared>>, %arg20: memref<!tpu.dma_semaphore, #tpu.memory_space<semaphore_mem>>, %arg21: memref<!tpu.dma_semaphore, #tpu.memory_space<semaphore_mem>>, %arg22: memref<!tpu.dma_semaphore, #tpu.memory_space<semaphore_mem>>, %arg23: memref<!tpu.dma_semaphore, #tpu.memory_space<semaphore_mem>>, %arg24: memref<!tpu.dma_semaphore, #tpu.memory_space<semaphore_mem>>, %arg25: memref<!tpu.dma_semaphore, #tpu.memory_space<semaphore_mem>>, %arg26: memref<!tpu.dma_semaphore, #tpu.memory_space<semaphore_mem>>, %arg27: memref<!tpu.dma_semaphore, #tpu.memory_space<semaphore_mem>>, %arg28: memref<!tpu.dma_semaphore, #tpu.memory_space<semaphore_mem>>, %arg29: memref<!tpu.dma_semaphore, #tpu.memory_space<semaphore_mem>>, %arg30: memref<!tpu.dma_semaphore, #tpu.memory_space<semaphore_mem>>, %arg31: memref<!tpu.dma_semaphore, #tpu.memory_space<semaphore_mem>>, %arg32: memref<!tpu.dma_semaphore, #tpu.memory_space<semaphore_mem>>) attributes {dimension_semantics = [#tpu.dimension_semantics<core_parallel>, #tpu.dimension_semantics<subcore_parallel>], iteration_bounds = array<i64: 2, 16>, scalar_prefetch = 0 : i64, scratch_operands = 26 : i64, tpu.core_type = #tpu.core_type<sc_vector_subcore>, window_params = [{transform_indices = #map}, {transform_indices = #map1}, {transform_indices = #map1}, {transform_indices = #map}, {transform_indices = #map}]} {
    %mul3A = arith.constant 10000 : i32
    %mul3A_0 = arith.muli %arg0, %mul3A : i32
    %mul3A_1 = arith.constant 640 : i32
    %mul3A_2 = arith.muli %arg1, %mul3A_1 : i32
    %lt3A = arith.constant 15 : i32
    %lt3A_3 = arith.cmpi slt, %arg1, %lt3A : i32
    %convert_element_type3A = arith.extui %lt3A_3 : i1 to i32
    %cond3A = arith.constant 0 : i32
    %cond3A_4 = arith.cmpi ne, %convert_element_type3A, %cond3A : i32
    scf.if %cond3A_4 {
      %dma_start3A_263 = arith.constant 0 : i32
      %dma_start3A_264 = tpu.memref_slice %arg19[%mul3A_2, %dma_start3A_263] : memref<10000x128xf32, #tpu.memory_space<vmem_shared>> -> memref<640x128xf32, #tpu.memory_space<vmem_shared>>
      tpu.enqueue_dma source(%arg5 : memref<640x128xf32, #tpu.memory_space<hbm>>) target(%dma_start3A_264 : memref<640x128xf32, #tpu.memory_space<vmem_shared>>) target_semaphore(%arg32 : memref<!tpu.dma_semaphore, #tpu.memory_space<semaphore_mem>>)
    } else {
    }
    %eq3A = arith.constant 15 : i32
    %eq3A_5 = arith.cmpi eq, %arg1, %eq3A : i32
    %convert_element_type3A_6 = arith.extui %eq3A_5 : i1 to i32
    %cond3A_7 = arith.constant 0 : i32
    %cond3A_8 = arith.cmpi ne, %convert_element_type3A_6, %cond3A_7 : i32
    scf.if %cond3A_8 {
      %dma_start3A_263 = arith.constant 0 : i32
      %dma_start3A_264 = tpu.memref_slice %arg19[%mul3A_2, %dma_start3A_263] : memref<10000x128xf32, #tpu.memory_space<vmem_shared>> -> memref<400x128xf32, #tpu.memory_space<vmem_shared>>
      %dma_start3A_265 = arith.constant 0 : i32
      %dma_start3A_266 = arith.constant 0 : i32
      %dma_start3A_267 = tpu.memref_slice %arg5[%dma_start3A_265, %dma_start3A_266] : memref<640x128xf32, #tpu.memory_space<hbm>> -> memref<400x128xf32, #tpu.memory_space<hbm>>
      tpu.enqueue_dma source(%dma_start3A_267 : memref<400x128xf32, #tpu.memory_space<hbm>>) target(%dma_start3A_264 : memref<400x128xf32, #tpu.memory_space<vmem_shared>>) target_semaphore(%arg32 : memref<!tpu.dma_semaphore, #tpu.memory_space<semaphore_mem>>)
    } else {
    }
    %add3A = arith.constant 0 : i32
    %add3A_9 = arith.addi %arg1, %add3A : i32
    %mul3A_10 = arith.constant 80 : i32
    %mul3A_11 = arith.muli %add3A_9, %mul3A_10 : i32
    %dma_start3A = tpu.memref_slice %arg3[%mul3A_11] : memref<160000xi32, #tpu.memory_space<hbm>> -> memref<80xi32, #tpu.memory_space<hbm>>
    %dma_start3A_12 = tpu.memref_slice %arg3[%mul3A_11] : memref<160000xi32, #tpu.memory_space<hbm>> -> memref<80xi32, #tpu.memory_space<hbm>>
    tpu.enqueue_dma source(%dma_start3A_12 : memref<80xi32, #tpu.memory_space<hbm>>) target(%arg7 : memref<80xi32, #tpu.memory_space<vmem>>) target_semaphore(%arg20 : memref<!tpu.dma_semaphore, #tpu.memory_space<semaphore_mem>>)
    %add3A_13 = arith.constant 0 : i32
    %add3A_14 = arith.addi %arg1, %add3A_13 : i32
    %mul3A_15 = arith.constant 80 : i32
    %mul3A_16 = arith.muli %add3A_14, %mul3A_15 : i32
    %dma_start3A_17 = tpu.memref_slice %arg4[%mul3A_16] : memref<160000xi32, #tpu.memory_space<hbm>> -> memref<80xi32, #tpu.memory_space<hbm>>
    %dma_start3A_18 = tpu.memref_slice %arg4[%mul3A_16] : memref<160000xi32, #tpu.memory_space<hbm>> -> memref<80xi32, #tpu.memory_space<hbm>>
    tpu.enqueue_dma source(%dma_start3A_18 : memref<80xi32, #tpu.memory_space<hbm>>) target(%arg11 : memref<80xi32, #tpu.memory_space<vmem>>) target_semaphore(%arg20 : memref<!tpu.dma_semaphore, #tpu.memory_space<semaphore_mem>>)
    %add3A_19 = arith.constant 16 : i32
    %add3A_20 = arith.addi %arg1, %add3A_19 : i32
    %mul3A_21 = arith.constant 80 : i32
    %mul3A_22 = arith.muli %add3A_20, %mul3A_21 : i32
    %dma_start3A_23 = tpu.memref_slice %arg3[%mul3A_22] : memref<160000xi32, #tpu.memory_space<hbm>> -> memref<80xi32, #tpu.memory_space<hbm>>
    %dma_start3A_24 = tpu.memref_slice %arg3[%mul3A_22] : memref<160000xi32, #tpu.memory_space<hbm>> -> memref<80xi32, #tpu.memory_space<hbm>>
    tpu.enqueue_dma source(%dma_start3A_24 : memref<80xi32, #tpu.memory_space<hbm>>) target(%arg8 : memref<80xi32, #tpu.memory_space<vmem>>) target_semaphore(%arg21 : memref<!tpu.dma_semaphore, #tpu.memory_space<semaphore_mem>>)
    %add3A_25 = arith.constant 16 : i32
    %add3A_26 = arith.addi %arg1, %add3A_25 : i32
    %mul3A_27 = arith.constant 80 : i32
    %mul3A_28 = arith.muli %add3A_26, %mul3A_27 : i32
    %dma_start3A_29 = tpu.memref_slice %arg4[%mul3A_28] : memref<160000xi32, #tpu.memory_space<hbm>> -> memref<80xi32, #tpu.memory_space<hbm>>
    %dma_start3A_30 = tpu.memref_slice %arg4[%mul3A_28] : memref<160000xi32, #tpu.memory_space<hbm>> -> memref<80xi32, #tpu.memory_space<hbm>>
    tpu.enqueue_dma source(%dma_start3A_30 : memref<80xi32, #tpu.memory_space<hbm>>) target(%arg12 : memref<80xi32, #tpu.memory_space<vmem>>) target_semaphore(%arg21 : memref<!tpu.dma_semaphore, #tpu.memory_space<semaphore_mem>>)
    %add3A_31 = arith.constant 0 : i32
    %add3A_32 = arith.addi %arg1, %add3A_31 : i32
    %mul3A_33 = arith.constant 80 : i32
    %mul3A_34 = arith.muli %add3A_32, %mul3A_33 : i32
    %dma_wait3A = tpu.memref_slice %arg3[%mul3A_34] : memref<160000xi32, #tpu.memory_space<hbm>> -> memref<80xi32, #tpu.memory_space<hbm>>
    %dma_wait3A_35 = tpu.memref_slice %arg3[%mul3A_34] : memref<160000xi32, #tpu.memory_space<hbm>> -> memref<80xi32, #tpu.memory_space<hbm>>
    tpu.wait_dma2 semaphore(%arg20 : memref<!tpu.dma_semaphore, #tpu.memory_space<semaphore_mem>>) src(%dma_wait3A_35 : memref<80xi32, #tpu.memory_space<hbm>>) dst(%arg7 : memref<80xi32, #tpu.memory_space<vmem>>)
    %add3A_36 = arith.constant 0 : i32
    %add3A_37 = arith.addi %arg1, %add3A_36 : i32
    %mul3A_38 = arith.constant 80 : i32
    %mul3A_39 = arith.muli %add3A_37, %mul3A_38 : i32
    %dma_wait3A_40 = tpu.memref_slice %arg4[%mul3A_39] : memref<160000xi32, #tpu.memory_space<hbm>> -> memref<80xi32, #tpu.memory_space<hbm>>
    %dma_wait3A_41 = tpu.memref_slice %arg4[%mul3A_39] : memref<160000xi32, #tpu.memory_space<hbm>> -> memref<80xi32, #tpu.memory_space<hbm>>
    tpu.wait_dma2 semaphore(%arg20 : memref<!tpu.dma_semaphore, #tpu.memory_space<semaphore_mem>>) src(%dma_wait3A_41 : memref<80xi32, #tpu.memory_space<hbm>>) dst(%arg11 : memref<80xi32, #tpu.memory_space<vmem>>)
    %get3A = arith.constant 0 : index
    %get3A_42 = tpu.vector_load %arg7[%get3A] {strides = array<i32>} : memref<80xi32, #tpu.memory_space<vmem>>, vector<16xi32>,
    %get3A_43 = vector.shape_cast %get3A_42 : vector<16xi32> to vector<16xi32>
    %add3A_44 = vector.broadcast %mul3A_0 : i32 to vector<16xi32>
    %add3A_45 = arith.addi %get3A_43, %add3A_44 : vector<16xi32>
    %swap3A = arith.constant 0 : index
    %swap3A_46 = tpu.vector_load %arg7[%swap3A] {strides = array<i32>} : memref<80xi32, #tpu.memory_space<vmem>>, vector<16xi32>,
    %swap3A_47 = vector.shape_cast %swap3A_46 : vector<16xi32> to vector<16xi32>
    %swap3A_48 = vector.shape_cast %add3A_45 : vector<16xi32> to vector<16xi32>
    tpu.vector_store %arg7[%swap3A], %swap3A_48 {strides = array<i32>} : memref<80xi32, #tpu.memory_space<vmem>>, vector<16xi32>,
    %get3A_49 = arith.constant 16 : index
    %get3A_50 = tpu.vector_load %arg7[%get3A_49] {strides = array<i32>} : memref<80xi32, #tpu.memory_space<vmem>>, vector<16xi32>,
    %get3A_51 = vector.shape_cast %get3A_50 : vector<16xi32> to vector<16xi32>
    %add3A_52 = vector.broadcast %mul3A_0 : i32 to vector<16xi32>
    %add3A_53 = arith.addi %get3A_51, %add3A_52 : vector<16xi32>
    %swap3A_54 = arith.constant 16 : index
    %swap3A_55 = tpu.vector_load %arg7[%swap3A_54] {strides = array<i32>} : memref<80xi32, #tpu.memory_space<vmem>>, vector<16xi32>,
    %swap3A_56 = vector.shape_cast %swap3A_55 : vector<16xi32> to vector<16xi32>
    %swap3A_57 = vector.shape_cast %add3A_53 : vector<16xi32> to vector<16xi32>
    tpu.vector_store %arg7[%swap3A_54], %swap3A_57 {strides = array<i32>} : memref<80xi32, #tpu.memory_space<vmem>>, vector<16xi32>,
    %get3A_58 = arith.constant 32 : index
    %get3A_59 = tpu.vector_load %arg7[%get3A_58] {strides = array<i32>} : memref<80xi32, #tpu.memory_space<vmem>>, vector<16xi32>,
    %get3A_60 = vector.shape_cast %get3A_59 : vector<16xi32> to vector<16xi32>
    %add3A_61 = vector.broadcast %mul3A_0 : i32 to vector<16xi32>
    %add3A_62 = arith.addi %get3A_60, %add3A_61 : vector<16xi32>
    %swap3A_63 = arith.constant 32 : index
    %swap3A_64 = tpu.vector_load %arg7[%swap3A_63] {strides = array<i32>} : memref<80xi32, #tpu.memory_space<vmem>>, vector<16xi32>,
    %swap3A_65 = vector.shape_cast %swap3A_64 : vector<16xi32> to vector<16xi32>
    %swap3A_66 = vector.shape_cast %add3A_62 : vector<16xi32> to vector<16xi32>
    tpu.vector_store %arg7[%swap3A_63], %swap3A_66 {strides = array<i32>} : memref<80xi32, #tpu.memory_space<vmem>>, vector<16xi32>,
    %get3A_67 = arith.constant 48 : index
    %get3A_68 = tpu.vector_load %arg7[%get3A_67] {strides = array<i32>} : memref<80xi32, #tpu.memory_space<vmem>>, vector<16xi32>,
    %get3A_69 = vector.shape_cast %get3A_68 : vector<16xi32> to vector<16xi32>
    %add3A_70 = vector.broadcast %mul3A_0 : i32 to vector<16xi32>
    %add3A_71 = arith.addi %get3A_69, %add3A_70 : vector<16xi32>
    %swap3A_72 = arith.constant 48 : index
    %swap3A_73 = tpu.vector_load %arg7[%swap3A_72] {strides = array<i32>} : memref<80xi32, #tpu.memory_space<vmem>>, vector<16xi32>,
    %swap3A_74 = vector.shape_cast %swap3A_73 : vector<16xi32> to vector<16xi32>
    %swap3A_75 = vector.shape_cast %add3A_71 : vector<16xi32> to vector<16xi32>
    tpu.vector_store %arg7[%swap3A_72], %swap3A_75 {strides = array<i32>} : memref<80xi32, #tpu.memory_space<vmem>>, vector<16xi32>,
    %get3A_76 = arith.constant 64 : index
    %get3A_77 = tpu.vector_load %arg7[%get3A_76] {strides = array<i32>} : memref<80xi32, #tpu.memory_space<vmem>>, vector<16xi32>,
    %get3A_78 = vector.shape_cast %get3A_77 : vector<16xi32> to vector<16xi32>
    %add3A_79 = vector.broadcast %mul3A_0 : i32 to vector<16xi32>
    %add3A_80 = arith.addi %get3A_78, %add3A_79 : vector<16xi32>
    %swap3A_81 = arith.constant 64 : index
    %swap3A_82 = tpu.vector_load %arg7[%swap3A_81] {strides = array<i32>} : memref<80xi32, #tpu.memory_space<vmem>>, vector<16xi32>,
    %swap3A_83 = vector.shape_cast %swap3A_82 : vector<16xi32> to vector<16xi32>
    %swap3A_84 = vector.shape_cast %add3A_80 : vector<16xi32> to vector<16xi32>
    tpu.vector_store %arg7[%swap3A_81], %swap3A_84 {strides = array<i32>} : memref<80xi32, #tpu.memory_space<vmem>>, vector<16xi32>,
    %dma_start3A_85 = arith.constant 0 : i32
    %dma_start3A_86 = arith.constant 0 : i32
    %dma_start3A_87 = tpu.memref_slice %arg2[%dma_start3A_85, %dma_start3A_86] : memref<20000x128xf32, #tpu.memory_space<hbm>> -> memref<20000x128xf32, #tpu.memory_space<hbm>>
    tpu.enqueue_indirect_dma source(%dma_start3A_87 : memref<20000x128xf32, #tpu.memory_space<hbm>>) target(%arg15 : memref<80x128xf32, #tpu.memory_space<vmem>>) offsets(%arg7 : memref<80xi32, #tpu.memory_space<vmem>>) semaphore(%arg24 : memref<!tpu.dma_semaphore, #tpu.memory_space<semaphore_mem>>)
    %add3A_88 = arith.constant 32 : i32
    %add3A_89 = arith.addi %arg1, %add3A_88 : i32
    %mul3A_90 = arith.constant 80 : i32
    %mul3A_91 = arith.muli %add3A_89, %mul3A_90 : i32
    %dma_start3A_92 = tpu.memref_slice %arg3[%mul3A_91] : memref<160000xi32, #tpu.memory_space<hbm>> -> memref<80xi32, #tpu.memory_space<hbm>>
    %dma_start3A_93 = tpu.memref_slice %arg3[%mul3A_91] : memref<160000xi32, #tpu.memory_space<hbm>> -> memref<80xi32, #tpu.memory_space<hbm>>
    tpu.enqueue_dma source(%dma_start3A_93 : memref<80xi32, #tpu.memory_space<hbm>>) target(%arg9 : memref<80xi32, #tpu.memory_space<vmem>>) target_semaphore(%arg22 : memref<!tpu.dma_semaphore, #tpu.memory_space<semaphore_mem>>)
    %add3A_94 = arith.constant 32 : i32
    %add3A_95 = arith.addi %arg1, %add3A_94 : i32
    %mul3A_96 = arith.constant 80 : i32
    %mul3A_97 = arith.muli %add3A_95, %mul3A_96 : i32
    %dma_start3A_98 = tpu.memref_slice %arg4[%mul3A_97] : memref<160000xi32, #tpu.memory_space<hbm>> -> memref<80xi32, #tpu.memory_space<hbm>>
    %dma_start3A_99 = tpu.memref_slice %arg4[%mul3A_97] : memref<160000xi32, #tpu.memory_space<hbm>> -> memref<80xi32, #tpu.memory_space<hbm>>
    tpu.enqueue_dma source(%dma_start3A_99 : memref<80xi32, #tpu.memory_space<hbm>>) target(%arg13 : memref<80xi32, #tpu.memory_space<vmem>>) target_semaphore(%arg22 : memref<!tpu.dma_semaphore, #tpu.memory_space<semaphore_mem>>)
    %add3A_100 = arith.constant 16 : i32
    %add3A_101 = arith.addi %arg1, %add3A_100 : i32
    %mul3A_102 = arith.constant 80 : i32
    %mul3A_103 = arith.muli %add3A_101, %mul3A_102 : i32
    %dma_wait3A_104 = tpu.memref_slice %arg3[%mul3A_103] : memref<160000xi32, #tpu.memory_space<hbm>> -> memref<80xi32, #tpu.memory_space<hbm>>
    %dma_wait3A_105 = tpu.memref_slice %arg3[%mul3A_103] : memref<160000xi32, #tpu.memory_space<hbm>> -> memref<80xi32, #tpu.memory_space<hbm>>
    tpu.wait_dma2 semaphore(%arg21 : memref<!tpu.dma_semaphore, #tpu.memory_space<semaphore_mem>>) src(%dma_wait3A_105 : memref<80xi32, #tpu.memory_space<hbm>>) dst(%arg8 : memref<80xi32, #tpu.memory_space<vmem>>)
    %add3A_106 = arith.constant 16 : i32
    %add3A_107 = arith.addi %arg1, %add3A_106 : i32
    %mul3A_108 = arith.constant 80 : i32
    %mul3A_109 = arith.muli %add3A_107, %mul3A_108 : i32
    %dma_wait3A_110 = tpu.memref_slice %arg4[%mul3A_109] : memref<160000xi32, #tpu.memory_space<hbm>> -> memref<80xi32, #tpu.memory_space<hbm>>
    %dma_wait3A_111 = tpu.memref_slice %arg4[%mul3A_109] : memref<160000xi32, #tpu.memory_space<hbm>> -> memref<80xi32, #tpu.memory_space<hbm>>
    tpu.wait_dma2 semaphore(%arg21 : memref<!tpu.dma_semaphore, #tpu.memory_space<semaphore_mem>>) src(%dma_wait3A_111 : memref<80xi32, #tpu.memory_space<hbm>>) dst(%arg12 : memref<80xi32, #tpu.memory_space<vmem>>)
    %get3A_112 = arith.constant 0 : index
    %get3A_113 = tpu.vector_load %arg8[%get3A_112] {strides = array<i32>} : memref<80xi32, #tpu.memory_space<vmem>>, vector<16xi32>,
    %get3A_114 = vector.shape_cast %get3A_113 : vector<16xi32> to vector<16xi32>
    %add3A_115 = vector.broadcast %mul3A_0 : i32 to vector<16xi32>
    %add3A_116 = arith.addi %get3A_114, %add3A_115 : vector<16xi32>
    %swap3A_117 = arith.constant 0 : index
    %swap3A_118 = tpu.vector_load %arg8[%swap3A_117] {strides = array<i32>} : memref<80xi32, #tpu.memory_space<vmem>>, vector<16xi32>,
    %swap3A_119 = vector.shape_cast %swap3A_118 : vector<16xi32> to vector<16xi32>
    %swap3A_120 = vector.shape_cast %add3A_116 : vector<16xi32> to vector<16xi32>
    tpu.vector_store %arg8[%swap3A_117], %swap3A_120 {strides = array<i32>} : memref<80xi32, #tpu.memory_space<vmem>>, vector<16xi32>,
    %get3A_121 = arith.constant 16 : index
    %get3A_122 = tpu.vector_load %arg8[%get3A_121] {strides = array<i32>} : memref<80xi32, #tpu.memory_space<vmem>>, vector<16xi32>,
    %get3A_123 = vector.shape_cast %get3A_122 : vector<16xi32> to vector<16xi32>
    %add3A_124 = vector.broadcast %mul3A_0 : i32 to vector<16xi32>
    %add3A_125 = arith.addi %get3A_123, %add3A_124 : vector<16xi32>
    %swap3A_126 = arith.constant 16 : index
    %swap3A_127 = tpu.vector_load %arg8[%swap3A_126] {strides = array<i32>} : memref<80xi32, #tpu.memory_space<vmem>>, vector<16xi32>,
    %swap3A_128 = vector.shape_cast %swap3A_127 : vector<16xi32> to vector<16xi32>
    %swap3A_129 = vector.shape_cast %add3A_125 : vector<16xi32> to vector<16xi32>
    tpu.vector_store %arg8[%swap3A_126], %swap3A_129 {strides = array<i32>} : memref<80xi32, #tpu.memory_space<vmem>>, vector<16xi32>,
    %get3A_130 = arith.constant 32 : index
    %get3A_131 = tpu.vector_load %arg8[%get3A_130] {strides = array<i32>} : memref<80xi32, #tpu.memory_space<vmem>>, vector<16xi32>,
    %get3A_132 = vector.shape_cast %get3A_131 : vector<16xi32> to vector<16xi32>
    %add3A_133 = vector.broadcast %mul3A_0 : i32 to vector<16xi32>
    %add3A_134 = arith.addi %get3A_132, %add3A_133 : vector<16xi32>
    %swap3A_135 = arith.constant 32 : index
    %swap3A_136 = tpu.vector_load %arg8[%swap3A_135] {strides = array<i32>} : memref<80xi32, #tpu.memory_space<vmem>>, vector<16xi32>,
    %swap3A_137 = vector.shape_cast %swap3A_136 : vector<16xi32> to vector<16xi32>
    %swap3A_138 = vector.shape_cast %add3A_134 : vector<16xi32> to vector<16xi32>
    tpu.vector_store %arg8[%swap3A_135], %swap3A_138 {strides = array<i32>} : memref<80xi32, #tpu.memory_space<vmem>>, vector<16xi32>,
    %get3A_139 = arith.constant 48 : index
    %get3A_140 = tpu.vector_load %arg8[%get3A_139] {strides = array<i32>} : memref<80xi32, #tpu.memory_space<vmem>>, vector<16xi32>,
    %get3A_141 = vector.shape_cast %get3A_140 : vector<16xi32> to vector<16xi32>
    %add3A_142 = vector.broadcast %mul3A_0 : i32 to vector<16xi32>
    %add3A_143 = arith.addi %get3A_141, %add3A_142 : vector<16xi32>
    %swap3A_144 = arith.constant 48 : index
    %swap3A_145 = tpu.vector_load %arg8[%swap3A_144] {strides = array<i32>} : memref<80xi32, #tpu.memory_space<vmem>>, vector<16xi32>,
    %swap3A_146 = vector.shape_cast %swap3A_145 : vector<16xi32> to vector<16xi32>
    %swap3A_147 = vector.shape_cast %add3A_143 : vector<16xi32> to vector<16xi32>
    tpu.vector_store %arg8[%swap3A_144], %swap3A_147 {strides = array<i32>} : memref<80xi32, #tpu.memory_space<vmem>>, vector<16xi32>,
    %get3A_148 = arith.constant 64 : index
    %get3A_149 = tpu.vector_load %arg8[%get3A_148] {strides = array<i32>} : memref<80xi32, #tpu.memory_space<vmem>>, vector<16xi32>,
    %get3A_150 = vector.shape_cast %get3A_149 : vector<16xi32> to vector<16xi32>
    %add3A_151 = vector.broadcast %mul3A_0 : i32 to vector<16xi32>
    %add3A_152 = arith.addi %get3A_150, %add3A_151 : vector<16xi32>
    %swap3A_153 = arith.constant 64 : index
    %swap3A_154 = tpu.vector_load %arg8[%swap3A_153] {strides = array<i32>} : memref<80xi32, #tpu.memory_space<vmem>>, vector<16xi32>,
    %swap3A_155 = vector.shape_cast %swap3A_154 : vector<16xi32> to vector<16xi32>
    %swap3A_156 = vector.shape_cast %add3A_152 : vector<16xi32> to vector<16xi32>
    tpu.vector_store %arg8[%swap3A_153], %swap3A_156 {strides = array<i32>} : memref<80xi32, #tpu.memory_space<vmem>>, vector<16xi32>,
    %dma_start3A_157 = arith.constant 0 : i32
    %dma_start3A_158 = arith.constant 0 : i32
    %dma_start3A_159 = tpu.memref_slice %arg2[%dma_start3A_157, %dma_start3A_158] : memref<20000x128xf32, #tpu.memory_space<hbm>> -> memref<20000x128xf32, #tpu.memory_space<hbm>>
    tpu.enqueue_indirect_dma source(%dma_start3A_159 : memref<20000x128xf32, #tpu.memory_space<hbm>>) target(%arg16 : memref<80x128xf32, #tpu.memory_space<vmem>>) offsets(%arg8 : memref<80xi32, #tpu.memory_space<vmem>>) semaphore(%arg25 : memref<!tpu.dma_semaphore, #tpu.memory_space<semaphore_mem>>)
    %add3A_160 = arith.constant 48 : i32
    %add3A_161 = arith.addi %arg1, %add3A_160 : i32
    %mul3A_162 = arith.constant 80 : i32
    %mul3A_163 = arith.muli %add3A_161, %mul3A_162 : i32
    %dma_start3A_164 = tpu.memref_slice %arg3[%mul3A_163] : memref<160000xi32, #tpu.memory_space<hbm>> -> memref<80xi32, #tpu.memory_space<hbm>>
    %dma_start3A_165 = tpu.memref_slice %arg3[%mul3A_163] : memref<160000xi32, #tpu.memory_space<hbm>> -> memref<80xi32, #tpu.memory_space<hbm>>
    tpu.enqueue_dma source(%dma_start3A_165 : memref<80xi32, #tpu.memory_space<hbm>>) target(%arg10 : memref<80xi32, #tpu.memory_space<vmem>>) target_semaphore(%arg23 : memref<!tpu.dma_semaphore, #tpu.memory_space<semaphore_mem>>)
    %add3A_166 = arith.constant 48 : i32
    %add3A_167 = arith.addi %arg1, %add3A_166 : i32
    %mul3A_168 = arith.constant 80 : i32
    %mul3A_169 = arith.muli %add3A_167, %mul3A_168 : i32
    %dma_start3A_170 = tpu.memref_slice %arg4[%mul3A_169] : memref<160000xi32, #tpu.memory_space<hbm>> -> memref<80xi32, #tpu.memory_space<hbm>>
    %dma_start3A_171 = tpu.memref_slice %arg4[%mul3A_169] : memref<160000xi32, #tpu.memory_space<hbm>> -> memref<80xi32, #tpu.memory_space<hbm>>
    tpu.enqueue_dma source(%dma_start3A_171 : memref<80xi32, #tpu.memory_space<hbm>>) target(%arg14 : memref<80xi32, #tpu.memory_space<vmem>>) target_semaphore(%arg23 : memref<!tpu.dma_semaphore, #tpu.memory_space<semaphore_mem>>)
    %add3A_172 = arith.constant 32 : i32
    %add3A_173 = arith.addi %arg1, %add3A_172 : i32
    %mul3A_174 = arith.constant 80 : i32
    %mul3A_175 = arith.muli %add3A_173, %mul3A_174 : i32
    %dma_wait3A_176 = tpu.memref_slice %arg3[%mul3A_175] : memref<160000xi32, #tpu.memory_space<hbm>> -> memref<80xi32, #tpu.memory_space<hbm>>
    %dma_wait3A_177 = tpu.memref_slice %arg3[%mul3A_175] : memref<160000xi32, #tpu.memory_space<hbm>> -> memref<80xi32, #tpu.memory_space<hbm>>
    tpu.wait_dma2 semaphore(%arg22 : memref<!tpu.dma_semaphore, #tpu.memory_space<semaphore_mem>>) src(%dma_wait3A_177 : memref<80xi32, #tpu.memory_space<hbm>>) dst(%arg9 : memref<80xi32, #tpu.memory_space<vmem>>)
    %add3A_178 = arith.constant 32 : i32
    %add3A_179 = arith.addi %arg1, %add3A_178 : i32
    %mul3A_180 = arith.constant 80 : i32
    %mul3A_181 = arith.muli %add3A_179, %mul3A_180 : i32
    %dma_wait3A_182 = tpu.memref_slice %arg4[%mul3A_181] : memref<160000xi32, #tpu.memory_space<hbm>> -> memref<80xi32, #tpu.memory_space<hbm>>
    %dma_wait3A_183 = tpu.memref_slice %arg4[%mul3A_181] : memref<160000xi32, #tpu.memory_space<hbm>> -> memref<80xi32, #tpu.memory_space<hbm>>
    tpu.wait_dma2 semaphore(%arg22 : memref<!tpu.dma_semaphore, #tpu.memory_space<semaphore_mem>>) src(%dma_wait3A_183 : memref<80xi32, #tpu.memory_space<hbm>>) dst(%arg13 : memref<80xi32, #tpu.memory_space<vmem>>)
    %get3A_184 = arith.constant 0 : index
    %get3A_185 = tpu.vector_load %arg9[%get3A_184] {strides = array<i32>} : memref<80xi32, #tpu.memory_space<vmem>>, vector<16xi32>,
    %get3A_186 = vector.shape_cast %get3A_185 : vector<16xi32> to vector<16xi32>
    %add3A_187 = vector.broadcast %mul3A_0 : i32 to vector<16xi32>
    %add3A_188 = arith.addi %get3A_186, %add3A_187 : vector<16xi32>
    %swap3A_189 = arith.constant 0 : index
    %swap3A_190 = tpu.vector_load %arg9[%swap3A_189] {strides = array<i32>} : memref<80xi32, #tpu.memory_space<vmem>>, vector<16xi32>,
    %swap3A_191 = vector.shape_cast %swap3A_190 : vector<16xi32> to vector<16xi32>
    %swap3A_192 = vector.shape_cast %add3A_188 : vector<16xi32> to vector<16xi32>
    tpu.vector_store %arg9[%swap3A_189], %swap3A_192 {strides = array<i32>} : memref<80xi32, #tpu.memory_space<vmem>>, vector<16xi32>,
    %get3A_193 = arith.constant 16 : index
    %get3A_194 = tpu.vector_load %arg9[%get3A_193] {strides = array<i32>} : memref<80xi32, #tpu.memory_space<vmem>>, vector<16xi32>,
    %get3A_195 = vector.shape_cast %get3A_194 : vector<16xi32> to vector<16xi32>
    %add3A_196 = vector.broadcast %mul3A_0 : i32 to vector<16xi32>
    %add3A_197 = arith.addi %get3A_195, %add3A_196 : vector<16xi32>
    %swap3A_198 = arith.constant 16 : index
    %swap3A_199 = tpu.vector_load %arg9[%swap3A_198] {strides = array<i32>} : memref<80xi32, #tpu.memory_space<vmem>>, vector<16xi32>,
    %swap3A_200 = vector.shape_cast %swap3A_199 : vector<16xi32> to vector<16xi32>
    %swap3A_201 = vector.shape_cast %add3A_197 : vector<16xi32> to vector<16xi32>
    tpu.vector_store %arg9[%swap3A_198], %swap3A_201 {strides = array<i32>} : memref<80xi32, #tpu.memory_space<vmem>>, vector<16xi32>,
    %get3A_202 = arith.constant 32 : index
    %get3A_203 = tpu.vector_load %arg9[%get3A_202] {strides = array<i32>} : memref<80xi32, #tpu.memory_space<vmem>>, vector<16xi32>,
    %get3A_204 = vector.shape_cast %get3A_203 : vector<16xi32> to vector<16xi32>
    %add3A_205 = vector.broadcast %mul3A_0 : i32 to vector<16xi32>
    %add3A_206 = arith.addi %get3A_204, %add3A_205 : vector<16xi32>
    %swap3A_207 = arith.constant 32 : index
    %swap3A_208 = tpu.vector_load %arg9[%swap3A_207] {strides = array<i32>} : memref<80xi32, #tpu.memory_space<vmem>>, vector<16xi32>,
    %swap3A_209 = vector.shape_cast %swap3A_208 : vector<16xi32> to vector<16xi32>
    %swap3A_210 = vector.shape_cast %add3A_206 : vector<16xi32> to vector<16xi32>
    tpu.vector_store %arg9[%swap3A_207], %swap3A_210 {strides = array<i32>} : memref<80xi32, #tpu.memory_space<vmem>>, vector<16xi32>,
    %get3A_211 = arith.constant 48 : index
    %get3A_212 = tpu.vector_load %arg9[%get3A_211] {strides = array<i32>} : memref<80xi32, #tpu.memory_space<vmem>>, vector<16xi32>,
    %get3A_213 = vector.shape_cast %get3A_212 : vector<16xi32> to vector<16xi32>
    %add3A_214 = vector.broadcast %mul3A_0 : i32 to vector<16xi32>
    %add3A_215 = arith.addi %get3A_213, %add3A_214 : vector<16xi32>
    %swap3A_216 = arith.constant 48 : index
    %swap3A_217 = tpu.vector_load %arg9[%swap3A_216] {strides = array<i32>} : memref<80xi32, #tpu.memory_space<vmem>>, vector<16xi32>,
    %swap3A_218 = vector.shape_cast %swap3A_217 : vector<16xi32> to vector<16xi32>
    %swap3A_219 = vector.shape_cast %add3A_215 : vector<16xi32> to vector<16xi32>
    tpu.vector_store %arg9[%swap3A_216], %swap3A_219 {strides = array<i32>} : memref<80xi32, #tpu.memory_space<vmem>>, vector<16xi32>,
    %get3A_220 = arith.constant 64 : index
    %get3A_221 = tpu.vector_load %arg9[%get3A_220] {strides = array<i32>} : memref<80xi32, #tpu.memory_space<vmem>>, vector<16xi32>,
    %get3A_222 = vector.shape_cast %get3A_221 : vector<16xi32> to vector<16xi32>
    %add3A_223 = vector.broadcast %mul3A_0 : i32 to vector<16xi32>
    %add3A_224 = arith.addi %get3A_222, %add3A_223 : vector<16xi32>
    %swap3A_225 = arith.constant 64 : index
    %swap3A_226 = tpu.vector_load %arg9[%swap3A_225] {strides = array<i32>} : memref<80xi32, #tpu.memory_space<vmem>>, vector<16xi32>,
    %swap3A_227 = vector.shape_cast %swap3A_226 : vector<16xi32> to vector<16xi32>
    %swap3A_228 = vector.shape_cast %add3A_224 : vector<16xi32> to vector<16xi32>
    tpu.vector_store %arg9[%swap3A_225], %swap3A_228 {strides = array<i32>} : memref<80xi32, #tpu.memory_space<vmem>>, vector<16xi32>,
    %dma_start3A_229 = arith.constant 0 : i32
    %dma_start3A_230 = arith.constant 0 : i32
    %dma_start3A_231 = tpu.memref_slice %arg2[%dma_start3A_229, %dma_start3A_230] : memref<20000x128xf32, #tpu.memory_space<hbm>> -> memref<20000x128xf32, #tpu.memory_space<hbm>>
    tpu.enqueue_indirect_dma source(%dma_start3A_231 : memref<20000x128xf32, #tpu.memory_space<hbm>>) target(%arg17 : memref<80x128xf32, #tpu.memory_space<vmem>>) offsets(%arg9 : memref<80xi32, #tpu.memory_space<vmem>>) semaphore(%arg26 : memref<!tpu.dma_semaphore, #tpu.memory_space<semaphore_mem>>)
    %lt3A_232 = arith.constant 15 : i32
    %lt3A_233 = arith.cmpi slt, %arg1, %lt3A_232 : i32
    %convert_element_type3A_234 = arith.extui %lt3A_233 : i1 to i32
    %cond3A_235 = arith.constant 0 : i32
    %cond3A_236 = arith.cmpi ne, %convert_element_type3A_234, %cond3A_235 : i32
    scf.if %cond3A_236 {
      %dma_wait3A_263 = arith.constant 0 : i32
      %dma_wait3A_264 = tpu.memref_slice %arg19[%mul3A_2, %dma_wait3A_263] : memref<10000x128xf32, #tpu.memory_space<vmem_shared>> -> memref<640x128xf32, #tpu.memory_space<vmem_shared>>
      tpu.wait_dma2 semaphore(%arg32 : memref<!tpu.dma_semaphore, #tpu.memory_space<semaphore_mem>>) src(%arg5 : memref<640x128xf32, #tpu.memory_space<hbm>>) dst(%dma_wait3A_264 : memref<640x128xf32, #tpu.memory_space<vmem_shared>>)
    } else {
    }
    %eq3A_237 = arith.constant 15 : i32
    %eq3A_238 = arith.cmpi eq, %arg1, %eq3A_237 : i32
    %convert_element_type3A_239 = arith.extui %eq3A_238 : i1 to i32
    %cond3A_240 = arith.constant 0 : i32
    %cond3A_241 = arith.cmpi ne, %convert_element_type3A_239, %cond3A_240 : i32
    scf.if %cond3A_241 {
      %dma_wait3A_263 = arith.constant 0 : i32
      %dma_wait3A_264 = tpu.memref_slice %arg19[%mul3A_2, %dma_wait3A_263] : memref<10000x128xf32, #tpu.memory_space<vmem_shared>> -> memref<400x128xf32, #tpu.memory_space<vmem_shared>>
      %dma_wait3A_265 = arith.constant 0 : i32
      %dma_wait3A_266 = arith.constant 0 : i32
      %dma_wait3A_267 = tpu.memref_slice %arg5[%dma_wait3A_265, %dma_wait3A_266] : memref<640x128xf32, #tpu.memory_space<hbm>> -> memref<400x128xf32, #tpu.memory_space<hbm>>
      tpu.wait_dma2 semaphore(%arg32 : memref<!tpu.dma_semaphore, #tpu.memory_space<semaphore_mem>>) src(%dma_wait3A_267 : memref<400x128xf32, #tpu.memory_space<hbm>>) dst(%dma_wait3A_264 : memref<400x128xf32, #tpu.memory_space<vmem_shared>>)
    } else {
    }
    %barrier3A = arith.constant 0 : index
    tpu.barrier barrier_id(%barrier3A)
    %dma_wait3A_242 = arith.constant 0 : i32
    %dma_wait3A_243 = arith.constant 0 : i32
    %dma_wait3A_244 = tpu.memref_slice %arg2[%dma_wait3A_242, %dma_wait3A_243] : memref<20000x128xf32, #tpu.memory_space<hbm>> -> memref<20000x128xf32, #tpu.memory_space<hbm>>
    tpu.wait_indirect_dma semaphore(%arg24 : memref<!tpu.dma_semaphore, #tpu.memory_space<semaphore_mem>>) src(%dma_wait3A_244 : memref<20000x128xf32, #tpu.memory_space<hbm>>) dst(%arg15 : memref<80x128xf32, #tpu.memory_space<vmem>>)
    %dma_start3A_245 = arith.constant 0 : i32
    %dma_start3A_246 = arith.constant 0 : i32
    %dma_start3A_247 = tpu.memref_slice %arg19[%dma_start3A_245, %dma_start3A_246] : memref<10000x128xf32, #tpu.memory_space<vmem_shared>> -> memref<10000x128xf32, #tpu.memory_space<vmem_shared>>
    tpu.enqueue_indirect_dma source(%arg15 : memref<80x128xf32, #tpu.memory_space<vmem>>) target(%dma_start3A_247 : memref<10000x128xf32, #tpu.memory_space<vmem_shared>>) offsets(%arg11 : memref<80xi32, #tpu.memory_space<vmem>>) semaphore(%arg28 : memref<!tpu.dma_semaphore, #tpu.memory_space<semaphore_mem>>) {add = true}
    %scan3A = arith.constant 0 : i32
    %scan3A_248 = arith.constant 32 : i32
    %scan3A_249 = arith.addi %scan3A, %scan3A_248 : i32
    %scan3A_250 = arith.constant 1 : i32
    scf.for %scan3A_263 = %scan3A to %scan3A_249 step %scan3A_250  : i32 {
      %mul3A_264 = arith.constant 1 : i32
      %mul3A_265 = arith.muli %scan3A_263, %mul3A_264 : i32
      %add3A_266 = arith.constant 0 : i32
      %add3A_267 = arith.addi %add3A_266, %mul3A_265 : i32
      %mul3A_268 = arith.constant 4 : i32
      %mul3A_269 = arith.muli %add3A_267, %mul3A_268 : i32
      %add3A_270 = arith.constant 4 : i32
      %add3A_271 = arith.addi %add3A_270, %mul3A_269 : i32
      %add3A_272 = arith.constant 0 : i32
      %add3A_273 = arith.addi %add3A_271, %add3A_272 : i32
      %sub3A = arith.constant 4 : i32
      %sub3A_274 = arith.subi %add3A_273, %sub3A : i32
      %lt3A_275 = arith.constant 125 : i32
      %lt3A_276 = arith.cmpi slt, %sub3A_274, %lt3A_275 : i32
      %convert_element_type3A_277 = arith.extui %lt3A_276 : i1 to i32
      %cond3A_278 = arith.constant 0 : i32
      %cond3A_279 = arith.cmpi ne, %convert_element_type3A_277, %cond3A_278 : i32
      scf.if %cond3A_279 {
        %dma_wait3A_395 = arith.constant 0 : i32
        %dma_wait3A_396 = arith.constant 0 : i32
        %dma_wait3A_397 = tpu.memref_slice %arg19[%dma_wait3A_395, %dma_wait3A_396] : memref<10000x128xf32, #tpu.memory_space<vmem_shared>> -> memref<10000x128xf32, #tpu.memory_space<vmem_shared>>
        tpu.wait_indirect_dma semaphore(%arg28 : memref<!tpu.dma_semaphore, #tpu.memory_space<semaphore_mem>>) src(%arg15 : memref<80x128xf32, #tpu.memory_space<vmem>>) dst(%dma_wait3A_397 : memref<10000x128xf32, #tpu.memory_space<vmem_shared>>)
      } else {
      }
      %lt3A_280 = arith.constant 125 : i32
      %lt3A_281 = arith.cmpi slt, %add3A_273, %lt3A_280 : i32
      %convert_element_type3A_282 = arith.extui %lt3A_281 : i1 to i32
      %cond3A_283 = arith.constant 0 : i32
      %cond3A_284 = arith.cmpi ne, %convert_element_type3A_282, %cond3A_283 : i32
      scf.if %cond3A_284 {
        %mul3A_395 = arith.constant 16 : i32
        %mul3A_396 = arith.muli %add3A_273, %mul3A_395 : i32
        %add3A_397 = arith.addi %arg1, %mul3A_396 : i32
        %mul3A_398 = arith.constant 80 : i32
        %mul3A_399 = arith.muli %add3A_397, %mul3A_398 : i32
        %dma_start3A_400 = tpu.memref_slice %arg3[%mul3A_399] : memref<160000xi32, #tpu.memory_space<hbm>> -> memref<80xi32, #tpu.memory_space<hbm>>
        %dma_start3A_401 = tpu.memref_slice %arg3[%mul3A_399] : memref<160000xi32, #tpu.memory_space<hbm>> -> memref<80xi32, #tpu.memory_space<hbm>>
        tpu.enqueue_dma source(%dma_start3A_401 : memref<80xi32, #tpu.memory_space<hbm>>) target(%arg7 : memref<80xi32, #tpu.memory_space<vmem>>) target_semaphore(%arg20 : memref<!tpu.dma_semaphore, #tpu.memory_space<semaphore_mem>>)
        %mul3A_402 = arith.constant 16 : i32
        %mul3A_403 = arith.muli %add3A_273, %mul3A_402 : i32
        %add3A_404 = arith.addi %arg1, %mul3A_403 : i32
        %mul3A_405 = arith.constant 80 : i32
        %mul3A_406 = arith.muli %add3A_404, %mul3A_405 : i32
        %dma_start3A_407 = tpu.memref_slice %arg4[%mul3A_406] : memref<160000xi32, #tpu.memory_space<hbm>> -> memref<80xi32, #tpu.memory_space<hbm>>
        %dma_start3A_408 = tpu.memref_slice %arg4[%mul3A_406] : memref<160000xi32, #tpu.memory_space<hbm>> -> memref<80xi32, #tpu.memory_space<hbm>>
        tpu.enqueue_dma source(%dma_start3A_408 : memref<80xi32, #tpu.memory_space<hbm>>) target(%arg11 : memref<80xi32, #tpu.memory_space<vmem>>) target_semaphore(%arg20 : memref<!tpu.dma_semaphore, #tpu.memory_space<semaphore_mem>>)
      } else {
      }
      %sub3A_285 = arith.constant 1 : i32
      %sub3A_286 = arith.subi %add3A_273, %sub3A_285 : i32
      %lt3A_287 = arith.constant 125 : i32
      %lt3A_288 = arith.cmpi slt, %sub3A_286, %lt3A_287 : i32
      %convert_element_type3A_289 = arith.extui %lt3A_288 : i1 to i32
      %cond3A_290 = arith.constant 0 : i32
      %cond3A_291 = arith.cmpi ne, %convert_element_type3A_289, %cond3A_290 : i32
      scf.if %cond3A_291 {
        %sub3A_395 = arith.constant 1 : i32
        %sub3A_396 = arith.subi %add3A_273, %sub3A_395 : i32
        %mul3A_397 = arith.constant 16 : i32
        %mul3A_398 = arith.muli %sub3A_396, %mul3A_397 : i32
        %add3A_399 = arith.addi %arg1, %mul3A_398 : i32
        %mul3A_400 = arith.constant 80 : i32
        %mul3A_401 = arith.muli %add3A_399, %mul3A_400 : i32
        %dma_wait3A_402 = tpu.memref_slice %arg3[%mul3A_401] : memref<160000xi32, #tpu.memory_space<hbm>> -> memref<80xi32, #tpu.memory_space<hbm>>
        %dma_wait3A_403 = tpu.memref_slice %arg3[%mul3A_401] : memref<160000xi32, #tpu.memory_space<hbm>> -> memref<80xi32, #tpu.memory_space<hbm>>
        tpu.wait_dma2 semaphore(%arg23 : memref<!tpu.dma_semaphore, #tpu.memory_space<semaphore_mem>>) src(%dma_wait3A_403 : memref<80xi32, #tpu.memory_space<hbm>>) dst(%arg10 : memref<80xi32, #tpu.memory_space<vmem>>)
        %mul3A_404 = arith.constant 16 : i32
        %mul3A_405 = arith.muli %sub3A_396, %mul3A_404 : i32
        %add3A_406 = arith.addi %arg1, %mul3A_405 : i32
        %mul3A_407 = arith.constant 80 : i32
        %mul3A_408 = arith.muli %add3A_406, %mul3A_407 : i32
        %dma_wait3A_409 = tpu.memref_slice %arg4[%mul3A_408] : memref<160000xi32, #tpu.memory_space<hbm>> -> memref<80xi32, #tpu.memory_space<hbm>>
        %dma_wait3A_410 = tpu.memref_slice %arg4[%mul3A_408] : memref<160000xi32, #tpu.memory_space<hbm>> -> memref<80xi32, #tpu.memory_space<hbm>>
        tpu.wait_dma2 semaphore(%arg23 : memref<!tpu.dma_semaphore, #tpu.memory_space<semaphore_mem>>) src(%dma_wait3A_410 : memref<80xi32, #tpu.memory_space<hbm>>) dst(%arg14 : memref<80xi32, #tpu.memory_space<vmem>>)
        %get3A_411 = arith.constant 0 : index
        %get3A_412 = tpu.vector_load %arg10[%get3A_411] {strides = array<i32>} : memref<80xi32, #tpu.memory_space<vmem>>, vector<16xi32>,
        %get3A_413 = vector.shape_cast %get3A_412 : vector<16xi32> to vector<16xi32>
        %add3A_414 = vector.broadcast %mul3A_0 : i32 to vector<16xi32>
        %add3A_415 = arith.addi %get3A_413, %add3A_414 : vector<16xi32>
        %swap3A_416 = arith.constant 0 : index
        %swap3A_417 = tpu.vector_load %arg10[%swap3A_416] {strides = array<i32>} : memref<80xi32, #tpu.memory_space<vmem>>, vector<16xi32>,
        %swap3A_418 = vector.shape_cast %swap3A_417 : vector<16xi32> to vector<16xi32>
        %swap3A_419 = vector.shape_cast %add3A_415 : vector<16xi32> to vector<16xi32>
        tpu.vector_store %arg10[%swap3A_416], %swap3A_419 {strides = array<i32>} : memref<80xi32, #tpu.memory_space<vmem>>, vector<16xi32>,
        %get3A_420 = arith.constant 16 : index
        %get3A_421 = tpu.vector_load %arg10[%get3A_420] {strides = array<i32>} : memref<80xi32, #tpu.memory_space<vmem>>, vector<16xi32>,
        %get3A_422 = vector.shape_cast %get3A_421 : vector<16xi32> to vector<16xi32>
        %add3A_423 = vector.broadcast %mul3A_0 : i32 to vector<16xi32>
        %add3A_424 = arith.addi %get3A_422, %add3A_423 : vector<16xi32>
        %swap3A_425 = arith.constant 16 : index
        %swap3A_426 = tpu.vector_load %arg10[%swap3A_425] {strides = array<i32>} : memref<80xi32, #tpu.memory_space<vmem>>, vector<16xi32>,
        %swap3A_427 = vector.shape_cast %swap3A_426 : vector<16xi32> to vector<16xi32>
        %swap3A_428 = vector.shape_cast %add3A_424 : vector<16xi32> to vector<16xi32>
        tpu.vector_store %arg10[%swap3A_425], %swap3A_428 {strides = array<i32>} : memref<80xi32, #tpu.memory_space<vmem>>, vector<16xi32>,
        %get3A_429 = arith.constant 32 : index
        %get3A_430 = tpu.vector_load %arg10[%get3A_429] {strides = array<i32>} : memref<80xi32, #tpu.memory_space<vmem>>, vector<16xi32>,
        %get3A_431 = vector.shape_cast %get3A_430 : vector<16xi32> to vector<16xi32>
        %add3A_432 = vector.broadcast %mul3A_0 : i32 to vector<16xi32>
        %add3A_433 = arith.addi %get3A_431, %add3A_432 : vector<16xi32>
        %swap3A_434 = arith.constant 32 : index
        %swap3A_435 = tpu.vector_load %arg10[%swap3A_434] {strides = array<i32>} : memref<80xi32, #tpu.memory_space<vmem>>, vector<16xi32>,
        %swap3A_436 = vector.shape_cast %swap3A_435 : vector<16xi32> to vector<16xi32>
        %swap3A_437 = vector.shape_cast %add3A_433 : vector<16xi32> to vector<16xi32>
        tpu.vector_store %arg10[%swap3A_434], %swap3A_437 {strides = array<i32>} : memref<80xi32, #tpu.memory_space<vmem>>, vector<16xi32>,
        %get3A_438 = arith.constant 48 : index
        %get3A_439 = tpu.vector_load %arg10[%get3A_438] {strides = array<i32>} : memref<80xi32, #tpu.memory_space<vmem>>, vector<16xi32>,
        %get3A_440 = vector.shape_cast %get3A_439 : vector<16xi32> to vector<16xi32>
        %add3A_441 = vector.broadcast %mul3A_0 : i32 to vector<16xi32>
        %add3A_442 = arith.addi %get3A_440, %add3A_441 : vector<16xi32>
        %swap3A_443 = arith.constant 48 : index
        %swap3A_444 = tpu.vector_load %arg10[%swap3A_443] {strides = array<i32>} : memref<80xi32, #tpu.memory_space<vmem>>, vector<16xi32>,
        %swap3A_445 = vector.shape_cast %swap3A_444 : vector<16xi32> to vector<16xi32>
        %swap3A_446 = vector.shape_cast %add3A_442 : vector<16xi32> to vector<16xi32>
        tpu.vector_store %arg10[%swap3A_443], %swap3A_446 {strides = array<i32>} : memref<80xi32, #tpu.memory_space<vmem>>, vector<16xi32>,
        %get3A_447 = arith.constant 64 : index
        %get3A_448 = tpu.vector_load %arg10[%get3A_447] {strides = array<i32>} : memref<80xi32, #tpu.memory_space<vmem>>, vector<16xi32>,
        %get3A_449 = vector.shape_cast %get3A_448 : vector<16xi32> to vector<16xi32>
        %add3A_450 = vector.broadcast %mul3A_0 : i32 to vector<16xi32>
        %add3A_451 = arith.addi %get3A_449, %add3A_450 : vector<16xi32>
        %swap3A_452 = arith.constant 64 : index
        %swap3A_453 = tpu.vector_load %arg10[%swap3A_452] {strides = array<i32>} : memref<80xi32, #tpu.memory_space<vmem>>, vector<16xi32>,
        %swap3A_454 = vector.shape_cast %swap3A_453 : vector<16xi32> to vector<16xi32>
        %swap3A_455 = vector.shape_cast %add3A_451 : vector<16xi32> to vector<16xi32>
        tpu.vector_store %arg10[%swap3A_452], %swap3A_455 {strides = array<i32>} : memref<80xi32, #tpu.memory_space<vmem>>, vector<16xi32>,
        %dma_start3A_456 = arith.constant 0 : i32
        %dma_start3A_457 = arith.constant 0 : i32
        %dma_start3A_458 = tpu.memref_slice %arg2[%dma_start3A_456, %dma_start3A_457] : memref<20000x128xf32, #tpu.memory_space<hbm>> -> memref<20000x128xf32, #tpu.memory_space<hbm>>
        tpu.enqueue_indirect_dma source(%dma_start3A_458 : memref<20000x128xf32, #tpu.memory_space<hbm>>) target(%arg18 : memref<80x128xf32, #tpu.memory_space<vmem>>) offsets(%arg10 : memref<80xi32, #tpu.memory_space<vmem>>) semaphore(%arg27 : memref<!tpu.dma_semaphore, #tpu.memory_space<semaphore_mem>>)
      } else {
      }
      %sub3A_292 = arith.constant 3 : i32
      %sub3A_293 = arith.subi %add3A_273, %sub3A_292 : i32
      %lt3A_294 = arith.constant 125 : i32
      %lt3A_295 = arith.cmpi slt, %sub3A_293, %lt3A_294 : i32
      %convert_element_type3A_296 = arith.extui %lt3A_295 : i1 to i32
      %cond3A_297 = arith.constant 0 : i32
      %cond3A_298 = arith.cmpi ne, %convert_element_type3A_296, %cond3A_297 : i32
      scf.if %cond3A_298 {
        %dma_wait3A_395 = arith.constant 0 : i32
        %dma_wait3A_396 = arith.constant 0 : i32
        %dma_wait3A_397 = tpu.memref_slice %arg2[%dma_wait3A_395, %dma_wait3A_396] : memref<20000x128xf32, #tpu.memory_space<hbm>> -> memref<20000x128xf32, #tpu.memory_space<hbm>>
        tpu.wait_indirect_dma semaphore(%arg25 : memref<!tpu.dma_semaphore, #tpu.memory_space<semaphore_mem>>) src(%dma_wait3A_397 : memref<20000x128xf32, #tpu.memory_space<hbm>>) dst(%arg16 : memref<80x128xf32, #tpu.memory_space<vmem>>)
        %dma_start3A_398 = arith.constant 0 : i32
        %dma_start3A_399 = arith.constant 0 : i32
        %dma_start3A_400 = tpu.memref_slice %arg19[%dma_start3A_398, %dma_start3A_399] : memref<10000x128xf32, #tpu.memory_space<vmem_shared>> -> memref<10000x128xf32, #tpu.memory_space<vmem_shared>>
        tpu.enqueue_indirect_dma source(%arg16 : memref<80x128xf32, #tpu.memory_space<vmem>>) target(%dma_start3A_400 : memref<10000x128xf32, #tpu.memory_space<vmem_shared>>) offsets(%arg12 : memref<80xi32, #tpu.memory_space<vmem>>) semaphore(%arg29 : memref<!tpu.dma_semaphore, #tpu.memory_space<semaphore_mem>>) {add = true}
      } else {
      }
      %mul3A_299 = arith.constant 4 : i32
      %mul3A_300 = arith.muli %add3A_267, %mul3A_299 : i32
      %add3A_301 = arith.constant 4 : i32
      %add3A_302 = arith.addi %add3A_301, %mul3A_300 : i32
      %add3A_303 = arith.constant 1 : i32
      %add3A_304 = arith.addi %add3A_302, %add3A_303 : i32
      %sub3A_305 = arith.constant 4 : i32
      %sub3A_306 = arith.subi %add3A_304, %sub3A_305 : i32
      %lt3A_307 = arith.constant 125 : i32
      %lt3A_308 = arith.cmpi slt, %sub3A_306, %lt3A_307 : i32
      %convert_element_type3A_309 = arith.extui %lt3A_308 : i1 to i32
      %cond3A_310 = arith.constant 0 : i32
      %cond3A_311 = arith.cmpi ne, %convert_element_type3A_309, %cond3A_310 : i32
      scf.if %cond3A_311 {
        %dma_wait3A_395 = arith.constant 0 : i32
        %dma_wait3A_396 = arith.constant 0 : i32
        %dma_wait3A_397 = tpu.memref_slice %arg19[%dma_wait3A_395, %dma_wait3A_396] : memref<10000x128xf32, #tpu.memory_space<vmem_shared>> -> memref<10000x128xf32, #tpu.memory_space<vmem_shared>>
        tpu.wait_indirect_dma semaphore(%arg29 : memref<!tpu.dma_semaphore, #tpu.memory_space<semaphore_mem>>) src(%arg16 : memref<80x128xf32, #tpu.memory_space<vmem>>) dst(%dma_wait3A_397 : memref<10000x128xf32, #tpu.memory_space<vmem_shared>>)
      } else {
      }
      %lt3A_312 = arith.constant 125 : i32
      %lt3A_313 = arith.cmpi slt, %add3A_304, %lt3A_312 : i32
      %convert_element_type3A_314 = arith.extui %lt3A_313 : i1 to i32
      %cond3A_315 = arith.constant 0 : i32
      %cond3A_316 = arith.cmpi ne, %convert_element_type3A_314, %cond3A_315 : i32
      scf.if %cond3A_316 {
        %mul3A_395 = arith.constant 16 : i32
        %mul3A_396 = arith.muli %add3A_304, %mul3A_395 : i32
        %add3A_397 = arith.addi %arg1, %mul3A_396 : i32
        %mul3A_398 = arith.constant 80 : i32
        %mul3A_399 = arith.muli %add3A_397, %mul3A_398 : i32
        %dma_start3A_400 = tpu.memref_slice %arg3[%mul3A_399] : memref<160000xi32, #tpu.memory_space<hbm>> -> memref<80xi32, #tpu.memory_space<hbm>>
        %dma_start3A_401 = tpu.memref_slice %arg3[%mul3A_399] : memref<160000xi32, #tpu.memory_space<hbm>> -> memref<80xi32, #tpu.memory_space<hbm>>
        tpu.enqueue_dma source(%dma_start3A_401 : memref<80xi32, #tpu.memory_space<hbm>>) target(%arg8 : memref<80xi32, #tpu.memory_space<vmem>>) target_semaphore(%arg21 : memref<!tpu.dma_semaphore, #tpu.memory_space<semaphore_mem>>)
        %mul3A_402 = arith.constant 16 : i32
        %mul3A_403 = arith.muli %add3A_304, %mul3A_402 : i32
        %add3A_404 = arith.addi %arg1, %mul3A_403 : i32
        %mul3A_405 = arith.constant 80 : i32
        %mul3A_406 = arith.muli %add3A_404, %mul3A_405 : i32
        %dma_start3A_407 = tpu.memref_slice %arg4[%mul3A_406] : memref<160000xi32, #tpu.memory_space<hbm>> -> memref<80xi32, #tpu.memory_space<hbm>>
        %dma_start3A_408 = tpu.memref_slice %arg4[%mul3A_406] : memref<160000xi32, #tpu.memory_space<hbm>> -> memref<80xi32, #tpu.memory_space<hbm>>
        tpu.enqueue_dma source(%dma_start3A_408 : memref<80xi32, #tpu.memory_space<hbm>>) target(%arg12 : memref<80xi32, #tpu.memory_space<vmem>>) target_semaphore(%arg21 : memref<!tpu.dma_semaphore, #tpu.memory_space<semaphore_mem>>)
      } else {
      }
      %sub3A_317 = arith.constant 1 : i32
      %sub3A_318 = arith.subi %add3A_304, %sub3A_317 : i32
      %lt3A_319 = arith.constant 125 : i32
      %lt3A_320 = arith.cmpi slt, %sub3A_318, %lt3A_319 : i32
      %convert_element_type3A_321 = arith.extui %lt3A_320 : i1 to i32
      %cond3A_322 = arith.constant 0 : i32
      %cond3A_323 = arith.cmpi ne, %convert_element_type3A_321, %cond3A_322 : i32
      scf.if %cond3A_323 {
        %sub3A_395 = arith.constant 1 : i32
        %sub3A_396 = arith.subi %add3A_304, %sub3A_395 : i32
        %mul3A_397 = arith.constant 16 : i32
        %mul3A_398 = arith.muli %sub3A_396, %mul3A_397 : i32
        %add3A_399 = arith.addi %arg1, %mul3A_398 : i32
        %mul3A_400 = arith.constant 80 : i32
        %mul3A_401 = arith.muli %add3A_399, %mul3A_400 : i32
        %dma_wait3A_402 = tpu.memref_slice %arg3[%mul3A_401] : memref<160000xi32, #tpu.memory_space<hbm>> -> memref<80xi32, #tpu.memory_space<hbm>>
        %dma_wait3A_403 = tpu.memref_slice %arg3[%mul3A_401] : memref<160000xi32, #tpu.memory_space<hbm>> -> memref<80xi32, #tpu.memory_space<hbm>>
        tpu.wait_dma2 semaphore(%arg20 : memref<!tpu.dma_semaphore, #tpu.memory_space<semaphore_mem>>) src(%dma_wait3A_403 : memref<80xi32, #tpu.memory_space<hbm>>) dst(%arg7 : memref<80xi32, #tpu.memory_space<vmem>>)
        %mul3A_404 = arith.constant 16 : i32
        %mul3A_405 = arith.muli %sub3A_396, %mul3A_404 : i32
        %add3A_406 = arith.addi %arg1, %mul3A_405 : i32
        %mul3A_407 = arith.constant 80 : i32
        %mul3A_408 = arith.muli %add3A_406, %mul3A_407 : i32
        %dma_wait3A_409 = tpu.memref_slice %arg4[%mul3A_408] : memref<160000xi32, #tpu.memory_space<hbm>> -> memref<80xi32, #tpu.memory_space<hbm>>
        %dma_wait3A_410 = tpu.memref_slice %arg4[%mul3A_408] : memref<160000xi32, #tpu.memory_space<hbm>> -> memref<80xi32, #tpu.memory_space<hbm>>
        tpu.wait_dma2 semaphore(%arg20 : memref<!tpu.dma_semaphore, #tpu.memory_space<semaphore_mem>>) src(%dma_wait3A_410 : memref<80xi32, #tpu.memory_space<hbm>>) dst(%arg11 : memref<80xi32, #tpu.memory_space<vmem>>)
        %get3A_411 = arith.constant 0 : index
        %get3A_412 = tpu.vector_load %arg7[%get3A_411] {strides = array<i32>} : memref<80xi32, #tpu.memory_space<vmem>>, vector<16xi32>,
        %get3A_413 = vector.shape_cast %get3A_412 : vector<16xi32> to vector<16xi32>
        %add3A_414 = vector.broadcast %mul3A_0 : i32 to vector<16xi32>
        %add3A_415 = arith.addi %get3A_413, %add3A_414 : vector<16xi32>
        %swap3A_416 = arith.constant 0 : index
        %swap3A_417 = tpu.vector_load %arg7[%swap3A_416] {strides = array<i32>} : memref<80xi32, #tpu.memory_space<vmem>>, vector<16xi32>,
        %swap3A_418 = vector.shape_cast %swap3A_417 : vector<16xi32> to vector<16xi32>
        %swap3A_419 = vector.shape_cast %add3A_415 : vector<16xi32> to vector<16xi32>
        tpu.vector_store %arg7[%swap3A_416], %swap3A_419 {strides = array<i32>} : memref<80xi32, #tpu.memory_space<vmem>>, vector<16xi32>,
        %get3A_420 = arith.constant 16 : index
        %get3A_421 = tpu.vector_load %arg7[%get3A_420] {strides = array<i32>} : memref<80xi32, #tpu.memory_space<vmem>>, vector<16xi32>,
        %get3A_422 = vector.shape_cast %get3A_421 : vector<16xi32> to vector<16xi32>
        %add3A_423 = vector.broadcast %mul3A_0 : i32 to vector<16xi32>
        %add3A_424 = arith.addi %get3A_422, %add3A_423 : vector<16xi32>
        %swap3A_425 = arith.constant 16 : index
        %swap3A_426 = tpu.vector_load %arg7[%swap3A_425] {strides = array<i32>} : memref<80xi32, #tpu.memory_space<vmem>>, vector<16xi32>,
        %swap3A_427 = vector.shape_cast %swap3A_426 : vector<16xi32> to vector<16xi32>
        %swap3A_428 = vector.shape_cast %add3A_424 : vector<16xi32> to vector<16xi32>
        tpu.vector_store %arg7[%swap3A_425], %swap3A_428 {strides = array<i32>} : memref<80xi32, #tpu.memory_space<vmem>>, vector<16xi32>,
        %get3A_429 = arith.constant 32 : index
        %get3A_430 = tpu.vector_load %arg7[%get3A_429] {strides = array<i32>} : memref<80xi32, #tpu.memory_space<vmem>>, vector<16xi32>,
        %get3A_431 = vector.shape_cast %get3A_430 : vector<16xi32> to vector<16xi32>
        %add3A_432 = vector.broadcast %mul3A_0 : i32 to vector<16xi32>
        %add3A_433 = arith.addi %get3A_431, %add3A_432 : vector<16xi32>
        %swap3A_434 = arith.constant 32 : index
        %swap3A_435 = tpu.vector_load %arg7[%swap3A_434] {strides = array<i32>} : memref<80xi32, #tpu.memory_space<vmem>>, vector<16xi32>,
        %swap3A_436 = vector.shape_cast %swap3A_435 : vector<16xi32> to vector<16xi32>
        %swap3A_437 = vector.shape_cast %add3A_433 : vector<16xi32> to vector<16xi32>
        tpu.vector_store %arg7[%swap3A_434], %swap3A_437 {strides = array<i32>} : memref<80xi32, #tpu.memory_space<vmem>>, vector<16xi32>,
        %get3A_438 = arith.constant 48 : index
        %get3A_439 = tpu.vector_load %arg7[%get3A_438] {strides = array<i32>} : memref<80xi32, #tpu.memory_space<vmem>>, vector<16xi32>,
        %get3A_440 = vector.shape_cast %get3A_439 : vector<16xi32> to vector<16xi32>
        %add3A_441 = vector.broadcast %mul3A_0 : i32 to vector<16xi32>
        %add3A_442 = arith.addi %get3A_440, %add3A_441 : vector<16xi32>
        %swap3A_443 = arith.constant 48 : index
        %swap3A_444 = tpu.vector_load %arg7[%swap3A_443] {strides = array<i32>} : memref<80xi32, #tpu.memory_space<vmem>>, vector<16xi32>,
        %swap3A_445 = vector.shape_cast %swap3A_444 : vector<16xi32> to vector<16xi32>
        %swap3A_446 = vector.shape_cast %add3A_442 : vector<16xi32> to vector<16xi32>
        tpu.vector_store %arg7[%swap3A_443], %swap3A_446 {strides = array<i32>} : memref<80xi32, #tpu.memory_space<vmem>>, vector<16xi32>,
        %get3A_447 = arith.constant 64 : index
        %get3A_448 = tpu.vector_load %arg7[%get3A_447] {strides = array<i32>} : memref<80xi32, #tpu.memory_space<vmem>>, vector<16xi32>,
        %get3A_449 = vector.shape_cast %get3A_448 : vector<16xi32> to vector<16xi32>
        %add3A_450 = vector.broadcast %mul3A_0 : i32 to vector<16xi32>
        %add3A_451 = arith.addi %get3A_449, %add3A_450 : vector<16xi32>
        %swap3A_452 = arith.constant 64 : index
        %swap3A_453 = tpu.vector_load %arg7[%swap3A_452] {strides = array<i32>} : memref<80xi32, #tpu.memory_space<vmem>>, vector<16xi32>,
        %swap3A_454 = vector.shape_cast %swap3A_453 : vector<16xi32> to vector<16xi32>
        %swap3A_455 = vector.shape_cast %add3A_451 : vector<16xi32> to vector<16xi32>
        tpu.vector_store %arg7[%swap3A_452], %swap3A_455 {strides = array<i32>} : memref<80xi32, #tpu.memory_space<vmem>>, vector<16xi32>,
        %dma_start3A_456 = arith.constant 0 : i32
        %dma_start3A_457 = arith.constant 0 : i32
        %dma_start3A_458 = tpu.memref_slice %arg2[%dma_start3A_456, %dma_start3A_457] : memref<20000x128xf32, #tpu.memory_space<hbm>> -> memref<20000x128xf32, #tpu.memory_space<hbm>>
        tpu.enqueue_indirect_dma source(%dma_start3A_458 : memref<20000x128xf32, #tpu.memory_space<hbm>>) target(%arg15 : memref<80x128xf32, #tpu.memory_space<vmem>>) offsets(%arg7 : memref<80xi32, #tpu.memory_space<vmem>>) semaphore(%arg24 : memref<!tpu.dma_semaphore, #tpu.memory_space<semaphore_mem>>)
      } else {
      }
      %sub3A_324 = arith.constant 3 : i32
      %sub3A_325 = arith.subi %add3A_304, %sub3A_324 : i32
      %lt3A_326 = arith.constant 125 : i32
      %lt3A_327 = arith.cmpi slt, %sub3A_325, %lt3A_326 : i32
      %convert_element_type3A_328 = arith.extui %lt3A_327 : i1 to i32
      %cond3A_329 = arith.constant 0 : i32
      %cond3A_330 = arith.cmpi ne, %convert_element_type3A_328, %cond3A_329 : i32
      scf.if %cond3A_330 {
        %dma_wait3A_395 = arith.constant 0 : i32
        %dma_wait3A_396 = arith.constant 0 : i32
        %dma_wait3A_397 = tpu.memref_slice %arg2[%dma_wait3A_395, %dma_wait3A_396] : memref<20000x128xf32, #tpu.memory_space<hbm>> -> memref<20000x128xf32, #tpu.memory_space<hbm>>
        tpu.wait_indirect_dma semaphore(%arg26 : memref<!tpu.dma_semaphore, #tpu.memory_space<semaphore_mem>>) src(%dma_wait3A_397 : memref<20000x128xf32, #tpu.memory_space<hbm>>) dst(%arg17 : memref<80x128xf32, #tpu.memory_space<vmem>>)
        %dma_start3A_398 = arith.constant 0 : i32
        %dma_start3A_399 = arith.constant 0 : i32
        %dma_start3A_400 = tpu.memref_slice %arg19[%dma_start3A_398, %dma_start3A_399] : memref<10000x128xf32, #tpu.memory_space<vmem_shared>> -> memref<10000x128xf32, #tpu.memory_space<vmem_shared>>
        tpu.enqueue_indirect_dma source(%arg17 : memref<80x128xf32, #tpu.memory_space<vmem>>) target(%dma_start3A_400 : memref<10000x128xf32, #tpu.memory_space<vmem_shared>>) offsets(%arg13 : memref<80xi32, #tpu.memory_space<vmem>>) semaphore(%arg30 : memref<!tpu.dma_semaphore, #tpu.memory_space<semaphore_mem>>) {add = true}
      } else {
      }
      %mul3A_331 = arith.constant 4 : i32
      %mul3A_332 = arith.muli %add3A_267, %mul3A_331 : i32
      %add3A_333 = arith.constant 4 : i32
      %add3A_334 = arith.addi %add3A_333, %mul3A_332 : i32
      %add3A_335 = arith.constant 2 : i32
      %add3A_336 = arith.addi %add3A_334, %add3A_335 : i32
      %sub3A_337 = arith.constant 4 : i32
      %sub3A_338 = arith.subi %add3A_336, %sub3A_337 : i32
      %lt3A_339 = arith.constant 125 : i32
      %lt3A_340 = arith.cmpi slt, %sub3A_338, %lt3A_339 : i32
      %convert_element_type3A_341 = arith.extui %lt3A_340 : i1 to i32
      %cond3A_342 = arith.constant 0 : i32
      %cond3A_343 = arith.cmpi ne, %convert_element_type3A_341, %cond3A_342 : i32
      scf.if %cond3A_343 {
        %dma_wait3A_395 = arith.constant 0 : i32
        %dma_wait3A_396 = arith.constant 0 : i32
        %dma_wait3A_397 = tpu.memref_slice %arg19[%dma_wait3A_395, %dma_wait3A_396] : memref<10000x128xf32, #tpu.memory_space<vmem_shared>> -> memref<10000x128xf32, #tpu.memory_space<vmem_shared>>
        tpu.wait_indirect_dma semaphore(%arg30 : memref<!tpu.dma_semaphore, #tpu.memory_space<semaphore_mem>>) src(%arg17 : memref<80x128xf32, #tpu.memory_space<vmem>>) dst(%dma_wait3A_397 : memref<10000x128xf32, #tpu.memory_space<vmem_shared>>)
      } else {
      }
      %lt3A_344 = arith.constant 125 : i32
      %lt3A_345 = arith.cmpi slt, %add3A_336, %lt3A_344 : i32
      %convert_element_type3A_346 = arith.extui %lt3A_345 : i1 to i32
      %cond3A_347 = arith.constant 0 : i32
      %cond3A_348 = arith.cmpi ne, %convert_element_type3A_346, %cond3A_347 : i32
      scf.if %cond3A_348 {
        %mul3A_395 = arith.constant 16 : i32
        %mul3A_396 = arith.muli %add3A_336, %mul3A_395 : i32
        %add3A_397 = arith.addi %arg1, %mul3A_396 : i32
        %mul3A_398 = arith.constant 80 : i32
        %mul3A_399 = arith.muli %add3A_397, %mul3A_398 : i32
        %dma_start3A_400 = tpu.memref_slice %arg3[%mul3A_399] : memref<160000xi32, #tpu.memory_space<hbm>> -> memref<80xi32, #tpu.memory_space<hbm>>
        %dma_start3A_401 = tpu.memref_slice %arg3[%mul3A_399] : memref<160000xi32, #tpu.memory_space<hbm>> -> memref<80xi32, #tpu.memory_space<hbm>>
        tpu.enqueue_dma source(%dma_start3A_401 : memref<80xi32, #tpu.memory_space<hbm>>) target(%arg9 : memref<80xi32, #tpu.memory_space<vmem>>) target_semaphore(%arg22 : memref<!tpu.dma_semaphore, #tpu.memory_space<semaphore_mem>>)
        %mul3A_402 = arith.constant 16 : i32
        %mul3A_403 = arith.muli %add3A_336, %mul3A_402 : i32
        %add3A_404 = arith.addi %arg1, %mul3A_403 : i32
        %mul3A_405 = arith.constant 80 : i32
        %mul3A_406 = arith.muli %add3A_404, %mul3A_405 : i32
        %dma_start3A_407 = tpu.memref_slice %arg4[%mul3A_406] : memref<160000xi32, #tpu.memory_space<hbm>> -> memref<80xi32, #tpu.memory_space<hbm>>
        %dma_start3A_408 = tpu.memref_slice %arg4[%mul3A_406] : memref<160000xi32, #tpu.memory_space<hbm>> -> memref<80xi32, #tpu.memory_space<hbm>>
        tpu.enqueue_dma source(%dma_start3A_408 : memref<80xi32, #tpu.memory_space<hbm>>) target(%arg13 : memref<80xi32, #tpu.memory_space<vmem>>) target_semaphore(%arg22 : memref<!tpu.dma_semaphore, #tpu.memory_space<semaphore_mem>>)
      } else {
      }
      %sub3A_349 = arith.constant 1 : i32
      %sub3A_350 = arith.subi %add3A_336, %sub3A_349 : i32
      %lt3A_351 = arith.constant 125 : i32
      %lt3A_352 = arith.cmpi slt, %sub3A_350, %lt3A_351 : i32
      %convert_element_type3A_353 = arith.extui %lt3A_352 : i1 to i32
      %cond3A_354 = arith.constant 0 : i32
      %cond3A_355 = arith.cmpi ne, %convert_element_type3A_353, %cond3A_354 : i32
      scf.if %cond3A_355 {
        %sub3A_395 = arith.constant 1 : i32
        %sub3A_396 = arith.subi %add3A_336, %sub3A_395 : i32
        %mul3A_397 = arith.constant 16 : i32
        %mul3A_398 = arith.muli %sub3A_396, %mul3A_397 : i32
        %add3A_399 = arith.addi %arg1, %mul3A_398 : i32
        %mul3A_400 = arith.constant 80 : i32
        %mul3A_401 = arith.muli %add3A_399, %mul3A_400 : i32
        %dma_wait3A_402 = tpu.memref_slice %arg3[%mul3A_401] : memref<160000xi32, #tpu.memory_space<hbm>> -> memref<80xi32, #tpu.memory_space<hbm>>
        %dma_wait3A_403 = tpu.memref_slice %arg3[%mul3A_401] : memref<160000xi32, #tpu.memory_space<hbm>> -> memref<80xi32, #tpu.memory_space<hbm>>
        tpu.wait_dma2 semaphore(%arg21 : memref<!tpu.dma_semaphore, #tpu.memory_space<semaphore_mem>>) src(%dma_wait3A_403 : memref<80xi32, #tpu.memory_space<hbm>>) dst(%arg8 : memref<80xi32, #tpu.memory_space<vmem>>)
        %mul3A_404 = arith.constant 16 : i32
        %mul3A_405 = arith.muli %sub3A_396, %mul3A_404 : i32
        %add3A_406 = arith.addi %arg1, %mul3A_405 : i32
        %mul3A_407 = arith.constant 80 : i32
        %mul3A_408 = arith.muli %add3A_406, %mul3A_407 : i32
        %dma_wait3A_409 = tpu.memref_slice %arg4[%mul3A_408] : memref<160000xi32, #tpu.memory_space<hbm>> -> memref<80xi32, #tpu.memory_space<hbm>>
        %dma_wait3A_410 = tpu.memref_slice %arg4[%mul3A_408] : memref<160000xi32, #tpu.memory_space<hbm>> -> memref<80xi32, #tpu.memory_space<hbm>>
        tpu.wait_dma2 semaphore(%arg21 : memref<!tpu.dma_semaphore, #tpu.memory_space<semaphore_mem>>) src(%dma_wait3A_410 : memref<80xi32, #tpu.memory_space<hbm>>) dst(%arg12 : memref<80xi32, #tpu.memory_space<vmem>>)
        %get3A_411 = arith.constant 0 : index
        %get3A_412 = tpu.vector_load %arg8[%get3A_411] {strides = array<i32>} : memref<80xi32, #tpu.memory_space<vmem>>, vector<16xi32>,
        %get3A_413 = vector.shape_cast %get3A_412 : vector<16xi32> to vector<16xi32>
        %add3A_414 = vector.broadcast %mul3A_0 : i32 to vector<16xi32>
        %add3A_415 = arith.addi %get3A_413, %add3A_414 : vector<16xi32>
        %swap3A_416 = arith.constant 0 : index
        %swap3A_417 = tpu.vector_load %arg8[%swap3A_416] {strides = array<i32>} : memref<80xi32, #tpu.memory_space<vmem>>, vector<16xi32>,
        %swap3A_418 = vector.shape_cast %swap3A_417 : vector<16xi32> to vector<16xi32>
        %swap3A_419 = vector.shape_cast %add3A_415 : vector<16xi32> to vector<16xi32>
        tpu.vector_store %arg8[%swap3A_416], %swap3A_419 {strides = array<i32>} : memref<80xi32, #tpu.memory_space<vmem>>, vector<16xi32>,
        %get3A_420 = arith.constant 16 : index
        %get3A_421 = tpu.vector_load %arg8[%get3A_420] {strides = array<i32>} : memref<80xi32, #tpu.memory_space<vmem>>, vector<16xi32>,
        %get3A_422 = vector.shape_cast %get3A_421 : vector<16xi32> to vector<16xi32>
        %add3A_423 = vector.broadcast %mul3A_0 : i32 to vector<16xi32>
        %add3A_424 = arith.addi %get3A_422, %add3A_423 : vector<16xi32>
        %swap3A_425 = arith.constant 16 : index
        %swap3A_426 = tpu.vector_load %arg8[%swap3A_425] {strides = array<i32>} : memref<80xi32, #tpu.memory_space<vmem>>, vector<16xi32>,
        %swap3A_427 = vector.shape_cast %swap3A_426 : vector<16xi32> to vector<16xi32>
        %swap3A_428 = vector.shape_cast %add3A_424 : vector<16xi32> to vector<16xi32>
        tpu.vector_store %arg8[%swap3A_425], %swap3A_428 {strides = array<i32>} : memref<80xi32, #tpu.memory_space<vmem>>, vector<16xi32>,
        %get3A_429 = arith.constant 32 : index
        %get3A_430 = tpu.vector_load %arg8[%get3A_429] {strides = array<i32>} : memref<80xi32, #tpu.memory_space<vmem>>, vector<16xi32>,
        %get3A_431 = vector.shape_cast %get3A_430 : vector<16xi32> to vector<16xi32>
        %add3A_432 = vector.broadcast %mul3A_0 : i32 to vector<16xi32>
        %add3A_433 = arith.addi %get3A_431, %add3A_432 : vector<16xi32>
        %swap3A_434 = arith.constant 32 : index
        %swap3A_435 = tpu.vector_load %arg8[%swap3A_434] {strides = array<i32>} : memref<80xi32, #tpu.memory_space<vmem>>, vector<16xi32>,
        %swap3A_436 = vector.shape_cast %swap3A_435 : vector<16xi32> to vector<16xi32>
        %swap3A_437 = vector.shape_cast %add3A_433 : vector<16xi32> to vector<16xi32>
        tpu.vector_store %arg8[%swap3A_434], %swap3A_437 {strides = array<i32>} : memref<80xi32, #tpu.memory_space<vmem>>, vector<16xi32>,
        %get3A_438 = arith.constant 48 : index
        %get3A_439 = tpu.vector_load %arg8[%get3A_438] {strides = array<i32>} : memref<80xi32, #tpu.memory_space<vmem>>, vector<16xi32>,
        %get3A_440 = vector.shape_cast %get3A_439 : vector<16xi32> to vector<16xi32>
        %add3A_441 = vector.broadcast %mul3A_0 : i32 to vector<16xi32>
        %add3A_442 = arith.addi %get3A_440, %add3A_441 : vector<16xi32>
        %swap3A_443 = arith.constant 48 : index
        %swap3A_444 = tpu.vector_load %arg8[%swap3A_443] {strides = array<i32>} : memref<80xi32, #tpu.memory_space<vmem>>, vector<16xi32>,
        %swap3A_445 = vector.shape_cast %swap3A_444 : vector<16xi32> to vector<16xi32>
        %swap3A_446 = vector.shape_cast %add3A_442 : vector<16xi32> to vector<16xi32>
        tpu.vector_store %arg8[%swap3A_443], %swap3A_446 {strides = array<i32>} : memref<80xi32, #tpu.memory_space<vmem>>, vector<16xi32>,
        %get3A_447 = arith.constant 64 : index
        %get3A_448 = tpu.vector_load %arg8[%get3A_447] {strides = array<i32>} : memref<80xi32, #tpu.memory_space<vmem>>, vector<16xi32>,
        %get3A_449 = vector.shape_cast %get3A_448 : vector<16xi32> to vector<16xi32>
        %add3A_450 = vector.broadcast %mul3A_0 : i32 to vector<16xi32>
        %add3A_451 = arith.addi %get3A_449, %add3A_450 : vector<16xi32>
        %swap3A_452 = arith.constant 64 : index
        %swap3A_453 = tpu.vector_load %arg8[%swap3A_452] {strides = array<i32>} : memref<80xi32, #tpu.memory_space<vmem>>, vector<16xi32>,
        %swap3A_454 = vector.shape_cast %swap3A_453 : vector<16xi32> to vector<16xi32>
        %swap3A_455 = vector.shape_cast %add3A_451 : vector<16xi32> to vector<16xi32>
        tpu.vector_store %arg8[%swap3A_452], %swap3A_455 {strides = array<i32>} : memref<80xi32, #tpu.memory_space<vmem>>, vector<16xi32>,
        %dma_start3A_456 = arith.constant 0 : i32
        %dma_start3A_457 = arith.constant 0 : i32
        %dma_start3A_458 = tpu.memref_slice %arg2[%dma_start3A_456, %dma_start3A_457] : memref<20000x128xf32, #tpu.memory_space<hbm>> -> memref<20000x128xf32, #tpu.memory_space<hbm>>
        tpu.enqueue_indirect_dma source(%dma_start3A_458 : memref<20000x128xf32, #tpu.memory_space<hbm>>) target(%arg16 : memref<80x128xf32, #tpu.memory_space<vmem>>) offsets(%arg8 : memref<80xi32, #tpu.memory_space<vmem>>) semaphore(%arg25 : memref<!tpu.dma_semaphore, #tpu.memory_space<semaphore_mem>>)
      } else {
      }
      %sub3A_356 = arith.constant 3 : i32
      %sub3A_357 = arith.subi %add3A_336, %sub3A_356 : i32
      %lt3A_358 = arith.constant 125 : i32
      %lt3A_359 = arith.cmpi slt, %sub3A_357, %lt3A_358 : i32
      %convert_element_type3A_360 = arith.extui %lt3A_359 : i1 to i32
      %cond3A_361 = arith.constant 0 : i32
      %cond3A_362 = arith.cmpi ne, %convert_element_type3A_360, %cond3A_361 : i32
      scf.if %cond3A_362 {
        %dma_wait3A_395 = arith.constant 0 : i32
        %dma_wait3A_396 = arith.constant 0 : i32
        %dma_wait3A_397 = tpu.memref_slice %arg2[%dma_wait3A_395, %dma_wait3A_396] : memref<20000x128xf32, #tpu.memory_space<hbm>> -> memref<20000x128xf32, #tpu.memory_space<hbm>>
        tpu.wait_indirect_dma semaphore(%arg27 : memref<!tpu.dma_semaphore, #tpu.memory_space<semaphore_mem>>) src(%dma_wait3A_397 : memref<20000x128xf32, #tpu.memory_space<hbm>>) dst(%arg18 : memref<80x128xf32, #tpu.memory_space<vmem>>)
        %dma_start3A_398 = arith.constant 0 : i32
        %dma_start3A_399 = arith.constant 0 : i32
        %dma_start3A_400 = tpu.memref_slice %arg19[%dma_start3A_398, %dma_start3A_399] : memref<10000x128xf32, #tpu.memory_space<vmem_shared>> -> memref<10000x128xf32, #tpu.memory_space<vmem_shared>>
        tpu.enqueue_indirect_dma source(%arg18 : memref<80x128xf32, #tpu.memory_space<vmem>>) target(%dma_start3A_400 : memref<10000x128xf32, #tpu.memory_space<vmem_shared>>) offsets(%arg14 : memref<80xi32, #tpu.memory_space<vmem>>) semaphore(%arg31 : memref<!tpu.dma_semaphore, #tpu.memory_space<semaphore_mem>>) {add = true}
      } else {
      }
      %mul3A_363 = arith.constant 4 : i32
      %mul3A_364 = arith.muli %add3A_267, %mul3A_363 : i32
      %add3A_365 = arith.constant 4 : i32
      %add3A_366 = arith.addi %add3A_365, %mul3A_364 : i32
      %add3A_367 = arith.constant 3 : i32
      %add3A_368 = arith.addi %add3A_366, %add3A_367 : i32
      %sub3A_369 = arith.constant 4 : i32
      %sub3A_370 = arith.subi %add3A_368, %sub3A_369 : i32
      %lt3A_371 = arith.constant 125 : i32
      %lt3A_372 = arith.cmpi slt, %sub3A_370, %lt3A_371 : i32
      %convert_element_type3A_373 = arith.extui %lt3A_372 : i1 to i32
      %cond3A_374 = arith.constant 0 : i32
      %cond3A_375 = arith.cmpi ne, %convert_element_type3A_373, %cond3A_374 : i32
      scf.if %cond3A_375 {
        %dma_wait3A_395 = arith.constant 0 : i32
        %dma_wait3A_396 = arith.constant 0 : i32
        %dma_wait3A_397 = tpu.memref_slice %arg19[%dma_wait3A_395, %dma_wait3A_396] : memref<10000x128xf32, #tpu.memory_space<vmem_shared>> -> memref<10000x128xf32, #tpu.memory_space<vmem_shared>>
        tpu.wait_indirect_dma semaphore(%arg31 : memref<!tpu.dma_semaphore, #tpu.memory_space<semaphore_mem>>) src(%arg18 : memref<80x128xf32, #tpu.memory_space<vmem>>) dst(%dma_wait3A_397 : memref<10000x128xf32, #tpu.memory_space<vmem_shared>>)
      } else {
      }
      %lt3A_376 = arith.constant 125 : i32
      %lt3A_377 = arith.cmpi slt, %add3A_368, %lt3A_376 : i32
      %convert_element_type3A_378 = arith.extui %lt3A_377 : i1 to i32
      %cond3A_379 = arith.constant 0 : i32
      %cond3A_380 = arith.cmpi ne, %convert_element_type3A_378, %cond3A_379 : i32
      scf.if %cond3A_380 {
        %mul3A_395 = arith.constant 16 : i32
        %mul3A_396 = arith.muli %add3A_368, %mul3A_395 : i32
        %add3A_397 = arith.addi %arg1, %mul3A_396 : i32
        %mul3A_398 = arith.constant 80 : i32
        %mul3A_399 = arith.muli %add3A_397, %mul3A_398 : i32
        %dma_start3A_400 = tpu.memref_slice %arg3[%mul3A_399] : memref<160000xi32, #tpu.memory_space<hbm>> -> memref<80xi32, #tpu.memory_space<hbm>>
        %dma_start3A_401 = tpu.memref_slice %arg3[%mul3A_399] : memref<160000xi32, #tpu.memory_space<hbm>> -> memref<80xi32, #tpu.memory_space<hbm>>
        tpu.enqueue_dma source(%dma_start3A_401 : memref<80xi32, #tpu.memory_space<hbm>>) target(%arg10 : memref<80xi32, #tpu.memory_space<vmem>>) target_semaphore(%arg23 : memref<!tpu.dma_semaphore, #tpu.memory_space<semaphore_mem>>)
        %mul3A_402 = arith.constant 16 : i32
        %mul3A_403 = arith.muli %add3A_368, %mul3A_402 : i32
        %add3A_404 = arith.addi %arg1, %mul3A_403 : i32
        %mul3A_405 = arith.constant 80 : i32
        %mul3A_406 = arith.muli %add3A_404, %mul3A_405 : i32
        %dma_start3A_407 = tpu.memref_slice %arg4[%mul3A_406] : memref<160000xi32, #tpu.memory_space<hbm>> -> memref<80xi32, #tpu.memory_space<hbm>>
        %dma_start3A_408 = tpu.memref_slice %arg4[%mul3A_406] : memref<160000xi32, #tpu.memory_space<hbm>> -> memref<80xi32, #tpu.memory_space<hbm>>
        tpu.enqueue_dma source(%dma_start3A_408 : memref<80xi32, #tpu.memory_space<hbm>>) target(%arg14 : memref<80xi32, #tpu.memory_space<vmem>>) target_semaphore(%arg23 : memref<!tpu.dma_semaphore, #tpu.memory_space<semaphore_mem>>)
      } else {
      }
      %sub3A_381 = arith.constant 1 : i32
      %sub3A_382 = arith.subi %add3A_368, %sub3A_381 : i32
      %lt3A_383 = arith.constant 125 : i32
      %lt3A_384 = arith.cmpi slt, %sub3A_382, %lt3A_383 : i32
      %convert_element_type3A_385 = arith.extui %lt3A_384 : i1 to i32
      %cond3A_386 = arith.constant 0 : i32
      %cond3A_387 = arith.cmpi ne, %convert_element_type3A_385, %cond3A_386 : i32
      scf.if %cond3A_387 {
        %sub3A_395 = arith.constant 1 : i32
        %sub3A_396 = arith.subi %add3A_368, %sub3A_395 : i32
        %mul3A_397 = arith.constant 16 : i32
        %mul3A_398 = arith.muli %sub3A_396, %mul3A_397 : i32
        %add3A_399 = arith.addi %arg1, %mul3A_398 : i32
        %mul3A_400 = arith.constant 80 : i32
        %mul3A_401 = arith.muli %add3A_399, %mul3A_400 : i32
        %dma_wait3A_402 = tpu.memref_slice %arg3[%mul3A_401] : memref<160000xi32, #tpu.memory_space<hbm>> -> memref<80xi32, #tpu.memory_space<hbm>>
        %dma_wait3A_403 = tpu.memref_slice %arg3[%mul3A_401] : memref<160000xi32, #tpu.memory_space<hbm>> -> memref<80xi32, #tpu.memory_space<hbm>>
        tpu.wait_dma2 semaphore(%arg22 : memref<!tpu.dma_semaphore, #tpu.memory_space<semaphore_mem>>) src(%dma_wait3A_403 : memref<80xi32, #tpu.memory_space<hbm>>) dst(%arg9 : memref<80xi32, #tpu.memory_space<vmem>>)
        %mul3A_404 = arith.constant 16 : i32
        %mul3A_405 = arith.muli %sub3A_396, %mul3A_404 : i32
        %add3A_406 = arith.addi %arg1, %mul3A_405 : i32
        %mul3A_407 = arith.constant 80 : i32
        %mul3A_408 = arith.muli %add3A_406, %mul3A_407 : i32
        %dma_wait3A_409 = tpu.memref_slice %arg4[%mul3A_408] : memref<160000xi32, #tpu.memory_space<hbm>> -> memref<80xi32, #tpu.memory_space<hbm>>
        %dma_wait3A_410 = tpu.memref_slice %arg4[%mul3A_408] : memref<160000xi32, #tpu.memory_space<hbm>> -> memref<80xi32, #tpu.memory_space<hbm>>
        tpu.wait_dma2 semaphore(%arg22 : memref<!tpu.dma_semaphore, #tpu.memory_space<semaphore_mem>>) src(%dma_wait3A_410 : memref<80xi32, #tpu.memory_space<hbm>>) dst(%arg13 : memref<80xi32, #tpu.memory_space<vmem>>)
        %get3A_411 = arith.constant 0 : index
        %get3A_412 = tpu.vector_load %arg9[%get3A_411] {strides = array<i32>} : memref<80xi32, #tpu.memory_space<vmem>>, vector<16xi32>,
        %get3A_413 = vector.shape_cast %get3A_412 : vector<16xi32> to vector<16xi32>
        %add3A_414 = vector.broadcast %mul3A_0 : i32 to vector<16xi32>
        %add3A_415 = arith.addi %get3A_413, %add3A_414 : vector<16xi32>
        %swap3A_416 = arith.constant 0 : index
        %swap3A_417 = tpu.vector_load %arg9[%swap3A_416] {strides = array<i32>} : memref<80xi32, #tpu.memory_space<vmem>>, vector<16xi32>,
        %swap3A_418 = vector.shape_cast %swap3A_417 : vector<16xi32> to vector<16xi32>
        %swap3A_419 = vector.shape_cast %add3A_415 : vector<16xi32> to vector<16xi32>
        tpu.vector_store %arg9[%swap3A_416], %swap3A_419 {strides = array<i32>} : memref<80xi32, #tpu.memory_space<vmem>>, vector<16xi32>,
        %get3A_420 = arith.constant 16 : index
        %get3A_421 = tpu.vector_load %arg9[%get3A_420] {strides = array<i32>} : memref<80xi32, #tpu.memory_space<vmem>>, vector<16xi32>,
        %get3A_422 = vector.shape_cast %get3A_421 : vector<16xi32> to vector<16xi32>
        %add3A_423 = vector.broadcast %mul3A_0 : i32 to vector<16xi32>
        %add3A_424 = arith.addi %get3A_422, %add3A_423 : vector<16xi32>
        %swap3A_425 = arith.constant 16 : index
        %swap3A_426 = tpu.vector_load %arg9[%swap3A_425] {strides = array<i32>} : memref<80xi32, #tpu.memory_space<vmem>>, vector<16xi32>,
        %swap3A_427 = vector.shape_cast %swap3A_426 : vector<16xi32> to vector<16xi32>
        %swap3A_428 = vector.shape_cast %add3A_424 : vector<16xi32> to vector<16xi32>
        tpu.vector_store %arg9[%swap3A_425], %swap3A_428 {strides = array<i32>} : memref<80xi32, #tpu.memory_space<vmem>>, vector<16xi32>,
        %get3A_429 = arith.constant 32 : index
        %get3A_430 = tpu.vector_load %arg9[%get3A_429] {strides = array<i32>} : memref<80xi32, #tpu.memory_space<vmem>>, vector<16xi32>,
        %get3A_431 = vector.shape_cast %get3A_430 : vector<16xi32> to vector<16xi32>
        %add3A_432 = vector.broadcast %mul3A_0 : i32 to vector<16xi32>
        %add3A_433 = arith.addi %get3A_431, %add3A_432 : vector<16xi32>
        %swap3A_434 = arith.constant 32 : index
        %swap3A_435 = tpu.vector_load %arg9[%swap3A_434] {strides = array<i32>} : memref<80xi32, #tpu.memory_space<vmem>>, vector<16xi32>,
        %swap3A_436 = vector.shape_cast %swap3A_435 : vector<16xi32> to vector<16xi32>
        %swap3A_437 = vector.shape_cast %add3A_433 : vector<16xi32> to vector<16xi32>
        tpu.vector_store %arg9[%swap3A_434], %swap3A_437 {strides = array<i32>} : memref<80xi32, #tpu.memory_space<vmem>>, vector<16xi32>,
        %get3A_438 = arith.constant 48 : index
        %get3A_439 = tpu.vector_load %arg9[%get3A_438] {strides = array<i32>} : memref<80xi32, #tpu.memory_space<vmem>>, vector<16xi32>,
        %get3A_440 = vector.shape_cast %get3A_439 : vector<16xi32> to vector<16xi32>
        %add3A_441 = vector.broadcast %mul3A_0 : i32 to vector<16xi32>
        %add3A_442 = arith.addi %get3A_440, %add3A_441 : vector<16xi32>
        %swap3A_443 = arith.constant 48 : index
        %swap3A_444 = tpu.vector_load %arg9[%swap3A_443] {strides = array<i32>} : memref<80xi32, #tpu.memory_space<vmem>>, vector<16xi32>,
        %swap3A_445 = vector.shape_cast %swap3A_444 : vector<16xi32> to vector<16xi32>
        %swap3A_446 = vector.shape_cast %add3A_442 : vector<16xi32> to vector<16xi32>
        tpu.vector_store %arg9[%swap3A_443], %swap3A_446 {strides = array<i32>} : memref<80xi32, #tpu.memory_space<vmem>>, vector<16xi32>,
        %get3A_447 = arith.constant 64 : index
        %get3A_448 = tpu.vector_load %arg9[%get3A_447] {strides = array<i32>} : memref<80xi32, #tpu.memory_space<vmem>>, vector<16xi32>,
        %get3A_449 = vector.shape_cast %get3A_448 : vector<16xi32> to vector<16xi32>
        %add3A_450 = vector.broadcast %mul3A_0 : i32 to vector<16xi32>
        %add3A_451 = arith.addi %get3A_449, %add3A_450 : vector<16xi32>
        %swap3A_452 = arith.constant 64 : index
        %swap3A_453 = tpu.vector_load %arg9[%swap3A_452] {strides = array<i32>} : memref<80xi32, #tpu.memory_space<vmem>>, vector<16xi32>,
        %swap3A_454 = vector.shape_cast %swap3A_453 : vector<16xi32> to vector<16xi32>
        %swap3A_455 = vector.shape_cast %add3A_451 : vector<16xi32> to vector<16xi32>
        tpu.vector_store %arg9[%swap3A_452], %swap3A_455 {strides = array<i32>} : memref<80xi32, #tpu.memory_space<vmem>>, vector<16xi32>,
        %dma_start3A_456 = arith.constant 0 : i32
        %dma_start3A_457 = arith.constant 0 : i32
        %dma_start3A_458 = tpu.memref_slice %arg2[%dma_start3A_456, %dma_start3A_457] : memref<20000x128xf32, #tpu.memory_space<hbm>> -> memref<20000x128xf32, #tpu.memory_space<hbm>>
        tpu.enqueue_indirect_dma source(%dma_start3A_458 : memref<20000x128xf32, #tpu.memory_space<hbm>>) target(%arg17 : memref<80x128xf32, #tpu.memory_space<vmem>>) offsets(%arg9 : memref<80xi32, #tpu.memory_space<vmem>>) semaphore(%arg26 : memref<!tpu.dma_semaphore, #tpu.memory_space<semaphore_mem>>)
      } else {
      }
      %sub3A_388 = arith.constant 3 : i32
      %sub3A_389 = arith.subi %add3A_368, %sub3A_388 : i32
      %lt3A_390 = arith.constant 125 : i32
      %lt3A_391 = arith.cmpi slt, %sub3A_389, %lt3A_390 : i32
      %convert_element_type3A_392 = arith.extui %lt3A_391 : i1 to i32
      %cond3A_393 = arith.constant 0 : i32
      %cond3A_394 = arith.cmpi ne, %convert_element_type3A_392, %cond3A_393 : i32
      scf.if %cond3A_394 {
        %dma_wait3A_395 = arith.constant 0 : i32
        %dma_wait3A_396 = arith.constant 0 : i32
        %dma_wait3A_397 = tpu.memref_slice %arg2[%dma_wait3A_395, %dma_wait3A_396] : memref<20000x128xf32, #tpu.memory_space<hbm>> -> memref<20000x128xf32, #tpu.memory_space<hbm>>
        tpu.wait_indirect_dma semaphore(%arg24 : memref<!tpu.dma_semaphore, #tpu.memory_space<semaphore_mem>>) src(%dma_wait3A_397 : memref<20000x128xf32, #tpu.memory_space<hbm>>) dst(%arg15 : memref<80x128xf32, #tpu.memory_space<vmem>>)
        %dma_start3A_398 = arith.constant 0 : i32
        %dma_start3A_399 = arith.constant 0 : i32
        %dma_start3A_400 = tpu.memref_slice %arg19[%dma_start3A_398, %dma_start3A_399] : memref<10000x128xf32, #tpu.memory_space<vmem_shared>> -> memref<10000x128xf32, #tpu.memory_space<vmem_shared>>
        tpu.enqueue_indirect_dma source(%arg15 : memref<80x128xf32, #tpu.memory_space<vmem>>) target(%dma_start3A_400 : memref<10000x128xf32, #tpu.memory_space<vmem_shared>>) offsets(%arg11 : memref<80xi32, #tpu.memory_space<vmem>>) semaphore(%arg28 : memref<!tpu.dma_semaphore, #tpu.memory_space<semaphore_mem>>) {add = true}
      } else {
      }
    }
    %scan3A_251 = arith.constant 32 : i32
    %barrier3A_252 = arith.constant 0 : index
    tpu.barrier barrier_id(%barrier3A_252)
    %lt3A_253 = arith.constant 15 : i32
    %lt3A_254 = arith.cmpi slt, %arg1, %lt3A_253 : i32
    %convert_element_type3A_255 = arith.extui %lt3A_254 : i1 to i32
    %cond3A_256 = arith.constant 0 : i32
    %cond3A_257 = arith.cmpi ne, %convert_element_type3A_255, %cond3A_256 : i32
    scf.if %cond3A_257 {
      %add3A_263 = arith.addi %mul3A_0, %mul3A_2 : i32
      "tpu.region"() ({
        %run_scoped3A = tpu.sem_alloc : memref<!tpu.dma_semaphore, #tpu.memory_space<semaphore_mem>>
        %dma_start3A_264 = arith.constant 0 : i32
        %dma_start3A_265 = tpu.memref_slice %arg6[%add3A_263, %dma_start3A_264] : memref<20000x128xf32, #tpu.memory_space<hbm>> -> memref<640x128xf32, #tpu.memory_space<hbm>>
        %dma_start3A_266 = arith.constant 0 : i32
        %dma_start3A_267 = tpu.memref_slice %arg19[%mul3A_2, %dma_start3A_266] : memref<10000x128xf32, #tpu.memory_space<vmem_shared>> -> memref<640x128xf32, #tpu.memory_space<vmem_shared>>
        tpu.enqueue_dma source(%dma_start3A_267 : memref<640x128xf32, #tpu.memory_space<vmem_shared>>) target(%dma_start3A_265 : memref<640x128xf32, #tpu.memory_space<hbm>>) target_semaphore(%run_scoped3A : memref<!tpu.dma_semaphore, #tpu.memory_space<semaphore_mem>>)
        %dma_wait3A_268 = arith.constant 0 : i32
        %dma_wait3A_269 = tpu.memref_slice %arg6[%add3A_263, %dma_wait3A_268] : memref<20000x128xf32, #tpu.memory_space<hbm>> -> memref<640x128xf32, #tpu.memory_space<hbm>>
        %dma_wait3A_270 = arith.constant 0 : i32
        %dma_wait3A_271 = tpu.memref_slice %arg19[%mul3A_2, %dma_wait3A_270] : memref<10000x128xf32, #tpu.memory_space<vmem_shared>> -> memref<640x128xf32, #tpu.memory_space<vmem_shared>>
        tpu.wait_dma2 semaphore(%run_scoped3A : memref<!tpu.dma_semaphore, #tpu.memory_space<semaphore_mem>>) src(%dma_wait3A_271 : memref<640x128xf32, #tpu.memory_space<vmem_shared>>) dst(%dma_wait3A_269 : memref<640x128xf32, #tpu.memory_space<hbm>>)
        tpu.yield
      }) : () -> ()
    } else {
    }
    %eq3A_258 = arith.constant 15 : i32
    %eq3A_259 = arith.cmpi eq, %arg1, %eq3A_258 : i32
    %convert_element_type3A_260 = arith.extui %eq3A_259 : i1 to i32
    %cond3A_261 = arith.constant 0 : i32
    %cond3A_262 = arith.cmpi ne, %convert_element_type3A_260, %cond3A_261 : i32
    scf.if %cond3A_262 {
      %add3A_263 = arith.addi %mul3A_0, %mul3A_2 : i32
      "tpu.region"() ({
        %run_scoped3A = tpu.sem_alloc : memref<!tpu.dma_semaphore, #tpu.memory_space<semaphore_mem>>
        %dma_start3A_264 = arith.constant 0 : i32
        %dma_start3A_265 = tpu.memref_slice %arg6[%add3A_263, %dma_start3A_264] : memref<20000x128xf32, #tpu.memory_space<hbm>> -> memref<400x128xf32, #tpu.memory_space<hbm>>
        %dma_start3A_266 = arith.constant 0 : i32
        %dma_start3A_267 = tpu.memref_slice %arg19[%mul3A_2, %dma_start3A_266] : memref<10000x128xf32, #tpu.memory_space<vmem_shared>> -> memref<400x128xf32, #tpu.memory_space<vmem_shared>>
        tpu.enqueue_dma source(%dma_start3A_267 : memref<400x128xf32, #tpu.memory_space<vmem_shared>>) target(%dma_start3A_265 : memref<400x128xf32, #tpu.memory_space<hbm>>) target_semaphore(%run_scoped3A : memref<!tpu.dma_semaphore, #tpu.memory_space<semaphore_mem>>)
        %dma_wait3A_268 = arith.constant 0 : i32
        %dma_wait3A_269 = tpu.memref_slice %arg6[%add3A_263, %dma_wait3A_268] : memref<20000x128xf32, #tpu.memory_space<hbm>> -> memref<400x128xf32, #tpu.memory_space<hbm>>
        %dma_wait3A_270 = arith.constant 0 : i32
        %dma_wait3A_271 = tpu.memref_slice %arg19[%mul3A_2, %dma_wait3A_270] : memref<10000x128xf32, #tpu.memory_space<vmem_shared>> -> memref<400x128xf32, #tpu.memory_space<vmem_shared>>
        tpu.wait_dma2 semaphore(%run_scoped3A : memref<!tpu.dma_semaphore, #tpu.memory_space<semaphore_mem>>) src(%dma_wait3A_271 : memref<400x128xf32, #tpu.memory_space<vmem_shared>>) dst(%dma_wait3A_269 : memref<400x128xf32, #tpu.memory_space<hbm>>)
        tpu.yield
      }) : () -> ()
    } else {
    }
    return
  }
}

#map = affine_map<(d0, d1) -> (0, 0)>
#map1 = affine_map<(d0, d1) -> (0)>
module attributes {stable_mosaic.version = 14 : i64} {
  func.func @_sc_scatter_body(%arg0: i32, %arg1: i32, %arg2: memref<20000x128xf32, #tpu.memory_space<hbm>>, %arg3: memref<160000xi32, #tpu.memory_space<hbm>>, %arg4: memref<160000xi32, #tpu.memory_space<hbm>>, %arg5: memref<640x128xf32, #tpu.memory_space<hbm>>, %arg6: memref<20000x128xf32, #tpu.memory_space<hbm>>, %arg7: memref<80xi32, #tpu.memory_space<vmem>>, %arg8: memref<80xi32, #tpu.memory_space<vmem>>, %arg9: memref<80xi32, #tpu.memory_space<vmem>>, %arg10: memref<80xi32, #tpu.memory_space<vmem>>, %arg11: memref<80xi32, #tpu.memory_space<vmem>>, %arg12: memref<80xi32, #tpu.memory_space<vmem>>, %arg13: memref<80xi32, #tpu.memory_space<vmem>>, %arg14: memref<80xi32, #tpu.memory_space<vmem>>, %arg15: memref<80x128xf32, #tpu.memory_space<vmem>>, %arg16: memref<80x128xf32, #tpu.memory_space<vmem>>, %arg17: memref<80x128xf32, #tpu.memory_space<vmem>>, %arg18: memref<80x128xf32, #tpu.memory_space<vmem>>, %arg19: memref<10000x128xf32, #tpu.memory_space<vmem_shared>>, %arg20: memref<!tpu.dma_semaphore, #tpu.memory_space<semaphore_mem>>, %arg21: memref<!tpu.dma_semaphore, #tpu.memory_space<semaphore_mem>>, %arg22: memref<!tpu.dma_semaphore, #tpu.memory_space<semaphore_mem>>, %arg23: memref<!tpu.dma_semaphore, #tpu.memory_space<semaphore_mem>>, %arg24: memref<!tpu.dma_semaphore, #tpu.memory_space<semaphore_mem>>, %arg25: memref<!tpu.dma_semaphore, #tpu.memory_space<semaphore_mem>>, %arg26: memref<!tpu.dma_semaphore, #tpu.memory_space<semaphore_mem>>, %arg27: memref<!tpu.dma_semaphore, #tpu.memory_space<semaphore_mem>>, %arg28: memref<!tpu.dma_semaphore, #tpu.memory_space<semaphore_mem>>, %arg29: memref<!tpu.dma_semaphore, #tpu.memory_space<semaphore_mem>>, %arg30: memref<!tpu.dma_semaphore, #tpu.memory_space<semaphore_mem>>, %arg31: memref<!tpu.dma_semaphore, #tpu.memory_space<semaphore_mem>>, %arg32: memref<!tpu.dma_semaphore, #tpu.memory_space<semaphore_mem>>) attributes {dimension_semantics = [#tpu.dimension_semantics<core_parallel>, #tpu.dimension_semantics<subcore_parallel>], iteration_bounds = array<i64: 2, 16>, scalar_prefetch = 0 : i64, scratch_operands = 26 : i64, tpu.core_type = #tpu.core_type<sc_vector_subcore>, window_params = [{transform_indices = #map}, {transform_indices = #map1}, {transform_indices = #map1}, {transform_indices = #map}, {transform_indices = #map}]} {
    %mul3A = arith.constant 10000 : i32
    %mul3A_0 = arith.muli %arg0, %mul3A : i32
    %mul3A_1 = arith.constant 640 : i32
    %mul3A_2 = arith.muli %arg1, %mul3A_1 : i32
    %lt3A = arith.constant 15 : i32
    %lt3A_3 = arith.cmpi slt, %arg1, %lt3A : i32
    %convert_element_type3A = arith.extui %lt3A_3 : i1 to i32
    %cond3A = arith.constant 0 : i32
    %cond3A_4 = arith.cmpi ne, %convert_element_type3A, %cond3A : i32
    scf.if %cond3A_4 {
      %dma_start3A_263 = arith.constant 0 : i32
      %dma_start3A_264 = tpu.memref_slice %arg19[%mul3A_2, %dma_start3A_263] : memref<10000x128xf32, #tpu.memory_space<vmem_shared>> -> memref<640x128xf32, #tpu.memory_space<vmem_shared>>
      tpu.enqueue_dma source(%arg5 : memref<640x128xf32, #tpu.memory_space<hbm>>) target(%dma_start3A_264 : memref<640x128xf32, #tpu.memory_space<vmem_shared>>) target_semaphore(%arg32 : memref<!tpu.dma_semaphore, #tpu.memory_space<semaphore_mem>>)
    } else {
    }
    %eq3A = arith.constant 15 : i32
    %eq3A_5 = arith.cmpi eq, %arg1, %eq3A : i32
    %convert_element_type3A_6 = arith.extui %eq3A_5 : i1 to i32
    %cond3A_7 = arith.constant 0 : i32
    %cond3A_8 = arith.cmpi ne, %convert_element_type3A_6, %cond3A_7 : i32
    scf.if %cond3A_8 {
      %dma_start3A_263 = arith.constant 0 : i32
      %dma_start3A_264 = tpu.memref_slice %arg19[%mul3A_2, %dma_start3A_263] : memref<10000x128xf32, #tpu.memory_space<vmem_shared>> -> memref<400x128xf32, #tpu.memory_space<vmem_shared>>
      %dma_start3A_265 = arith.constant 0 : i32
      %dma_start3A_266 = arith.constant 0 : i32
      %dma_start3A_267 = tpu.memref_slice %arg5[%dma_start3A_265, %dma_start3A_266] : memref<640x128xf32, #tpu.memory_space<hbm>> -> memref<400x128xf32, #tpu.memory_space<hbm>>
      tpu.enqueue_dma source(%dma_start3A_267 : memref<400x128xf32, #tpu.memory_space<hbm>>) target(%dma_start3A_264 : memref<400x128xf32, #tpu.memory_space<vmem_shared>>) target_semaphore(%arg32 : memref<!tpu.dma_semaphore, #tpu.memory_space<semaphore_mem>>)
    } else {
    }
    %add3A = arith.constant 0 : i32
    %add3A_9 = arith.addi %arg1, %add3A : i32
    %mul3A_10 = arith.constant 80 : i32
    %mul3A_11 = arith.muli %add3A_9, %mul3A_10 : i32
    %dma_start3A = tpu.memref_slice %arg3[%mul3A_11] : memref<160000xi32, #tpu.memory_space<hbm>> -> memref<80xi32, #tpu.memory_space<hbm>>
    %dma_start3A_12 = tpu.memref_slice %arg3[%mul3A_11] : memref<160000xi32, #tpu.memory_space<hbm>> -> memref<80xi32, #tpu.memory_space<hbm>>
    tpu.enqueue_dma source(%dma_start3A_12 : memref<80xi32, #tpu.memory_space<hbm>>) target(%arg7 : memref<80xi32, #tpu.memory_space<vmem>>) target_semaphore(%arg20 : memref<!tpu.dma_semaphore, #tpu.memory_space<semaphore_mem>>)
    %add3A_13 = arith.constant 0 : i32
    %add3A_14 = arith.addi %arg1, %add3A_13 : i32
    %mul3A_15 = arith.constant 80 : i32
    %mul3A_16 = arith.muli %add3A_14, %mul3A_15 : i32
    %dma_start3A_17 = tpu.memref_slice %arg4[%mul3A_16] : memref<160000xi32, #tpu.memory_space<hbm>> -> memref<80xi32, #tpu.memory_space<hbm>>
    %dma_start3A_18 = tpu.memref_slice %arg4[%mul3A_16] : memref<160000xi32, #tpu.memory_space<hbm>> -> memref<80xi32, #tpu.memory_space<hbm>>
    tpu.enqueue_dma source(%dma_start3A_18 : memref<80xi32, #tpu.memory_space<hbm>>) target(%arg11 : memref<80xi32, #tpu.memory_space<vmem>>) target_semaphore(%arg20 : memref<!tpu.dma_semaphore, #tpu.memory_space<semaphore_mem>>)
    %add3A_19 = arith.constant 16 : i32
    %add3A_20 = arith.addi %arg1, %add3A_19 : i32
    %mul3A_21 = arith.constant 80 : i32
    %mul3A_22 = arith.muli %add3A_20, %mul3A_21 : i32
    %dma_start3A_23 = tpu.memref_slice %arg3[%mul3A_22] : memref<160000xi32, #tpu.memory_space<hbm>> -> memref<80xi32, #tpu.memory_space<hbm>>
    %dma_start3A_24 = tpu.memref_slice %arg3[%mul3A_22] : memref<160000xi32, #tpu.memory_space<hbm>> -> memref<80xi32, #tpu.memory_space<hbm>>
    tpu.enqueue_dma source(%dma_start3A_24 : memref<80xi32, #tpu.memory_space<hbm>>) target(%arg8 : memref<80xi32, #tpu.memory_space<vmem>>) target_semaphore(%arg21 : memref<!tpu.dma_semaphore, #tpu.memory_space<semaphore_mem>>)
    %add3A_25 = arith.constant 16 : i32
    %add3A_26 = arith.addi %arg1, %add3A_25 : i32
    %mul3A_27 = arith.constant 80 : i32
    %mul3A_28 = arith.muli %add3A_26, %mul3A_27 : i32
    %dma_start3A_29 = tpu.memref_slice %arg4[%mul3A_28] : memref<160000xi32, #tpu.memory_space<hbm>> -> memref<80xi32, #tpu.memory_space<hbm>>
    %dma_start3A_30 = tpu.memref_slice %arg4[%mul3A_28] : memref<160000xi32, #tpu.memory_space<hbm>> -> memref<80xi32, #tpu.memory_space<hbm>>
    tpu.enqueue_dma source(%dma_start3A_30 : memref<80xi32, #tpu.memory_space<hbm>>) target(%arg12 : memref<80xi32, #tpu.memory_space<vmem>>) target_semaphore(%arg21 : memref<!tpu.dma_semaphore, #tpu.memory_space<semaphore_mem>>)
    %add3A_31 = arith.constant 0 : i32
    %add3A_32 = arith.addi %arg1, %add3A_31 : i32
    %mul3A_33 = arith.constant 80 : i32
    %mul3A_34 = arith.muli %add3A_32, %mul3A_33 : i32
    %dma_wait3A = tpu.memref_slice %arg3[%mul3A_34] : memref<160000xi32, #tpu.memory_space<hbm>> -> memref<80xi32, #tpu.memory_space<hbm>>
    %dma_wait3A_35 = tpu.memref_slice %arg3[%mul3A_34] : memref<160000xi32, #tpu.memory_space<hbm>> -> memref<80xi32, #tpu.memory_space<hbm>>
    tpu.wait_dma2 semaphore(%arg20 : memref<!tpu.dma_semaphore, #tpu.memory_space<semaphore_mem>>) src(%dma_wait3A_35 : memref<80xi32, #tpu.memory_space<hbm>>) dst(%arg7 : memref<80xi32, #tpu.memory_space<vmem>>)
    %add3A_36 = arith.constant 0 : i32
    %add3A_37 = arith.addi %arg1, %add3A_36 : i32
    %mul3A_38 = arith.constant 80 : i32
    %mul3A_39 = arith.muli %add3A_37, %mul3A_38 : i32
    %dma_wait3A_40 = tpu.memref_slice %arg4[%mul3A_39] : memref<160000xi32, #tpu.memory_space<hbm>> -> memref<80xi32, #tpu.memory_space<hbm>>
    %dma_wait3A_41 = tpu.memref_slice %arg4[%mul3A_39] : memref<160000xi32, #tpu.memory_space<hbm>> -> memref<80xi32, #tpu.memory_space<hbm>>
    tpu.wait_dma2 semaphore(%arg20 : memref<!tpu.dma_semaphore, #tpu.memory_space<semaphore_mem>>) src(%dma_wait3A_41 : memref<80xi32, #tpu.memory_space<hbm>>) dst(%arg11 : memref<80xi32, #tpu.memory_space<vmem>>)
    %get3A = arith.constant 0 : index
    %get3A_42 = tpu.vector_load %arg7[%get3A] {strides = array<i32>} : memref<80xi32, #tpu.memory_space<vmem>>, vector<16xi32>,
    %get3A_43 = vector.shape_cast %get3A_42 : vector<16xi32> to vector<16xi32>
    %add3A_44 = vector.broadcast %mul3A_0 : i32 to vector<16xi32>
    %add3A_45 = arith.addi %get3A_43, %add3A_44 : vector<16xi32>
    %swap3A = arith.constant 0 : index
    %swap3A_46 = tpu.vector_load %arg7[%swap3A] {strides = array<i32>} : memref<80xi32, #tpu.memory_space<vmem>>, vector<16xi32>,
    %swap3A_47 = vector.shape_cast %swap3A_46 : vector<16xi32> to vector<16xi32>
    %swap3A_48 = vector.shape_cast %add3A_45 : vector<16xi32> to vector<16xi32>
    tpu.vector_store %arg7[%swap3A], %swap3A_48 {strides = array<i32>} : memref<80xi32, #tpu.memory_space<vmem>>, vector<16xi32>,
    %get3A_49 = arith.constant 16 : index
    %get3A_50 = tpu.vector_load %arg7[%get3A_49] {strides = array<i32>} : memref<80xi32, #tpu.memory_space<vmem>>, vector<16xi32>,
    %get3A_51 = vector.shape_cast %get3A_50 : vector<16xi32> to vector<16xi32>
    %add3A_52 = vector.broadcast %mul3A_0 : i32 to vector<16xi32>
    %add3A_53 = arith.addi %get3A_51, %add3A_52 : vector<16xi32>
    %swap3A_54 = arith.constant 16 : index
    %swap3A_55 = tpu.vector_load %arg7[%swap3A_54] {strides = array<i32>} : memref<80xi32, #tpu.memory_space<vmem>>, vector<16xi32>,
    %swap3A_56 = vector.shape_cast %swap3A_55 : vector<16xi32> to vector<16xi32>
    %swap3A_57 = vector.shape_cast %add3A_53 : vector<16xi32> to vector<16xi32>
    tpu.vector_store %arg7[%swap3A_54], %swap3A_57 {strides = array<i32>} : memref<80xi32, #tpu.memory_space<vmem>>, vector<16xi32>,
    %get3A_58 = arith.constant 32 : index
    %get3A_59 = tpu.vector_load %arg7[%get3A_58] {strides = array<i32>} : memref<80xi32, #tpu.memory_space<vmem>>, vector<16xi32>,
    %get3A_60 = vector.shape_cast %get3A_59 : vector<16xi32> to vector<16xi32>
    %add3A_61 = vector.broadcast %mul3A_0 : i32 to vector<16xi32>
    %add3A_62 = arith.addi %get3A_60, %add3A_61 : vector<16xi32>
    %swap3A_63 = arith.constant 32 : index
    %swap3A_64 = tpu.vector_load %arg7[%swap3A_63] {strides = array<i32>} : memref<80xi32, #tpu.memory_space<vmem>>, vector<16xi32>,
    %swap3A_65 = vector.shape_cast %swap3A_64 : vector<16xi32> to vector<16xi32>
    %swap3A_66 = vector.shape_cast %add3A_62 : vector<16xi32> to vector<16xi32>
    tpu.vector_store %arg7[%swap3A_63], %swap3A_66 {strides = array<i32>} : memref<80xi32, #tpu.memory_space<vmem>>, vector<16xi32>,
    %get3A_67 = arith.constant 48 : index
    %get3A_68 = tpu.vector_load %arg7[%get3A_67] {strides = array<i32>} : memref<80xi32, #tpu.memory_space<vmem>>, vector<16xi32>,
    %get3A_69 = vector.shape_cast %get3A_68 : vector<16xi32> to vector<16xi32>
    %add3A_70 = vector.broadcast %mul3A_0 : i32 to vector<16xi32>
    %add3A_71 = arith.addi %get3A_69, %add3A_70 : vector<16xi32>
    %swap3A_72 = arith.constant 48 : index
    %swap3A_73 = tpu.vector_load %arg7[%swap3A_72] {strides = array<i32>} : memref<80xi32, #tpu.memory_space<vmem>>, vector<16xi32>,
    %swap3A_74 = vector.shape_cast %swap3A_73 : vector<16xi32> to vector<16xi32>
    %swap3A_75 = vector.shape_cast %add3A_71 : vector<16xi32> to vector<16xi32>
    tpu.vector_store %arg7[%swap3A_72], %swap3A_75 {strides = array<i32>} : memref<80xi32, #tpu.memory_space<vmem>>, vector<16xi32>,
    %get3A_76 = arith.constant 64 : index
    %get3A_77 = tpu.vector_load %arg7[%get3A_76] {strides = array<i32>} : memref<80xi32, #tpu.memory_space<vmem>>, vector<16xi32>,
    %get3A_78 = vector.shape_cast %get3A_77 : vector<16xi32> to vector<16xi32>
    %add3A_79 = vector.broadcast %mul3A_0 : i32 to vector<16xi32>
    %add3A_80 = arith.addi %get3A_78, %add3A_79 : vector<16xi32>
    %swap3A_81 = arith.constant 64 : index
    %swap3A_82 = tpu.vector_load %arg7[%swap3A_81] {strides = array<i32>} : memref<80xi32, #tpu.memory_space<vmem>>, vector<16xi32>,
    %swap3A_83 = vector.shape_cast %swap3A_82 : vector<16xi32> to vector<16xi32>
    %swap3A_84 = vector.shape_cast %add3A_80 : vector<16xi32> to vector<16xi32>
    tpu.vector_store %arg7[%swap3A_81], %swap3A_84 {strides = array<i32>} : memref<80xi32, #tpu.memory_space<vmem>>, vector<16xi32>,
    %dma_start3A_85 = arith.constant 0 : i32
    %dma_start3A_86 = arith.constant 0 : i32
    %dma_start3A_87 = tpu.memref_slice %arg2[%dma_start3A_85, %dma_start3A_86] : memref<20000x128xf32, #tpu.memory_space<hbm>> -> memref<20000x128xf32, #tpu.memory_space<hbm>>
    tpu.enqueue_indirect_dma source(%dma_start3A_87 : memref<20000x128xf32, #tpu.memory_space<hbm>>) target(%arg15 : memref<80x128xf32, #tpu.memory_space<vmem>>) offsets(%arg7 : memref<80xi32, #tpu.memory_space<vmem>>) semaphore(%arg24 : memref<!tpu.dma_semaphore, #tpu.memory_space<semaphore_mem>>)
    %add3A_88 = arith.constant 32 : i32
    %add3A_89 = arith.addi %arg1, %add3A_88 : i32
    %mul3A_90 = arith.constant 80 : i32
    %mul3A_91 = arith.muli %add3A_89, %mul3A_90 : i32
    %dma_start3A_92 = tpu.memref_slice %arg3[%mul3A_91] : memref<160000xi32, #tpu.memory_space<hbm>> -> memref<80xi32, #tpu.memory_space<hbm>>
    %dma_start3A_93 = tpu.memref_slice %arg3[%mul3A_91] : memref<160000xi32, #tpu.memory_space<hbm>> -> memref<80xi32, #tpu.memory_space<hbm>>
    tpu.enqueue_dma source(%dma_start3A_93 : memref<80xi32, #tpu.memory_space<hbm>>) target(%arg9 : memref<80xi32, #tpu.memory_space<vmem>>) target_semaphore(%arg22 : memref<!tpu.dma_semaphore, #tpu.memory_space<semaphore_mem>>)
    %add3A_94 = arith.constant 32 : i32
    %add3A_95 = arith.addi %arg1, %add3A_94 : i32
    %mul3A_96 = arith.constant 80 : i32
    %mul3A_97 = arith.muli %add3A_95, %mul3A_96 : i32
    %dma_start3A_98 = tpu.memref_slice %arg4[%mul3A_97] : memref<160000xi32, #tpu.memory_space<hbm>> -> memref<80xi32, #tpu.memory_space<hbm>>
    %dma_start3A_99 = tpu.memref_slice %arg4[%mul3A_97] : memref<160000xi32, #tpu.memory_space<hbm>> -> memref<80xi32, #tpu.memory_space<hbm>>
    tpu.enqueue_dma source(%dma_start3A_99 : memref<80xi32, #tpu.memory_space<hbm>>) target(%arg13 : memref<80xi32, #tpu.memory_space<vmem>>) target_semaphore(%arg22 : memref<!tpu.dma_semaphore, #tpu.memory_space<semaphore_mem>>)
    %add3A_100 = arith.constant 16 : i32
    %add3A_101 = arith.addi %arg1, %add3A_100 : i32
    %mul3A_102 = arith.constant 80 : i32
    %mul3A_103 = arith.muli %add3A_101, %mul3A_102 : i32
    %dma_wait3A_104 = tpu.memref_slice %arg3[%mul3A_103] : memref<160000xi32, #tpu.memory_space<hbm>> -> memref<80xi32, #tpu.memory_space<hbm>>
    %dma_wait3A_105 = tpu.memref_slice %arg3[%mul3A_103] : memref<160000xi32, #tpu.memory_space<hbm>> -> memref<80xi32, #tpu.memory_space<hbm>>
    tpu.wait_dma2 semaphore(%arg21 : memref<!tpu.dma_semaphore, #tpu.memory_space<semaphore_mem>>) src(%dma_wait3A_105 : memref<80xi32, #tpu.memory_space<hbm>>) dst(%arg8 : memref<80xi32, #tpu.memory_space<vmem>>)
    %add3A_106 = arith.constant 16 : i32
    %add3A_107 = arith.addi %arg1, %add3A_106 : i32
    %mul3A_108 = arith.constant 80 : i32
    %mul3A_109 = arith.muli %add3A_107, %mul3A_108 : i32
    %dma_wait3A_110 = tpu.memref_slice %arg4[%mul3A_109] : memref<160000xi32, #tpu.memory_space<hbm>> -> memref<80xi32, #tpu.memory_space<hbm>>
    %dma_wait3A_111 = tpu.memref_slice %arg4[%mul3A_109] : memref<160000xi32, #tpu.memory_space<hbm>> -> memref<80xi32, #tpu.memory_space<hbm>>
    tpu.wait_dma2 semaphore(%arg21 : memref<!tpu.dma_semaphore, #tpu.memory_space<semaphore_mem>>) src(%dma_wait3A_111 : memref<80xi32, #tpu.memory_space<hbm>>) dst(%arg12 : memref<80xi32, #tpu.memory_space<vmem>>)
    %get3A_112 = arith.constant 0 : index
    %get3A_113 = tpu.vector_load %arg8[%get3A_112] {strides = array<i32>} : memref<80xi32, #tpu.memory_space<vmem>>, vector<16xi32>,
    %get3A_114 = vector.shape_cast %get3A_113 : vector<16xi32> to vector<16xi32>
    %add3A_115 = vector.broadcast %mul3A_0 : i32 to vector<16xi32>
    %add3A_116 = arith.addi %get3A_114, %add3A_115 : vector<16xi32>
    %swap3A_117 = arith.constant 0 : index
    %swap3A_118 = tpu.vector_load %arg8[%swap3A_117] {strides = array<i32>} : memref<80xi32, #tpu.memory_space<vmem>>, vector<16xi32>,
    %swap3A_119 = vector.shape_cast %swap3A_118 : vector<16xi32> to vector<16xi32>
    %swap3A_120 = vector.shape_cast %add3A_116 : vector<16xi32> to vector<16xi32>
    tpu.vector_store %arg8[%swap3A_117], %swap3A_120 {strides = array<i32>} : memref<80xi32, #tpu.memory_space<vmem>>, vector<16xi32>,
    %get3A_121 = arith.constant 16 : index
    %get3A_122 = tpu.vector_load %arg8[%get3A_121] {strides = array<i32>} : memref<80xi32, #tpu.memory_space<vmem>>, vector<16xi32>,
    %get3A_123 = vector.shape_cast %get3A_122 : vector<16xi32> to vector<16xi32>
    %add3A_124 = vector.broadcast %mul3A_0 : i32 to vector<16xi32>
    %add3A_125 = arith.addi %get3A_123, %add3A_124 : vector<16xi32>
    %swap3A_126 = arith.constant 16 : index
    %swap3A_127 = tpu.vector_load %arg8[%swap3A_126] {strides = array<i32>} : memref<80xi32, #tpu.memory_space<vmem>>, vector<16xi32>,
    %swap3A_128 = vector.shape_cast %swap3A_127 : vector<16xi32> to vector<16xi32>
    %swap3A_129 = vector.shape_cast %add3A_125 : vector<16xi32> to vector<16xi32>
    tpu.vector_store %arg8[%swap3A_126], %swap3A_129 {strides = array<i32>} : memref<80xi32, #tpu.memory_space<vmem>>, vector<16xi32>,
    %get3A_130 = arith.constant 32 : index
    %get3A_131 = tpu.vector_load %arg8[%get3A_130] {strides = array<i32>} : memref<80xi32, #tpu.memory_space<vmem>>, vector<16xi32>,
    %get3A_132 = vector.shape_cast %get3A_131 : vector<16xi32> to vector<16xi32>
    %add3A_133 = vector.broadcast %mul3A_0 : i32 to vector<16xi32>
    %add3A_134 = arith.addi %get3A_132, %add3A_133 : vector<16xi32>
    %swap3A_135 = arith.constant 32 : index
    %swap3A_136 = tpu.vector_load %arg8[%swap3A_135] {strides = array<i32>} : memref<80xi32, #tpu.memory_space<vmem>>, vector<16xi32>,
    %swap3A_137 = vector.shape_cast %swap3A_136 : vector<16xi32> to vector<16xi32>
    %swap3A_138 = vector.shape_cast %add3A_134 : vector<16xi32> to vector<16xi32>
    tpu.vector_store %arg8[%swap3A_135], %swap3A_138 {strides = array<i32>} : memref<80xi32, #tpu.memory_space<vmem>>, vector<16xi32>,
    %get3A_139 = arith.constant 48 : index
    %get3A_140 = tpu.vector_load %arg8[%get3A_139] {strides = array<i32>} : memref<80xi32, #tpu.memory_space<vmem>>, vector<16xi32>,
    %get3A_141 = vector.shape_cast %get3A_140 : vector<16xi32> to vector<16xi32>
    %add3A_142 = vector.broadcast %mul3A_0 : i32 to vector<16xi32>
    %add3A_143 = arith.addi %get3A_141, %add3A_142 : vector<16xi32>
    %swap3A_144 = arith.constant 48 : index
    %swap3A_145 = tpu.vector_load %arg8[%swap3A_144] {strides = array<i32>} : memref<80xi32, #tpu.memory_space<vmem>>, vector<16xi32>,
    %swap3A_146 = vector.shape_cast %swap3A_145 : vector<16xi32> to vector<16xi32>
    %swap3A_147 = vector.shape_cast %add3A_143 : vector<16xi32> to vector<16xi32>
    tpu.vector_store %arg8[%swap3A_144], %swap3A_147 {strides = array<i32>} : memref<80xi32, #tpu.memory_space<vmem>>, vector<16xi32>,
    %get3A_148 = arith.constant 64 : index
    %get3A_149 = tpu.vector_load %arg8[%get3A_148] {strides = array<i32>} : memref<80xi32, #tpu.memory_space<vmem>>, vector<16xi32>,
    %get3A_150 = vector.shape_cast %get3A_149 : vector<16xi32> to vector<16xi32>
    %add3A_151 = vector.broadcast %mul3A_0 : i32 to vector<16xi32>
    %add3A_152 = arith.addi %get3A_150, %add3A_151 : vector<16xi32>
    %swap3A_153 = arith.constant 64 : index
    %swap3A_154 = tpu.vector_load %arg8[%swap3A_153] {strides = array<i32>} : memref<80xi32, #tpu.memory_space<vmem>>, vector<16xi32>,
    %swap3A_155 = vector.shape_cast %swap3A_154 : vector<16xi32> to vector<16xi32>
    %swap3A_156 = vector.shape_cast %add3A_152 : vector<16xi32> to vector<16xi32>
    tpu.vector_store %arg8[%swap3A_153], %swap3A_156 {strides = array<i32>} : memref<80xi32, #tpu.memory_space<vmem>>, vector<16xi32>,
    %dma_start3A_157 = arith.constant 0 : i32
    %dma_start3A_158 = arith.constant 0 : i32
    %dma_start3A_159 = tpu.memref_slice %arg2[%dma_start3A_157, %dma_start3A_158] : memref<20000x128xf32, #tpu.memory_space<hbm>> -> memref<20000x128xf32, #tpu.memory_space<hbm>>
    tpu.enqueue_indirect_dma source(%dma_start3A_159 : memref<20000x128xf32, #tpu.memory_space<hbm>>) target(%arg16 : memref<80x128xf32, #tpu.memory_space<vmem>>) offsets(%arg8 : memref<80xi32, #tpu.memory_space<vmem>>) semaphore(%arg25 : memref<!tpu.dma_semaphore, #tpu.memory_space<semaphore_mem>>)
    %add3A_160 = arith.constant 48 : i32
    %add3A_161 = arith.addi %arg1, %add3A_160 : i32
    %mul3A_162 = arith.constant 80 : i32
    %mul3A_163 = arith.muli %add3A_161, %mul3A_162 : i32
    %dma_start3A_164 = tpu.memref_slice %arg3[%mul3A_163] : memref<160000xi32, #tpu.memory_space<hbm>> -> memref<80xi32, #tpu.memory_space<hbm>>
    %dma_start3A_165 = tpu.memref_slice %arg3[%mul3A_163] : memref<160000xi32, #tpu.memory_space<hbm>> -> memref<80xi32, #tpu.memory_space<hbm>>
    tpu.enqueue_dma source(%dma_start3A_165 : memref<80xi32, #tpu.memory_space<hbm>>) target(%arg10 : memref<80xi32, #tpu.memory_space<vmem>>) target_semaphore(%arg23 : memref<!tpu.dma_semaphore, #tpu.memory_space<semaphore_mem>>)
    %add3A_166 = arith.constant 48 : i32
    %add3A_167 = arith.addi %arg1, %add3A_166 : i32
    %mul3A_168 = arith.constant 80 : i32
    %mul3A_169 = arith.muli %add3A_167, %mul3A_168 : i32
    %dma_start3A_170 = tpu.memref_slice %arg4[%mul3A_169] : memref<160000xi32, #tpu.memory_space<hbm>> -> memref<80xi32, #tpu.memory_space<hbm>>
    %dma_start3A_171 = tpu.memref_slice %arg4[%mul3A_169] : memref<160000xi32, #tpu.memory_space<hbm>> -> memref<80xi32, #tpu.memory_space<hbm>>
    tpu.enqueue_dma source(%dma_start3A_171 : memref<80xi32, #tpu.memory_space<hbm>>) target(%arg14 : memref<80xi32, #tpu.memory_space<vmem>>) target_semaphore(%arg23 : memref<!tpu.dma_semaphore, #tpu.memory_space<semaphore_mem>>)
    %add3A_172 = arith.constant 32 : i32
    %add3A_173 = arith.addi %arg1, %add3A_172 : i32
    %mul3A_174 = arith.constant 80 : i32
    %mul3A_175 = arith.muli %add3A_173, %mul3A_174 : i32
    %dma_wait3A_176 = tpu.memref_slice %arg3[%mul3A_175] : memref<160000xi32, #tpu.memory_space<hbm>> -> memref<80xi32, #tpu.memory_space<hbm>>
    %dma_wait3A_177 = tpu.memref_slice %arg3[%mul3A_175] : memref<160000xi32, #tpu.memory_space<hbm>> -> memref<80xi32, #tpu.memory_space<hbm>>
    tpu.wait_dma2 semaphore(%arg22 : memref<!tpu.dma_semaphore, #tpu.memory_space<semaphore_mem>>) src(%dma_wait3A_177 : memref<80xi32, #tpu.memory_space<hbm>>) dst(%arg9 : memref<80xi32, #tpu.memory_space<vmem>>)
    %add3A_178 = arith.constant 32 : i32
    %add3A_179 = arith.addi %arg1, %add3A_178 : i32
    %mul3A_180 = arith.constant 80 : i32
    %mul3A_181 = arith.muli %add3A_179, %mul3A_180 : i32
    %dma_wait3A_182 = tpu.memref_slice %arg4[%mul3A_181] : memref<160000xi32, #tpu.memory_space<hbm>> -> memref<80xi32, #tpu.memory_space<hbm>>
    %dma_wait3A_183 = tpu.memref_slice %arg4[%mul3A_181] : memref<160000xi32, #tpu.memory_space<hbm>> -> memref<80xi32, #tpu.memory_space<hbm>>
    tpu.wait_dma2 semaphore(%arg22 : memref<!tpu.dma_semaphore, #tpu.memory_space<semaphore_mem>>) src(%dma_wait3A_183 : memref<80xi32, #tpu.memory_space<hbm>>) dst(%arg13 : memref<80xi32, #tpu.memory_space<vmem>>)
    %get3A_184 = arith.constant 0 : index
    %get3A_185 = tpu.vector_load %arg9[%get3A_184] {strides = array<i32>} : memref<80xi32, #tpu.memory_space<vmem>>, vector<16xi32>,
    %get3A_186 = vector.shape_cast %get3A_185 : vector<16xi32> to vector<16xi32>
    %add3A_187 = vector.broadcast %mul3A_0 : i32 to vector<16xi32>
    %add3A_188 = arith.addi %get3A_186, %add3A_187 : vector<16xi32>
    %swap3A_189 = arith.constant 0 : index
    %swap3A_190 = tpu.vector_load %arg9[%swap3A_189] {strides = array<i32>} : memref<80xi32, #tpu.memory_space<vmem>>, vector<16xi32>,
    %swap3A_191 = vector.shape_cast %swap3A_190 : vector<16xi32> to vector<16xi32>
    %swap3A_192 = vector.shape_cast %add3A_188 : vector<16xi32> to vector<16xi32>
    tpu.vector_store %arg9[%swap3A_189], %swap3A_192 {strides = array<i32>} : memref<80xi32, #tpu.memory_space<vmem>>, vector<16xi32>,
    %get3A_193 = arith.constant 16 : index
    %get3A_194 = tpu.vector_load %arg9[%get3A_193] {strides = array<i32>} : memref<80xi32, #tpu.memory_space<vmem>>, vector<16xi32>,
    %get3A_195 = vector.shape_cast %get3A_194 : vector<16xi32> to vector<16xi32>
    %add3A_196 = vector.broadcast %mul3A_0 : i32 to vector<16xi32>
    %add3A_197 = arith.addi %get3A_195, %add3A_196 : vector<16xi32>
    %swap3A_198 = arith.constant 16 : index
    %swap3A_199 = tpu.vector_load %arg9[%swap3A_198] {strides = array<i32>} : memref<80xi32, #tpu.memory_space<vmem>>, vector<16xi32>,
    %swap3A_200 = vector.shape_cast %swap3A_199 : vector<16xi32> to vector<16xi32>
    %swap3A_201 = vector.shape_cast %add3A_197 : vector<16xi32> to vector<16xi32>
    tpu.vector_store %arg9[%swap3A_198], %swap3A_201 {strides = array<i32>} : memref<80xi32, #tpu.memory_space<vmem>>, vector<16xi32>,
    %get3A_202 = arith.constant 32 : index
    %get3A_203 = tpu.vector_load %arg9[%get3A_202] {strides = array<i32>} : memref<80xi32, #tpu.memory_space<vmem>>, vector<16xi32>,
    %get3A_204 = vector.shape_cast %get3A_203 : vector<16xi32> to vector<16xi32>
    %add3A_205 = vector.broadcast %mul3A_0 : i32 to vector<16xi32>
    %add3A_206 = arith.addi %get3A_204, %add3A_205 : vector<16xi32>
    %swap3A_207 = arith.constant 32 : index
    %swap3A_208 = tpu.vector_load %arg9[%swap3A_207] {strides = array<i32>} : memref<80xi32, #tpu.memory_space<vmem>>, vector<16xi32>,
    %swap3A_209 = vector.shape_cast %swap3A_208 : vector<16xi32> to vector<16xi32>
    %swap3A_210 = vector.shape_cast %add3A_206 : vector<16xi32> to vector<16xi32>
    tpu.vector_store %arg9[%swap3A_207], %swap3A_210 {strides = array<i32>} : memref<80xi32, #tpu.memory_space<vmem>>, vector<16xi32>,
    %get3A_211 = arith.constant 48 : index
    %get3A_212 = tpu.vector_load %arg9[%get3A_211] {strides = array<i32>} : memref<80xi32, #tpu.memory_space<vmem>>, vector<16xi32>,
    %get3A_213 = vector.shape_cast %get3A_212 : vector<16xi32> to vector<16xi32>
    %add3A_214 = vector.broadcast %mul3A_0 : i32 to vector<16xi32>
    %add3A_215 = arith.addi %get3A_213, %add3A_214 : vector<16xi32>
    %swap3A_216 = arith.constant 48 : index
    %swap3A_217 = tpu.vector_load %arg9[%swap3A_216] {strides = array<i32>} : memref<80xi32, #tpu.memory_space<vmem>>, vector<16xi32>,
    %swap3A_218 = vector.shape_cast %swap3A_217 : vector<16xi32> to vector<16xi32>
    %swap3A_219 = vector.shape_cast %add3A_215 : vector<16xi32> to vector<16xi32>
    tpu.vector_store %arg9[%swap3A_216], %swap3A_219 {strides = array<i32>} : memref<80xi32, #tpu.memory_space<vmem>>, vector<16xi32>,
    %get3A_220 = arith.constant 64 : index
    %get3A_221 = tpu.vector_load %arg9[%get3A_220] {strides = array<i32>} : memref<80xi32, #tpu.memory_space<vmem>>, vector<16xi32>,
    %get3A_222 = vector.shape_cast %get3A_221 : vector<16xi32> to vector<16xi32>
    %add3A_223 = vector.broadcast %mul3A_0 : i32 to vector<16xi32>
    %add3A_224 = arith.addi %get3A_222, %add3A_223 : vector<16xi32>
    %swap3A_225 = arith.constant 64 : index
    %swap3A_226 = tpu.vector_load %arg9[%swap3A_225] {strides = array<i32>} : memref<80xi32, #tpu.memory_space<vmem>>, vector<16xi32>,
    %swap3A_227 = vector.shape_cast %swap3A_226 : vector<16xi32> to vector<16xi32>
    %swap3A_228 = vector.shape_cast %add3A_224 : vector<16xi32> to vector<16xi32>
    tpu.vector_store %arg9[%swap3A_225], %swap3A_228 {strides = array<i32>} : memref<80xi32, #tpu.memory_space<vmem>>, vector<16xi32>,
    %dma_start3A_229 = arith.constant 0 : i32
    %dma_start3A_230 = arith.constant 0 : i32
    %dma_start3A_231 = tpu.memref_slice %arg2[%dma_start3A_229, %dma_start3A_230] : memref<20000x128xf32, #tpu.memory_space<hbm>> -> memref<20000x128xf32, #tpu.memory_space<hbm>>
    tpu.enqueue_indirect_dma source(%dma_start3A_231 : memref<20000x128xf32, #tpu.memory_space<hbm>>) target(%arg17 : memref<80x128xf32, #tpu.memory_space<vmem>>) offsets(%arg9 : memref<80xi32, #tpu.memory_space<vmem>>) semaphore(%arg26 : memref<!tpu.dma_semaphore, #tpu.memory_space<semaphore_mem>>)
    %lt3A_232 = arith.constant 15 : i32
    %lt3A_233 = arith.cmpi slt, %arg1, %lt3A_232 : i32
    %convert_element_type3A_234 = arith.extui %lt3A_233 : i1 to i32
    %cond3A_235 = arith.constant 0 : i32
    %cond3A_236 = arith.cmpi ne, %convert_element_type3A_234, %cond3A_235 : i32
    scf.if %cond3A_236 {
      %dma_wait3A_263 = arith.constant 0 : i32
      %dma_wait3A_264 = tpu.memref_slice %arg19[%mul3A_2, %dma_wait3A_263] : memref<10000x128xf32, #tpu.memory_space<vmem_shared>> -> memref<640x128xf32, #tpu.memory_space<vmem_shared>>
      tpu.wait_dma2 semaphore(%arg32 : memref<!tpu.dma_semaphore, #tpu.memory_space<semaphore_mem>>) src(%arg5 : memref<640x128xf32, #tpu.memory_space<hbm>>) dst(%dma_wait3A_264 : memref<640x128xf32, #tpu.memory_space<vmem_shared>>)
    } else {
    }
    %eq3A_237 = arith.constant 15 : i32
    %eq3A_238 = arith.cmpi eq, %arg1, %eq3A_237 : i32
    %convert_element_type3A_239 = arith.extui %eq3A_238 : i1 to i32
    %cond3A_240 = arith.constant 0 : i32
    %cond3A_241 = arith.cmpi ne, %convert_element_type3A_239, %cond3A_240 : i32
    scf.if %cond3A_241 {
      %dma_wait3A_263 = arith.constant 0 : i32
      %dma_wait3A_264 = tpu.memref_slice %arg19[%mul3A_2, %dma_wait3A_263] : memref<10000x128xf32, #tpu.memory_space<vmem_shared>> -> memref<400x128xf32, #tpu.memory_space<vmem_shared>>
      %dma_wait3A_265 = arith.constant 0 : i32
      %dma_wait3A_266 = arith.constant 0 : i32
      %dma_wait3A_267 = tpu.memref_slice %arg5[%dma_wait3A_265, %dma_wait3A_266] : memref<640x128xf32, #tpu.memory_space<hbm>> -> memref<400x128xf32, #tpu.memory_space<hbm>>
      tpu.wait_dma2 semaphore(%arg32 : memref<!tpu.dma_semaphore, #tpu.memory_space<semaphore_mem>>) src(%dma_wait3A_267 : memref<400x128xf32, #tpu.memory_space<hbm>>) dst(%dma_wait3A_264 : memref<400x128xf32, #tpu.memory_space<vmem_shared>>)
    } else {
    }
    %barrier3A = arith.constant 0 : index
    tpu.barrier barrier_id(%barrier3A)
    %dma_wait3A_242 = arith.constant 0 : i32
    %dma_wait3A_243 = arith.constant 0 : i32
    %dma_wait3A_244 = tpu.memref_slice %arg2[%dma_wait3A_242, %dma_wait3A_243] : memref<20000x128xf32, #tpu.memory_space<hbm>> -> memref<20000x128xf32, #tpu.memory_space<hbm>>
    tpu.wait_indirect_dma semaphore(%arg24 : memref<!tpu.dma_semaphore, #tpu.memory_space<semaphore_mem>>) src(%dma_wait3A_244 : memref<20000x128xf32, #tpu.memory_space<hbm>>) dst(%arg15 : memref<80x128xf32, #tpu.memory_space<vmem>>)
    %dma_start3A_245 = arith.constant 0 : i32
    %dma_start3A_246 = arith.constant 0 : i32
    %dma_start3A_247 = tpu.memref_slice %arg19[%dma_start3A_245, %dma_start3A_246] : memref<10000x128xf32, #tpu.memory_space<vmem_shared>> -> memref<10000x128xf32, #tpu.memory_space<vmem_shared>>
    tpu.enqueue_indirect_dma source(%arg15 : memref<80x128xf32, #tpu.memory_space<vmem>>) target(%dma_start3A_247 : memref<10000x128xf32, #tpu.memory_space<vmem_shared>>) offsets(%arg11 : memref<80xi32, #tpu.memory_space<vmem>>) semaphore(%arg28 : memref<!tpu.dma_semaphore, #tpu.memory_space<semaphore_mem>>) {add = true}
    %scan3A = arith.constant 0 : i32
    %scan3A_248 = arith.constant 32 : i32
    %scan3A_249 = arith.addi %scan3A, %scan3A_248 : i32
    %scan3A_250 = arith.constant 1 : i32
    scf.for %scan3A_263 = %scan3A to %scan3A_249 step %scan3A_250  : i32 {
      %mul3A_264 = arith.constant 1 : i32
      %mul3A_265 = arith.muli %scan3A_263, %mul3A_264 : i32
      %add3A_266 = arith.constant 0 : i32
      %add3A_267 = arith.addi %add3A_266, %mul3A_265 : i32
      %mul3A_268 = arith.constant 4 : i32
      %mul3A_269 = arith.muli %add3A_267, %mul3A_268 : i32
      %add3A_270 = arith.constant 4 : i32
      %add3A_271 = arith.addi %add3A_270, %mul3A_269 : i32
      %add3A_272 = arith.constant 0 : i32
      %add3A_273 = arith.addi %add3A_271, %add3A_272 : i32
      %sub3A = arith.constant 4 : i32
      %sub3A_274 = arith.subi %add3A_273, %sub3A : i32
      %lt3A_275 = arith.constant 125 : i32
      %lt3A_276 = arith.cmpi slt, %sub3A_274, %lt3A_275 : i32
      %convert_element_type3A_277 = arith.extui %lt3A_276 : i1 to i32
      %cond3A_278 = arith.constant 0 : i32
      %cond3A_279 = arith.cmpi ne, %convert_element_type3A_277, %cond3A_278 : i32
      scf.if %cond3A_279 {
        %dma_wait3A_395 = arith.constant 0 : i32
        %dma_wait3A_396 = arith.constant 0 : i32
        %dma_wait3A_397 = tpu.memref_slice %arg19[%dma_wait3A_395, %dma_wait3A_396] : memref<10000x128xf32, #tpu.memory_space<vmem_shared>> -> memref<10000x128xf32, #tpu.memory_space<vmem_shared>>
        tpu.wait_indirect_dma semaphore(%arg28 : memref<!tpu.dma_semaphore, #tpu.memory_space<semaphore_mem>>) src(%arg15 : memref<80x128xf32, #tpu.memory_space<vmem>>) dst(%dma_wait3A_397 : memref<10000x128xf32, #tpu.memory_space<vmem_shared>>)
      } else {
      }
      %lt3A_280 = arith.constant 125 : i32
      %lt3A_281 = arith.cmpi slt, %add3A_273, %lt3A_280 : i32
      %convert_element_type3A_282 = arith.extui %lt3A_281 : i1 to i32
      %cond3A_283 = arith.constant 0 : i32
      %cond3A_284 = arith.cmpi ne, %convert_element_type3A_282, %cond3A_283 : i32
      scf.if %cond3A_284 {
        %mul3A_395 = arith.constant 16 : i32
        %mul3A_396 = arith.muli %add3A_273, %mul3A_395 : i32
        %add3A_397 = arith.addi %arg1, %mul3A_396 : i32
        %mul3A_398 = arith.constant 80 : i32
        %mul3A_399 = arith.muli %add3A_397, %mul3A_398 : i32
        %dma_start3A_400 = tpu.memref_slice %arg3[%mul3A_399] : memref<160000xi32, #tpu.memory_space<hbm>> -> memref<80xi32, #tpu.memory_space<hbm>>
        %dma_start3A_401 = tpu.memref_slice %arg3[%mul3A_399] : memref<160000xi32, #tpu.memory_space<hbm>> -> memref<80xi32, #tpu.memory_space<hbm>>
        tpu.enqueue_dma source(%dma_start3A_401 : memref<80xi32, #tpu.memory_space<hbm>>) target(%arg7 : memref<80xi32, #tpu.memory_space<vmem>>) target_semaphore(%arg20 : memref<!tpu.dma_semaphore, #tpu.memory_space<semaphore_mem>>)
        %mul3A_402 = arith.constant 16 : i32
        %mul3A_403 = arith.muli %add3A_273, %mul3A_402 : i32
        %add3A_404 = arith.addi %arg1, %mul3A_403 : i32
        %mul3A_405 = arith.constant 80 : i32
        %mul3A_406 = arith.muli %add3A_404, %mul3A_405 : i32
        %dma_start3A_407 = tpu.memref_slice %arg4[%mul3A_406] : memref<160000xi32, #tpu.memory_space<hbm>> -> memref<80xi32, #tpu.memory_space<hbm>>
        %dma_start3A_408 = tpu.memref_slice %arg4[%mul3A_406] : memref<160000xi32, #tpu.memory_space<hbm>> -> memref<80xi32, #tpu.memory_space<hbm>>
        tpu.enqueue_dma source(%dma_start3A_408 : memref<80xi32, #tpu.memory_space<hbm>>) target(%arg11 : memref<80xi32, #tpu.memory_space<vmem>>) target_semaphore(%arg20 : memref<!tpu.dma_semaphore, #tpu.memory_space<semaphore_mem>>)
      } else {
      }
      %sub3A_285 = arith.constant 1 : i32
      %sub3A_286 = arith.subi %add3A_273, %sub3A_285 : i32
      %lt3A_287 = arith.constant 125 : i32
      %lt3A_288 = arith.cmpi slt, %sub3A_286, %lt3A_287 : i32
      %convert_element_type3A_289 = arith.extui %lt3A_288 : i1 to i32
      %cond3A_290 = arith.constant 0 : i32
      %cond3A_291 = arith.cmpi ne, %convert_element_type3A_289, %cond3A_290 : i32
      scf.if %cond3A_291 {
        %sub3A_395 = arith.constant 1 : i32
        %sub3A_396 = arith.subi %add3A_273, %sub3A_395 : i32
        %mul3A_397 = arith.constant 16 : i32
        %mul3A_398 = arith.muli %sub3A_396, %mul3A_397 : i32
        %add3A_399 = arith.addi %arg1, %mul3A_398 : i32
        %mul3A_400 = arith.constant 80 : i32
        %mul3A_401 = arith.muli %add3A_399, %mul3A_400 : i32
        %dma_wait3A_402 = tpu.memref_slice %arg3[%mul3A_401] : memref<160000xi32, #tpu.memory_space<hbm>> -> memref<80xi32, #tpu.memory_space<hbm>>
        %dma_wait3A_403 = tpu.memref_slice %arg3[%mul3A_401] : memref<160000xi32, #tpu.memory_space<hbm>> -> memref<80xi32, #tpu.memory_space<hbm>>
        tpu.wait_dma2 semaphore(%arg23 : memref<!tpu.dma_semaphore, #tpu.memory_space<semaphore_mem>>) src(%dma_wait3A_403 : memref<80xi32, #tpu.memory_space<hbm>>) dst(%arg10 : memref<80xi32, #tpu.memory_space<vmem>>)
        %mul3A_404 = arith.constant 16 : i32
        %mul3A_405 = arith.muli %sub3A_396, %mul3A_404 : i32
        %add3A_406 = arith.addi %arg1, %mul3A_405 : i32
        %mul3A_407 = arith.constant 80 : i32
        %mul3A_408 = arith.muli %add3A_406, %mul3A_407 : i32
        %dma_wait3A_409 = tpu.memref_slice %arg4[%mul3A_408] : memref<160000xi32, #tpu.memory_space<hbm>> -> memref<80xi32, #tpu.memory_space<hbm>>
        %dma_wait3A_410 = tpu.memref_slice %arg4[%mul3A_408] : memref<160000xi32, #tpu.memory_space<hbm>> -> memref<80xi32, #tpu.memory_space<hbm>>
        tpu.wait_dma2 semaphore(%arg23 : memref<!tpu.dma_semaphore, #tpu.memory_space<semaphore_mem>>) src(%dma_wait3A_410 : memref<80xi32, #tpu.memory_space<hbm>>) dst(%arg14 : memref<80xi32, #tpu.memory_space<vmem>>)
        %get3A_411 = arith.constant 0 : index
        %get3A_412 = tpu.vector_load %arg10[%get3A_411] {strides = array<i32>} : memref<80xi32, #tpu.memory_space<vmem>>, vector<16xi32>,
        %get3A_413 = vector.shape_cast %get3A_412 : vector<16xi32> to vector<16xi32>
        %add3A_414 = vector.broadcast %mul3A_0 : i32 to vector<16xi32>
        %add3A_415 = arith.addi %get3A_413, %add3A_414 : vector<16xi32>
        %swap3A_416 = arith.constant 0 : index
        %swap3A_417 = tpu.vector_load %arg10[%swap3A_416] {strides = array<i32>} : memref<80xi32, #tpu.memory_space<vmem>>, vector<16xi32>,
        %swap3A_418 = vector.shape_cast %swap3A_417 : vector<16xi32> to vector<16xi32>
        %swap3A_419 = vector.shape_cast %add3A_415 : vector<16xi32> to vector<16xi32>
        tpu.vector_store %arg10[%swap3A_416], %swap3A_419 {strides = array<i32>} : memref<80xi32, #tpu.memory_space<vmem>>, vector<16xi32>,
        %get3A_420 = arith.constant 16 : index
        %get3A_421 = tpu.vector_load %arg10[%get3A_420] {strides = array<i32>} : memref<80xi32, #tpu.memory_space<vmem>>, vector<16xi32>,
        %get3A_422 = vector.shape_cast %get3A_421 : vector<16xi32> to vector<16xi32>
        %add3A_423 = vector.broadcast %mul3A_0 : i32 to vector<16xi32>
        %add3A_424 = arith.addi %get3A_422, %add3A_423 : vector<16xi32>
        %swap3A_425 = arith.constant 16 : index
        %swap3A_426 = tpu.vector_load %arg10[%swap3A_425] {strides = array<i32>} : memref<80xi32, #tpu.memory_space<vmem>>, vector<16xi32>,
        %swap3A_427 = vector.shape_cast %swap3A_426 : vector<16xi32> to vector<16xi32>
        %swap3A_428 = vector.shape_cast %add3A_424 : vector<16xi32> to vector<16xi32>
        tpu.vector_store %arg10[%swap3A_425], %swap3A_428 {strides = array<i32>} : memref<80xi32, #tpu.memory_space<vmem>>, vector<16xi32>,
        %get3A_429 = arith.constant 32 : index
        %get3A_430 = tpu.vector_load %arg10[%get3A_429] {strides = array<i32>} : memref<80xi32, #tpu.memory_space<vmem>>, vector<16xi32>,
        %get3A_431 = vector.shape_cast %get3A_430 : vector<16xi32> to vector<16xi32>
        %add3A_432 = vector.broadcast %mul3A_0 : i32 to vector<16xi32>
        %add3A_433 = arith.addi %get3A_431, %add3A_432 : vector<16xi32>
        %swap3A_434 = arith.constant 32 : index
        %swap3A_435 = tpu.vector_load %arg10[%swap3A_434] {strides = array<i32>} : memref<80xi32, #tpu.memory_space<vmem>>, vector<16xi32>,
        %swap3A_436 = vector.shape_cast %swap3A_435 : vector<16xi32> to vector<16xi32>
        %swap3A_437 = vector.shape_cast %add3A_433 : vector<16xi32> to vector<16xi32>
        tpu.vector_store %arg10[%swap3A_434], %swap3A_437 {strides = array<i32>} : memref<80xi32, #tpu.memory_space<vmem>>, vector<16xi32>,
        %get3A_438 = arith.constant 48 : index
        %get3A_439 = tpu.vector_load %arg10[%get3A_438] {strides = array<i32>} : memref<80xi32, #tpu.memory_space<vmem>>, vector<16xi32>,
        %get3A_440 = vector.shape_cast %get3A_439 : vector<16xi32> to vector<16xi32>
        %add3A_441 = vector.broadcast %mul3A_0 : i32 to vector<16xi32>
        %add3A_442 = arith.addi %get3A_440, %add3A_441 : vector<16xi32>
        %swap3A_443 = arith.constant 48 : index
        %swap3A_444 = tpu.vector_load %arg10[%swap3A_443] {strides = array<i32>} : memref<80xi32, #tpu.memory_space<vmem>>, vector<16xi32>,
        %swap3A_445 = vector.shape_cast %swap3A_444 : vector<16xi32> to vector<16xi32>
        %swap3A_446 = vector.shape_cast %add3A_442 : vector<16xi32> to vector<16xi32>
        tpu.vector_store %arg10[%swap3A_443], %swap3A_446 {strides = array<i32>} : memref<80xi32, #tpu.memory_space<vmem>>, vector<16xi32>,
        %get3A_447 = arith.constant 64 : index
        %get3A_448 = tpu.vector_load %arg10[%get3A_447] {strides = array<i32>} : memref<80xi32, #tpu.memory_space<vmem>>, vector<16xi32>,
        %get3A_449 = vector.shape_cast %get3A_448 : vector<16xi32> to vector<16xi32>
        %add3A_450 = vector.broadcast %mul3A_0 : i32 to vector<16xi32>
        %add3A_451 = arith.addi %get3A_449, %add3A_450 : vector<16xi32>
        %swap3A_452 = arith.constant 64 : index
        %swap3A_453 = tpu.vector_load %arg10[%swap3A_452] {strides = array<i32>} : memref<80xi32, #tpu.memory_space<vmem>>, vector<16xi32>,
        %swap3A_454 = vector.shape_cast %swap3A_453 : vector<16xi32> to vector<16xi32>
        %swap3A_455 = vector.shape_cast %add3A_451 : vector<16xi32> to vector<16xi32>
        tpu.vector_store %arg10[%swap3A_452], %swap3A_455 {strides = array<i32>} : memref<80xi32, #tpu.memory_space<vmem>>, vector<16xi32>,
        %dma_start3A_456 = arith.constant 0 : i32
        %dma_start3A_457 = arith.constant 0 : i32
        %dma_start3A_458 = tpu.memref_slice %arg2[%dma_start3A_456, %dma_start3A_457] : memref<20000x128xf32, #tpu.memory_space<hbm>> -> memref<20000x128xf32, #tpu.memory_space<hbm>>
        tpu.enqueue_indirect_dma source(%dma_start3A_458 : memref<20000x128xf32, #tpu.memory_space<hbm>>) target(%arg18 : memref<80x128xf32, #tpu.memory_space<vmem>>) offsets(%arg10 : memref<80xi32, #tpu.memory_space<vmem>>) semaphore(%arg27 : memref<!tpu.dma_semaphore, #tpu.memory_space<semaphore_mem>>)
      } else {
      }
      %sub3A_292 = arith.constant 3 : i32
      %sub3A_293 = arith.subi %add3A_273, %sub3A_292 : i32
      %lt3A_294 = arith.constant 125 : i32
      %lt3A_295 = arith.cmpi slt, %sub3A_293, %lt3A_294 : i32
      %convert_element_type3A_296 = arith.extui %lt3A_295 : i1 to i32
      %cond3A_297 = arith.constant 0 : i32
      %cond3A_298 = arith.cmpi ne, %convert_element_type3A_296, %cond3A_297 : i32
      scf.if %cond3A_298 {
        %dma_wait3A_395 = arith.constant 0 : i32
        %dma_wait3A_396 = arith.constant 0 : i32
        %dma_wait3A_397 = tpu.memref_slice %arg2[%dma_wait3A_395, %dma_wait3A_396] : memref<20000x128xf32, #tpu.memory_space<hbm>> -> memref<20000x128xf32, #tpu.memory_space<hbm>>
        tpu.wait_indirect_dma semaphore(%arg25 : memref<!tpu.dma_semaphore, #tpu.memory_space<semaphore_mem>>) src(%dma_wait3A_397 : memref<20000x128xf32, #tpu.memory_space<hbm>>) dst(%arg16 : memref<80x128xf32, #tpu.memory_space<vmem>>)
        %dma_start3A_398 = arith.constant 0 : i32
        %dma_start3A_399 = arith.constant 0 : i32
        %dma_start3A_400 = tpu.memref_slice %arg19[%dma_start3A_398, %dma_start3A_399] : memref<10000x128xf32, #tpu.memory_space<vmem_shared>> -> memref<10000x128xf32, #tpu.memory_space<vmem_shared>>
        tpu.enqueue_indirect_dma source(%arg16 : memref<80x128xf32, #tpu.memory_space<vmem>>) target(%dma_start3A_400 : memref<10000x128xf32, #tpu.memory_space<vmem_shared>>) offsets(%arg12 : memref<80xi32, #tpu.memory_space<vmem>>) semaphore(%arg29 : memref<!tpu.dma_semaphore, #tpu.memory_space<semaphore_mem>>) {add = true}
      } else {
      }
      %mul3A_299 = arith.constant 4 : i32
      %mul3A_300 = arith.muli %add3A_267, %mul3A_299 : i32
      %add3A_301 = arith.constant 4 : i32
      %add3A_302 = arith.addi %add3A_301, %mul3A_300 : i32
      %add3A_303 = arith.constant 1 : i32
      %add3A_304 = arith.addi %add3A_302, %add3A_303 : i32
      %sub3A_305 = arith.constant 4 : i32
      %sub3A_306 = arith.subi %add3A_304, %sub3A_305 : i32
      %lt3A_307 = arith.constant 125 : i32
      %lt3A_308 = arith.cmpi slt, %sub3A_306, %lt3A_307 : i32
      %convert_element_type3A_309 = arith.extui %lt3A_308 : i1 to i32
      %cond3A_310 = arith.constant 0 : i32
      %cond3A_311 = arith.cmpi ne, %convert_element_type3A_309, %cond3A_310 : i32
      scf.if %cond3A_311 {
        %dma_wait3A_395 = arith.constant 0 : i32
        %dma_wait3A_396 = arith.constant 0 : i32
        %dma_wait3A_397 = tpu.memref_slice %arg19[%dma_wait3A_395, %dma_wait3A_396] : memref<10000x128xf32, #tpu.memory_space<vmem_shared>> -> memref<10000x128xf32, #tpu.memory_space<vmem_shared>>
        tpu.wait_indirect_dma semaphore(%arg29 : memref<!tpu.dma_semaphore, #tpu.memory_space<semaphore_mem>>) src(%arg16 : memref<80x128xf32, #tpu.memory_space<vmem>>) dst(%dma_wait3A_397 : memref<10000x128xf32, #tpu.memory_space<vmem_shared>>)
      } else {
      }
      %lt3A_312 = arith.constant 125 : i32
      %lt3A_313 = arith.cmpi slt, %add3A_304, %lt3A_312 : i32
      %convert_element_type3A_314 = arith.extui %lt3A_313 : i1 to i32
      %cond3A_315 = arith.constant 0 : i32
      %cond3A_316 = arith.cmpi ne, %convert_element_type3A_314, %cond3A_315 : i32
      scf.if %cond3A_316 {
        %mul3A_395 = arith.constant 16 : i32
        %mul3A_396 = arith.muli %add3A_304, %mul3A_395 : i32
        %add3A_397 = arith.addi %arg1, %mul3A_396 : i32
        %mul3A_398 = arith.constant 80 : i32
        %mul3A_399 = arith.muli %add3A_397, %mul3A_398 : i32
        %dma_start3A_400 = tpu.memref_slice %arg3[%mul3A_399] : memref<160000xi32, #tpu.memory_space<hbm>> -> memref<80xi32, #tpu.memory_space<hbm>>
        %dma_start3A_401 = tpu.memref_slice %arg3[%mul3A_399] : memref<160000xi32, #tpu.memory_space<hbm>> -> memref<80xi32, #tpu.memory_space<hbm>>
        tpu.enqueue_dma source(%dma_start3A_401 : memref<80xi32, #tpu.memory_space<hbm>>) target(%arg8 : memref<80xi32, #tpu.memory_space<vmem>>) target_semaphore(%arg21 : memref<!tpu.dma_semaphore, #tpu.memory_space<semaphore_mem>>)
        %mul3A_402 = arith.constant 16 : i32
        %mul3A_403 = arith.muli %add3A_304, %mul3A_402 : i32
        %add3A_404 = arith.addi %arg1, %mul3A_403 : i32
        %mul3A_405 = arith.constant 80 : i32
        %mul3A_406 = arith.muli %add3A_404, %mul3A_405 : i32
        %dma_start3A_407 = tpu.memref_slice %arg4[%mul3A_406] : memref<160000xi32, #tpu.memory_space<hbm>> -> memref<80xi32, #tpu.memory_space<hbm>>
        %dma_start3A_408 = tpu.memref_slice %arg4[%mul3A_406] : memref<160000xi32, #tpu.memory_space<hbm>> -> memref<80xi32, #tpu.memory_space<hbm>>
        tpu.enqueue_dma source(%dma_start3A_408 : memref<80xi32, #tpu.memory_space<hbm>>) target(%arg12 : memref<80xi32, #tpu.memory_space<vmem>>) target_semaphore(%arg21 : memref<!tpu.dma_semaphore, #tpu.memory_space<semaphore_mem>>)
      } else {
      }
      %sub3A_317 = arith.constant 1 : i32
      %sub3A_318 = arith.subi %add3A_304, %sub3A_317 : i32
      %lt3A_319 = arith.constant 125 : i32
      %lt3A_320 = arith.cmpi slt, %sub3A_318, %lt3A_319 : i32
      %convert_element_type3A_321 = arith.extui %lt3A_320 : i1 to i32
      %cond3A_322 = arith.constant 0 : i32
      %cond3A_323 = arith.cmpi ne, %convert_element_type3A_321, %cond3A_322 : i32
      scf.if %cond3A_323 {
        %sub3A_395 = arith.constant 1 : i32
        %sub3A_396 = arith.subi %add3A_304, %sub3A_395 : i32
        %mul3A_397 = arith.constant 16 : i32
        %mul3A_398 = arith.muli %sub3A_396, %mul3A_397 : i32
        %add3A_399 = arith.addi %arg1, %mul3A_398 : i32
        %mul3A_400 = arith.constant 80 : i32
        %mul3A_401 = arith.muli %add3A_399, %mul3A_400 : i32
        %dma_wait3A_402 = tpu.memref_slice %arg3[%mul3A_401] : memref<160000xi32, #tpu.memory_space<hbm>> -> memref<80xi32, #tpu.memory_space<hbm>>
        %dma_wait3A_403 = tpu.memref_slice %arg3[%mul3A_401] : memref<160000xi32, #tpu.memory_space<hbm>> -> memref<80xi32, #tpu.memory_space<hbm>>
        tpu.wait_dma2 semaphore(%arg20 : memref<!tpu.dma_semaphore, #tpu.memory_space<semaphore_mem>>) src(%dma_wait3A_403 : memref<80xi32, #tpu.memory_space<hbm>>) dst(%arg7 : memref<80xi32, #tpu.memory_space<vmem>>)
        %mul3A_404 = arith.constant 16 : i32
        %mul3A_405 = arith.muli %sub3A_396, %mul3A_404 : i32
        %add3A_406 = arith.addi %arg1, %mul3A_405 : i32
        %mul3A_407 = arith.constant 80 : i32
        %mul3A_408 = arith.muli %add3A_406, %mul3A_407 : i32
        %dma_wait3A_409 = tpu.memref_slice %arg4[%mul3A_408] : memref<160000xi32, #tpu.memory_space<hbm>> -> memref<80xi32, #tpu.memory_space<hbm>>
        %dma_wait3A_410 = tpu.memref_slice %arg4[%mul3A_408] : memref<160000xi32, #tpu.memory_space<hbm>> -> memref<80xi32, #tpu.memory_space<hbm>>
        tpu.wait_dma2 semaphore(%arg20 : memref<!tpu.dma_semaphore, #tpu.memory_space<semaphore_mem>>) src(%dma_wait3A_410 : memref<80xi32, #tpu.memory_space<hbm>>) dst(%arg11 : memref<80xi32, #tpu.memory_space<vmem>>)
        %get3A_411 = arith.constant 0 : index
        %get3A_412 = tpu.vector_load %arg7[%get3A_411] {strides = array<i32>} : memref<80xi32, #tpu.memory_space<vmem>>, vector<16xi32>,
        %get3A_413 = vector.shape_cast %get3A_412 : vector<16xi32> to vector<16xi32>
        %add3A_414 = vector.broadcast %mul3A_0 : i32 to vector<16xi32>
        %add3A_415 = arith.addi %get3A_413, %add3A_414 : vector<16xi32>
        %swap3A_416 = arith.constant 0 : index
        %swap3A_417 = tpu.vector_load %arg7[%swap3A_416] {strides = array<i32>} : memref<80xi32, #tpu.memory_space<vmem>>, vector<16xi32>,
        %swap3A_418 = vector.shape_cast %swap3A_417 : vector<16xi32> to vector<16xi32>
        %swap3A_419 = vector.shape_cast %add3A_415 : vector<16xi32> to vector<16xi32>
        tpu.vector_store %arg7[%swap3A_416], %swap3A_419 {strides = array<i32>} : memref<80xi32, #tpu.memory_space<vmem>>, vector<16xi32>,
        %get3A_420 = arith.constant 16 : index
        %get3A_421 = tpu.vector_load %arg7[%get3A_420] {strides = array<i32>} : memref<80xi32, #tpu.memory_space<vmem>>, vector<16xi32>,
        %get3A_422 = vector.shape_cast %get3A_421 : vector<16xi32> to vector<16xi32>
        %add3A_423 = vector.broadcast %mul3A_0 : i32 to vector<16xi32>
        %add3A_424 = arith.addi %get3A_422, %add3A_423 : vector<16xi32>
        %swap3A_425 = arith.constant 16 : index
        %swap3A_426 = tpu.vector_load %arg7[%swap3A_425] {strides = array<i32>} : memref<80xi32, #tpu.memory_space<vmem>>, vector<16xi32>,
        %swap3A_427 = vector.shape_cast %swap3A_426 : vector<16xi32> to vector<16xi32>
        %swap3A_428 = vector.shape_cast %add3A_424 : vector<16xi32> to vector<16xi32>
        tpu.vector_store %arg7[%swap3A_425], %swap3A_428 {strides = array<i32>} : memref<80xi32, #tpu.memory_space<vmem>>, vector<16xi32>,
        %get3A_429 = arith.constant 32 : index
        %get3A_430 = tpu.vector_load %arg7[%get3A_429] {strides = array<i32>} : memref<80xi32, #tpu.memory_space<vmem>>, vector<16xi32>,
        %get3A_431 = vector.shape_cast %get3A_430 : vector<16xi32> to vector<16xi32>
        %add3A_432 = vector.broadcast %mul3A_0 : i32 to vector<16xi32>
        %add3A_433 = arith.addi %get3A_431, %add3A_432 : vector<16xi32>
        %swap3A_434 = arith.constant 32 : index
        %swap3A_435 = tpu.vector_load %arg7[%swap3A_434] {strides = array<i32>} : memref<80xi32, #tpu.memory_space<vmem>>, vector<16xi32>,
        %swap3A_436 = vector.shape_cast %swap3A_435 : vector<16xi32> to vector<16xi32>
        %swap3A_437 = vector.shape_cast %add3A_433 : vector<16xi32> to vector<16xi32>
        tpu.vector_store %arg7[%swap3A_434], %swap3A_437 {strides = array<i32>} : memref<80xi32, #tpu.memory_space<vmem>>, vector<16xi32>,
        %get3A_438 = arith.constant 48 : index
        %get3A_439 = tpu.vector_load %arg7[%get3A_438] {strides = array<i32>} : memref<80xi32, #tpu.memory_space<vmem>>, vector<16xi32>,
        %get3A_440 = vector.shape_cast %get3A_439 : vector<16xi32> to vector<16xi32>
        %add3A_441 = vector.broadcast %mul3A_0 : i32 to vector<16xi32>
        %add3A_442 = arith.addi %get3A_440, %add3A_441 : vector<16xi32>
        %swap3A_443 = arith.constant 48 : index
        %swap3A_444 = tpu.vector_load %arg7[%swap3A_443] {strides = array<i32>} : memref<80xi32, #tpu.memory_space<vmem>>, vector<16xi32>,
        %swap3A_445 = vector.shape_cast %swap3A_444 : vector<16xi32> to vector<16xi32>
        %swap3A_446 = vector.shape_cast %add3A_442 : vector<16xi32> to vector<16xi32>
        tpu.vector_store %arg7[%swap3A_443], %swap3A_446 {strides = array<i32>} : memref<80xi32, #tpu.memory_space<vmem>>, vector<16xi32>,
        %get3A_447 = arith.constant 64 : index
        %get3A_448 = tpu.vector_load %arg7[%get3A_447] {strides = array<i32>} : memref<80xi32, #tpu.memory_space<vmem>>, vector<16xi32>,
        %get3A_449 = vector.shape_cast %get3A_448 : vector<16xi32> to vector<16xi32>
        %add3A_450 = vector.broadcast %mul3A_0 : i32 to vector<16xi32>
        %add3A_451 = arith.addi %get3A_449, %add3A_450 : vector<16xi32>
        %swap3A_452 = arith.constant 64 : index
        %swap3A_453 = tpu.vector_load %arg7[%swap3A_452] {strides = array<i32>} : memref<80xi32, #tpu.memory_space<vmem>>, vector<16xi32>,
        %swap3A_454 = vector.shape_cast %swap3A_453 : vector<16xi32> to vector<16xi32>
        %swap3A_455 = vector.shape_cast %add3A_451 : vector<16xi32> to vector<16xi32>
        tpu.vector_store %arg7[%swap3A_452], %swap3A_455 {strides = array<i32>} : memref<80xi32, #tpu.memory_space<vmem>>, vector<16xi32>,
        %dma_start3A_456 = arith.constant 0 : i32
        %dma_start3A_457 = arith.constant 0 : i32
        %dma_start3A_458 = tpu.memref_slice %arg2[%dma_start3A_456, %dma_start3A_457] : memref<20000x128xf32, #tpu.memory_space<hbm>> -> memref<20000x128xf32, #tpu.memory_space<hbm>>
        tpu.enqueue_indirect_dma source(%dma_start3A_458 : memref<20000x128xf32, #tpu.memory_space<hbm>>) target(%arg15 : memref<80x128xf32, #tpu.memory_space<vmem>>) offsets(%arg7 : memref<80xi32, #tpu.memory_space<vmem>>) semaphore(%arg24 : memref<!tpu.dma_semaphore, #tpu.memory_space<semaphore_mem>>)
      } else {
      }
      %sub3A_324 = arith.constant 3 : i32
      %sub3A_325 = arith.subi %add3A_304, %sub3A_324 : i32
      %lt3A_326 = arith.constant 125 : i32
      %lt3A_327 = arith.cmpi slt, %sub3A_325, %lt3A_326 : i32
      %convert_element_type3A_328 = arith.extui %lt3A_327 : i1 to i32
      %cond3A_329 = arith.constant 0 : i32
      %cond3A_330 = arith.cmpi ne, %convert_element_type3A_328, %cond3A_329 : i32
      scf.if %cond3A_330 {
        %dma_wait3A_395 = arith.constant 0 : i32
        %dma_wait3A_396 = arith.constant 0 : i32
        %dma_wait3A_397 = tpu.memref_slice %arg2[%dma_wait3A_395, %dma_wait3A_396] : memref<20000x128xf32, #tpu.memory_space<hbm>> -> memref<20000x128xf32, #tpu.memory_space<hbm>>
        tpu.wait_indirect_dma semaphore(%arg26 : memref<!tpu.dma_semaphore, #tpu.memory_space<semaphore_mem>>) src(%dma_wait3A_397 : memref<20000x128xf32, #tpu.memory_space<hbm>>) dst(%arg17 : memref<80x128xf32, #tpu.memory_space<vmem>>)
        %dma_start3A_398 = arith.constant 0 : i32
        %dma_start3A_399 = arith.constant 0 : i32
        %dma_start3A_400 = tpu.memref_slice %arg19[%dma_start3A_398, %dma_start3A_399] : memref<10000x128xf32, #tpu.memory_space<vmem_shared>> -> memref<10000x128xf32, #tpu.memory_space<vmem_shared>>
        tpu.enqueue_indirect_dma source(%arg17 : memref<80x128xf32, #tpu.memory_space<vmem>>) target(%dma_start3A_400 : memref<10000x128xf32, #tpu.memory_space<vmem_shared>>) offsets(%arg13 : memref<80xi32, #tpu.memory_space<vmem>>) semaphore(%arg30 : memref<!tpu.dma_semaphore, #tpu.memory_space<semaphore_mem>>) {add = true}
      } else {
      }
      %mul3A_331 = arith.constant 4 : i32
      %mul3A_332 = arith.muli %add3A_267, %mul3A_331 : i32
      %add3A_333 = arith.constant 4 : i32
      %add3A_334 = arith.addi %add3A_333, %mul3A_332 : i32
      %add3A_335 = arith.constant 2 : i32
      %add3A_336 = arith.addi %add3A_334, %add3A_335 : i32
      %sub3A_337 = arith.constant 4 : i32
      %sub3A_338 = arith.subi %add3A_336, %sub3A_337 : i32
      %lt3A_339 = arith.constant 125 : i32
      %lt3A_340 = arith.cmpi slt, %sub3A_338, %lt3A_339 : i32
      %convert_element_type3A_341 = arith.extui %lt3A_340 : i1 to i32
      %cond3A_342 = arith.constant 0 : i32
      %cond3A_343 = arith.cmpi ne, %convert_element_type3A_341, %cond3A_342 : i32
      scf.if %cond3A_343 {
        %dma_wait3A_395 = arith.constant 0 : i32
        %dma_wait3A_396 = arith.constant 0 : i32
        %dma_wait3A_397 = tpu.memref_slice %arg19[%dma_wait3A_395, %dma_wait3A_396] : memref<10000x128xf32, #tpu.memory_space<vmem_shared>> -> memref<10000x128xf32, #tpu.memory_space<vmem_shared>>
        tpu.wait_indirect_dma semaphore(%arg30 : memref<!tpu.dma_semaphore, #tpu.memory_space<semaphore_mem>>) src(%arg17 : memref<80x128xf32, #tpu.memory_space<vmem>>) dst(%dma_wait3A_397 : memref<10000x128xf32, #tpu.memory_space<vmem_shared>>)
      } else {
      }
      %lt3A_344 = arith.constant 125 : i32
      %lt3A_345 = arith.cmpi slt, %add3A_336, %lt3A_344 : i32
      %convert_element_type3A_346 = arith.extui %lt3A_345 : i1 to i32
      %cond3A_347 = arith.constant 0 : i32
      %cond3A_348 = arith.cmpi ne, %convert_element_type3A_346, %cond3A_347 : i32
      scf.if %cond3A_348 {
        %mul3A_395 = arith.constant 16 : i32
        %mul3A_396 = arith.muli %add3A_336, %mul3A_395 : i32
        %add3A_397 = arith.addi %arg1, %mul3A_396 : i32
        %mul3A_398 = arith.constant 80 : i32
        %mul3A_399 = arith.muli %add3A_397, %mul3A_398 : i32
        %dma_start3A_400 = tpu.memref_slice %arg3[%mul3A_399] : memref<160000xi32, #tpu.memory_space<hbm>> -> memref<80xi32, #tpu.memory_space<hbm>>
        %dma_start3A_401 = tpu.memref_slice %arg3[%mul3A_399] : memref<160000xi32, #tpu.memory_space<hbm>> -> memref<80xi32, #tpu.memory_space<hbm>>
        tpu.enqueue_dma source(%dma_start3A_401 : memref<80xi32, #tpu.memory_space<hbm>>) target(%arg9 : memref<80xi32, #tpu.memory_space<vmem>>) target_semaphore(%arg22 : memref<!tpu.dma_semaphore, #tpu.memory_space<semaphore_mem>>)
        %mul3A_402 = arith.constant 16 : i32
        %mul3A_403 = arith.muli %add3A_336, %mul3A_402 : i32
        %add3A_404 = arith.addi %arg1, %mul3A_403 : i32
        %mul3A_405 = arith.constant 80 : i32
        %mul3A_406 = arith.muli %add3A_404, %mul3A_405 : i32
        %dma_start3A_407 = tpu.memref_slice %arg4[%mul3A_406] : memref<160000xi32, #tpu.memory_space<hbm>> -> memref<80xi32, #tpu.memory_space<hbm>>
        %dma_start3A_408 = tpu.memref_slice %arg4[%mul3A_406] : memref<160000xi32, #tpu.memory_space<hbm>> -> memref<80xi32, #tpu.memory_space<hbm>>
        tpu.enqueue_dma source(%dma_start3A_408 : memref<80xi32, #tpu.memory_space<hbm>>) target(%arg13 : memref<80xi32, #tpu.memory_space<vmem>>) target_semaphore(%arg22 : memref<!tpu.dma_semaphore, #tpu.memory_space<semaphore_mem>>)
      } else {
      }
      %sub3A_349 = arith.constant 1 : i32
      %sub3A_350 = arith.subi %add3A_336, %sub3A_349 : i32
      %lt3A_351 = arith.constant 125 : i32
      %lt3A_352 = arith.cmpi slt, %sub3A_350, %lt3A_351 : i32
      %convert_element_type3A_353 = arith.extui %lt3A_352 : i1 to i32
      %cond3A_354 = arith.constant 0 : i32
      %cond3A_355 = arith.cmpi ne, %convert_element_type3A_353, %cond3A_354 : i32
      scf.if %cond3A_355 {
        %sub3A_395 = arith.constant 1 : i32
        %sub3A_396 = arith.subi %add3A_336, %sub3A_395 : i32
        %mul3A_397 = arith.constant 16 : i32
        %mul3A_398 = arith.muli %sub3A_396, %mul3A_397 : i32
        %add3A_399 = arith.addi %arg1, %mul3A_398 : i32
        %mul3A_400 = arith.constant 80 : i32
        %mul3A_401 = arith.muli %add3A_399, %mul3A_400 : i32
        %dma_wait3A_402 = tpu.memref_slice %arg3[%mul3A_401] : memref<160000xi32, #tpu.memory_space<hbm>> -> memref<80xi32, #tpu.memory_space<hbm>>
        %dma_wait3A_403 = tpu.memref_slice %arg3[%mul3A_401] : memref<160000xi32, #tpu.memory_space<hbm>> -> memref<80xi32, #tpu.memory_space<hbm>>
        tpu.wait_dma2 semaphore(%arg21 : memref<!tpu.dma_semaphore, #tpu.memory_space<semaphore_mem>>) src(%dma_wait3A_403 : memref<80xi32, #tpu.memory_space<hbm>>) dst(%arg8 : memref<80xi32, #tpu.memory_space<vmem>>)
        %mul3A_404 = arith.constant 16 : i32
        %mul3A_405 = arith.muli %sub3A_396, %mul3A_404 : i32
        %add3A_406 = arith.addi %arg1, %mul3A_405 : i32
        %mul3A_407 = arith.constant 80 : i32
        %mul3A_408 = arith.muli %add3A_406, %mul3A_407 : i32
        %dma_wait3A_409 = tpu.memref_slice %arg4[%mul3A_408] : memref<160000xi32, #tpu.memory_space<hbm>> -> memref<80xi32, #tpu.memory_space<hbm>>
        %dma_wait3A_410 = tpu.memref_slice %arg4[%mul3A_408] : memref<160000xi32, #tpu.memory_space<hbm>> -> memref<80xi32, #tpu.memory_space<hbm>>
        tpu.wait_dma2 semaphore(%arg21 : memref<!tpu.dma_semaphore, #tpu.memory_space<semaphore_mem>>) src(%dma_wait3A_410 : memref<80xi32, #tpu.memory_space<hbm>>) dst(%arg12 : memref<80xi32, #tpu.memory_space<vmem>>)
        %get3A_411 = arith.constant 0 : index
        %get3A_412 = tpu.vector_load %arg8[%get3A_411] {strides = array<i32>} : memref<80xi32, #tpu.memory_space<vmem>>, vector<16xi32>,
        %get3A_413 = vector.shape_cast %get3A_412 : vector<16xi32> to vector<16xi32>
        %add3A_414 = vector.broadcast %mul3A_0 : i32 to vector<16xi32>
        %add3A_415 = arith.addi %get3A_413, %add3A_414 : vector<16xi32>
        %swap3A_416 = arith.constant 0 : index
        %swap3A_417 = tpu.vector_load %arg8[%swap3A_416] {strides = array<i32>} : memref<80xi32, #tpu.memory_space<vmem>>, vector<16xi32>,
        %swap3A_418 = vector.shape_cast %swap3A_417 : vector<16xi32> to vector<16xi32>
        %swap3A_419 = vector.shape_cast %add3A_415 : vector<16xi32> to vector<16xi32>
        tpu.vector_store %arg8[%swap3A_416], %swap3A_419 {strides = array<i32>} : memref<80xi32, #tpu.memory_space<vmem>>, vector<16xi32>,
        %get3A_420 = arith.constant 16 : index
        %get3A_421 = tpu.vector_load %arg8[%get3A_420] {strides = array<i32>} : memref<80xi32, #tpu.memory_space<vmem>>, vector<16xi32>,
        %get3A_422 = vector.shape_cast %get3A_421 : vector<16xi32> to vector<16xi32>
        %add3A_423 = vector.broadcast %mul3A_0 : i32 to vector<16xi32>
        %add3A_424 = arith.addi %get3A_422, %add3A_423 : vector<16xi32>
        %swap3A_425 = arith.constant 16 : index
        %swap3A_426 = tpu.vector_load %arg8[%swap3A_425] {strides = array<i32>} : memref<80xi32, #tpu.memory_space<vmem>>, vector<16xi32>,
        %swap3A_427 = vector.shape_cast %swap3A_426 : vector<16xi32> to vector<16xi32>
        %swap3A_428 = vector.shape_cast %add3A_424 : vector<16xi32> to vector<16xi32>
        tpu.vector_store %arg8[%swap3A_425], %swap3A_428 {strides = array<i32>} : memref<80xi32, #tpu.memory_space<vmem>>, vector<16xi32>,
        %get3A_429 = arith.constant 32 : index
        %get3A_430 = tpu.vector_load %arg8[%get3A_429] {strides = array<i32>} : memref<80xi32, #tpu.memory_space<vmem>>, vector<16xi32>,
        %get3A_431 = vector.shape_cast %get3A_430 : vector<16xi32> to vector<16xi32>
        %add3A_432 = vector.broadcast %mul3A_0 : i32 to vector<16xi32>
        %add3A_433 = arith.addi %get3A_431, %add3A_432 : vector<16xi32>
        %swap3A_434 = arith.constant 32 : index
        %swap3A_435 = tpu.vector_load %arg8[%swap3A_434] {strides = array<i32>} : memref<80xi32, #tpu.memory_space<vmem>>, vector<16xi32>,
        %swap3A_436 = vector.shape_cast %swap3A_435 : vector<16xi32> to vector<16xi32>
        %swap3A_437 = vector.shape_cast %add3A_433 : vector<16xi32> to vector<16xi32>
        tpu.vector_store %arg8[%swap3A_434], %swap3A_437 {strides = array<i32>} : memref<80xi32, #tpu.memory_space<vmem>>, vector<16xi32>,
        %get3A_438 = arith.constant 48 : index
        %get3A_439 = tpu.vector_load %arg8[%get3A_438] {strides = array<i32>} : memref<80xi32, #tpu.memory_space<vmem>>, vector<16xi32>,
        %get3A_440 = vector.shape_cast %get3A_439 : vector<16xi32> to vector<16xi32>
        %add3A_441 = vector.broadcast %mul3A_0 : i32 to vector<16xi32>
        %add3A_442 = arith.addi %get3A_440, %add3A_441 : vector<16xi32>
        %swap3A_443 = arith.constant 48 : index
        %swap3A_444 = tpu.vector_load %arg8[%swap3A_443] {strides = array<i32>} : memref<80xi32, #tpu.memory_space<vmem>>, vector<16xi32>,
        %swap3A_445 = vector.shape_cast %swap3A_444 : vector<16xi32> to vector<16xi32>
        %swap3A_446 = vector.shape_cast %add3A_442 : vector<16xi32> to vector<16xi32>
        tpu.vector_store %arg8[%swap3A_443], %swap3A_446 {strides = array<i32>} : memref<80xi32, #tpu.memory_space<vmem>>, vector<16xi32>,
        %get3A_447 = arith.constant 64 : index
        %get3A_448 = tpu.vector_load %arg8[%get3A_447] {strides = array<i32>} : memref<80xi32, #tpu.memory_space<vmem>>, vector<16xi32>,
        %get3A_449 = vector.shape_cast %get3A_448 : vector<16xi32> to vector<16xi32>
        %add3A_450 = vector.broadcast %mul3A_0 : i32 to vector<16xi32>
        %add3A_451 = arith.addi %get3A_449, %add3A_450 : vector<16xi32>
        %swap3A_452 = arith.constant 64 : index
        %swap3A_453 = tpu.vector_load %arg8[%swap3A_452] {strides = array<i32>} : memref<80xi32, #tpu.memory_space<vmem>>, vector<16xi32>,
        %swap3A_454 = vector.shape_cast %swap3A_453 : vector<16xi32> to vector<16xi32>
        %swap3A_455 = vector.shape_cast %add3A_451 : vector<16xi32> to vector<16xi32>
        tpu.vector_store %arg8[%swap3A_452], %swap3A_455 {strides = array<i32>} : memref<80xi32, #tpu.memory_space<vmem>>, vector<16xi32>,
        %dma_start3A_456 = arith.constant 0 : i32
        %dma_start3A_457 = arith.constant 0 : i32
        %dma_start3A_458 = tpu.memref_slice %arg2[%dma_start3A_456, %dma_start3A_457] : memref<20000x128xf32, #tpu.memory_space<hbm>> -> memref<20000x128xf32, #tpu.memory_space<hbm>>
        tpu.enqueue_indirect_dma source(%dma_start3A_458 : memref<20000x128xf32, #tpu.memory_space<hbm>>) target(%arg16 : memref<80x128xf32, #tpu.memory_space<vmem>>) offsets(%arg8 : memref<80xi32, #tpu.memory_space<vmem>>) semaphore(%arg25 : memref<!tpu.dma_semaphore, #tpu.memory_space<semaphore_mem>>)
      } else {
      }
      %sub3A_356 = arith.constant 3 : i32
      %sub3A_357 = arith.subi %add3A_336, %sub3A_356 : i32
      %lt3A_358 = arith.constant 125 : i32
      %lt3A_359 = arith.cmpi slt, %sub3A_357, %lt3A_358 : i32
      %convert_element_type3A_360 = arith.extui %lt3A_359 : i1 to i32
      %cond3A_361 = arith.constant 0 : i32
      %cond3A_362 = arith.cmpi ne, %convert_element_type3A_360, %cond3A_361 : i32
      scf.if %cond3A_362 {
        %dma_wait3A_395 = arith.constant 0 : i32
        %dma_wait3A_396 = arith.constant 0 : i32
        %dma_wait3A_397 = tpu.memref_slice %arg2[%dma_wait3A_395, %dma_wait3A_396] : memref<20000x128xf32, #tpu.memory_space<hbm>> -> memref<20000x128xf32, #tpu.memory_space<hbm>>
        tpu.wait_indirect_dma semaphore(%arg27 : memref<!tpu.dma_semaphore, #tpu.memory_space<semaphore_mem>>) src(%dma_wait3A_397 : memref<20000x128xf32, #tpu.memory_space<hbm>>) dst(%arg18 : memref<80x128xf32, #tpu.memory_space<vmem>>)
        %dma_start3A_398 = arith.constant 0 : i32
        %dma_start3A_399 = arith.constant 0 : i32
        %dma_start3A_400 = tpu.memref_slice %arg19[%dma_start3A_398, %dma_start3A_399] : memref<10000x128xf32, #tpu.memory_space<vmem_shared>> -> memref<10000x128xf32, #tpu.memory_space<vmem_shared>>
        tpu.enqueue_indirect_dma source(%arg18 : memref<80x128xf32, #tpu.memory_space<vmem>>) target(%dma_start3A_400 : memref<10000x128xf32, #tpu.memory_space<vmem_shared>>) offsets(%arg14 : memref<80xi32, #tpu.memory_space<vmem>>) semaphore(%arg31 : memref<!tpu.dma_semaphore, #tpu.memory_space<semaphore_mem>>) {add = true}
      } else {
      }
      %mul3A_363 = arith.constant 4 : i32
      %mul3A_364 = arith.muli %add3A_267, %mul3A_363 : i32
      %add3A_365 = arith.constant 4 : i32
      %add3A_366 = arith.addi %add3A_365, %mul3A_364 : i32
      %add3A_367 = arith.constant 3 : i32
      %add3A_368 = arith.addi %add3A_366, %add3A_367 : i32
      %sub3A_369 = arith.constant 4 : i32
      %sub3A_370 = arith.subi %add3A_368, %sub3A_369 : i32
      %lt3A_371 = arith.constant 125 : i32
      %lt3A_372 = arith.cmpi slt, %sub3A_370, %lt3A_371 : i32
      %convert_element_type3A_373 = arith.extui %lt3A_372 : i1 to i32
      %cond3A_374 = arith.constant 0 : i32
      %cond3A_375 = arith.cmpi ne, %convert_element_type3A_373, %cond3A_374 : i32
      scf.if %cond3A_375 {
        %dma_wait3A_395 = arith.constant 0 : i32
        %dma_wait3A_396 = arith.constant 0 : i32
        %dma_wait3A_397 = tpu.memref_slice %arg19[%dma_wait3A_395, %dma_wait3A_396] : memref<10000x128xf32, #tpu.memory_space<vmem_shared>> -> memref<10000x128xf32, #tpu.memory_space<vmem_shared>>
        tpu.wait_indirect_dma semaphore(%arg31 : memref<!tpu.dma_semaphore, #tpu.memory_space<semaphore_mem>>) src(%arg18 : memref<80x128xf32, #tpu.memory_space<vmem>>) dst(%dma_wait3A_397 : memref<10000x128xf32, #tpu.memory_space<vmem_shared>>)
      } else {
      }
      %lt3A_376 = arith.constant 125 : i32
      %lt3A_377 = arith.cmpi slt, %add3A_368, %lt3A_376 : i32
      %convert_element_type3A_378 = arith.extui %lt3A_377 : i1 to i32
      %cond3A_379 = arith.constant 0 : i32
      %cond3A_380 = arith.cmpi ne, %convert_element_type3A_378, %cond3A_379 : i32
      scf.if %cond3A_380 {
        %mul3A_395 = arith.constant 16 : i32
        %mul3A_396 = arith.muli %add3A_368, %mul3A_395 : i32
        %add3A_397 = arith.addi %arg1, %mul3A_396 : i32
        %mul3A_398 = arith.constant 80 : i32
        %mul3A_399 = arith.muli %add3A_397, %mul3A_398 : i32
        %dma_start3A_400 = tpu.memref_slice %arg3[%mul3A_399] : memref<160000xi32, #tpu.memory_space<hbm>> -> memref<80xi32, #tpu.memory_space<hbm>>
        %dma_start3A_401 = tpu.memref_slice %arg3[%mul3A_399] : memref<160000xi32, #tpu.memory_space<hbm>> -> memref<80xi32, #tpu.memory_space<hbm>>
        tpu.enqueue_dma source(%dma_start3A_401 : memref<80xi32, #tpu.memory_space<hbm>>) target(%arg10 : memref<80xi32, #tpu.memory_space<vmem>>) target_semaphore(%arg23 : memref<!tpu.dma_semaphore, #tpu.memory_space<semaphore_mem>>)
        %mul3A_402 = arith.constant 16 : i32
        %mul3A_403 = arith.muli %add3A_368, %mul3A_402 : i32
        %add3A_404 = arith.addi %arg1, %mul3A_403 : i32
        %mul3A_405 = arith.constant 80 : i32
        %mul3A_406 = arith.muli %add3A_404, %mul3A_405 : i32
        %dma_start3A_407 = tpu.memref_slice %arg4[%mul3A_406] : memref<160000xi32, #tpu.memory_space<hbm>> -> memref<80xi32, #tpu.memory_space<hbm>>
        %dma_start3A_408 = tpu.memref_slice %arg4[%mul3A_406] : memref<160000xi32, #tpu.memory_space<hbm>> -> memref<80xi32, #tpu.memory_space<hbm>>
        tpu.enqueue_dma source(%dma_start3A_408 : memref<80xi32, #tpu.memory_space<hbm>>) target(%arg14 : memref<80xi32, #tpu.memory_space<vmem>>) target_semaphore(%arg23 : memref<!tpu.dma_semaphore, #tpu.memory_space<semaphore_mem>>)
      } else {
      }
      %sub3A_381 = arith.constant 1 : i32
      %sub3A_382 = arith.subi %add3A_368, %sub3A_381 : i32
      %lt3A_383 = arith.constant 125 : i32
      %lt3A_384 = arith.cmpi slt, %sub3A_382, %lt3A_383 : i32
      %convert_element_type3A_385 = arith.extui %lt3A_384 : i1 to i32
      %cond3A_386 = arith.constant 0 : i32
      %cond3A_387 = arith.cmpi ne, %convert_element_type3A_385, %cond3A_386 : i32
      scf.if %cond3A_387 {
        %sub3A_395 = arith.constant 1 : i32
        %sub3A_396 = arith.subi %add3A_368, %sub3A_395 : i32
        %mul3A_397 = arith.constant 16 : i32
        %mul3A_398 = arith.muli %sub3A_396, %mul3A_397 : i32
        %add3A_399 = arith.addi %arg1, %mul3A_398 : i32
        %mul3A_400 = arith.constant 80 : i32
        %mul3A_401 = arith.muli %add3A_399, %mul3A_400 : i32
        %dma_wait3A_402 = tpu.memref_slice %arg3[%mul3A_401] : memref<160000xi32, #tpu.memory_space<hbm>> -> memref<80xi32, #tpu.memory_space<hbm>>
        %dma_wait3A_403 = tpu.memref_slice %arg3[%mul3A_401] : memref<160000xi32, #tpu.memory_space<hbm>> -> memref<80xi32, #tpu.memory_space<hbm>>
        tpu.wait_dma2 semaphore(%arg22 : memref<!tpu.dma_semaphore, #tpu.memory_space<semaphore_mem>>) src(%dma_wait3A_403 : memref<80xi32, #tpu.memory_space<hbm>>) dst(%arg9 : memref<80xi32, #tpu.memory_space<vmem>>)
        %mul3A_404 = arith.constant 16 : i32
        %mul3A_405 = arith.muli %sub3A_396, %mul3A_404 : i32
        %add3A_406 = arith.addi %arg1, %mul3A_405 : i32
        %mul3A_407 = arith.constant 80 : i32
        %mul3A_408 = arith.muli %add3A_406, %mul3A_407 : i32
        %dma_wait3A_409 = tpu.memref_slice %arg4[%mul3A_408] : memref<160000xi32, #tpu.memory_space<hbm>> -> memref<80xi32, #tpu.memory_space<hbm>>
        %dma_wait3A_410 = tpu.memref_slice %arg4[%mul3A_408] : memref<160000xi32, #tpu.memory_space<hbm>> -> memref<80xi32, #tpu.memory_space<hbm>>
        tpu.wait_dma2 semaphore(%arg22 : memref<!tpu.dma_semaphore, #tpu.memory_space<semaphore_mem>>) src(%dma_wait3A_410 : memref<80xi32, #tpu.memory_space<hbm>>) dst(%arg13 : memref<80xi32, #tpu.memory_space<vmem>>)
        %get3A_411 = arith.constant 0 : index
        %get3A_412 = tpu.vector_load %arg9[%get3A_411] {strides = array<i32>} : memref<80xi32, #tpu.memory_space<vmem>>, vector<16xi32>,
        %get3A_413 = vector.shape_cast %get3A_412 : vector<16xi32> to vector<16xi32>
        %add3A_414 = vector.broadcast %mul3A_0 : i32 to vector<16xi32>
        %add3A_415 = arith.addi %get3A_413, %add3A_414 : vector<16xi32>
        %swap3A_416 = arith.constant 0 : index
        %swap3A_417 = tpu.vector_load %arg9[%swap3A_416] {strides = array<i32>} : memref<80xi32, #tpu.memory_space<vmem>>, vector<16xi32>,
        %swap3A_418 = vector.shape_cast %swap3A_417 : vector<16xi32> to vector<16xi32>
        %swap3A_419 = vector.shape_cast %add3A_415 : vector<16xi32> to vector<16xi32>
        tpu.vector_store %arg9[%swap3A_416], %swap3A_419 {strides = array<i32>} : memref<80xi32, #tpu.memory_space<vmem>>, vector<16xi32>,
        %get3A_420 = arith.constant 16 : index
        %get3A_421 = tpu.vector_load %arg9[%get3A_420] {strides = array<i32>} : memref<80xi32, #tpu.memory_space<vmem>>, vector<16xi32>,
        %get3A_422 = vector.shape_cast %get3A_421 : vector<16xi32> to vector<16xi32>
        %add3A_423 = vector.broadcast %mul3A_0 : i32 to vector<16xi32>
        %add3A_424 = arith.addi %get3A_422, %add3A_423 : vector<16xi32>
        %swap3A_425 = arith.constant 16 : index
        %swap3A_426 = tpu.vector_load %arg9[%swap3A_425] {strides = array<i32>} : memref<80xi32, #tpu.memory_space<vmem>>, vector<16xi32>,
        %swap3A_427 = vector.shape_cast %swap3A_426 : vector<16xi32> to vector<16xi32>
        %swap3A_428 = vector.shape_cast %add3A_424 : vector<16xi32> to vector<16xi32>
        tpu.vector_store %arg9[%swap3A_425], %swap3A_428 {strides = array<i32>} : memref<80xi32, #tpu.memory_space<vmem>>, vector<16xi32>,
        %get3A_429 = arith.constant 32 : index
        %get3A_430 = tpu.vector_load %arg9[%get3A_429] {strides = array<i32>} : memref<80xi32, #tpu.memory_space<vmem>>, vector<16xi32>,
        %get3A_431 = vector.shape_cast %get3A_430 : vector<16xi32> to vector<16xi32>
        %add3A_432 = vector.broadcast %mul3A_0 : i32 to vector<16xi32>
        %add3A_433 = arith.addi %get3A_431, %add3A_432 : vector<16xi32>
        %swap3A_434 = arith.constant 32 : index
        %swap3A_435 = tpu.vector_load %arg9[%swap3A_434] {strides = array<i32>} : memref<80xi32, #tpu.memory_space<vmem>>, vector<16xi32>,
        %swap3A_436 = vector.shape_cast %swap3A_435 : vector<16xi32> to vector<16xi32>
        %swap3A_437 = vector.shape_cast %add3A_433 : vector<16xi32> to vector<16xi32>
        tpu.vector_store %arg9[%swap3A_434], %swap3A_437 {strides = array<i32>} : memref<80xi32, #tpu.memory_space<vmem>>, vector<16xi32>,
        %get3A_438 = arith.constant 48 : index
        %get3A_439 = tpu.vector_load %arg9[%get3A_438] {strides = array<i32>} : memref<80xi32, #tpu.memory_space<vmem>>, vector<16xi32>,
        %get3A_440 = vector.shape_cast %get3A_439 : vector<16xi32> to vector<16xi32>
        %add3A_441 = vector.broadcast %mul3A_0 : i32 to vector<16xi32>
        %add3A_442 = arith.addi %get3A_440, %add3A_441 : vector<16xi32>
        %swap3A_443 = arith.constant 48 : index
        %swap3A_444 = tpu.vector_load %arg9[%swap3A_443] {strides = array<i32>} : memref<80xi32, #tpu.memory_space<vmem>>, vector<16xi32>,
        %swap3A_445 = vector.shape_cast %swap3A_444 : vector<16xi32> to vector<16xi32>
        %swap3A_446 = vector.shape_cast %add3A_442 : vector<16xi32> to vector<16xi32>
        tpu.vector_store %arg9[%swap3A_443], %swap3A_446 {strides = array<i32>} : memref<80xi32, #tpu.memory_space<vmem>>, vector<16xi32>,
        %get3A_447 = arith.constant 64 : index
        %get3A_448 = tpu.vector_load %arg9[%get3A_447] {strides = array<i32>} : memref<80xi32, #tpu.memory_space<vmem>>, vector<16xi32>,
        %get3A_449 = vector.shape_cast %get3A_448 : vector<16xi32> to vector<16xi32>
        %add3A_450 = vector.broadcast %mul3A_0 : i32 to vector<16xi32>
        %add3A_451 = arith.addi %get3A_449, %add3A_450 : vector<16xi32>
        %swap3A_452 = arith.constant 64 : index
        %swap3A_453 = tpu.vector_load %arg9[%swap3A_452] {strides = array<i32>} : memref<80xi32, #tpu.memory_space<vmem>>, vector<16xi32>,
        %swap3A_454 = vector.shape_cast %swap3A_453 : vector<16xi32> to vector<16xi32>
        %swap3A_455 = vector.shape_cast %add3A_451 : vector<16xi32> to vector<16xi32>
        tpu.vector_store %arg9[%swap3A_452], %swap3A_455 {strides = array<i32>} : memref<80xi32, #tpu.memory_space<vmem>>, vector<16xi32>,
        %dma_start3A_456 = arith.constant 0 : i32
        %dma_start3A_457 = arith.constant 0 : i32
        %dma_start3A_458 = tpu.memref_slice %arg2[%dma_start3A_456, %dma_start3A_457] : memref<20000x128xf32, #tpu.memory_space<hbm>> -> memref<20000x128xf32, #tpu.memory_space<hbm>>
        tpu.enqueue_indirect_dma source(%dma_start3A_458 : memref<20000x128xf32, #tpu.memory_space<hbm>>) target(%arg17 : memref<80x128xf32, #tpu.memory_space<vmem>>) offsets(%arg9 : memref<80xi32, #tpu.memory_space<vmem>>) semaphore(%arg26 : memref<!tpu.dma_semaphore, #tpu.memory_space<semaphore_mem>>)
      } else {
      }
      %sub3A_388 = arith.constant 3 : i32
      %sub3A_389 = arith.subi %add3A_368, %sub3A_388 : i32
      %lt3A_390 = arith.constant 125 : i32
      %lt3A_391 = arith.cmpi slt, %sub3A_389, %lt3A_390 : i32
      %convert_element_type3A_392 = arith.extui %lt3A_391 : i1 to i32
      %cond3A_393 = arith.constant 0 : i32
      %cond3A_394 = arith.cmpi ne, %convert_element_type3A_392, %cond3A_393 : i32
      scf.if %cond3A_394 {
        %dma_wait3A_395 = arith.constant 0 : i32
        %dma_wait3A_396 = arith.constant 0 : i32
        %dma_wait3A_397 = tpu.memref_slice %arg2[%dma_wait3A_395, %dma_wait3A_396] : memref<20000x128xf32, #tpu.memory_space<hbm>> -> memref<20000x128xf32, #tpu.memory_space<hbm>>
        tpu.wait_indirect_dma semaphore(%arg24 : memref<!tpu.dma_semaphore, #tpu.memory_space<semaphore_mem>>) src(%dma_wait3A_397 : memref<20000x128xf32, #tpu.memory_space<hbm>>) dst(%arg15 : memref<80x128xf32, #tpu.memory_space<vmem>>)
        %dma_start3A_398 = arith.constant 0 : i32
        %dma_start3A_399 = arith.constant 0 : i32
        %dma_start3A_400 = tpu.memref_slice %arg19[%dma_start3A_398, %dma_start3A_399] : memref<10000x128xf32, #tpu.memory_space<vmem_shared>> -> memref<10000x128xf32, #tpu.memory_space<vmem_shared>>
        tpu.enqueue_indirect_dma source(%arg15 : memref<80x128xf32, #tpu.memory_space<vmem>>) target(%dma_start3A_400 : memref<10000x128xf32, #tpu.memory_space<vmem_shared>>) offsets(%arg11 : memref<80xi32, #tpu.memory_space<vmem>>) semaphore(%arg28 : memref<!tpu.dma_semaphore, #tpu.memory_space<semaphore_mem>>) {add = true}
      } else {
      }
    }
    %scan3A_251 = arith.constant 32 : i32
    %barrier3A_252 = arith.constant 0 : index
    tpu.barrier barrier_id(%barrier3A_252)
    %lt3A_253 = arith.constant 15 : i32
    %lt3A_254 = arith.cmpi slt, %arg1, %lt3A_253 : i32
    %convert_element_type3A_255 = arith.extui %lt3A_254 : i1 to i32
    %cond3A_256 = arith.constant 0 : i32
    %cond3A_257 = arith.cmpi ne, %convert_element_type3A_255, %cond3A_256 : i32
    scf.if %cond3A_257 {
      %add3A_263 = arith.addi %mul3A_0, %mul3A_2 : i32
      "tpu.region"() ({
        %run_scoped3A = tpu.sem_alloc : memref<!tpu.dma_semaphore, #tpu.memory_space<semaphore_mem>>
        %dma_start3A_264 = arith.constant 0 : i32
        %dma_start3A_265 = tpu.memref_slice %arg6[%add3A_263, %dma_start3A_264] : memref<20000x128xf32, #tpu.memory_space<hbm>> -> memref<640x128xf32, #tpu.memory_space<hbm>>
        %dma_start3A_266 = arith.constant 0 : i32
        %dma_start3A_267 = tpu.memref_slice %arg19[%mul3A_2, %dma_start3A_266] : memref<10000x128xf32, #tpu.memory_space<vmem_shared>> -> memref<640x128xf32, #tpu.memory_space<vmem_shared>>
        tpu.enqueue_dma source(%dma_start3A_267 : memref<640x128xf32, #tpu.memory_space<vmem_shared>>) target(%dma_start3A_265 : memref<640x128xf32, #tpu.memory_space<hbm>>) target_semaphore(%run_scoped3A : memref<!tpu.dma_semaphore, #tpu.memory_space<semaphore_mem>>)
        %dma_wait3A_268 = arith.constant 0 : i32
        %dma_wait3A_269 = tpu.memref_slice %arg6[%add3A_263, %dma_wait3A_268] : memref<20000x128xf32, #tpu.memory_space<hbm>> -> memref<640x128xf32, #tpu.memory_space<hbm>>
        %dma_wait3A_270 = arith.constant 0 : i32
        %dma_wait3A_271 = tpu.memref_slice %arg19[%mul3A_2, %dma_wait3A_270] : memref<10000x128xf32, #tpu.memory_space<vmem_shared>> -> memref<640x128xf32, #tpu.memory_space<vmem_shared>>
        tpu.wait_dma2 semaphore(%run_scoped3A : memref<!tpu.dma_semaphore, #tpu.memory_space<semaphore_mem>>) src(%dma_wait3A_271 : memref<640x128xf32, #tpu.memory_space<vmem_shared>>) dst(%dma_wait3A_269 : memref<640x128xf32, #tpu.memory_space<hbm>>)
        tpu.yield
      }) : () -> ()
    } else {
    }
    %eq3A_258 = arith.constant 15 : i32
    %eq3A_259 = arith.cmpi eq, %arg1, %eq3A_258 : i32
    %convert_element_type3A_260 = arith.extui %eq3A_259 : i1 to i32
    %cond3A_261 = arith.constant 0 : i32
    %cond3A_262 = arith.cmpi ne, %convert_element_type3A_260, %cond3A_261 : i32
    scf.if %cond3A_262 {
      %add3A_263 = arith.addi %mul3A_0, %mul3A_2 : i32
      "tpu.region"() ({
        %run_scoped3A = tpu.sem_alloc : memref<!tpu.dma_semaphore, #tpu.memory_space<semaphore_mem>>
        %dma_start3A_264 = arith.constant 0 : i32
        %dma_start3A_265 = tpu.memref_slice %arg6[%add3A_263, %dma_start3A_264] : memref<20000x128xf32, #tpu.memory_space<hbm>> -> memref<400x128xf32, #tpu.memory_space<hbm>>
        %dma_start3A_266 = arith.constant 0 : i32
        %dma_start3A_267 = tpu.memref_slice %arg19[%mul3A_2, %dma_start3A_266] : memref<10000x128xf32, #tpu.memory_space<vmem_shared>> -> memref<400x128xf32, #tpu.memory_space<vmem_shared>>
        tpu.enqueue_dma source(%dma_start3A_267 : memref<400x128xf32, #tpu.memory_space<vmem_shared>>) target(%dma_start3A_265 : memref<400x128xf32, #tpu.memory_space<hbm>>) target_semaphore(%run_scoped3A : memref<!tpu.dma_semaphore, #tpu.memory_space<semaphore_mem>>)
        %dma_wait3A_268 = arith.constant 0 : i32
        %dma_wait3A_269 = tpu.memref_slice %arg6[%add3A_263, %dma_wait3A_268] : memref<20000x128xf32, #tpu.memory_space<hbm>> -> memref<400x128xf32, #tpu.memory_space<hbm>>
        %dma_wait3A_270 = arith.constant 0 : i32
        %dma_wait3A_271 = tpu.memref_slice %arg19[%mul3A_2, %dma_wait3A_270] : memref<10000x128xf32, #tpu.memory_space<vmem_shared>> -> memref<400x128xf32, #tpu.memory_space<vmem_shared>>
        tpu.wait_dma2 semaphore(%run_scoped3A : memref<!tpu.dma_semaphore, #tpu.memory_space<semaphore_mem>>) src(%dma_wait3A_271 : memref<400x128xf32, #tpu.memory_space<vmem_shared>>) dst(%dma_wait3A_269 : memref<400x128xf32, #tpu.memory_space<hbm>>)
        tpu.yield
      }) : () -> ()
    } else {
    }
    return
  }
}

module attributes {stable_mosaic.version = 14 : i64} {
  func.func @_tc_mid_body(%arg0: i32, %arg1: memref<2x1024x128xf32, #tpu.memory_space<vmem>>, %arg2: memref<2x1024x128xf32, #tpu.memory_space<vmem>>, %arg3: memref<1024xf32, #tpu.memory_space<vmem>>, %arg4: memref<1x256xf32, #tpu.memory_space<vmem>>, %arg5: memref<256x256xf32, #tpu.memory_space<vmem>>, %arg6: memref<2x1024x128xf32, #tpu.memory_space<vmem>>) attributes {dimension_semantics = [#tpu.dimension_semantics<arbitrary>], iteration_bounds = array<i64: 10>, scalar_prefetch = 0 : i64, scratch_operands = 0 : i64, tpu.core_type = #tpu.core_type<tc>, window_params = [{transform_indices = @transform_0, window_bounds = array<i64: 2, 1024, 128>}, {transform_indices = @transform_1, window_bounds = array<i64: 2, 1024, 128>}, {transform_indices = @transform_2, window_bounds = array<i64: 1024>}, {pipeline_mode = #tpu.pipeline_mode<synchronous>, transform_indices = @transform_3, window_bounds = array<i64: 1, 256>}, {pipeline_mode = #tpu.pipeline_mode<synchronous>, transform_indices = @transform_4, window_bounds = array<i64: 256, 256>}, {transform_indices = @transform_5, window_bounds = array<i64: 2, 1024, 128>}]} {
    %get3A = arith.constant 0 : index
    %get3A_0 = vector.load %arg3[%get3A] : memref<1024xf32, #tpu.memory_space<vmem>>, vector<1024xf32>
    %add3A = arith.constant 1.000000e+00 : f32
    %add3A_1 = vector.broadcast %add3A : f32 to vector<1024xf32>
    %add3A_2 = arith.addf %get3A_0, %add3A_1 : vector<1024xf32>
    %rsqrt3A = math.rsqrt %add3A_2 : vector<1024xf32>
    %reshape3A = vector.shape_cast %rsqrt3A : vector<1024xf32> to vector<1024x1xf32>
    %get3A_3 = arith.constant 0 : index
    %get3A_4 = arith.constant 0 : index
    %get3A_5 = vector.load %arg4[%get3A_3, %get3A_4] : memref<1x256xf32, #tpu.memory_space<vmem>>, vector<1x256xf32>
    %get3A_6 = arith.constant 0 : index
    %get3A_7 = arith.constant 0 : index
    %get3A_8 = arith.constant 0 : index
    %get3A_9 = vector.load %arg1[%get3A_6, %get3A_7, %get3A_8] : memref<2x1024x128xf32, #tpu.memory_space<vmem>>, vector<1x1024x128xf32>
    %get3A_10 = vector.shape_cast %get3A_9 : vector<1x1024x128xf32> to vector<1024x128xf32>
    %get3A_11 = arith.constant 0 : index
    %get3A_12 = arith.constant 0 : index
    %get3A_13 = arith.constant 0 : index
    %get3A_14 = vector.load %arg2[%get3A_11, %get3A_12, %get3A_13] : memref<2x1024x128xf32, #tpu.memory_space<vmem>>, vector<1x1024x128xf32>
    %get3A_15 = vector.shape_cast %get3A_14 : vector<1x1024x128xf32> to vector<1024x128xf32>
    %add3A_16 = arith.addf %get3A_10, %get3A_15 : vector<1024x128xf32>
    %mul3A = vector.broadcast %reshape3A : vector<1024x1xf32> to vector<1024x128xf32>
    %mul3A_17 = arith.mulf %mul3A, %add3A_16 : vector<1024x128xf32>
    %slice3A = vector.extract_strided_slice %get3A_5 {offsets = [0, 0], sizes = [1, 128], strides = [1, 1]} : vector<1x256xf32> to vector<1x128xf32>
    %add3A_18 = vector.broadcast %slice3A : vector<1x128xf32> to vector<1024x128xf32>
    %add3A_19 = arith.addf %mul3A_17, %add3A_18 : vector<1024x128xf32>
    %max3A = arith.constant 0.000000e+00 : f32
    %max3A_20 = vector.broadcast %max3A : f32 to vector<1024x128xf32>
    %max3A_21 = arith.maximumf %add3A_19, %max3A_20 : vector<1024x128xf32>
    %get3A_22 = arith.constant 1 : index
    %get3A_23 = arith.constant 0 : index
    %get3A_24 = arith.constant 0 : index
    %get3A_25 = vector.load %arg1[%get3A_22, %get3A_23, %get3A_24] : memref<2x1024x128xf32, #tpu.memory_space<vmem>>, vector<1x1024x128xf32>
    %get3A_26 = vector.shape_cast %get3A_25 : vector<1x1024x128xf32> to vector<1024x128xf32>
    %get3A_27 = arith.constant 1 : index
    %get3A_28 = arith.constant 0 : index
    %get3A_29 = arith.constant 0 : index
    %get3A_30 = vector.load %arg2[%get3A_27, %get3A_28, %get3A_29] : memref<2x1024x128xf32, #tpu.memory_space<vmem>>, vector<1x1024x128xf32>
    %get3A_31 = vector.shape_cast %get3A_30 : vector<1x1024x128xf32> to vector<1024x128xf32>
    %add3A_32 = arith.addf %get3A_26, %get3A_31 : vector<1024x128xf32>
    %mul3A_33 = vector.broadcast %reshape3A : vector<1024x1xf32> to vector<1024x128xf32>
    %mul3A_34 = arith.mulf %mul3A_33, %add3A_32 : vector<1024x128xf32>
    %slice3A_35 = vector.extract_strided_slice %get3A_5 {offsets = [0, 128], sizes = [1, 128], strides = [1, 1]} : vector<1x256xf32> to vector<1x128xf32>
    %add3A_36 = vector.broadcast %slice3A_35 : vector<1x128xf32> to vector<1024x128xf32>
    %add3A_37 = arith.addf %mul3A_34, %add3A_36 : vector<1024x128xf32>
    %max3A_38 = arith.constant 0.000000e+00 : f32
    %max3A_39 = vector.broadcast %max3A_38 : f32 to vector<1024x128xf32>
    %max3A_40 = arith.maximumf %add3A_37, %max3A_39 : vector<1024x128xf32>
    %concatenate3A = tpu.concatenate %max3A_21, %max3A_40 in 1 : vector<1024x128xf32>, vector<1024x128xf32> -> vector<1024x256xf32>
    %get3A_41 = arith.constant 0 : index
    %get3A_42 = arith.constant 0 : index
    %get3A_43 = vector.load %arg5[%get3A_41, %get3A_42] : memref<256x256xf32, #tpu.memory_space<vmem>>, vector<256x256xf32>
    %dot_general3A = arith.constant dense<0.000000e+00> : vector<1024x256xf32>
    %dot_general3A_44 = tpu.matmul %concatenate3A, %get3A_43, %dot_general3A {dimension_numbers = #tpu.dot_dimension_numbers<[1], [0], [0], [1], [0, 0, 1, 1], [], []>, transpose_lhs_hint = false} : vector<1024x256xf32>, vector<256x256xf32>, vector<1024x256xf32> -> vector<1024x256xf32>
    %mul3A_45 = vector.broadcast %reshape3A : vector<1024x1xf32> to vector<1024x256xf32>
    %mul3A_46 = arith.mulf %dot_general3A_44, %mul3A_45 : vector<1024x256xf32>
    %slice3A_47 = vector.extract_strided_slice %mul3A_46 {offsets = [0, 0], sizes = [1024, 128], strides = [1, 1]} : vector<1024x256xf32> to vector<1024x128xf32>
    %swap3A = arith.constant 0 : index
    %swap3A_48 = arith.constant 0 : index
    %swap3A_49 = arith.constant 0 : index
    %swap3A_50 = vector.load %arg6[%swap3A, %swap3A_48, %swap3A_49] : memref<2x1024x128xf32, #tpu.memory_space<vmem>>, vector<1x1024x128xf32>
    %swap3A_51 = vector.shape_cast %swap3A_50 : vector<1x1024x128xf32> to vector<1024x128xf32>
    %swap3A_52 = vector.shape_cast %slice3A_47 : vector<1024x128xf32> to vector<1x1024x128xf32>
    tpu.vector_store %arg6[%swap3A, %swap3A_48, %swap3A_49], %swap3A_52 {strides = array<i32>} : memref<2x1024x128xf32, #tpu.memory_space<vmem>>, vector<1x1024x128xf32>,
    %slice3A_53 = vector.extract_strided_slice %mul3A_46 {offsets = [0, 128], sizes = [1024, 128], strides = [1, 1]} : vector<1024x256xf32> to vector<1024x128xf32>
    %swap3A_54 = arith.constant 1 : index
    %swap3A_55 = arith.constant 0 : index
    %swap3A_56 = arith.constant 0 : index
    %swap3A_57 = vector.load %arg6[%swap3A_54, %swap3A_55, %swap3A_56] : memref<2x1024x128xf32, #tpu.memory_space<vmem>>, vector<1x1024x128xf32>
    %swap3A_58 = vector.shape_cast %swap3A_57 : vector<1x1024x128xf32> to vector<1024x128xf32>
    %swap3A_59 = vector.shape_cast %slice3A_53 : vector<1024x128xf32> to vector<1x1024x128xf32>
    tpu.vector_store %arg6[%swap3A_54, %swap3A_55, %swap3A_56], %swap3A_59 {strides = array<i32>} : memref<2x1024x128xf32, #tpu.memory_space<vmem>>, vector<1x1024x128xf32>,
    return
  }
  func.func @transform_0(%arg0: i32) -> (i32, i32, i32) {
    %c0_i32 = arith.constant 0 : i32
    %c0_i32_0 = arith.constant 0 : i32
    %c0_i32_1 = arith.constant 0 : i32
    return %c0_i32, %arg0, %c0_i32_0 : i32, i32, i32
  }
  func.func @transform_1(%arg0: i32) -> (i32, i32, i32) {
    %c0_i32 = arith.constant 0 : i32
    %c0_i32_0 = arith.constant 0 : i32
    %c0_i32_1 = arith.constant 0 : i32
    return %c0_i32, %arg0, %c0_i32_0 : i32, i32, i32
  }
  func.func @transform_2(%arg0: i32) -> i32 {
    %c0_i32 = arith.constant 0 : i32
    return %arg0 : i32
  }
  func.func @transform_3(%arg0: i32) -> (i32, i32) {
    %c0_i32 = arith.constant 0 : i32
    %c0_i32_0 = arith.constant 0 : i32
    %c0_i32_1 = arith.constant 0 : i32
    return %c0_i32, %c0_i32_0 : i32, i32
  }
  func.func @transform_4(%arg0: i32) -> (i32, i32) {
    %c0_i32 = arith.constant 0 : i32
    %c0_i32_0 = arith.constant 0 : i32
    %c0_i32_1 = arith.constant 0 : i32
    return %c0_i32, %c0_i32_0 : i32, i32
  }
  func.func @transform_5(%arg0: i32) -> (i32, i32, i32) {
    %c0_i32 = arith.constant 0 : i32
    %c0_i32_0 = arith.constant 0 : i32
    %c0_i32_1 = arith.constant 0 : i32
    return %c0_i32, %arg0, %c0_i32_0 : i32, i32, i32
  }
}

module attributes {stable_mosaic.version = 14 : i64} {
  func.func @_tc1_body(%arg0: i32, %arg1: memref<1024x256xf32, #tpu.memory_space<vmem>>, %arg2: memref<256x256xf32, #tpu.memory_space<vmem>>, %arg3: memref<1024xf32, #tpu.memory_space<vmem>>, %arg4: memref<2x1024x128xf32, #tpu.memory_space<vmem>>) attributes {dimension_semantics = [#tpu.dimension_semantics<arbitrary>], iteration_bounds = array<i64: 10>, scalar_prefetch = 0 : i64, scratch_operands = 0 : i64, tpu.core_type = #tpu.core_type<tc>, window_params = [{transform_indices = @transform_0, window_bounds = array<i64: 1024, 256>}, {pipeline_mode = #tpu.pipeline_mode<synchronous>, transform_indices = @transform_1, window_bounds = array<i64: 256, 256>}, {transform_indices = @transform_2, window_bounds = array<i64: 1024>}, {transform_indices = @transform_3, window_bounds = array<i64: 2, 1024, 128>}]} {
    %get3A = arith.constant 0 : index
    %get3A_0 = vector.load %arg3[%get3A] : memref<1024xf32, #tpu.memory_space<vmem>>, vector<1024xf32>
    %add3A = arith.constant 1.000000e+00 : f32
    %add3A_1 = vector.broadcast %add3A : f32 to vector<1024xf32>
    %add3A_2 = arith.addf %get3A_0, %add3A_1 : vector<1024xf32>
    %rsqrt3A = math.rsqrt %add3A_2 : vector<1024xf32>
    %reshape3A = vector.shape_cast %rsqrt3A : vector<1024xf32> to vector<1024x1xf32>
    %get3A_3 = arith.constant 0 : index
    %get3A_4 = arith.constant 0 : index
    %get3A_5 = vector.load %arg1[%get3A_3, %get3A_4] : memref<1024x256xf32, #tpu.memory_space<vmem>>, vector<1024x256xf32>
    %get3A_6 = arith.constant 0 : index
    %get3A_7 = arith.constant 0 : index
    %get3A_8 = vector.load %arg2[%get3A_6, %get3A_7] : memref<256x256xf32, #tpu.memory_space<vmem>>, vector<256x256xf32>
    %dot_general3A = arith.constant dense<0.000000e+00> : vector<1024x256xf32>
    %dot_general3A_9 = tpu.matmul %get3A_5, %get3A_8, %dot_general3A {dimension_numbers = #tpu.dot_dimension_numbers<[1], [0], [0], [1], [0, 0, 1, 1], [], []>, transpose_lhs_hint = false} : vector<1024x256xf32>, vector<256x256xf32>, vector<1024x256xf32> -> vector<1024x256xf32>
    %mul3A = vector.broadcast %reshape3A : vector<1024x1xf32> to vector<1024x256xf32>
    %mul3A_10 = arith.mulf %dot_general3A_9, %mul3A : vector<1024x256xf32>
    %slice3A = vector.extract_strided_slice %mul3A_10 {offsets = [0, 0], sizes = [1024, 128], strides = [1, 1]} : vector<1024x256xf32> to vector<1024x128xf32>
    %swap3A = arith.constant 0 : index
    %swap3A_11 = arith.constant 0 : index
    %swap3A_12 = arith.constant 0 : index
    %swap3A_13 = vector.load %arg4[%swap3A, %swap3A_11, %swap3A_12] : memref<2x1024x128xf32, #tpu.memory_space<vmem>>, vector<1x1024x128xf32>
    %swap3A_14 = vector.shape_cast %swap3A_13 : vector<1x1024x128xf32> to vector<1024x128xf32>
    %swap3A_15 = vector.shape_cast %slice3A : vector<1024x128xf32> to vector<1x1024x128xf32>
    tpu.vector_store %arg4[%swap3A, %swap3A_11, %swap3A_12], %swap3A_15 {strides = array<i32>} : memref<2x1024x128xf32, #tpu.memory_space<vmem>>, vector<1x1024x128xf32>,
    %slice3A_16 = vector.extract_strided_slice %mul3A_10 {offsets = [0, 128], sizes = [1024, 128], strides = [1, 1]} : vector<1024x256xf32> to vector<1024x128xf32>
    %swap3A_17 = arith.constant 1 : index
    %swap3A_18 = arith.constant 0 : index
    %swap3A_19 = arith.constant 0 : index
    %swap3A_20 = vector.load %arg4[%swap3A_17, %swap3A_18, %swap3A_19] : memref<2x1024x128xf32, #tpu.memory_space<vmem>>, vector<1x1024x128xf32>
    %swap3A_21 = vector.shape_cast %swap3A_20 : vector<1x1024x128xf32> to vector<1024x128xf32>
    %swap3A_22 = vector.shape_cast %slice3A_16 : vector<1024x128xf32> to vector<1x1024x128xf32>
    tpu.vector_store %arg4[%swap3A_17, %swap3A_18, %swap3A_19], %swap3A_22 {strides = array<i32>} : memref<2x1024x128xf32, #tpu.memory_space<vmem>>, vector<1x1024x128xf32>,
    return
  }
  func.func @transform_0(%arg0: i32) -> (i32, i32) {
    %c0_i32 = arith.constant 0 : i32
    %c0_i32_0 = arith.constant 0 : i32
    return %arg0, %c0_i32 : i32, i32
  }
  func.func @transform_1(%arg0: i32) -> (i32, i32) {
    %c0_i32 = arith.constant 0 : i32
    %c0_i32_0 = arith.constant 0 : i32
    %c0_i32_1 = arith.constant 0 : i32
    return %c0_i32, %c0_i32_0 : i32, i32
  }
  func.func @transform_2(%arg0: i32) -> i32 {
    %c0_i32 = arith.constant 0 : i32
    return %arg0 : i32
  }
  func.func @transform_3(%arg0: i32) -> (i32, i32, i32) {
    %c0_i32 = arith.constant 0 : i32
    %c0_i32_0 = arith.constant 0 : i32
    %c0_i32_1 = arith.constant 0 : i32
    return %c0_i32, %arg0, %c0_i32_0 : i32, i32, i32
  }
}

module attributes {stable_mosaic.version = 14 : i64} {
  func.func @_tc_final_body(%arg0: i32, %arg1: memref<2x1024x128xf32, #tpu.memory_space<vmem>>, %arg2: memref<2x1024x128xf32, #tpu.memory_space<vmem>>, %arg3: memref<1024xf32, #tpu.memory_space<vmem>>, %arg4: memref<1x256xf32, #tpu.memory_space<vmem>>, %arg5: memref<1024x256xf32, #tpu.memory_space<vmem>>) attributes {dimension_semantics = [#tpu.dimension_semantics<arbitrary>], iteration_bounds = array<i64: 10>, scalar_prefetch = 0 : i64, scratch_operands = 0 : i64, tpu.core_type = #tpu.core_type<tc>, window_params = [{transform_indices = @transform_0, window_bounds = array<i64: 2, 1024, 128>}, {transform_indices = @transform_1, window_bounds = array<i64: 2, 1024, 128>}, {transform_indices = @transform_2, window_bounds = array<i64: 1024>}, {pipeline_mode = #tpu.pipeline_mode<synchronous>, transform_indices = @transform_3, window_bounds = array<i64: 1, 256>}, {transform_indices = @transform_4, window_bounds = array<i64: 1024, 256>}]} {
    %get3A = arith.constant 0 : index
    %get3A_0 = vector.load %arg3[%get3A] : memref<1024xf32, #tpu.memory_space<vmem>>, vector<1024xf32>
    %add3A = arith.constant 1.000000e+00 : f32
    %add3A_1 = vector.broadcast %add3A : f32 to vector<1024xf32>
    %add3A_2 = arith.addf %get3A_0, %add3A_1 : vector<1024xf32>
    %rsqrt3A = math.rsqrt %add3A_2 : vector<1024xf32>
    %reshape3A = vector.shape_cast %rsqrt3A : vector<1024xf32> to vector<1024x1xf32>
    %get3A_3 = arith.constant 0 : index
    %get3A_4 = arith.constant 0 : index
    %get3A_5 = arith.constant 0 : index
    %get3A_6 = vector.load %arg1[%get3A_3, %get3A_4, %get3A_5] : memref<2x1024x128xf32, #tpu.memory_space<vmem>>, vector<1x1024x128xf32>
    %get3A_7 = vector.shape_cast %get3A_6 : vector<1x1024x128xf32> to vector<1024x128xf32>
    %get3A_8 = arith.constant 0 : index
    %get3A_9 = arith.constant 0 : index
    %get3A_10 = arith.constant 0 : index
    %get3A_11 = vector.load %arg2[%get3A_8, %get3A_9, %get3A_10] : memref<2x1024x128xf32, #tpu.memory_space<vmem>>, vector<1x1024x128xf32>
    %get3A_12 = vector.shape_cast %get3A_11 : vector<1x1024x128xf32> to vector<1024x128xf32>
    %add3A_13 = arith.addf %get3A_7, %get3A_12 : vector<1024x128xf32>
    %mul3A = vector.broadcast %reshape3A : vector<1024x1xf32> to vector<1024x128xf32>
    %mul3A_14 = arith.mulf %mul3A, %add3A_13 : vector<1024x128xf32>
    %get3A_15 = arith.constant 0 : index
    %get3A_16 = arith.constant 0 : index
    %get3A_17 = vector.load %arg4[%get3A_15, %get3A_16] : memref<1x256xf32, #tpu.memory_space<vmem>>, vector<1x256xf32>
    %slice3A = vector.extract_strided_slice %get3A_17 {offsets = [0, 0], sizes = [1, 128], strides = [1, 1]} : vector<1x256xf32> to vector<1x128xf32>
    %add3A_18 = vector.broadcast %slice3A : vector<1x128xf32> to vector<1024x128xf32>
    %add3A_19 = arith.addf %mul3A_14, %add3A_18 : vector<1024x128xf32>
    %get3A_20 = arith.constant 1 : index
    %get3A_21 = arith.constant 0 : index
    %get3A_22 = arith.constant 0 : index
    %get3A_23 = vector.load %arg1[%get3A_20, %get3A_21, %get3A_22] : memref<2x1024x128xf32, #tpu.memory_space<vmem>>, vector<1x1024x128xf32>
    %get3A_24 = vector.shape_cast %get3A_23 : vector<1x1024x128xf32> to vector<1024x128xf32>
    %get3A_25 = arith.constant 1 : index
    %get3A_26 = arith.constant 0 : index
    %get3A_27 = arith.constant 0 : index
    %get3A_28 = vector.load %arg2[%get3A_25, %get3A_26, %get3A_27] : memref<2x1024x128xf32, #tpu.memory_space<vmem>>, vector<1x1024x128xf32>
    %get3A_29 = vector.shape_cast %get3A_28 : vector<1x1024x128xf32> to vector<1024x128xf32>
    %add3A_30 = arith.addf %get3A_24, %get3A_29 : vector<1024x128xf32>
    %mul3A_31 = vector.broadcast %reshape3A : vector<1024x1xf32> to vector<1024x128xf32>
    %mul3A_32 = arith.mulf %mul3A_31, %add3A_30 : vector<1024x128xf32>
    %get3A_33 = arith.constant 0 : index
    %get3A_34 = arith.constant 0 : index
    %get3A_35 = vector.load %arg4[%get3A_33, %get3A_34] : memref<1x256xf32, #tpu.memory_space<vmem>>, vector<1x256xf32>
    %slice3A_36 = vector.extract_strided_slice %get3A_35 {offsets = [0, 128], sizes = [1, 128], strides = [1, 1]} : vector<1x256xf32> to vector<1x128xf32>
    %add3A_37 = vector.broadcast %slice3A_36 : vector<1x128xf32> to vector<1024x128xf32>
    %add3A_38 = arith.addf %mul3A_32, %add3A_37 : vector<1024x128xf32>
    %concatenate3A = tpu.concatenate %add3A_19, %add3A_38 in 1 : vector<1024x128xf32>, vector<1024x128xf32> -> vector<1024x256xf32>
    %swap3A = arith.constant 0 : index
    %swap3A_39 = arith.constant 0 : index
    %swap3A_40 = vector.load %arg5[%swap3A, %swap3A_39] : memref<1024x256xf32, #tpu.memory_space<vmem>>, vector<1024x256xf32>
    tpu.vector_store %arg5[%swap3A, %swap3A_39], %concatenate3A {strides = array<i32>} : memref<1024x256xf32, #tpu.memory_space<vmem>>, vector<1024x256xf32>,
    return
  }
  func.func @transform_0(%arg0: i32) -> (i32, i32, i32) {
    %c0_i32 = arith.constant 0 : i32
    %c0_i32_0 = arith.constant 0 : i32
    %c0_i32_1 = arith.constant 0 : i32
    return %c0_i32, %arg0, %c0_i32_0 : i32, i32, i32
  }
  func.func @transform_1(%arg0: i32) -> (i32, i32, i32) {
    %c0_i32 = arith.constant 0 : i32
    %c0_i32_0 = arith.constant 0 : i32
    %c0_i32_1 = arith.constant 0 : i32
    return %c0_i32, %arg0, %c0_i32_0 : i32, i32, i32
  }
  func.func @transform_2(%arg0: i32) -> i32 {
    %c0_i32 = arith.constant 0 : i32
    return %arg0 : i32
  }
  func.func @transform_3(%arg0: i32) -> (i32, i32) {
    %c0_i32 = arith.constant 0 : i32
    %c0_i32_0 = arith.constant 0 : i32
    %c0_i32_1 = arith.constant 0 : i32
    return %c0_i32, %c0_i32_0 : i32, i32
  }
  func.func @transform_4(%arg0: i32) -> (i32, i32) {
    %c0_i32 = arith.constant 0 : i32
    %c0_i32_0 = arith.constant 0 : i32
    return %arg0, %c0_i32 : i32, i32
  }
}

</mosaic_0001>

<sc_bundles>
// kernel: kernel.10.cloned.1.call-start
scs
__scs_entry_jumppad:
0x0: {  	(pc) =	sbr.rel $0x88, $3  }
0x1: {  	(tag) =	ssettag $0x0;
	lr =	simm.s32 $0x1  }
0x2: {  	[smem:$0x3F99] =	sst lr;
	_ =	strace $0xD0000000  }
0x3: {  	_ = 	snop  }
0x4: {  	_ = 	snop  }
0x5: {  	_ = 	snop  }
0x6: {  	_ = 	snop  }
0x7: {  	_ = 	snop  }
__scs_overlays_trampoline_lowered:
0x8: {  	[smem:$0x3FA8] =	sst s0  }
0x9: {  	[smem:$0x3FA9] =	sst s1  }
0xa: {  	[smem:$0x3FAA] =	sst s2  }
0xb: {  	[smem:$0x3FAB] =	sst s3  }
0xc: {  	[smem:$0x3FAC] =	sst s4  }
0xd: {  	[smem:$0x3FAD] =	sst s5  }
0xe: {  	[smem:$0x3FAE] =	sst s6  }
0xf: {  	[smem:$0x3FAF] =	sst s7  }
0x10: {  	[smem:$0x3FB0] =	sst s8  }
0x11: {  	[smem:$0x3FB1] =	sst s9;
	s0 =	simm.s32 @!p0 $0x0  }
0x12: {  	s1 =	sld [smem:$0x3F97];
	s0 =	simm.s32 @p0 $0x1  }
0x13: {  	[smem:$0x3FB2] =	sst s0;
	s0 =	simm.s32 @!p1 $0x0  }
0x14: {  	s2 =	sld [smem:$0x3F96];
	s0 =	simm.s32 @p1 $0x1  }
0x15: {  	[smem:$0x3FB3] =	sst s0;
	s0 =	simm.s32 @!p2 $0x0  }
0x16: {  	s3 =	sld [smem:$0x3FDB];
	s0 =	simm.s32 @p2 $0x1  }
0x17: {  	s4 =	simm.s32 $0x1BF5;
	[smem:$0x3FB5] =	sst s0  }
0x18: {  	s0 =	sld [smem:$0x3F98];
	_ =	swait.ge [sflag:s4], $0x0  }
0x19: {  	s7 =	sld [smem:$0x3F99]  }
0x1a: {  	s8 =	sadd.s32 $0xFFFFE003, lr  }
0x1b: {  	s9 =	sadd.s32 $0xFFFFFEF7, lr;
	s5 =	simm.s32 $0xFFFFFFFF;
	p2 =	slt.u32 s8, $0xFFFFF086  }
0x1c: {  	p1 =	slt.u32 s9, $0xF7A;
	s5 =	simm.s32 @!p2 $0x0  }
0x1d: {  	s5 =	simm.s32 @p1 $0x1;
	p0 =	seq.s32 s7, s2  }
0x1e: {  	s7 =	smul.u32 @!p0 $0xF7A, s2;
	p2 =	seq.s32 @!p0 s5, $0x0  }
0x1f: {  	s9 =	smul.u32 $0xF7A, s1;
	s8 =	simm.s32 @!p0 $0x1BF5;
	p2 =	por !p2, p0  }
0x20: {  	[sflag:s8] =	ssyncset.s32 @!p0 $0xFFFFF086;
	s6 =	sadd.s32 @!p0 s3, s7;
	s7 =	simm.s32 @!p0 $0x108  }
0x21: {  	s3 =	sadd.s32 s3, s9;
	s6 =	sadd.s32 @!p0 $0x88, s6;
	s7 =	simm.s32 @p2 $0x1082  }
0x22: {  	[simem:s7], [sflag:s8] =	dma.local @!p0 [hbm:s6], $0xF7A  }
0x23: {  	s9 =	sor.u32 $0xD0000000, s2;
	s6 =	simm.s32 $0x108;
	_ =	swait.ge @!p0 [sflag:s8], $0x0  }
0x24: {  	s3 =	sadd.s32 $0x88, s3;
	s6 =	simm.s32 @!p1 $0x1082;
	[sflag:s4] =	ssyncset.s32 $0xFFFFF086  }
0x25: {  	[simem:s6], [sflag:s4] =	dma.local [hbm:s3], $0xF7A  }
0x26: {  	[smem:$0x3F99] =	sst s1;
	(tag) =	ssettag s2;
	_ =	strace s9  }
0x27: {  	s1 =	sld [smem:$0x3FA9]  }
0x28: {  	s2 =	sld [smem:$0x3FAA]  }
0x29: {  	s4 =	sld [smem:$0x3FAC]  }
0x2a: {  	p0 =	seq.s32 s5, $0x0;
	s5 =	sld [smem:$0x3FAD]  }
0x2b: {  	s6 =	sld [smem:$0x3FAE]  }
0x2c: {  	s7 =	sld [smem:$0x3FAF]  }
0x2d: {  	s3 =	simm.s32 $0x108;
	s8 =	sld [smem:$0x3FB0]  }
0x2e: {  	s3 =	simm.s32 @!p0 $0x1082;
	s9 =	sld [smem:$0x3FB1]  }
0x2f: {  	lr =	sadd.s32 s0, s3;
	s0 =	sld [smem:$0x3FA8]  }
0x30: {  	s3 =	sld [smem:$0x3FAB]  }
0x31: {  	[smem:$0x3FB4] =	sst s10  }
0x32: {  	s10 =	sld [smem:$0x3FB2];
	_ =	sdelay $0x3  }
0x33: {  	p0 =	seq.s32 s10, $0x1;
	s10 =	sld [smem:$0x3FB4];
	_ =	sdelay $0x3  }
0x34: {  	[smem:$0x3FB4] =	sst s10  }
0x35: {  	s10 =	sld [smem:$0x3FB3];
	_ =	sdelay $0x3  }
0x36: {  	p1 =	seq.s32 s10, $0x1;
	s10 =	sld [smem:$0x3FB4];
	_ =	sdelay $0x3  }
0x37: {  	[smem:$0x3FB4] =	sst s10  }
0x38: {  	s10 =	sld [smem:$0x3FB5]  }
0x39: {  	_ = 	snop;
	(pc) =	sbr.ind lr, $3  }
0x3a: {  	_ = 	snop  }
0x3b: {  	_ = 	snop  }
0x3c: {  	p2 =	seq.s32 s10, $0x1;
	s10 =	sld [smem:$0x3FB4]  }
0x3d: {  	_ =	shalt  }
0x3e: {  	_ =	shalt  }
0x3f: {  	_ =	shalt  }
0x40: {  	_ =	shalt  }
0x41: {  	_ =	shalt  }
0x42: {  	_ =	shalt  }
0x43: {  	_ =	shalt  }
0x44: {  	_ =	shalt  }
0x45: {  	_ =	shalt  }
0x46: {  	_ =	shalt  }
0x47: {  	_ =	shalt  }
0x48: {  	_ =	shalt  }
0x49: {  	_ =	shalt  }
0x4a: {  	_ =	shalt  }
0x4b: {  	_ =	shalt  }
0x4c: {  	_ =	shalt  }
0x4d: {  	_ =	shalt  }
0x4e: {  	_ =	shalt  }
0x4f: {  	_ =	shalt  }
0x50: {  	_ =	shalt  }
0x51: {  	_ =	shalt  }
0x52: {  	_ =	shalt  }
0x53: {  	_ =	shalt  }
0x54: {  	_ =	shalt  }
0x55: {  	_ =	shalt  }
0x56: {  	_ =	shalt  }
0x57: {  	_ =	shalt  }
0x58: {  	_ =	shalt  }
0x59: {  	_ =	shalt  }
0x5a: {  	_ =	shalt  }
0x5b: {  	_ =	shalt  }
0x5c: {  	_ =	shalt  }
0x5d: {  	_ =	shalt  }
0x5e: {  	_ =	shalt  }
0x5f: {  	_ =	shalt  }
0x60: {  	_ =	shalt  }
0x61: {  	_ =	shalt  }
0x62: {  	_ =	shalt  }
0x63: {  	_ =	shalt  }
0x64: {  	_ =	shalt  }
0x65: {  	_ =	shalt  }
0x66: {  	_ =	shalt  }
0x67: {  	_ =	shalt  }
0x68: {  	_ =	shalt  }
0x69: {  	_ =	shalt  }
0x6a: {  	_ =	shalt  }
0x6b: {  	_ =	shalt  }
0x6c: {  	_ =	shalt  }
0x6d: {  	_ =	shalt  }
0x6e: {  	_ =	shalt  }
0x6f: {  	_ =	shalt  }
0x70: {  	_ =	shalt  }
0x71: {  	_ =	shalt  }
0x72: {  	_ =	shalt  }
0x73: {  	_ =	shalt  }
0x74: {  	_ =	shalt  }
0x75: {  	_ =	shalt  }
0x76: {  	_ =	shalt  }
0x77: {  	_ =	shalt  }
0x78: {  	_ =	shalt  }
0x79: {  	_ =	shalt  }
0x7a: {  	_ =	shalt  }
0x7b: {  	_ =	shalt  }
0x7c: {  	_ =	shalt  }
0x7d: {  	_ =	shalt  }
0x7e: {  	_ =	shalt  }
0x7f: {  	_ =	shalt  }
0x80: {  	_ =	shalt  }
0x81: {  	_ =	shalt  }
0x82: {  	_ =	shalt  }
0x83: {  	_ =	shalt  }
0x84: {  	_ =	shalt  }
0x85: {  	_ =	shalt  }
0x86: {  	_ =	shalt  }
0x87: {  	_ =	shalt  }
.Lfunc_end0:
.L_simem_size_0:
called_computation_lowered:
.L_overlay_start_0:
0x88: {  	s2 =	sld [smem:$0x3FD9]  }
0x89: {  	s3 =	sld [smem:$0x3FFE];
	_ =	sdelay $0x1  }
0x8a: {  	s1 =	srdreg.scid  }
0x8b: {  	s0 =	sand.u32 $0x1, s1  }
0x8c: {  	s17 =	sshll.u32 s0, $0xA;
	s2 =	sadd.s32 s3, s2  }
0x8d: {  	s2 =	sadd.s32 s2, s17  }
0x8e: {  	[smem:$0x3FC0] =	sst s2  }
0x8f: {  	_ = 	snop  }
0x90: {  	s2 =	sld [smem:$0x3FD0];
	(tm) =	ssettm $0x1  }
0x91: {  	s18 =	sld [smem:$0x3FFB];
	_ =	sdelay $0x3  }
0x92: {  	_ =	strace s18  }
0x93: {  	s3 =	sld [smem:$0x3FFC];
	_ =	sdelay $0x3  }
0x94: {  	_ =	strace s3  }
0x95: {  	s3 =	sld [smem:$0x3FFD];
	_ =	sdelay $0x3  }
0x96: {  	_ =	strace s3  }
0x97: {  	_ =	strace $0x8FFFFFFF  }
0x98: {  	s19 =	sld [smem:$0x3FDB];
	_ =	sdelay $0x1  }
0x99: {  	s4 =	simm.s32 $_scs_section_size  }
0x9a: {  	s5 =	simm.s32 $_size__tile_overlayer_lowered;
	s6 =	simm.s32 $_tile_overlayer_lowered  }
0x9b: {  	s22 =	simm.s32 $0x1BFF;
	s21 =	sshll.u32 s6, $0x1;
	s3 =	sadd.s32 s4, s19  }
0x9c: {  	s7 =	simm.s32 $0x0;
	s20 =	sshll.u32 s5, $0x1;
	s5 =	sadd.s32 s21, s3  }
0x9d: {  	[timem:s7], [sflag:s22] =	dma.local [hbm:s5], s20  }
0x9e: {  	_ =	swait.ge [sflag:s22], s20  }
0x9f: {  	s4 =	ssub.s32 $0x0, s20;
	[sflag:s22] =	ssyncset.done $0x0  }
0xa0: {  	[sflag:s22] =	ssyncadd.s32 s4;
	_ =	sdelay $0x1  }
0xa1: {  	s23 =	simm.s32 $0x1B8B  }
0xa2: {  	_ =	swait.ge [sflag:s23], $0x1  }
0xa3: {  	[sflag:s23] =	ssyncset.done $0x0  }
0xa4: {  	s25 =	simm.s32 $0x1B8E;
	s24 =	sld [smem:$0x3FFE];
	[sflag:s23] =	ssyncadd.s32 $0xFFFFFFFF  }
0xa5: {  	s26 =	simm.s32 $execute0_lowered;
	[smem:$0x3FD2] =	sst s25  }
0xa6: {  	s5 =	sshll.u32 s26, $0x1;
	_ =	strace $0x80000046;
	[dreg:$0x1] =	wrdreg $0xFFFFFFFF  }
0xa7: {  	s28 =	simm.s32 $_size_execute0_lowered;
	s3 =	sadd.s32 s3, s5;
	[dreg:$0x0] =	wrdreg $0x0  }
0xa8: {  	s5 =	sshll.u32 s28, $0x1;
	[dreg:$0x2] =	wrdreg s3  }
0xa9: {  	[dreg:$0x3] =	wrdreg s5  }
0xaa: {  	[dreg:$0x4] =	wrdreg $0xC0  }
0xab: {  	_ =	task [dreg:s7], $0x5FFFF  }
0xac: {  	[dreg:$0x1] =	wrdreg $0xFFFFFFFF  }
0xad: {  	[dreg:$0x0] =	wrdreg $0x60  }
0xae: {  	[dreg:$0x2] =	wrdreg s24  }
0xaf: {  	[dreg:$0x3] =	wrdreg s2  }
0xb0: {  	[dreg:$0x4] =	wrdreg $0x6000  }
0xb1: {  	[dreg:$0x5] =	wrdreg $0x9  }
0xb2: {  	_ =	task.clear_ibuf [dreg:s7], $0x6FFFF;
	_ =	strace $0x90000046  }
0xb3: {  	s29 =	simm.s32 $0x9;
	_ =	strace $0x80000048  }
0xb4: {  	_ =	swait.ge [sflag:s29], $0x1  }
0xb5: {  	[sflag:s29] =	ssyncadd.s32 $0xFFFFFFFF  }
0xb6: {  	_ =	strace $0x90000048  }
0xb7: {  	_ =	sfence  }
0xb8: {  	s30 =	sld [smem:$0x0];
	_ =	sdelay $0x2  }
0xb9: {  	s31 =	sshll.u32 s1, $0xD;
	s1 =	sshrl.u32 s1, $0x2  }
0xba: {  	s3 =	sand.u32 $0x4000, s31;
	s1 =	sadd.s32 s1, s30  }
0xbb: {  	s0 =	sor.u32 s3, s0;
	s1 =	sshll.u32 s1, $0x11  }
0xbc: {  	s0 =	sor.u32 s1, s0  }
0xbd: {  	s0 =	sadd.s32 $0x8F2B, s0  }
0xbe: {  	[sflag:s0] =	ssyncadd.remote.s32 $0x1  }
0xbf: {  	_ =	sfence.sel $0xFFFF  }
0xc0: {  	[dreg:$0x0] =	wrdreg $0xFFFFFFFF;
	(pc) =	sbr.abs _section_cstart, $3  }
0xc1: {  	[dreg:$0x1] =	wrdreg $0xFFFFFFFF  }
0xc2: {  	_ =	task.clear_ibuf [dreg:s7], $0x2FFFF;
	_ =	strace $0x9FFFFFFF  }
0xc3: {  	(tm) =	ssettm $0x7FFFFFFF  }
tec
execute0_lowered:
.L_overlay_start_1:
0x0: {  	(tag) =	ssettag $0x1  }
0x1: {  	s4 =	rddreg [dreg:$0x0]  }
0x2: {  	s9 =	rddreg [dreg:$0x1]  }
0x3: {  	s1 =	rddreg [dreg:$0x2]  }
0x4: {  	s0 =	rddreg [dreg:$0x3];
	s3 =	simm.s32 $0x0;
	s5 =	srdreg.scid  }
0x5: {  	s2 =	stileid.u32;
	[smem:$0x7FF] =	sst s3;
	s5 =	sand.u32 $0x1, s5  }
0x6: {  	s6 =	sshll.u32 s2, $0x4;
	s8 =	smul.u32 $0x140, s2;
	s10 =	ssub.s32 $0x4E1, s2  }
0x7: {  	p0 =	seq.s32 s2, $0xF;
	_ =	strace $0x80000047;
	s7 =	smul.u32 $0x1388, s5  }
0x8: {  	s5 =	ssub.s32 $0x2, s5;
	s6 =	sadd.s32 s6, s4;
	s4 =	sshrl.u32 s10, $0x4  }
0x9: {  	s13 =	simm.s32 @!p0 $0x0;
	s11 =	sshrl.u32 s5, $0x1;
	s29 =	sadd.s32 $0x2, s4  }
0xa: {  	s30 =	sadd.s32 $0x1, s4;
	s6 =	sadd.s32 $0x7600, s6;
	s13 =	simm.s32 @p0 $0x1  }
0xb: {  	s28 =	ssub.s32 s5, s11;
	s8 =	sadd.s32 s8, s7;
	[dreg:$0x4] =	wrdreg s29  }
0xc: {  	[dreg:$0x5] =	wrdreg s30;
	s31 =	sadd.s32 $0x12C0, s7;
	s11 =	simm.s32 $0x480  }
0xd: {  	[smem:$0x7FD] =	sst s13;
	s5 =	sadd.s32 s8, s1;
	s8 =	sshrl.u32 s8, $0x3  }
0xe: {  	s12 =	sshrl.u32 s31, $0x3;
	s10 =	smax.u32 s28, $0x1;
	s7 =	sadd.s32 s9, s8  }
0xf: {  	v0 =	vimm.f32 $0.0e+00;
	v1 =	vimm.f32 $1.000000000e+00;
	s8 =	sadd.s32 s31, s1;
	s9 =	sadd.s32 s9, s12;
	s12 =	simm.s32 $0x11  }
.LBB2_1:
0x10: {  	[tilespmem:$0x480] =	vst v0  }
0x11: {  	[tilespmem:$0x490] =	vst v0  }
0x12: {  	[tilespmem:$0x4A0] =	vst v0  }
0x13: {  	[tilespmem:$0x4B0] =	vst v0  }
0x14: {  	[tilespmem:$0x4C0] =	vst v0  }
0x15: {  	[tilespmem:$0x4D0] =	vst v0  }
0x16: {  	[tilespmem:$0x4E0] =	vst v0  }
0x17: {  	[tilespmem:$0x4F0] =	vst v0  }
0x18: {  	[tilespmem:$0x500] =	vst v0  }
0x19: {  	[tilespmem:$0x510] =	vst v0  }
0x1a: {  	[tilespmem:$0x520] =	vst v0  }
0x1b: {  	[tilespmem:$0x530] =	vst v0  }
0x1c: {  	[tilespmem:$0x540] =	vst v0  }
0x1d: {  	[tilespmem:$0x550] =	vst v0  }
0x1e: {  	[tilespmem:$0x560] =	vst v0  }
0x1f: {  	[tilespmem:$0x570] =	vst v0  }
0x20: {  	[tilespmem:$0x580] =	vst v0  }
0x21: {  	[tilespmem:$0x590] =	vst v0  }
0x22: {  	[tilespmem:$0x5A0] =	vst v0  }
0x23: {  	[tilespmem:$0x5B0] =	vst v0  }
0x24: {  	[tilespmem:$0x400] =	vst v1  }
0x25: {  	[tilespmem:$0x410] =	vst v1  }
0x26: {  	[tilespmem:$0x420] =	vst v1  }
0x27: {  	[tilespmem:$0x430] =	vst v1  }
0x28: {  	[tilespmem:$0x440] =	vst v1  }
0x29: {  	[tilespmem:$0x450] =	vst v1  }
0x2a: {  	[tilespmem:$0x460] =	vst v1  }
0x2b: {  	[tilespmem:$0x470] =	vst v1  }
0x2c: {  	[spmem:s5] =	stream.linear.scatter [tilespmem:s11], [sflag:$0x11], $0x140, $0x38;
	[tilespmem:$0x880] =	vst v63  }
0x2d: {  	_ =	swait.ge [sflag:s12], $0x140  }
0x2e: {  	[sflag:s12] =	ssyncset.done $0x0  }
0x2f: {  	p1 =	por $0x1, $0x1;
	[sflag:s12] =	ssyncadd.s32 $0xFFFFFEC0  }
0x30: {  	s14 =	simm.s32 @!p1 $0x9;
	[bflag:$0x0] =	sbarrier.arrive $0xFFFF  }
0x31: {  	_ =	swait.ge @!p1 [sflag:s14], $0x80  }
0x32: {  	p2 =	slt.u32 s4, $0x0;
	[sflag:s14] =	ssyncset.done @!p1 $0x0  }
0x33: {  	s13 =	simm.s32 @!p2 $0x0;
	s15 =	simm.s32 @!p1 $0x5;
	[sflag:s14] =	ssyncadd.s32 @!p1 $0xFFFFFF80  }
0x34: {  	[tilespmem:s13], [sflag:$0x1] =	stream.linear.gather @!p2 [hbm4b:s6+s13], $0x80, $0x38;
	[tilespmem:$0x880] =	vst v63  }
0x35: {  	p5 =	sle.u32 s4, $0x0;
	_ =	swait.ge @!p1 [sflag:s15], $0x80  }
0x36: {  	s16 =	simm.s32 @!p1 $0xA;
	s18 =	simm.s32 @!p1 $0x80;
	[sflag:s15] =	ssyncset.done @!p1 $0x0  }
0x37: {  	s17 =	simm.s32 @!p1 $0x200;
	s14 =	simm.s32 @!p1 $0x400;
	[sflag:s15] =	ssyncadd.s32 @!p1 $0xFFFFFF80  }
0x38: {  	[spmem:s1] =	stream.indirect.scatter.add.f32 @!p1 [tilespmem:s14], [sflag:$0xD], $0x1, s17, s18, $0xb8;
	[tilespmem:$0x880] =	vst v63  }
0x39: {  	s19 =	simm.s32 @!p5 $0x0;
	_ =	swait.ge @!p1 [sflag:s16], $0x80  }
0x3a: {  	s20 =	sadd.s32 @!p5 $0x100, s6;
	s15 =	simm.s32 @!p1 $0x2;
	[sflag:s16] =	ssyncset.done @!p1 $0x0  }
0x3b: {  	s17 =	simm.s32 @!p5 $0x80;
	[sflag:s16] =	ssyncadd.s32 @!p1 $0xFFFFFF80;
	s16 =	simm.s32 @!p1 $0x6  }
0x3c: {  	[tilespmem:s17], [sflag:$0x2] =	stream.linear.gather @!p5 [hbm4b:s20+s19], $0x80, $0x38;
	[tilespmem:$0x880] =	vst v63  }
0x3d: {  	s15 =	simm.s32 @p1 $0x2;
	_ =	swait.ge @!p1 [sflag:s16], $0x80  }
0x3e: {  	p3 =	por $0x0, $0x0;
	p0 =	sgt.u32 s15, s4;
	[sflag:s16] =	ssyncset.done @!p1 $0x0  }
0x3f: {  	s19 =	simm.s32 @!p1 $0x280;
	[sflag:s16] =	ssyncadd.s32 @!p1 $0xFFFFFF80;
	s16 =	simm.s32 @!p1 $0xB  }
0x40: {  	[spmem:s1] =	stream.indirect.scatter.add.f32 @!p1 [tilespmem:s14], [sflag:$0xE], $0x1, s19, s18, $0xb8;
	[tilespmem:$0x880] =	vst v63  }
0x41: {  	s14 =	sshll.u32 @!p0 s15, $0x8;
	s19 =	simm.s32 @!p0 $0x100;
	_ =	swait.ge @!p1 [sflag:s16], $0x80  }
0x42: {  	s14 =	sadd.s32 @!p0 s14, s6;
	[sflag:s16] =	ssyncset.done @!p1 $0x0;
	s30 =	rddreg [dreg:$0x4]  }
0x43: {  	[sflag:s16] =	ssyncadd.s32 @!p1 $0xFFFFFF80;
	s16 =	simm.s32 @!p0 $0x0;
	p4 =	sge.u32 s30, $0x0  }
0x44: {  	[tilespmem:s19], [sflag:$0x3] =	stream.linear.gather @!p0 [hbm4b:s14+s16], $0x80, $0x38;
	[tilespmem:$0x880] =	vst v63  }
0x45: {  	s18 =	simm.s32 @!p0 $0x0;
	p4 =	por !p3, !p4  }
0x46: {  	s18 =	simm.s32 @p0 $0x1;
	p6 =	por !p4, !p4  }
0x47: {  	[smem:$0x7FC] =	sst s18;
	s14 =	simm.s32 @p6 $0x7  }
0x48: {  	_ =	swait.ge @p6 [sflag:s14], $0x80  }
0x49: {  	s15 =	simm.s32 @!p1 $0xC;
	s16 =	simm.s32 @p6 $0x400;
	[sflag:s14] =	ssyncset.done @p6 $0x0  }
0x4a: {  	s18 =	simm.s32 @p6 $0x300;
	[sflag:s14] =	ssyncadd.s32 @p6 $0xFFFFFF80;
	s14 =	simm.s32 @p6 $0x80  }
0x4b: {  	[spmem:s1] =	stream.indirect.scatter.add.f32 @p6 [tilespmem:s16], [sflag:$0xF], $0x1, s18, s14, $0xb8;
	[tilespmem:$0x880] =	vst v63  }
0x4c: {  	p4 =	slt.u32 s4, $0x3;
	_ =	swait.ge @!p1 [sflag:s15], $0x80  }
0x4d: {  	s20 =	simm.s32 @!p4 $0x180;
	s31 =	rddreg [dreg:$0x5]  }
0x4e: {  	s14 =	sadd.s32 @!p4 $0x300, s6;
	[sflag:s15] =	ssyncset.done @!p1 $0x0;
	p0 =	sge.u32 s31, $0x0  }
0x4f: {  	[sflag:s15] =	ssyncadd.s32 @!p1 $0xFFFFFF80;
	s15 =	simm.s32 @!p4 $0x0;
	p0 =	por !p3, !p0  }
0x50: {  	[tilespmem:s20], [sflag:$0x4] =	stream.linear.gather @!p4 [hbm4b:s14+s15], $0x80, $0x38;
	[tilespmem:$0x880] =	vst v63  }
0x51: {  	p0 =	por !p0, !p0  }
0x52: {  	s14 =	simm.s32 @p0 $0x8  }
0x53: {  	_ =	swait.ge @p0 [sflag:s14], $0x80  }
0x54: {  	s15 =	simm.s32 @!p1 $0xD;
	s16 =	simm.s32 @p0 $0x380;
	[sflag:s14] =	ssyncset.done @p0 $0x0  }
0x55: {  	s18 =	simm.s32 @p0 $0x400;
	[sflag:s14] =	ssyncadd.s32 @p0 $0xFFFFFF80;
	s14 =	simm.s32 @p0 $0x80  }
0x56: {  	[spmem:s1] =	stream.indirect.scatter.add.f32 @p0 [tilespmem:s18], [sflag:$0x10], $0x1, s16, s14, $0xb8;
	[tilespmem:$0x880] =	vst v63  }
0x57: {  	p3 =	slt.u32 s4, $0x4;
	_ =	swait.ge @!p1 [sflag:s15], $0x80  }
0x58: {  	s14 =	sadd.s32 @!p3 $0x400, s6;
	s16 =	simm.s32 @!p3 $0x0;
	[sflag:s15] =	ssyncset.done @!p1 $0x0  }
0x59: {  	s18 =	simm.s32 @!p3 $0x200;
	[sflag:s15] =	ssyncadd.s32 @!p1 $0xFFFFFF80;
	s15 =	simm.s32 @!p2 $0x1  }
0x5a: {  	[tilespmem:s18], [sflag:$0x5] =	stream.linear.gather @!p3 [hbm4b:s14+s16], $0x80, $0x38;
	[tilespmem:$0x880] =	vst v63  }
0x5b: {  	s22 =	simm.s32 @!p1 $0xE;
	_ =	swait.ge @!p2 [sflag:s15], $0x80  }
0x5c: {  	s23 =	simm.s32 @!p5 $0x2;
	s14 =	simm.s32 $0x8;
	[sflag:s15] =	ssyncset.done @!p2 $0x0  }
0x5d: {  	s16 =	simm.s32 @!p2 $0x400;
	[sflag:s15] =	ssyncadd.s32 @!p2 $0xFFFFFF80;
	s15 =	simm.s32 @!p2 $0x80  }
0x5e: {  	[spmem:s1] =	stream.indirect.scatter.add.f32 @!p2 [tilespmem:s16], [sflag:$0x9], $0x1, s13, s15, $0xb8;
	[tilespmem:$0x880] =	vst v63  }
0x5f: {  	s18 =	simm.s32 $0x10;
	p3 =	slt.u32 s4, $0x5;
	s13 =	sadd.s32 $0x800, s6  }
0x60: {  	s16 =	smov.u32 s6;
	s15 =	simm.s32 $0x0;
	_ =	swait.ge @!p1 [sflag:s22], $0x80  }
.LBB2_2:
0x61: {  	[sflag:s22] =	ssyncset.done @!p1 $0x0;
	s24 =	sadd.s32 @!p3 $0x500, s16  }
0x62: {  	s25 =	simm.s32 @!p3 $0x0;
	s21 =	smov.u32 s18;
	s18 =	sadd.s32 $0x8, s18  }
0x63: {  	[sflag:s22] =	ssyncadd.s32 @!p1 $0xFFFFFF80;
	s22 =	simm.s32 @!p3 $0x280;
	p1 =	sne.s32 s18, $0x58  }
0x64: {  	[tilespmem:s22], [sflag:$0x6] =	stream.linear.gather @!p3 [hbm4b:s24+s25], $0x80, $0x38;
	[tilespmem:$0x880] =	vst v63  }
0x65: {  	s22 =	simm.s32 @!p1 $0x0  }
0x66: {  	s22 =	simm.s32 @p1 $0x1  }
0x67: {  	[smem:$0x7FB] =	sst s22  }
0x68: {  	_ =	swait.ge @!p5 [sflag:s23], $0x80  }
0x69: {  	s30 =	sadd.s32 $0x6, s15;
	[sflag:s23] =	ssyncset.done @!p5 $0x0  }
0x6a: {  	s22 =	simm.s32 @!p5 $0x400;
	[sflag:s23] =	ssyncadd.s32 @!p5 $0xFFFFFF80;
	s23 =	simm.s32 @p6 $0xF  }
0x6b: {  	[spmem:s1] =	stream.indirect.scatter.add.f32 @!p5 [tilespmem:s22], [sflag:$0xA], $0x1, s17, s17, $0xb8;
	[tilespmem:$0x880] =	vst v63  }
0x6c: {  	p1 =	sgt.u32 s30, s4;
	_ =	swait.ge @p6 [sflag:s23], $0x80  }
0x6d: {  	s24 =	simm.s32 @!p1 $0x300;
	s31 =	sld [smem:$0x7FC];
	[sflag:s23] =	ssyncset.done @p6 $0x0  }
0x6e: {  	s17 =	sadd.s32 @!p1 $0x600, s16;
	[sflag:s23] =	ssyncadd.s32 @p6 $0xFFFFFF80;
	s23 =	simm.s32 @!p1 $0x0  }
0x6f: {  	[tilespmem:s24], [sflag:$0x7] =	stream.linear.gather @!p1 [hbm4b:s17+s23], $0x80, $0x38;
	[tilespmem:$0x880] =	vst v63  }
0x70: {  	p2 =	seq.s32 s31, $0x1  }
0x71: {  	s22 =	simm.s32 @!p2 $0x3  }
0x72: {  	s24 =	sadd.s32 $0x7, s15;
	_ =	swait.ge @!p2 [sflag:s22], $0x80  }
0x73: {  	s15 =	smov.u32 s14;
	s23 =	simm.s32 @p0 $0x10;
	[sflag:s22] =	ssyncset.done @!p2 $0x0  }
0x74: {  	s14 =	simm.s32 @!p2 $0x400;
	[sflag:s22] =	ssyncadd.s32 @!p2 $0xFFFFFF80;
	s22 =	simm.s32 @!p2 $0x80  }
0x75: {  	[spmem:s1] =	stream.indirect.scatter.add.f32 @!p2 [tilespmem:s14], [sflag:$0xB], $0x1, s19, s22, $0xb8;
	[tilespmem:$0x880] =	vst v63  }
0x76: {  	p2 =	sgt.u32 s24, s4;
	_ =	swait.ge @p0 [sflag:s23], $0x80  }
0x77: {  	s22 =	simm.s32 @!p4 $0x4;
	s14 =	sadd.s32 @!p2 $0x700, s16;
	[sflag:s23] =	ssyncset.done @p0 $0x0  }
0x78: {  	s16 =	simm.s32 @!p2 $0x380;
	s17 =	simm.s32 @!p2 $0x0;
	[sflag:s23] =	ssyncadd.s32 @p0 $0xFFFFFF80  }
0x79: {  	[tilespmem:s16], [sflag:$0x8] =	stream.linear.gather @!p2 [hbm4b:s14+s17], $0x80, $0x38;
	[tilespmem:$0x880] =	vst v63  }
0x7a: {  	p1 =	seq.s32 s15, $0x0;
	_ =	swait.ge @!p4 [sflag:s22], $0x80  }
0x7b: {  	s17 =	simm.s32 @!p1 $0x9;
	s14 =	smov.u32 s21;
	[sflag:s22] =	ssyncset.done @!p4 $0x0  }
0x7c: {  	s21 =	simm.s32 @!p4 $0x400;
	[sflag:s22] =	ssyncadd.s32 @!p4 $0xFFFFFF80;
	s22 =	simm.s32 @!p4 $0x80  }
0x7d: {  	[spmem:s1] =	stream.indirect.scatter.add.f32 @!p4 [tilespmem:s21], [sflag:$0xC], $0x1, s20, s22, $0xb8;
	[tilespmem:$0x880] =	vst v63  }
0x7e: {  	p3 =	sgt.u32 s15, s4;
	_ =	swait.ge @!p1 [sflag:s17], $0x80  }
0x7f: {  	s25 =	simm.s32 @!p1 $0x200;
	s19 =	sadd.s32 @!p1 $0x2, s15;
	[sflag:s17] =	ssyncset.done @!p1 $0x0  }
0x80: {  	s21 =	simm.s32 @!p3 $0x0;
	s20 =	simm.s32 @!p1 $0x5;
	[sflag:s17] =	ssyncadd.s32 @!p1 $0xFFFFFF80  }
0x81: {  	[tilespmem:s21], [sflag:$0x1] =	stream.linear.gather @!p3 [hbm4b:s13+s21], $0x80, $0x38;
	[tilespmem:$0x880] =	vst v63  }
0x82: {  	s24 =	simm.s32 @!p1 $0x80;
	s19 =	simm.s32 @p1 $0x2;
	_ =	swait.ge @!p1 [sflag:s20], $0x80  }
0x83: {  	s23 =	simm.s32 @!p1 $0xA;
	p0 =	sgt.u32 s19, s4;
	[sflag:s20] =	ssyncset.done @!p1 $0x0  }
0x84: {  	s19 =	sshll.u32 @!p0 s19, $0x8;
	s22 =	simm.s32 @!p1 $0x400;
	[sflag:s20] =	ssyncadd.s32 @!p1 $0xFFFFFF80  }
0x85: {  	[spmem:s1] =	stream.indirect.scatter.add.f32 @!p1 [tilespmem:s22], [sflag:$0xD], $0x1, s25, s24, $0xb8;
	[tilespmem:$0x880] =	vst v63  }
0x86: {  	p2 =	sge.u32 s15, s4;
	s26 =	sadd.s32 @!p0 s19, s6;
	_ =	swait.ge @!p1 [sflag:s23], $0x80  }
0x87: {  	s19 =	simm.s32 @!p1 $0x6;
	s17 =	simm.s32 @!p2 $0x80;
	[sflag:s23] =	ssyncset.done @!p1 $0x0  }
0x88: {  	s20 =	simm.s32 @!p2 $0x0;
	s25 =	sadd.s32 @!p2 $0x100, s13;
	[sflag:s23] =	ssyncadd.s32 @!p1 $0xFFFFFF80  }
0x89: {  	[tilespmem:s17], [sflag:$0x2] =	stream.linear.gather @!p2 [hbm4b:s25+s20], $0x80, $0x38;
	[tilespmem:$0x880] =	vst v63  }
0x8a: {  	_ =	swait.ge @!p1 [sflag:s19], $0x80  }
0x8b: {  	[sflag:s19] =	ssyncset.done @!p1 $0x0  }
0x8c: {  	s20 =	simm.s32 @!p1 $0x280;
	[sflag:s19] =	ssyncadd.s32 @!p1 $0xFFFFFF80;
	s19 =	simm.s32 @!p1 $0xB  }
0x8d: {  	[spmem:s1] =	stream.indirect.scatter.add.f32 @!p1 [tilespmem:s22], [sflag:$0xE], $0x1, s20, s24, $0xb8;
	[tilespmem:$0x880] =	vst v63  }
0x8e: {  	p5 =	sne.s32 s15, $0x0;
	_ =	swait.ge @!p1 [sflag:s19], $0x80  }
0x8f: {  	s22 =	simm.s32 @!p0 $0x0;
	[sflag:s19] =	ssyncset.done @!p1 $0x0;
	s25 =	rddreg [dreg:$0x4]  }
0x90: {  	[sflag:s19] =	ssyncadd.s32 @!p1 $0xFFFFFF80;
	s19 =	simm.s32 @!p0 $0x100;
	p6 =	sle.u32 s15, s25  }
0x91: {  	[tilespmem:s19], [sflag:$0x3] =	stream.linear.gather @!p0 [hbm4b:s26+s22], $0x80, $0x38;
	[tilespmem:$0x880] =	vst v63  }
0x92: {  	s23 =	simm.s32 @!p0 $0x0;
	p4 =	por !p5, !p6  }
0x93: {  	s23 =	simm.s32 @p0 $0x1;
	p6 =	por !p4, !p4  }
0x94: {  	[smem:$0x7FC] =	sst s23;
	s20 =	simm.s32 @p6 $0x7  }
0x95: {  	s23 =	simm.s32 @!p1 $0xC;
	s26 =	sadd.s32 $0x3, s15;
	_ =	swait.ge @p6 [sflag:s20], $0x80  }
0x96: {  	p4 =	sgt.u32 s26, s4;
	s24 =	simm.s32 @p6 $0x400;
	[sflag:s20] =	ssyncset.done @p6 $0x0  }
0x97: {  	s22 =	simm.s32 @p6 $0x300;
	[sflag:s20] =	ssyncadd.s32 @p6 $0xFFFFFF80;
	s20 =	simm.s32 @p6 $0x80  }
0x98: {  	[spmem:s1] =	stream.indirect.scatter.add.f32 @p6 [tilespmem:s24], [sflag:$0xF], $0x1, s22, s20, $0xb8;
	[tilespmem:$0x880] =	vst v63  }
0x99: {  	s22 =	sadd.s32 @!p4 $0x300, s13;
	_ =	swait.ge @!p1 [sflag:s23], $0x80  }
0x9a: {  	s20 =	simm.s32 @!p4 $0x180;
	[sflag:s23] =	ssyncset.done @!p1 $0x0;
	s28 =	rddreg [dreg:$0x5]  }
0x9b: {  	[sflag:s23] =	ssyncadd.s32 @!p1 $0xFFFFFF80;
	s23 =	simm.s32 @!p4 $0x0;
	p0 =	sle.u32 s15, s28  }
0x9c: {  	[tilespmem:s20], [sflag:$0x4] =	stream.linear.gather @!p4 [hbm4b:s22+s23], $0x80, $0x38;
	[tilespmem:$0x880] =	vst v63  }
0x9d: {  	p0 =	por !p5, !p0  }
0x9e: {  	p0 =	por !p0, !p0  }
0x9f: {  	s22 =	simm.s32 @p0 $0x8  }
0xa0: {  	s29 =	sadd.s32 $0x4, s15;
	_ =	swait.ge @p0 [sflag:s22], $0x80  }
0xa1: {  	s23 =	simm.s32 @!p1 $0xD;
	s25 =	simm.s32 @p0 $0x380;
	[sflag:s22] =	ssyncset.done @p0 $0x0  }
0xa2: {  	s26 =	simm.s32 @p0 $0x400;
	[sflag:s22] =	ssyncadd.s32 @p0 $0xFFFFFF80;
	s22 =	simm.s32 @p0 $0x80  }
0xa3: {  	[spmem:s1] =	stream.indirect.scatter.add.f32 @p0 [tilespmem:s26], [sflag:$0x10], $0x1, s25, s22, $0xb8;
	[tilespmem:$0x880] =	vst v63  }
0xa4: {  	p5 =	sgt.u32 s29, s4;
	_ =	swait.ge @!p1 [sflag:s23], $0x80  }
0xa5: {  	s24 =	simm.s32 @!p5 $0x0;
	s22 =	sadd.s32 @!p5 $0x400, s13;
	[sflag:s23] =	ssyncset.done @!p1 $0x0  }
0xa6: {  	s25 =	simm.s32 @!p5 $0x200;
	[sflag:s23] =	ssyncadd.s32 @!p1 $0xFFFFFF80;
	s23 =	simm.s32 @!p3 $0x1  }
0xa7: {  	[tilespmem:s25], [sflag:$0x5] =	stream.linear.gather @!p5 [hbm4b:s22+s24], $0x80, $0x38;
	[tilespmem:$0x880] =	vst v63  }
0xa8: {  	_ =	swait.ge @!p3 [sflag:s23], $0x80  }
0xa9: {  	s24 =	simm.s32 @!p3 $0x400;
	[sflag:s23] =	ssyncset.done @!p3 $0x0  }
0xaa: {  	s22 =	simm.s32 @!p1 $0xE;
	[sflag:s23] =	ssyncadd.s32 @!p3 $0xFFFFFF80;
	s23 =	simm.s32 @!p3 $0x80  }
0xab: {  	[spmem:s1] =	stream.indirect.scatter.add.f32 @!p3 [tilespmem:s24], [sflag:$0x9], $0x1, s21, s23, $0xb8;
	[tilespmem:$0x880] =	vst v63  }
0xac: {  	_ =	swait.ge @!p1 [sflag:s22], $0x80  }
0xad: {  	s31 =	sld [smem:$0x7FB];
	_ =	sdelay $0x2  }
0xae: {  	p5 =	por p2, p2;
	s23 =	simm.s32 @!p2 $0x2;
	p2 =	seq.s32 s31, $0x1  }
.Ltmp0:
0xaf: {  	_ = 	snop;
	(pc) =	sbr.rel @p2 .LBB2_2-.Ltmp0, $3  }
0xb0: {  	_ =	sdelay $0x1  }
0xb1: {  	s30 =	sadd.s32 $0x5, s15  }
0xb2: {  	s16 =	smov.u32 s13;
	s13 =	sadd.s32 $0x800, s13;
	p3 =	sgt.u32 s30, s4  }
0xb3: {  	[sflag:s22] =	ssyncset.done @!p1 $0x0;
	s18 =	sadd.s32 @!p3 $0x500, s16  }
0xb4: {  	s21 =	simm.s32 @!p3 $0x0;
	[sflag:s22] =	ssyncadd.s32 @!p1 $0xFFFFFF80;
	s22 =	simm.s32 @!p3 $0x280  }
0xb5: {  	[tilespmem:s22], [sflag:$0x6] =	stream.linear.gather @!p3 [hbm4b:s18+s21], $0x80, $0x38;
	[tilespmem:$0x880] =	vst v63  }
0xb6: {  	_ =	swait.ge @!p5 [sflag:s23], $0x80  }
0xb7: {  	s29 =	sadd.s32 $0x6, s15;
	[sflag:s23] =	ssyncset.done @!p5 $0x0  }
0xb8: {  	s18 =	simm.s32 @!p5 $0x400;
	s21 =	simm.s32 @p6 $0xF;
	[sflag:s23] =	ssyncadd.s32 @!p5 $0xFFFFFF80  }
0xb9: {  	[spmem:s1] =	stream.indirect.scatter.add.f32 @!p5 [tilespmem:s18], [sflag:$0xA], $0x1, s17, s17, $0xb8;
	[tilespmem:$0x880] =	vst v63  }
0xba: {  	p1 =	sgt.u32 s29, s4;
	_ =	swait.ge @p6 [sflag:s21], $0x80  }
0xbb: {  	s22 =	simm.s32 @!p1 $0x300;
	[sflag:s21] =	ssyncset.done @p6 $0x0;
	s30 =	sld [smem:$0x7FC]  }
0xbc: {  	s17 =	sadd.s32 @!p1 $0x600, s16;
	[sflag:s21] =	ssyncadd.s32 @p6 $0xFFFFFF80;
	s21 =	simm.s32 @!p1 $0x0  }
0xbd: {  	[tilespmem:s22], [sflag:$0x7] =	stream.linear.gather @!p1 [hbm4b:s17+s21], $0x80, $0x38;
	[tilespmem:$0x880] =	vst v63  }
0xbe: {  	p2 =	seq.s32 s30, $0x1  }
0xbf: {  	s18 =	simm.s32 @!p2 $0x3  }
0xc0: {  	_ =	swait.ge @!p2 [sflag:s18], $0x80  }
0xc1: {  	s31 =	sadd.s32 $0x7, s15;
	s21 =	simm.s32 @p0 $0x10;
	[sflag:s18] =	ssyncset.done @!p2 $0x0  }
0xc2: {  	s17 =	simm.s32 @!p2 $0x400;
	[sflag:s18] =	ssyncadd.s32 @!p2 $0xFFFFFF80;
	s18 =	simm.s32 @!p2 $0x80  }
0xc3: {  	[spmem:s1] =	stream.indirect.scatter.add.f32 @!p2 [tilespmem:s17], [sflag:$0xB], $0x1, s19, s18, $0xb8;
	[tilespmem:$0x880] =	vst v63  }
0xc4: {  	p1 =	sgt.u32 s31, s4;
	_ =	swait.ge @p0 [sflag:s21], $0x80  }
0xc5: {  	s15 =	sadd.s32 @!p1 $0x700, s16;
	s16 =	simm.s32 @!p1 $0x380;
	[sflag:s21] =	ssyncset.done @p0 $0x0  }
0xc6: {  	s17 =	simm.s32 @!p1 $0x0;
	s18 =	simm.s32 @!p4 $0x4;
	[sflag:s21] =	ssyncadd.s32 @p0 $0xFFFFFF80  }
0xc7: {  	[tilespmem:s16], [sflag:$0x8] =	stream.linear.gather @!p1 [hbm4b:s15+s17], $0x80, $0x38;
	[tilespmem:$0x880] =	vst v63  }
0xc8: {  	p0 =	seq.s32 s14, $0x0;
	_ =	swait.ge @!p4 [sflag:s18], $0x80  }
0xc9: {  	s15 =	simm.s32 @!p0 $0x9;
	s16 =	simm.s32 @!p4 $0x400;
	[sflag:s18] =	ssyncset.done @!p4 $0x0  }
0xca: {  	s17 =	simm.s32 @!p4 $0x80;
	p1 =	sgt.u32 s14, s4;
	[sflag:s18] =	ssyncadd.s32 @!p4 $0xFFFFFF80  }
0xcb: {  	[spmem:s1] =	stream.indirect.scatter.add.f32 @!p4 [tilespmem:s16], [sflag:$0xC], $0x1, s20, s17, $0xb8;
	[tilespmem:$0x880] =	vst v63  }
0xcc: {  	s16 =	simm.s32 @!p1 $0x0;
	_ =	swait.ge @!p0 [sflag:s15], $0x80  }
0xcd: {  	s17 =	simm.s32 @!p0 $0x5;
	s16 =	simm.s32 @p1 $0x1;
	[sflag:s15] =	ssyncset.done @!p0 $0x0  }
0xce: {  	[smem:$0x7FA] =	sst s16;
	s16 =	simm.s32 @!p1 $0x0;
	[sflag:s15] =	ssyncadd.s32 @!p0 $0xFFFFFF80  }
0xcf: {  	[tilespmem:s16], [sflag:$0x1] =	stream.linear.gather @!p1 [hbm4b:s13+s16], $0x80, $0x38;
	[tilespmem:$0x880] =	vst v63  }
0xd0: {  	p3 =	sge.u32 s14, s4;
	_ =	swait.ge @!p0 [sflag:s17], $0x80  }
0xd1: {  	s19 =	simm.s32 @!p0 $0xA;
	s18 =	simm.s32 @!p0 $0x400;
	[sflag:s17] =	ssyncset.done @!p0 $0x0  }
0xd2: {  	s20 =	simm.s32 @!p0 $0x80;
	s15 =	simm.s32 @!p0 $0x200;
	[sflag:s17] =	ssyncadd.s32 @!p0 $0xFFFFFF80  }
0xd3: {  	[spmem:s1] =	stream.indirect.scatter.add.f32 @!p0 [tilespmem:s18], [sflag:$0xD], $0x1, s15, s20, $0xb8;
	[tilespmem:$0x880] =	vst v63  }
0xd4: {  	s22 =	sadd.s32 @!p3 $0x100, s13;
	s21 =	simm.s32 @!p3 $0x0;
	_ =	swait.ge @!p0 [sflag:s19], $0x80  }
0xd5: {  	s17 =	sadd.s32 @!p0 $0x2, s14;
	s15 =	simm.s32 @!p3 $0x80;
	[sflag:s19] =	ssyncset.done @!p0 $0x0  }
0xd6: {  	s17 =	simm.s32 @p0 $0x2;
	[sflag:s19] =	ssyncadd.s32 @!p0 $0xFFFFFF80;
	s19 =	simm.s32 @!p0 $0x6  }
0xd7: {  	[tilespmem:s15], [sflag:$0x2] =	stream.linear.gather @!p3 [hbm4b:s22+s21], $0x80, $0x38;
	[tilespmem:$0x880] =	vst v63  }
0xd8: {  	p2 =	sgt.u32 s17, s4;
	_ =	swait.ge @!p0 [sflag:s19], $0x80  }
0xd9: {  	s17 =	sshll.u32 @!p2 s17, $0x8;
	[sflag:s19] =	ssyncset.done @!p0 $0x0  }
0xda: {  	s21 =	simm.s32 @!p0 $0x280;
	[sflag:s19] =	ssyncadd.s32 @!p0 $0xFFFFFF80;
	s19 =	simm.s32 @!p0 $0xB  }
0xdb: {  	[spmem:s1] =	stream.indirect.scatter.add.f32 @!p0 [tilespmem:s18], [sflag:$0xE], $0x1, s21, s20, $0xb8;
	[tilespmem:$0x880] =	vst v63  }
0xdc: {  	p1 =	sne.s32 s14, $0x0;
	s18 =	sadd.s32 @!p2 s17, s6;
	_ =	swait.ge @!p0 [sflag:s19], $0x80  }
0xdd: {  	s17 =	simm.s32 @!p2 $0x100;
	[sflag:s19] =	ssyncset.done @!p0 $0x0;
	s22 =	rddreg [dreg:$0x4]  }
0xde: {  	[sflag:s19] =	ssyncadd.s32 @!p0 $0xFFFFFF80;
	s19 =	simm.s32 @!p2 $0x0;
	p6 =	sle.u32 s14, s22  }
0xdf: {  	[tilespmem:s17], [sflag:$0x3] =	stream.linear.gather @!p2 [hbm4b:s18+s19], $0x80, $0x38;
	[tilespmem:$0x880] =	vst v63  }
0xe0: {  	p4 =	por !p1, !p6  }
0xe1: {  	p5 =	por !p4, !p4  }
0xe2: {  	s18 =	simm.s32 @p5 $0x7  }
0xe3: {  	s24 =	sadd.s32 $0x3, s14;
	_ =	swait.ge @p5 [sflag:s18], $0x80  }
0xe4: {  	s19 =	simm.s32 @!p0 $0xC;
	s20 =	simm.s32 @p5 $0x400;
	[sflag:s18] =	ssyncset.done @p5 $0x0  }
0xe5: {  	s21 =	simm.s32 @p5 $0x300;
	[sflag:s18] =	ssyncadd.s32 @p5 $0xFFFFFF80;
	s18 =	simm.s32 @p5 $0x80  }
0xe6: {  	[spmem:s1] =	stream.indirect.scatter.add.f32 @p5 [tilespmem:s20], [sflag:$0xF], $0x1, s21, s18, $0xb8;
	[tilespmem:$0x880] =	vst v63  }
0xe7: {  	p4 =	sgt.u32 s24, s4;
	_ =	swait.ge @!p0 [sflag:s19], $0x80  }
0xe8: {  	s20 =	sadd.s32 @!p4 $0x300, s13;
	s23 =	rddreg [dreg:$0x5]  }
0xe9: {  	s18 =	simm.s32 @!p4 $0x180;
	[sflag:s19] =	ssyncset.done @!p0 $0x0;
	p6 =	sle.u32 s14, s23  }
0xea: {  	[sflag:s19] =	ssyncadd.s32 @!p0 $0xFFFFFF80;
	s19 =	simm.s32 @!p4 $0x0;
	p6 =	por !p1, !p6  }
0xeb: {  	[tilespmem:s18], [sflag:$0x4] =	stream.linear.gather @!p4 [hbm4b:s20+s19], $0x80, $0x38;
	[tilespmem:$0x880] =	vst v63  }
0xec: {  	p6 =	por !p6, !p6  }
0xed: {  	s19 =	simm.s32 @p6 $0x8  }
0xee: {  	s25 =	sadd.s32 $0x4, s14;
	_ =	swait.ge @p6 [sflag:s19], $0x80  }
0xef: {  	s20 =	simm.s32 @!p0 $0xD;
	s22 =	simm.s32 @p6 $0x380;
	[sflag:s19] =	ssyncset.done @p6 $0x0  }
0xf0: {  	s23 =	simm.s32 @p6 $0x400;
	[sflag:s19] =	ssyncadd.s32 @p6 $0xFFFFFF80;
	s19 =	simm.s32 @p6 $0x80  }
0xf1: {  	[spmem:s1] =	stream.indirect.scatter.add.f32 @p6 [tilespmem:s23], [sflag:$0x10], $0x1, s22, s19, $0xb8;
	[tilespmem:$0x880] =	vst v63  }
0xf2: {  	p1 =	sgt.u32 s25, s4;
	_ =	swait.ge @!p0 [sflag:s20], $0x80  }
0xf3: {  	s21 =	simm.s32 @!p1 $0x0;
	[sflag:s20] =	ssyncset.done @!p0 $0x0;
	s26 =	sld [smem:$0x7FA]  }
0xf4: {  	s19 =	sadd.s32 @!p1 $0x400, s13;
	s22 =	simm.s32 @!p1 $0x200;
	[sflag:s20] =	ssyncadd.s32 @!p0 $0xFFFFFF80  }
0xf5: {  	[tilespmem:s22], [sflag:$0x5] =	stream.linear.gather @!p1 [hbm4b:s19+s21], $0x80, $0x38;
	[tilespmem:$0x880] =	vst v63  }
0xf6: {  	p1 =	seq.s32 s26, $0x1  }
0xf7: {  	s19 =	simm.s32 @!p1 $0x1  }
0xf8: {  	_ =	swait.ge @!p1 [sflag:s19], $0x80  }
0xf9: {  	[sflag:s19] =	ssyncset.done @!p1 $0x0  }
0xfa: {  	s20 =	simm.s32 @!p1 $0x400;
	[sflag:s19] =	ssyncadd.s32 @!p1 $0xFFFFFF80;
	s19 =	simm.s32 @!p1 $0x80  }
0xfb: {  	[spmem:s1] =	stream.indirect.scatter.add.f32 @!p1 [tilespmem:s20], [sflag:$0x9], $0x1, s16, s19, $0xb8;
	[tilespmem:$0x880] =	vst v63  }
0xfc: {  	s16 =	simm.s32 @!p0 $0xE  }
0xfd: {  	_ =	swait.ge @!p0 [sflag:s16], $0x80  }
0xfe: {  	s28 =	sadd.s32 $0x5, s14;
	[sflag:s16] =	ssyncset.done @!p0 $0x0  }
0xff: {  	[sflag:s16] =	ssyncadd.s32 @!p0 $0xFFFFFF80;
	p0 =	sgt.u32 s28, s4  }
0x100: {  	s16 =	sadd.s32 @!p0 $0x500, s13;
	s19 =	simm.s32 @!p0 $0x0;
	s20 =	simm.s32 @!p0 $0x280  }
0x101: {  	[tilespmem:s20], [sflag:$0x6] =	stream.linear.gather @!p0 [hbm4b:s16+s19], $0x80, $0x38;
	[tilespmem:$0x880] =	vst v63  }
0x102: {  	s16 =	simm.s32 @!p3 $0x2  }
0x103: {  	_ =	swait.ge @!p3 [sflag:s16], $0x80  }
0x104: {  	[sflag:s16] =	ssyncset.done @!p3 $0x0  }
0x105: {  	s19 =	simm.s32 @!p3 $0x400;
	[sflag:s16] =	ssyncadd.s32 @!p3 $0xFFFFFF80  }
0x106: {  	[spmem:s1] =	stream.indirect.scatter.add.f32 @!p3 [tilespmem:s19], [sflag:$0xA], $0x1, s15, s15, $0xb8;
	[tilespmem:$0x880] =	vst v63  }
0x107: {  	s29 =	sadd.s32 $0x6, s14;
	s15 =	simm.s32 @p5 $0xF  }
0x108: {  	p0 =	sgt.u32 s29, s4;
	_ =	swait.ge @p5 [sflag:s15], $0x80  }
0x109: {  	s16 =	simm.s32 @!p0 $0x0;
	[sflag:s15] =	ssyncset.done @p5 $0x0  }
0x10a: {  	s19 =	simm.s32 @!p0 $0x300;
	[sflag:s15] =	ssyncadd.s32 @p5 $0xFFFFFF80;
	s15 =	sadd.s32 @!p0 $0x600, s13  }
0x10b: {  	[tilespmem:s19], [sflag:$0x7] =	stream.linear.gather @!p0 [hbm4b:s15+s16], $0x80, $0x38;
	[tilespmem:$0x880] =	vst v63  }
0x10c: {  	s15 =	simm.s32 @!p2 $0x3  }
0x10d: {  	_ =	swait.ge @!p2 [sflag:s15], $0x80  }
0x10e: {  	[sflag:s15] =	ssyncset.done @!p2 $0x0  }
0x10f: {  	s16 =	simm.s32 @!p2 $0x400;
	[sflag:s15] =	ssyncadd.s32 @!p2 $0xFFFFFF80;
	s15 =	simm.s32 @!p2 $0x80  }
0x110: {  	[spmem:s1] =	stream.indirect.scatter.add.f32 @!p2 [tilespmem:s16], [sflag:$0xB], $0x1, s17, s15, $0xb8;
	[tilespmem:$0x880] =	vst v63  }
0x111: {  	s30 =	sadd.s32 $0x7, s14;
	s15 =	simm.s32 @p6 $0x10  }
0x112: {  	p0 =	sgt.u32 s30, s4;
	_ =	swait.ge @p6 [sflag:s15], $0x80  }
0x113: {  	s13 =	sadd.s32 @!p0 $0x700, s13;
	[sflag:s15] =	ssyncset.done @p6 $0x0  }
0x114: {  	s14 =	simm.s32 @!p0 $0x380;
	[sflag:s15] =	ssyncadd.s32 @p6 $0xFFFFFF80;
	s15 =	simm.s32 @!p0 $0x0  }
0x115: {  	[tilespmem:s14], [sflag:$0x8] =	stream.linear.gather @!p0 [hbm4b:s13+s15], $0x80, $0x38;
	[tilespmem:$0x880] =	vst v63  }
0x116: {  	s13 =	simm.s32 @!p4 $0x4  }
0x117: {  	_ =	swait.ge @!p4 [sflag:s13], $0x80  }
0x118: {  	[sflag:s13] =	ssyncset.done @!p4 $0x0  }
0x119: {  	s14 =	simm.s32 @!p4 $0x400;
	[sflag:s13] =	ssyncadd.s32 @!p4 $0xFFFFFF80;
	s13 =	simm.s32 @!p4 $0x80  }
0x11a: {  	[spmem:s1] =	stream.indirect.scatter.add.f32 @!p4 [tilespmem:s14], [sflag:$0xC], $0x1, s18, s13, $0xb8;
	[tilespmem:$0x880] =	vst v63  }
0x11b: {  	[bflag:$0x0] =	sbarrier.arrive $0xFFFF  }
0x11c: {  	s31 =	sld [smem:$0x7FD];
	_ =	sdelay $0x2  }
0x11d: {  	p1 =	seq.s32 s31, $0x1  }
0x11e: {  	s13 =	simm.s32 @p1 $0x480;
	s14 =	simm.s32 @p1 $0x11  }
0x11f: {  	[tilespmem:s13], [sflag:$0x11] =	stream.linear.gather @p1 [spmem:s8], $0xC8, $0x38;
	[tilespmem:$0x880] =	vst v63  }
0x120: {  	_ =	swait.ge @p1 [sflag:s14], $0xC8  }
0x121: {  	[sflag:s14] =	ssyncset.done @p1 $0x0  }
0x122: {  	s15 =	simm.s32 @p1 $0x0;
	[sflag:s14] =	ssyncadd.s32 @p1 $0xFFFFFF38  }
0x123: {  	[hbm4b:s9+s15] =	stream.linear.scatter @p1 [tilespmem:s13], [sflag:$0x11], $0xC8, $0x38;
	[tilespmem:$0x880] =	vst v63  }
0x124: {  	_ =	swait.ge @p1 [sflag:s14], $0xC8  }
0x125: {  	[sflag:s14] =	ssyncset.done @p1 $0x0  }
0x126: {  	s13 =	simm.s32 @!p1 $0x480;
	[sflag:s14] =	ssyncadd.s32 @p1 $0xFFFFFF38;
	s14 =	simm.s32 @!p1 $0x11  }
0x127: {  	[tilespmem:s13], [sflag:$0x11] =	stream.linear.gather @!p1 [spmem:s5], $0x140, $0x38;
	[tilespmem:$0x880] =	vst v63  }
0x128: {  	s3 =	sadd.s32 $0x1, s3;
	_ =	swait.ge @!p1 [sflag:s14], $0x140  }
0x129: {  	p0 =	sne.s32 s3, s10;
	[sflag:s14] =	ssyncset.done @!p1 $0x0  }
.Ltmp1:
0x12a: {  	s15 =	simm.s32 @!p1 $0x0;
	[sflag:s14] =	ssyncadd.s32 @!p1 $0xFFFFFEC0;
	(pc) =	sbr.rel @p0 .LBB2_1-.Ltmp1, $4  }
0x12b: {  	[hbm4b:s7+s15] =	stream.linear.scatter @!p1 [tilespmem:s13], [sflag:$0x11], $0x140, $0x38;
	[tilespmem:$0x880] =	vst v63  }
0x12c: {  	_ =	swait.ge @!p1 [sflag:s14], $0x140  }
0x12d: {  	[sflag:s14] =	ssyncset.done @!p1 $0x0  }
0x12e: {  	[sflag:s14] =	ssyncadd.s32 @!p1 $0xFFFFFEC0  }
0x12f: {  	_ =	sfence.sel $0x180000  }
0x130: {  	[bflag:$0x0] =	sbarrier.arrive $0xFFFF  }
0x131: {  	p0 =	sne.s32 s2, $0x0;
	_ =	strace $0x90000047  }
0x132: {  	s0 =	sadd.s32 @!p0 $0x100000, s0;
	[bflag:$0x2] =	sbarrier.arrive $0xFFFF  }
0x133: {  	[sflag:s0] =	ssyncadd.tile.s32 @!p0 $0x1;
	_ =	shalt  }
.Lfunc_end2:
_tile_overlayer_lowered:
.L_overlay_start_2:
0x134: {  	(tag) =	ssettag $0x2  }
0x135: {  	s0 =	rddreg [dreg:$0x0];
	s2 =	stileid.u32  }
0x136: {  	s1 =	rddreg [dreg:$0x1];
	p0 =	sne.s32 s2, $0x0  }
0x137: {  	s3 =	rddreg [dreg:$0x2];
	[bflag:$0x3] =	sbarrier.arrive $0xFFFF;
	s2 =	simm.s32 @!p0 $0x1C11  }
0x138: {  	[timem:s3], [sflag:s2] =	dma.local @!p0 [hbm:s0], s1  }
0x139: {  	s0 =	simm.s32 @!p0 $0x11  }
0x13a: {  	_ =	swait.ge @!p0 [sflag:s0], s1  }
0x13b: {  	s1 =	ssub.s32 @!p0 $0x0, s1;
	[sflag:s0] =	ssyncset.done @!p0 $0x0  }
0x13c: {  	[sflag:s0] =	ssyncadd.s32 @!p0 s1  }
0x13d: {  	[bflag:$0x3] =	sbarrier.arrive $0xFFFF  }
0x13e: {  	_ =	shalt  }

// kernel: kernel.13.cloned.1.call-start
scs
__scs_entry_jumppad:
0x0: {  	(pc) =	sbr.rel $0x88, $3  }
0x1: {  	(tag) =	ssettag $0x0;
	lr =	simm.s32 $0x1  }
0x2: {  	[smem:$0x3F99] =	sst lr;
	_ =	strace $0xD0000000  }
0x3: {  	_ = 	snop  }
0x4: {  	_ = 	snop  }
0x5: {  	_ = 	snop  }
0x6: {  	_ = 	snop  }
0x7: {  	_ = 	snop  }
__scs_overlays_trampoline_lowered:
0x8: {  	[smem:$0x3FA8] =	sst s0  }
0x9: {  	[smem:$0x3FA9] =	sst s1  }
0xa: {  	[smem:$0x3FAA] =	sst s2  }
0xb: {  	[smem:$0x3FAB] =	sst s3  }
0xc: {  	[smem:$0x3FAC] =	sst s4  }
0xd: {  	[smem:$0x3FAD] =	sst s5  }
0xe: {  	[smem:$0x3FAE] =	sst s6  }
0xf: {  	[smem:$0x3FAF] =	sst s7  }
0x10: {  	[smem:$0x3FB0] =	sst s8  }
0x11: {  	[smem:$0x3FB1] =	sst s9;
	s0 =	simm.s32 @!p0 $0x0  }
0x12: {  	s1 =	sld [smem:$0x3F97];
	s0 =	simm.s32 @p0 $0x1  }
0x13: {  	[smem:$0x3FB2] =	sst s0;
	s0 =	simm.s32 @!p1 $0x0  }
0x14: {  	s2 =	sld [smem:$0x3F96];
	s0 =	simm.s32 @p1 $0x1  }
0x15: {  	[smem:$0x3FB3] =	sst s0;
	s0 =	simm.s32 @!p2 $0x0  }
0x16: {  	s3 =	sld [smem:$0x3FDB];
	s0 =	simm.s32 @p2 $0x1  }
0x17: {  	s4 =	simm.s32 $0x1BF5;
	[smem:$0x3FB5] =	sst s0  }
0x18: {  	s0 =	sld [smem:$0x3F98];
	_ =	swait.ge [sflag:s4], $0x0  }
0x19: {  	s7 =	sld [smem:$0x3F99]  }
0x1a: {  	s8 =	sadd.s32 $0xFFFFE003, lr  }
0x1b: {  	s9 =	sadd.s32 $0xFFFFFEF7, lr;
	s5 =	simm.s32 $0xFFFFFFFF;
	p2 =	slt.u32 s8, $0xFFFFF086  }
0x1c: {  	p1 =	slt.u32 s9, $0xF7A;
	s5 =	simm.s32 @!p2 $0x0  }
0x1d: {  	s5 =	simm.s32 @p1 $0x1;
	p0 =	seq.s32 s7, s2  }
0x1e: {  	s7 =	smul.u32 @!p0 $0xF7A, s2;
	p2 =	seq.s32 @!p0 s5, $0x0  }
0x1f: {  	s9 =	smul.u32 $0xF7A, s1;
	s8 =	simm.s32 @!p0 $0x1BF5;
	p2 =	por !p2, p0  }
0x20: {  	[sflag:s8] =	ssyncset.s32 @!p0 $0xFFFFF086;
	s6 =	sadd.s32 @!p0 s3, s7;
	s7 =	simm.s32 @!p0 $0x108  }
0x21: {  	s3 =	sadd.s32 s3, s9;
	s6 =	sadd.s32 @!p0 $0x88, s6;
	s7 =	simm.s32 @p2 $0x1082  }
0x22: {  	[simem:s7], [sflag:s8] =	dma.local @!p0 [hbm:s6], $0xF7A  }
0x23: {  	s9 =	sor.u32 $0xD0000000, s2;
	s6 =	simm.s32 $0x108;
	_ =	swait.ge @!p0 [sflag:s8], $0x0  }
0x24: {  	s3 =	sadd.s32 $0x88, s3;
	s6 =	simm.s32 @!p1 $0x1082;
	[sflag:s4] =	ssyncset.s32 $0xFFFFF086  }
0x25: {  	[simem:s6], [sflag:s4] =	dma.local [hbm:s3], $0xF7A  }
0x26: {  	[smem:$0x3F99] =	sst s1;
	(tag) =	ssettag s2;
	_ =	strace s9  }
0x27: {  	s1 =	sld [smem:$0x3FA9]  }
0x28: {  	s2 =	sld [smem:$0x3FAA]  }
0x29: {  	s4 =	sld [smem:$0x3FAC]  }
0x2a: {  	p0 =	seq.s32 s5, $0x0;
	s5 =	sld [smem:$0x3FAD]  }
0x2b: {  	s6 =	sld [smem:$0x3FAE]  }
0x2c: {  	s7 =	sld [smem:$0x3FAF]  }
0x2d: {  	s3 =	simm.s32 $0x108;
	s8 =	sld [smem:$0x3FB0]  }
0x2e: {  	s3 =	simm.s32 @!p0 $0x1082;
	s9 =	sld [smem:$0x3FB1]  }
0x2f: {  	lr =	sadd.s32 s0, s3;
	s0 =	sld [smem:$0x3FA8]  }
0x30: {  	s3 =	sld [smem:$0x3FAB]  }
0x31: {  	[smem:$0x3FB4] =	sst s10  }
0x32: {  	s10 =	sld [smem:$0x3FB2];
	_ =	sdelay $0x3  }
0x33: {  	p0 =	seq.s32 s10, $0x1;
	s10 =	sld [smem:$0x3FB4];
	_ =	sdelay $0x3  }
0x34: {  	[smem:$0x3FB4] =	sst s10  }
0x35: {  	s10 =	sld [smem:$0x3FB3];
	_ =	sdelay $0x3  }
0x36: {  	p1 =	seq.s32 s10, $0x1;
	s10 =	sld [smem:$0x3FB4];
	_ =	sdelay $0x3  }
0x37: {  	[smem:$0x3FB4] =	sst s10  }
0x38: {  	s10 =	sld [smem:$0x3FB5]  }
0x39: {  	_ = 	snop;
	(pc) =	sbr.ind lr, $3  }
0x3a: {  	_ = 	snop  }
0x3b: {  	_ = 	snop  }
0x3c: {  	p2 =	seq.s32 s10, $0x1;
	s10 =	sld [smem:$0x3FB4]  }
0x3d: {  	_ =	shalt  }
0x3e: {  	_ =	shalt  }
0x3f: {  	_ =	shalt  }
0x40: {  	_ =	shalt  }
0x41: {  	_ =	shalt  }
0x42: {  	_ =	shalt  }
0x43: {  	_ =	shalt  }
0x44: {  	_ =	shalt  }
0x45: {  	_ =	shalt  }
0x46: {  	_ =	shalt  }
0x47: {  	_ =	shalt  }
0x48: {  	_ =	shalt  }
0x49: {  	_ =	shalt  }
0x4a: {  	_ =	shalt  }
0x4b: {  	_ =	shalt  }
0x4c: {  	_ =	shalt  }
0x4d: {  	_ =	shalt  }
0x4e: {  	_ =	shalt  }
0x4f: {  	_ =	shalt  }
0x50: {  	_ =	shalt  }
0x51: {  	_ =	shalt  }
0x52: {  	_ =	shalt  }
0x53: {  	_ =	shalt  }
0x54: {  	_ =	shalt  }
0x55: {  	_ =	shalt  }
0x56: {  	_ =	shalt  }
0x57: {  	_ =	shalt  }
0x58: {  	_ =	shalt  }
0x59: {  	_ =	shalt  }
0x5a: {  	_ =	shalt  }
0x5b: {  	_ =	shalt  }
0x5c: {  	_ =	shalt  }
0x5d: {  	_ =	shalt  }
0x5e: {  	_ =	shalt  }
0x5f: {  	_ =	shalt  }
0x60: {  	_ =	shalt  }
0x61: {  	_ =	shalt  }
0x62: {  	_ =	shalt  }
0x63: {  	_ =	shalt  }
0x64: {  	_ =	shalt  }
0x65: {  	_ =	shalt  }
0x66: {  	_ =	shalt  }
0x67: {  	_ =	shalt  }
0x68: {  	_ =	shalt  }
0x69: {  	_ =	shalt  }
0x6a: {  	_ =	shalt  }
0x6b: {  	_ =	shalt  }
0x6c: {  	_ =	shalt  }
0x6d: {  	_ =	shalt  }
0x6e: {  	_ =	shalt  }
0x6f: {  	_ =	shalt  }
0x70: {  	_ =	shalt  }
0x71: {  	_ =	shalt  }
0x72: {  	_ =	shalt  }
0x73: {  	_ =	shalt  }
0x74: {  	_ =	shalt  }
0x75: {  	_ =	shalt  }
0x76: {  	_ =	shalt  }
0x77: {  	_ =	shalt  }
0x78: {  	_ =	shalt  }
0x79: {  	_ =	shalt  }
0x7a: {  	_ =	shalt  }
0x7b: {  	_ =	shalt  }
0x7c: {  	_ =	shalt  }
0x7d: {  	_ =	shalt  }
0x7e: {  	_ =	shalt  }
0x7f: {  	_ =	shalt  }
0x80: {  	_ =	shalt  }
0x81: {  	_ =	shalt  }
0x82: {  	_ =	shalt  }
0x83: {  	_ =	shalt  }
0x84: {  	_ =	shalt  }
0x85: {  	_ =	shalt  }
0x86: {  	_ =	shalt  }
0x87: {  	_ =	shalt  }
.Lfunc_end0:
.L_simem_size_0:
called_computation.1_lowered:
.L_overlay_start_0:
0x88: {  	s2 =	sld [smem:$0x3FD9]  }
0x89: {  	s3 =	sld [smem:$0x3FFE];
	_ =	sdelay $0x1  }
0x8a: {  	s1 =	srdreg.scid  }
0x8b: {  	s0 =	sand.u32 $0x1, s1  }
0x8c: {  	s17 =	sshll.u32 s0, $0xA;
	s2 =	sadd.s32 s3, s2  }
0x8d: {  	s2 =	sadd.s32 s2, s17  }
0x8e: {  	[smem:$0x3FC0] =	sst s2  }
0x8f: {  	_ = 	snop  }
0x90: {  	s2 =	sld [smem:$0x3FD0];
	(tm) =	ssettm $0x1  }
0x91: {  	s18 =	sld [smem:$0x3FFB];
	_ =	sdelay $0x3  }
0x92: {  	_ =	strace s18  }
0x93: {  	s3 =	sld [smem:$0x3FFC];
	_ =	sdelay $0x3  }
0x94: {  	_ =	strace s3  }
0x95: {  	s3 =	sld [smem:$0x3FFD];
	_ =	sdelay $0x3  }
0x96: {  	_ =	strace s3  }
0x97: {  	_ =	strace $0x8FFFFFFF  }
0x98: {  	s19 =	sld [smem:$0x3FDB];
	_ =	sdelay $0x1  }
0x99: {  	s4 =	simm.s32 $_scs_section_size  }
0x9a: {  	s5 =	simm.s32 $_size__tile_overlayer_lowered;
	s6 =	simm.s32 $_tile_overlayer_lowered  }
0x9b: {  	s22 =	simm.s32 $0x1BFF;
	s21 =	sshll.u32 s6, $0x1;
	s3 =	sadd.s32 s4, s19  }
0x9c: {  	s7 =	simm.s32 $0x0;
	s20 =	sshll.u32 s5, $0x1;
	s5 =	sadd.s32 s21, s3  }
0x9d: {  	[timem:s7], [sflag:s22] =	dma.local [hbm:s5], s20  }
0x9e: {  	_ =	swait.ge [sflag:s22], s20  }
0x9f: {  	s4 =	ssub.s32 $0x0, s20;
	[sflag:s22] =	ssyncset.done $0x0  }
0xa0: {  	[sflag:s22] =	ssyncadd.s32 s4;
	_ =	sdelay $0x1  }
0xa1: {  	s23 =	simm.s32 $0x1B8B  }
0xa2: {  	_ =	swait.ge [sflag:s23], $0x1  }
0xa3: {  	[sflag:s23] =	ssyncset.done $0x0  }
0xa4: {  	s25 =	simm.s32 $0x1B8E;
	s24 =	sld [smem:$0x3FFE];
	[sflag:s23] =	ssyncadd.s32 $0xFFFFFFFF  }
0xa5: {  	s26 =	simm.s32 $execute0_lowered;
	[smem:$0x3FD2] =	sst s25  }
0xa6: {  	s5 =	sshll.u32 s26, $0x1;
	_ =	strace $0x80000049;
	[dreg:$0x1] =	wrdreg $0xFFFFFFFF  }
0xa7: {  	s28 =	simm.s32 $_size_execute0_lowered;
	s3 =	sadd.s32 s3, s5;
	[dreg:$0x0] =	wrdreg $0x0  }
0xa8: {  	s5 =	sshll.u32 s28, $0x1;
	[dreg:$0x2] =	wrdreg s3  }
0xa9: {  	[dreg:$0x3] =	wrdreg s5  }
0xaa: {  	[dreg:$0x4] =	wrdreg $0xC0  }
0xab: {  	_ =	task [dreg:s7], $0x5FFFF  }
0xac: {  	[dreg:$0x1] =	wrdreg $0xFFFFFFFF  }
0xad: {  	[dreg:$0x0] =	wrdreg $0x60  }
0xae: {  	[dreg:$0x2] =	wrdreg s2  }
0xaf: {  	[dreg:$0x3] =	wrdreg s24  }
0xb0: {  	[dreg:$0x4] =	wrdreg $0xA4000  }
0xb1: {  	[dreg:$0x5] =	wrdreg $0x9  }
0xb2: {  	_ =	task.clear_ibuf [dreg:s7], $0x6FFFF;
	_ =	strace $0x90000049  }
0xb3: {  	s29 =	simm.s32 $0x9;
	_ =	strace $0x8000004B  }
0xb4: {  	_ =	swait.ge [sflag:s29], $0x1  }
0xb5: {  	[sflag:s29] =	ssyncadd.s32 $0xFFFFFFFF  }
0xb6: {  	_ =	strace $0x9000004B  }
0xb7: {  	_ =	sfence  }
0xb8: {  	s30 =	sld [smem:$0x0];
	_ =	sdelay $0x2  }
0xb9: {  	s31 =	sshll.u32 s1, $0xD;
	s1 =	sshrl.u32 s1, $0x2  }
0xba: {  	s3 =	sand.u32 $0x4000, s31;
	s1 =	sadd.s32 s1, s30  }
0xbb: {  	s0 =	sor.u32 s3, s0;
	s1 =	sshll.u32 s1, $0x11  }
0xbc: {  	s0 =	sor.u32 s1, s0  }
0xbd: {  	s0 =	sadd.s32 $0x8F2B, s0  }
0xbe: {  	[sflag:s0] =	ssyncadd.remote.s32 $0x1  }
0xbf: {  	_ =	sfence.sel $0xFFFF  }
0xc0: {  	[dreg:$0x0] =	wrdreg $0xFFFFFFFF;
	(pc) =	sbr.abs _section_cstart, $3  }
0xc1: {  	[dreg:$0x1] =	wrdreg $0xFFFFFFFF  }
0xc2: {  	_ =	task.clear_ibuf [dreg:s7], $0x2FFFF;
	_ =	strace $0x9FFFFFFF  }
0xc3: {  	(tm) =	ssettm $0x7FFFFFFF  }
tec
execute0_lowered:
.L_overlay_start_1:
0x0: {  	(tag) =	ssettag $0x1  }
0x1: {  	s1 =	rddreg [dreg:$0x0]  }
0x2: {  	s0 =	rddreg [dreg:$0x1]  }
0x3: {  	s2 =	rddreg [dreg:$0x2];
	s3 =	simm.s32 $0x0  }
0x4: {  	s4 =	srdreg.scid;
	s15 =	stileid.u32;
	s19 =	simm.s32 $0x200  }
0x5: {  	s28 =	simm.s32 $0x2;
	s30 =	simm.s32 $0x180;
	s31 =	simm.s32 $0x380  }
0x6: {  	[smem:$0x7FF] =	sst s3;
	s5 =	sadd.s32 $0x2600, s0;
	s8 =	smul.u32 $0x50000, s15  }
0x7: {  	s4 =	sand.u32 $0x1, s4;
	s6 =	sadd.s32 $0x7600, s0;
	s10 =	smul.u32 $0x50, s15  }
0x8: {  	s7 =	sadd.s32 $0xC600, s0;
	s0 =	sadd.s32 $0xEE00, s0;
	s21 =	smul.u32 $0xA, s15  }
0x9: {  	s12 =	smul.u32 $0x280, s15;
	s22 =	sadd.s32 $0x12C000, s2;
	p0 =	seq.s32 s15, $0xF  }
0xa: {  	_ =	strace $0x8000004A;
	s11 =	smul.u32 $0x2710, s4;
	[dreg:$0x4] =	wrdreg s7  }
0xb: {  	s20 =	ssub.s32 $0x2, s4;
	[dreg:$0x6] =	wrdreg s22;
	s4 =	smul.u32 $0x138800, s4  }
0xc: {  	s22 =	simm.s32 $0x1;
	s9 =	sshrl.u32 s20, $0x1;
	s8 =	sshrl.u32 s8, $0x2  }
0xd: {  	s10 =	sshrl.u32 s10, $0x3;
	s7 =	ssub.s32 s20, s9;
	s8 =	sadd.s32 s8, s2  }
0xe: {  	s13 =	sadd.s32 $0xA0, s10;
	s9 =	sadd.s32 s6, s21;
	s23 =	sadd.s32 $0x140, s10  }
0xf: {  	s10 =	sadd.s32 $0x1E0, s10;
	s12 =	sadd.s32 s12, s11;
	s4 =	sshrl.u32 s4, $0x3  }
0x10: {  	s20 =	simm.s32 $0x80;
	v0 =	vmov s11;
	s11 =	simm.s32 $0x8;
	[dreg:$0x5] =	wrdreg s8  }
0x11: {  	s8 =	sadd.s32 s5, s21;
	s14 =	sadd.s32 s5, s13;
	s13 =	sadd.s32 s6, s13  }
0x12: {  	s24 =	sadd.s32 s5, s23;
	s25 =	sadd.s32 s6, s23;
	[dreg:$0x7] =	wrdreg s14  }
0x13: {  	s5 =	sadd.s32 s5, s10;
	s26 =	sshll.u32 s12, $0x4;
	[dreg:$0x8] =	wrdreg s13  }
0x14: {  	s6 =	sadd.s32 s6, s10;
	s29 =	smax.u32 s7, $0x1;
	[dreg:$0x9] =	wrdreg s24  }
0x15: {  	s23 =	simm.s32 $0x50;
	s21 =	simm.s32 $0x5400;
	[dreg:$0xa] =	wrdreg s25  }
0x16: {  	s7 =	simm.s32 $0x4;
	s10 =	simm.s32 $0x7C00;
	[dreg:$0xb] =	wrdreg s5  }
.Ltmp0:
0x17: {  	s12 =	simm.s32 $0xC;
	[dreg:$0xc] =	wrdreg s6;
	(pc) =	sbr.rel .LBB2_1-.Ltmp0, $4  }
0x18: {  	s5 =	sadd.s32 s0, s26;
	s0 =	sadd.s32 s0, s4;
	[dreg:$0xf] =	wrdreg s29  }
0x19: {  	s24 =	simm.s32 $0x400;
	s25 =	simm.s32 $0x100;
	s4 =	simm.s32 $0x5  }
0x1a: {  	s6 =	simm.s32 $0x9;
	[dreg:$0xd] =	wrdreg s5;
	s0 =	sadd.s32 $0x25800, s0  }
0x1b: {  	s13 =	simm.s32 $0x0;
	[dreg:$0xe] =	wrdreg s0;
	s0 =	simm.s32 $0x3  }
.LBB2_7:
0x1c: {  	[bflag:$0x0] =	sbarrier.arrive $0xFFFF  }
0x1d: {  	s14 =	rddreg [dreg:$0xe]  }
0x1e: {  	s5 =	simm.s32 @p0 $0x1FCE;
	s15 =	rddreg [dreg:$0x12]  }
0x1f: {  	[hbm:s14], [sflag:s5] =	dma.local @p0 [spmem:s15], $0x1900  }
0x20: {  	s5 =	simm.s32 @p0 $0xE  }
0x21: {  	_ =	swait.ge @p0 [sflag:s5], $0x1900  }
0x22: {  	[sflag:s5] =	ssyncset.done @p0 $0x0;
	s14 =	rddreg [dreg:$0xd]  }
0x23: {  	[sflag:s5] =	ssyncadd.s32 @p0 $0xFFFFE700;
	s5 =	rddreg [dreg:$0x10]  }
0x24: {  	s15 =	rddreg [dreg:$0x11];
	s5 =	sor.u32 @!p0 $0x1C0E, s5  }
0x25: {  	[hbm:s14], [sflag:s5] =	dma.local @!p0 [spmem:s15], $0x2800  }
0x26: {  	s5 =	simm.s32 @!p0 $0xE  }
0x27: {  	_ =	swait.ge @!p0 [sflag:s5], $0x2800  }
0x28: {  	s13 =	sadd.s32 $0x1, s13;
	s29 =	rddreg [dreg:$0xf]  }
0x29: {  	p1 =	sne.s32 s13, s29  }
.Ltmp1:
0x2a: {  	_ = 	snop;
	(pc) =	sbr.rel @!p1 .LBB2_8-.Ltmp1, $3  }
0x2b: {  	_ =	sdelay $0x1  }
0x2c: {  	[sflag:s5] =	ssyncset.done @!p0 $0x0  }
0x2d: {  	[sflag:s5] =	ssyncadd.s32 @!p0 $0xFFFFD800  }
.LBB2_1:
0x2e: {  	s5 =	rddreg [dreg:$0x6]  }
0x2f: {  	s14 =	rddreg [dreg:$0x4];
	s15 =	sshrl.u32 @p0 s5, $0x3  }
0x30: {  	s5 =	simm.s32 @p0 $0x1FCD;
	[dreg:$0x12] =	wrdreg s15  }
0x31: {  	[spmem:s15], [sflag:s5] =	dma.local @p0 [hbm:s14], $0x1900  }
0x32: {  	s5 =	stileid.u32  }
0x33: {  	s5 =	sshll.u32 @!p0 s5, $0x6;
	s15 =	rddreg [dreg:$0x5]  }
0x34: {  	[dreg:$0x10] =	wrdreg s5;
	s15 =	sshrl.u32 @!p0 s15, $0x3  }
0x35: {  	s5 =	sor.u32 @!p0 $0x1C0D, s5;
	[dreg:$0x11] =	wrdreg s15  }
0x36: {  	[spmem:s15], [sflag:s5] =	dma.local @!p0 [hbm:s14], $0x2800  }
0x37: {  	[tilespmem:s3], [sflag:$0x1] =	stream.linear.gather [hbm4b:s8+s3], $0x50, $0x38;
	[tilespmem:$0x1DC80] =	vst v63  }
0x38: {  	_ = 	snop  }
0x39: {  	[tilespmem:s19], [sflag:$0x1] =	stream.linear.gather [hbm4b:s9+s3], $0x50, $0x38;
	[tilespmem:$0x1DC80] =	vst v63  }
0x3a: {  	s5 =	rddreg [dreg:$0x7]  }
0x3b: {  	[tilespmem:s20], [sflag:$0x2] =	stream.linear.gather [hbm4b:s5+s3], $0x50, $0x38;
	[tilespmem:$0x1DC80] =	vst v63  }
0x3c: {  	s29 =	simm.s32 $0x280;
	s26 =	rddreg [dreg:$0x8]  }
0x3d: {  	[tilespmem:s29], [sflag:$0x2] =	stream.linear.gather [hbm4b:s26+s3], $0x50, $0x38;
	[tilespmem:$0x1DC80] =	vst v63  }
0x3e: {  	_ =	swait.ge [sflag:s22], $0x50  }
0x3f: {  	[sflag:s22] =	ssyncset.done $0x0  }
0x40: {  	[sflag:s22] =	ssyncadd.s32 $0xFFFFFFB0  }
0x41: {  	_ =	swait.ge [sflag:s22], $0x50  }
0x42: {  	[sflag:s22] =	ssyncset.done $0x0  }
0x43: {  	[sflag:s22] =	ssyncadd.s32 $0xFFFFFFB0  }
0x44: {  	v1 =	vld [tilespmem:$0x0]  }
0x45: {  	v2 =	vld [tilespmem:$0x10]  }
0x46: {  	v3 =	vld [tilespmem:$0x20]  }
0x47: {  	v4 =	vld [tilespmem:$0x30]  }
0x48: {  	v5 =	vld [tilespmem:$0x40]  }
0x49: {  	v1 =	vadd.s32 v0, v1  }
0x4a: {  	[tilespmem:$0x0] =	vst v1;
	v1 =	vadd.s32 v0, v2  }
0x4b: {  	[tilespmem:$0x10] =	vst v1;
	v1 =	vadd.s32 v0, v3  }
0x4c: {  	[tilespmem:$0x20] =	vst v1;
	v1 =	vadd.s32 v0, v4  }
0x4d: {  	[tilespmem:$0x30] =	vst v1;
	v1 =	vadd.s32 v0, v5  }
0x4e: {  	[tilespmem:$0x40] =	vst v1  }
0x4f: {  	[tilespmem:s24], [sflag:$0x5] =	stream.indirect.gather [hbm4b:s1+s23], $0x80, s3, s23, $0xb8;
	[tilespmem:$0x1DC80] =	vst v63  }
0x50: {  	s15 =	rddreg [dreg:$0x9]  }
0x51: {  	[tilespmem:s25], [sflag:$0x3] =	stream.linear.gather [hbm4b:s15+s3], $0x50, $0x38;
	[tilespmem:$0x1DC80] =	vst v63  }
0x52: {  	s17 =	simm.s32 $0x300;
	s16 =	rddreg [dreg:$0xa]  }
0x53: {  	[tilespmem:s17], [sflag:$0x3] =	stream.linear.gather [hbm4b:s16+s3], $0x50, $0x38;
	[tilespmem:$0x1DC80] =	vst v63  }
0x54: {  	_ =	swait.ge [sflag:s28], $0x50  }
0x55: {  	[sflag:s28] =	ssyncset.done $0x0  }
0x56: {  	[sflag:s28] =	ssyncadd.s32 $0xFFFFFFB0  }
0x57: {  	_ =	swait.ge [sflag:s28], $0x50  }
0x58: {  	[sflag:s28] =	ssyncset.done $0x0  }
0x59: {  	[sflag:s28] =	ssyncadd.s32 $0xFFFFFFB0  }
0x5a: {  	v1 =	vld [tilespmem:$0x80]  }
0x5b: {  	v2 =	vld [tilespmem:$0x90]  }
0x5c: {  	v3 =	vld [tilespmem:$0xA0]  }
0x5d: {  	v60 =	vld [tilespmem:$0xB0]  }
0x5e: {  	v61 =	vld [tilespmem:$0xC0]  }
0x5f: {  	v1 =	vadd.s32 v0, v1  }
0x60: {  	[tilespmem:$0x80] =	vst v1;
	v1 =	vadd.s32 v0, v2  }
0x61: {  	[tilespmem:$0x90] =	vst v1;
	v1 =	vadd.s32 v0, v3  }
0x62: {  	[tilespmem:$0xA0] =	vst v1;
	v1 =	vadd.s32 v0, v60  }
0x63: {  	[tilespmem:$0xB0] =	vst v1;
	v1 =	vadd.s32 v0, v61  }
0x64: {  	s18 =	simm.s32 $0x2C00;
	[tilespmem:$0xC0] =	vst v1  }
0x65: {  	[tilespmem:s18], [sflag:$0x6] =	stream.indirect.gather [hbm4b:s1+s23], $0x80, s20, s23, $0xb8;
	[tilespmem:$0x1DC80] =	vst v63  }
0x66: {  	s26 =	rddreg [dreg:$0xb]  }
0x67: {  	[tilespmem:s30], [sflag:$0x4] =	stream.linear.gather [hbm4b:s26+s3], $0x50, $0x38;
	[tilespmem:$0x1DC80] =	vst v63  }
0x68: {  	s29 =	rddreg [dreg:$0xc]  }
0x69: {  	[tilespmem:s31], [sflag:$0x4] =	stream.linear.gather [hbm4b:s29+s3], $0x50, $0x38;
	[tilespmem:$0x1DC80] =	vst v63  }
0x6a: {  	_ =	swait.ge [sflag:s0], $0x50  }
0x6b: {  	[sflag:s0] =	ssyncset.done $0x0  }
0x6c: {  	[sflag:s0] =	ssyncadd.s32 $0xFFFFFFB0  }
0x6d: {  	_ =	swait.ge [sflag:s0], $0x50  }
0x6e: {  	[sflag:s0] =	ssyncset.done $0x0  }
0x6f: {  	[sflag:s0] =	ssyncadd.s32 $0xFFFFFFB0  }
0x70: {  	v1 =	vld [tilespmem:$0x100]  }
0x71: {  	v2 =	vld [tilespmem:$0x110]  }
0x72: {  	v3 =	vld [tilespmem:$0x120]  }
0x73: {  	v62 =	vld [tilespmem:$0x130]  }
0x74: {  	v63 =	vld [tilespmem:$0x140]  }
0x75: {  	v1 =	vadd.s32 v0, v1  }
0x76: {  	[tilespmem:$0x100] =	vst v1;
	v1 =	vadd.s32 v0, v2  }
0x77: {  	[tilespmem:$0x110] =	vst v1;
	v1 =	vadd.s32 v0, v3  }
0x78: {  	[tilespmem:$0x120] =	vst v1;
	v1 =	vadd.s32 v0, v62  }
0x79: {  	[tilespmem:$0x130] =	vst v1;
	v1 =	vadd.s32 v0, v63  }
0x7a: {  	s5 =	simm.s32 @p0 $0xD;
	[tilespmem:$0x140] =	vst v1  }
0x7b: {  	[tilespmem:s21], [sflag:$0x7] =	stream.indirect.gather [hbm4b:s1+s23], $0x80, s25, s23, $0xb8;
	[tilespmem:$0x1DC80] =	vst v63  }
0x7c: {  	_ =	swait.ge @p0 [sflag:s5], $0x1900  }
0x7d: {  	[sflag:s5] =	ssyncset.done @p0 $0x0  }
0x7e: {  	[sflag:s5] =	ssyncadd.s32 @p0 $0xFFFFE700;
	s5 =	simm.s32 @!p0 $0xD  }
0x7f: {  	_ =	swait.ge @!p0 [sflag:s5], $0x2800  }
0x80: {  	[sflag:s5] =	ssyncset.done @!p0 $0x0  }
0x81: {  	[sflag:s5] =	ssyncadd.s32 @!p0 $0xFFFFD800  }
.Ltmp2:
0x82: {  	[bflag:$0x0] =	sbarrier.arrive $0xFFFF;
	(pc) =	sbr.rel .LBB2_2-.Ltmp2, $4  }
0x83: {  	_ =	swait.ge [sflag:s4], $0x2800  }
0x84: {  	[sflag:s4] =	ssyncset.done $0x0  }
0x85: {  	s17 =	simm.s32 $0x0;
	s18 =	simm.s32 $0x0;
	[sflag:s4] =	ssyncadd.s32 $0xFFFFD800  }
0x86: {  	[spmem:s2] =	stream.indirect.scatter.add.f32 [tilespmem:s24], [sflag:$0x9], $0x80, s19, s23, $0xb8;
	[tilespmem:$0x1DC80] =	vst v63  }
.LBB2_5:
0x87: {  	_ =	swait.ge [sflag:s11], $0x2800  }
0x88: {  	[sflag:s11] =	ssyncset.done $0x0  }
0x89: {  	[sflag:s11] =	ssyncadd.s32 $0xFFFFD800  }
0x8a: {  	[spmem:s2] =	stream.indirect.scatter.add.f32 [tilespmem:s10], [sflag:$0xC], $0x80, s31, s23, $0xb8;
	[tilespmem:$0x1DC80] =	vst v63  }
0x8b: {  	_ =	swait.ge [sflag:s12], $0x2800  }
0x8c: {  	[sflag:s12] =	ssyncset.done $0x0  }
0x8d: {  	[sflag:s12] =	ssyncadd.s32 $0xFFFFD800  }
.LBB2_6:
0x8e: {  	s17 =	sadd.s32 $0x280, s17  }
0x8f: {  	p1 =	sne.s32 s17, $0x5000  }
.Ltmp3:
0x90: {  	_ = 	snop;
	(pc) =	sbr.rel @!p1 .LBB2_7-.Ltmp3, $4  }
0x91: {  	_ =	swait.ge [sflag:s4], $0x2800  }
0x92: {  	[sflag:s4] =	ssyncset.done $0x0  }
0x93: {  	s18 =	sadd.s32 $0x1, s18;
	[sflag:s4] =	ssyncadd.s32 $0xFFFFD800  }
0x94: {  	[spmem:s2] =	stream.indirect.scatter.add.f32 [tilespmem:s24], [sflag:$0x9], $0x80, s19, s23, $0xb8;
	[tilespmem:$0x1DC80] =	vst v63  }
.LBB2_2:
0x95: {  	p1 =	seq.s32 s17, $0x4D80  }
.Ltmp4:
0x96: {  	_ = 	snop;
	(pc) =	sbr.rel @p1 .LBB2_7-.Ltmp4, $4  }
0x97: {  	_ = 	snop  }
0x98: {  	_ =	swait.ge [sflag:s6], $0x2800  }
0x99: {  	[sflag:s6] =	ssyncset.done $0x0  }
0x9a: {  	[sflag:s6] =	ssyncadd.s32 $0xFFFFD800  }
0x9b: {  	s5 =	sadd.s32 s17, s8  }
0x9c: {  	s14 =	sadd.s32 $0x280, s5  }
0x9d: {  	[tilespmem:s3], [sflag:$0x1] =	stream.linear.gather [hbm4b:s14+s3], $0x50, $0x38;
	[tilespmem:$0x1DC80] =	vst v63  }
0x9e: {  	s14 =	sadd.s32 s17, s9  }
0x9f: {  	s15 =	sadd.s32 $0x280, s14  }
0xa0: {  	[tilespmem:s19], [sflag:$0x1] =	stream.linear.gather [hbm4b:s15+s3], $0x50, $0x38;
	[tilespmem:$0x1DC80] =	vst v63  }
0xa1: {  	_ =	swait.ge [sflag:s7], $0x50  }
0xa2: {  	[sflag:s7] =	ssyncset.done $0x0  }
0xa3: {  	[sflag:s7] =	ssyncadd.s32 $0xFFFFFFB0  }
0xa4: {  	_ =	swait.ge [sflag:s7], $0x50  }
0xa5: {  	[sflag:s7] =	ssyncset.done $0x0  }
0xa6: {  	[sflag:s7] =	ssyncadd.s32 $0xFFFFFFB0  }
0xa7: {  	v1 =	vld [tilespmem:$0x180]  }
0xa8: {  	v2 =	vld [tilespmem:$0x190]  }
0xa9: {  	v3 =	vld [tilespmem:$0x1A0]  }
0xaa: {  	v4 =	vld [tilespmem:$0x1B0]  }
0xab: {  	v5 =	vld [tilespmem:$0x1C0]  }
0xac: {  	v1 =	vadd.s32 v0, v1  }
0xad: {  	[tilespmem:$0x180] =	vst v1;
	v1 =	vadd.s32 v0, v2  }
0xae: {  	[tilespmem:$0x190] =	vst v1;
	v1 =	vadd.s32 v0, v3  }
0xaf: {  	[tilespmem:$0x1A0] =	vst v1;
	v1 =	vadd.s32 v0, v4  }
0xb0: {  	p1 =	sgt.u32 s18, $0x1E;
	[tilespmem:$0x1B0] =	vst v1;
	v1 =	vadd.s32 v0, v5  }
0xb1: {  	s15 =	simm.s32 @!p1 $0x6;
	[tilespmem:$0x1C0] =	vst v1  }
0xb2: {  	[tilespmem:s10], [sflag:$0x8] =	stream.indirect.gather [hbm4b:s1+s23], $0x80, s30, s23, $0xb8;
	[tilespmem:$0x1DC80] =	vst v63  }
0xb3: {  	_ =	swait.ge @!p1 [sflag:s15], $0x2800  }
0xb4: {  	s16 =	simm.s32 @!p1 $0x280;
	[sflag:s15] =	ssyncset.done @!p1 $0x0  }
0xb5: {  	s26 =	simm.s32 @!p1 $0x2C00;
	[sflag:s15] =	ssyncadd.s32 @!p1 $0xFFFFD800;
	s15 =	simm.s32 @!p1 $0x50  }
0xb6: {  	[spmem:s2] =	stream.indirect.scatter.add.f32 @!p1 [tilespmem:s26], [sflag:$0xA], $0x80, s16, s15, $0xb8;
	[tilespmem:$0x1DC80] =	vst v63  }
0xb7: {  	s16 =	simm.s32 @!p1 $0xA  }
0xb8: {  	p2 =	seq.s32 @!p1 s17, $0x4B00;
	_ =	swait.ge @!p1 [sflag:s16], $0x2800  }
0xb9: {  	p3 =	por p2, p1;
	[sflag:s16] =	ssyncset.done @!p1 $0x0  }
0xba: {  	[sflag:s16] =	ssyncadd.s32 @!p1 $0xFFFFD800;
	s16 =	sadd.s32 @!p3 s17, s8  }
0xbb: {  	s29 =	simm.s32 @!p3 $0x80;
	s26 =	simm.s32 @!p3 $0x0;
	s16 =	sadd.s32 @!p3 $0x320, s16  }
0xbc: {  	[tilespmem:s29], [sflag:$0x2] =	stream.linear.gather @!p3 [hbm4b:s16+s26], $0x50, $0x38;
	[tilespmem:$0x1DC80] =	vst v63  }
0xbd: {  	s16 =	sadd.s32 @!p3 s17, s9  }
0xbe: {  	s29 =	simm.s32 @!p3 $0x280;
	s16 =	sadd.s32 @!p3 $0x320, s16  }
0xbf: {  	[tilespmem:s29], [sflag:$0x2] =	stream.linear.gather @!p3 [hbm4b:s16+s26], $0x50, $0x38;
	[tilespmem:$0x1DC80] =	vst v63  }
0xc0: {  	_ =	swait.ge [sflag:s22], $0x50  }
0xc1: {  	[sflag:s22] =	ssyncset.done $0x0  }
0xc2: {  	[sflag:s22] =	ssyncadd.s32 $0xFFFFFFB0  }
0xc3: {  	_ =	swait.ge [sflag:s22], $0x50  }
0xc4: {  	[sflag:s22] =	ssyncset.done $0x0  }
0xc5: {  	[sflag:s22] =	ssyncadd.s32 $0xFFFFFFB0  }
0xc6: {  	v1 =	vld [tilespmem:$0x0]  }
0xc7: {  	v2 =	vld [tilespmem:$0x10]  }
0xc8: {  	v3 =	vld [tilespmem:$0x20]  }
0xc9: {  	v62 =	vld [tilespmem:$0x30]  }
0xca: {  	v63 =	vld [tilespmem:$0x40]  }
0xcb: {  	v1 =	vadd.s32 v0, v1  }
0xcc: {  	[tilespmem:$0x0] =	vst v1;
	v1 =	vadd.s32 v0, v2  }
0xcd: {  	[tilespmem:$0x10] =	vst v1;
	v1 =	vadd.s32 v0, v3  }
0xce: {  	[tilespmem:$0x20] =	vst v1;
	v1 =	vadd.s32 v0, v62  }
0xcf: {  	p4 =	por @!p1 $0x0, $0x0;
	[tilespmem:$0x30] =	vst v1;
	v1 =	vadd.s32 v0, v63  }
0xd0: {  	p2 =	por !p2, p1;
	s16 =	simm.s32 @!p1 $0x7;
	p3 =	por @!p3 $0x1, $0x1;
	[tilespmem:$0x40] =	vst v1  }
0xd1: {  	[tilespmem:s24], [sflag:$0x5] =	stream.indirect.gather [hbm4b:s1+s23], $0x80, s3, s23, $0xb8;
	[tilespmem:$0x1DC80] =	vst v63  }
0xd2: {  	p3 =	por @!p2 p4, p4;
	p2 =	por $0x0, $0x0;
	_ =	swait.ge @!p1 [sflag:s16], $0x2800  }
0xd3: {  	s26 =	simm.s32 @!p1 $0x5400;
	p2 =	por @!p1 p3, p3;
	[sflag:s16] =	ssyncset.done @!p1 $0x0  }
0xd4: {  	p2 =	por p1, !p2;
	[sflag:s16] =	ssyncadd.s32 @!p1 $0xFFFFD800;
	s16 =	simm.s32 @!p1 $0x300  }
0xd5: {  	[spmem:s2] =	stream.indirect.scatter.add.f32 @!p1 [tilespmem:s26], [sflag:$0xB], $0x80, s16, s15, $0xb8;
	[tilespmem:$0x1DC80] =	vst v63  }
.Ltmp5:
0xd6: {  	_ = 	snop;
	(pc) =	sbr.rel @p2 .LBB2_5-.Ltmp5, $4  }
0xd7: {  	s15 =	simm.s32 @!p1 $0xB  }
0xd8: {  	_ =	swait.ge @!p1 [sflag:s15], $0x2800  }
0xd9: {  	[sflag:s15] =	ssyncset.done @!p1 $0x0  }
0xda: {  	[sflag:s15] =	ssyncadd.s32 @!p1 $0xFFFFD800  }
0xdb: {  	s15 =	sadd.s32 $0x3C0, s5  }
0xdc: {  	[tilespmem:s25], [sflag:$0x3] =	stream.linear.gather [hbm4b:s15+s3], $0x50, $0x38;
	[tilespmem:$0x1DC80] =	vst v63  }
0xdd: {  	s29 =	sadd.s32 $0x3C0, s14;
	s16 =	simm.s32 $0x300  }
0xde: {  	[tilespmem:s16], [sflag:$0x3] =	stream.linear.gather [hbm4b:s29+s3], $0x50, $0x38;
	[tilespmem:$0x1DC80] =	vst v63  }
0xdf: {  	_ =	swait.ge [sflag:s28], $0x50  }
0xe0: {  	[sflag:s28] =	ssyncset.done $0x0  }
0xe1: {  	[sflag:s28] =	ssyncadd.s32 $0xFFFFFFB0  }
0xe2: {  	_ =	swait.ge [sflag:s28], $0x50  }
0xe3: {  	[sflag:s28] =	ssyncset.done $0x0  }
0xe4: {  	[sflag:s28] =	ssyncadd.s32 $0xFFFFFFB0  }
0xe5: {  	v1 =	vld [tilespmem:$0x80]  }
0xe6: {  	v2 =	vld [tilespmem:$0x90]  }
0xe7: {  	v3 =	vld [tilespmem:$0xA0]  }
0xe8: {  	v4 =	vld [tilespmem:$0xB0]  }
0xe9: {  	v5 =	vld [tilespmem:$0xC0]  }
0xea: {  	v1 =	vadd.s32 v0, v1  }
0xeb: {  	[tilespmem:$0x80] =	vst v1;
	v1 =	vadd.s32 v0, v2  }
0xec: {  	[tilespmem:$0x90] =	vst v1;
	v1 =	vadd.s32 v0, v3  }
0xed: {  	[tilespmem:$0xA0] =	vst v1;
	v1 =	vadd.s32 v0, v4  }
0xee: {  	[tilespmem:$0xB0] =	vst v1;
	v1 =	vadd.s32 v0, v5  }
0xef: {  	s16 =	simm.s32 $0x2C00;
	[tilespmem:$0xC0] =	vst v1  }
0xf0: {  	[tilespmem:s16], [sflag:$0x6] =	stream.indirect.gather [hbm4b:s1+s23], $0x80, s20, s23, $0xb8;
	[tilespmem:$0x1DC80] =	vst v63  }
0xf1: {  	_ =	swait.ge [sflag:s11], $0x2800  }
0xf2: {  	[sflag:s11] =	ssyncset.done $0x0  }
0xf3: {  	[sflag:s11] =	ssyncadd.s32 $0xFFFFD800  }
0xf4: {  	[spmem:s2] =	stream.indirect.scatter.add.f32 [tilespmem:s10], [sflag:$0xC], $0x80, s31, s23, $0xb8;
	[tilespmem:$0x1DC80] =	vst v63  }
0xf5: {  	_ =	swait.ge [sflag:s12], $0x2800  }
0xf6: {  	[sflag:s12] =	ssyncset.done $0x0  }
0xf7: {  	s26 =	sadd.s32 $0x460, s5;
	[sflag:s12] =	ssyncadd.s32 $0xFFFFD800  }
0xf8: {  	[tilespmem:s30], [sflag:$0x4] =	stream.linear.gather [hbm4b:s26+s3], $0x50, $0x38;
	[tilespmem:$0x1DC80] =	vst v63  }
0xf9: {  	s29 =	sadd.s32 $0x460, s14  }
0xfa: {  	[tilespmem:s31], [sflag:$0x4] =	stream.linear.gather [hbm4b:s29+s3], $0x50, $0x38;
	[tilespmem:$0x1DC80] =	vst v63  }
0xfb: {  	_ =	swait.ge [sflag:s0], $0x50  }
0xfc: {  	[sflag:s0] =	ssyncset.done $0x0  }
0xfd: {  	[sflag:s0] =	ssyncadd.s32 $0xFFFFFFB0  }
0xfe: {  	_ =	swait.ge [sflag:s0], $0x50  }
0xff: {  	[sflag:s0] =	ssyncset.done $0x0  }
0x100: {  	[sflag:s0] =	ssyncadd.s32 $0xFFFFFFB0  }
0x101: {  	v1 =	vld [tilespmem:$0x100]  }
0x102: {  	v2 =	vld [tilespmem:$0x110]  }
0x103: {  	v3 =	vld [tilespmem:$0x120]  }
0x104: {  	v62 =	vld [tilespmem:$0x130]  }
0x105: {  	v63 =	vld [tilespmem:$0x140]  }
0x106: {  	v1 =	vadd.s32 v0, v1  }
0x107: {  	[tilespmem:$0x100] =	vst v1;
	v1 =	vadd.s32 v0, v2  }
.Ltmp6:
0x108: {  	[tilespmem:$0x110] =	vst v1;
	v1 =	vadd.s32 v0, v3;
	(pc) =	sbr.rel .LBB2_6-.Ltmp6, $4  }
0x109: {  	[tilespmem:$0x120] =	vst v1;
	v1 =	vadd.s32 v0, v62  }
0x10a: {  	[tilespmem:$0x130] =	vst v1;
	v1 =	vadd.s32 v0, v63  }
0x10b: {  	[tilespmem:$0x140] =	vst v1  }
0x10c: {  	[tilespmem:s21], [sflag:$0x7] =	stream.indirect.gather [hbm4b:s1+s23], $0x80, s25, s23, $0xb8;
	[tilespmem:$0x1DC80] =	vst v63  }
.LBB2_8:
0x10d: {  	_ =	sfence.sel $0x180000  }
0x10e: {  	[bflag:$0x0] =	sbarrier.arrive $0xFFFF  }
0x10f: {  	_ =	strace $0x9000004A  }
0x110: {  	s0 =	stileid.u32;
	[bflag:$0x2] =	sbarrier.arrive $0xFFFF  }
0x111: {  	p0 =	sne.s32 s0, $0x0;
	s0 =	rddreg [dreg:$0x3]  }
0x112: {  	s0 =	sadd.s32 @!p0 $0x100000, s0  }
0x113: {  	[sflag:s0] =	ssyncadd.tile.s32 @!p0 $0x1;
	_ =	shalt  }
.Lfunc_end2:
_tile_overlayer_lowered:
.L_overlay_start_2:
0x114: {  	(tag) =	ssettag $0x2  }
0x115: {  	s0 =	rddreg [dreg:$0x0];
	s2 =	stileid.u32  }
0x116: {  	s1 =	rddreg [dreg:$0x1];
	p0 =	sne.s32 s2, $0x0  }
0x117: {  	s3 =	rddreg [dreg:$0x2];
	[bflag:$0x3] =	sbarrier.arrive $0xFFFF;
	s2 =	simm.s32 @!p0 $0x1C0E  }
0x118: {  	[timem:s3], [sflag:s2] =	dma.local @!p0 [hbm:s0], s1  }
0x119: {  	s0 =	simm.s32 @!p0 $0xE  }
0x11a: {  	_ =	swait.ge @!p0 [sflag:s0], s1  }
0x11b: {  	s1 =	ssub.s32 @!p0 $0x0, s1;
	[sflag:s0] =	ssyncset.done @!p0 $0x0  }
0x11c: {  	[sflag:s0] =	ssyncadd.s32 @!p0 s1  }
0x11d: {  	[bflag:$0x3] =	sbarrier.arrive $0xFFFF  }
0x11e: {  	_ =	shalt  }

// kernel: kernel.16.cloned.1.call-start
scs
__scs_entry_jumppad:
0x0: {  	(pc) =	sbr.rel $0x88, $3  }
0x1: {  	(tag) =	ssettag $0x0;
	lr =	simm.s32 $0x1  }
0x2: {  	[smem:$0x3F99] =	sst lr;
	_ =	strace $0xD0000000  }
0x3: {  	_ = 	snop  }
0x4: {  	_ = 	snop  }
0x5: {  	_ = 	snop  }
0x6: {  	_ = 	snop  }
0x7: {  	_ = 	snop  }
__scs_overlays_trampoline_lowered:
0x8: {  	[smem:$0x3FA8] =	sst s0  }
0x9: {  	[smem:$0x3FA9] =	sst s1  }
0xa: {  	[smem:$0x3FAA] =	sst s2  }
0xb: {  	[smem:$0x3FAB] =	sst s3  }
0xc: {  	[smem:$0x3FAC] =	sst s4  }
0xd: {  	[smem:$0x3FAD] =	sst s5  }
0xe: {  	[smem:$0x3FAE] =	sst s6  }
0xf: {  	[smem:$0x3FAF] =	sst s7  }
0x10: {  	[smem:$0x3FB0] =	sst s8  }
0x11: {  	[smem:$0x3FB1] =	sst s9;
	s0 =	simm.s32 @!p0 $0x0  }
0x12: {  	s1 =	sld [smem:$0x3F97];
	s0 =	simm.s32 @p0 $0x1  }
0x13: {  	[smem:$0x3FB2] =	sst s0;
	s0 =	simm.s32 @!p1 $0x0  }
0x14: {  	s2 =	sld [smem:$0x3F96];
	s0 =	simm.s32 @p1 $0x1  }
0x15: {  	[smem:$0x3FB3] =	sst s0;
	s0 =	simm.s32 @!p2 $0x0  }
0x16: {  	s3 =	sld [smem:$0x3FDB];
	s0 =	simm.s32 @p2 $0x1  }
0x17: {  	s4 =	simm.s32 $0x1BF5;
	[smem:$0x3FB5] =	sst s0  }
0x18: {  	s0 =	sld [smem:$0x3F98];
	_ =	swait.ge [sflag:s4], $0x0  }
0x19: {  	s7 =	sld [smem:$0x3F99]  }
0x1a: {  	s8 =	sadd.s32 $0xFFFFE003, lr  }
0x1b: {  	s9 =	sadd.s32 $0xFFFFFEF7, lr;
	s5 =	simm.s32 $0xFFFFFFFF;
	p2 =	slt.u32 s8, $0xFFFFF086  }
0x1c: {  	p1 =	slt.u32 s9, $0xF7A;
	s5 =	simm.s32 @!p2 $0x0  }
0x1d: {  	s5 =	simm.s32 @p1 $0x1;
	p0 =	seq.s32 s7, s2  }
0x1e: {  	s7 =	smul.u32 @!p0 $0xF7A, s2;
	p2 =	seq.s32 @!p0 s5, $0x0  }
0x1f: {  	s9 =	smul.u32 $0xF7A, s1;
	s8 =	simm.s32 @!p0 $0x1BF5;
	p2 =	por !p2, p0  }
0x20: {  	[sflag:s8] =	ssyncset.s32 @!p0 $0xFFFFF086;
	s6 =	sadd.s32 @!p0 s3, s7;
	s7 =	simm.s32 @!p0 $0x108  }
0x21: {  	s3 =	sadd.s32 s3, s9;
	s6 =	sadd.s32 @!p0 $0x88, s6;
	s7 =	simm.s32 @p2 $0x1082  }
0x22: {  	[simem:s7], [sflag:s8] =	dma.local @!p0 [hbm:s6], $0xF7A  }
0x23: {  	s9 =	sor.u32 $0xD0000000, s2;
	s6 =	simm.s32 $0x108;
	_ =	swait.ge @!p0 [sflag:s8], $0x0  }
0x24: {  	s3 =	sadd.s32 $0x88, s3;
	s6 =	simm.s32 @!p1 $0x1082;
	[sflag:s4] =	ssyncset.s32 $0xFFFFF086  }
0x25: {  	[simem:s6], [sflag:s4] =	dma.local [hbm:s3], $0xF7A  }
0x26: {  	[smem:$0x3F99] =	sst s1;
	(tag) =	ssettag s2;
	_ =	strace s9  }
0x27: {  	s1 =	sld [smem:$0x3FA9]  }
0x28: {  	s2 =	sld [smem:$0x3FAA]  }
0x29: {  	s4 =	sld [smem:$0x3FAC]  }
0x2a: {  	p0 =	seq.s32 s5, $0x0;
	s5 =	sld [smem:$0x3FAD]  }
0x2b: {  	s6 =	sld [smem:$0x3FAE]  }
0x2c: {  	s7 =	sld [smem:$0x3FAF]  }
0x2d: {  	s3 =	simm.s32 $0x108;
	s8 =	sld [smem:$0x3FB0]  }
0x2e: {  	s3 =	simm.s32 @!p0 $0x1082;
	s9 =	sld [smem:$0x3FB1]  }
0x2f: {  	lr =	sadd.s32 s0, s3;
	s0 =	sld [smem:$0x3FA8]  }
0x30: {  	s3 =	sld [smem:$0x3FAB]  }
0x31: {  	[smem:$0x3FB4] =	sst s10  }
0x32: {  	s10 =	sld [smem:$0x3FB2];
	_ =	sdelay $0x3  }
0x33: {  	p0 =	seq.s32 s10, $0x1;
	s10 =	sld [smem:$0x3FB4];
	_ =	sdelay $0x3  }
0x34: {  	[smem:$0x3FB4] =	sst s10  }
0x35: {  	s10 =	sld [smem:$0x3FB3];
	_ =	sdelay $0x3  }
0x36: {  	p1 =	seq.s32 s10, $0x1;
	s10 =	sld [smem:$0x3FB4];
	_ =	sdelay $0x3  }
0x37: {  	[smem:$0x3FB4] =	sst s10  }
0x38: {  	s10 =	sld [smem:$0x3FB5]  }
0x39: {  	_ = 	snop;
	(pc) =	sbr.ind lr, $3  }
0x3a: {  	_ = 	snop  }
0x3b: {  	_ = 	snop  }
0x3c: {  	p2 =	seq.s32 s10, $0x1;
	s10 =	sld [smem:$0x3FB4]  }
0x3d: {  	_ =	shalt  }
0x3e: {  	_ =	shalt  }
0x3f: {  	_ =	shalt  }
0x40: {  	_ =	shalt  }
0x41: {  	_ =	shalt  }
0x42: {  	_ =	shalt  }
0x43: {  	_ =	shalt  }
0x44: {  	_ =	shalt  }
0x45: {  	_ =	shalt  }
0x46: {  	_ =	shalt  }
0x47: {  	_ =	shalt  }
0x48: {  	_ =	shalt  }
0x49: {  	_ =	shalt  }
0x4a: {  	_ =	shalt  }
0x4b: {  	_ =	shalt  }
0x4c: {  	_ =	shalt  }
0x4d: {  	_ =	shalt  }
0x4e: {  	_ =	shalt  }
0x4f: {  	_ =	shalt  }
0x50: {  	_ =	shalt  }
0x51: {  	_ =	shalt  }
0x52: {  	_ =	shalt  }
0x53: {  	_ =	shalt  }
0x54: {  	_ =	shalt  }
0x55: {  	_ =	shalt  }
0x56: {  	_ =	shalt  }
0x57: {  	_ =	shalt  }
0x58: {  	_ =	shalt  }
0x59: {  	_ =	shalt  }
0x5a: {  	_ =	shalt  }
0x5b: {  	_ =	shalt  }
0x5c: {  	_ =	shalt  }
0x5d: {  	_ =	shalt  }
0x5e: {  	_ =	shalt  }
0x5f: {  	_ =	shalt  }
0x60: {  	_ =	shalt  }
0x61: {  	_ =	shalt  }
0x62: {  	_ =	shalt  }
0x63: {  	_ =	shalt  }
0x64: {  	_ =	shalt  }
0x65: {  	_ =	shalt  }
0x66: {  	_ =	shalt  }
0x67: {  	_ =	shalt  }
0x68: {  	_ =	shalt  }
0x69: {  	_ =	shalt  }
0x6a: {  	_ =	shalt  }
0x6b: {  	_ =	shalt  }
0x6c: {  	_ =	shalt  }
0x6d: {  	_ =	shalt  }
0x6e: {  	_ =	shalt  }
0x6f: {  	_ =	shalt  }
0x70: {  	_ =	shalt  }
0x71: {  	_ =	shalt  }
0x72: {  	_ =	shalt  }
0x73: {  	_ =	shalt  }
0x74: {  	_ =	shalt  }
0x75: {  	_ =	shalt  }
0x76: {  	_ =	shalt  }
0x77: {  	_ =	shalt  }
0x78: {  	_ =	shalt  }
0x79: {  	_ =	shalt  }
0x7a: {  	_ =	shalt  }
0x7b: {  	_ =	shalt  }
0x7c: {  	_ =	shalt  }
0x7d: {  	_ =	shalt  }
0x7e: {  	_ =	shalt  }
0x7f: {  	_ =	shalt  }
0x80: {  	_ =	shalt  }
0x81: {  	_ =	shalt  }
0x82: {  	_ =	shalt  }
0x83: {  	_ =	shalt  }
0x84: {  	_ =	shalt  }
0x85: {  	_ =	shalt  }
0x86: {  	_ =	shalt  }
0x87: {  	_ =	shalt  }
.Lfunc_end0:
.L_simem_size_0:
called_computation.2_lowered:
.L_overlay_start_0:
0x88: {  	s2 =	sld [smem:$0x3FD9]  }
0x89: {  	s3 =	sld [smem:$0x3FFE];
	_ =	sdelay $0x1  }
0x8a: {  	s1 =	srdreg.scid  }
0x8b: {  	s0 =	sand.u32 $0x1, s1  }
0x8c: {  	s17 =	sshll.u32 s0, $0xA;
	s2 =	sadd.s32 s3, s2  }
0x8d: {  	s2 =	sadd.s32 s2, s17  }
0x8e: {  	[smem:$0x3FC0] =	sst s2  }
0x8f: {  	_ = 	snop  }
0x90: {  	s2 =	sld [smem:$0x3FD0];
	(tm) =	ssettm $0x1  }
0x91: {  	s18 =	sld [smem:$0x3FFB];
	_ =	sdelay $0x3  }
0x92: {  	_ =	strace s18  }
0x93: {  	s3 =	sld [smem:$0x3FFC];
	_ =	sdelay $0x3  }
0x94: {  	_ =	strace s3  }
0x95: {  	s3 =	sld [smem:$0x3FFD];
	_ =	sdelay $0x3  }
0x96: {  	_ =	strace s3  }
0x97: {  	_ =	strace $0x8FFFFFFF  }
0x98: {  	s19 =	sld [smem:$0x3FDB];
	_ =	sdelay $0x1  }
0x99: {  	s4 =	simm.s32 $_scs_section_size  }
0x9a: {  	s5 =	simm.s32 $_size__tile_overlayer_lowered;
	s6 =	simm.s32 $_tile_overlayer_lowered  }
0x9b: {  	s22 =	simm.s32 $0x1BFF;
	s21 =	sshll.u32 s6, $0x1;
	s3 =	sadd.s32 s4, s19  }
0x9c: {  	s7 =	simm.s32 $0x0;
	s20 =	sshll.u32 s5, $0x1;
	s5 =	sadd.s32 s21, s3  }
0x9d: {  	[timem:s7], [sflag:s22] =	dma.local [hbm:s5], s20  }
0x9e: {  	_ =	swait.ge [sflag:s22], s20  }
0x9f: {  	s4 =	ssub.s32 $0x0, s20;
	[sflag:s22] =	ssyncset.done $0x0  }
0xa0: {  	[sflag:s22] =	ssyncadd.s32 s4;
	_ =	sdelay $0x1  }
0xa1: {  	s23 =	simm.s32 $0x1B8B  }
0xa2: {  	_ =	swait.ge [sflag:s23], $0x1  }
0xa3: {  	[sflag:s23] =	ssyncset.done $0x0  }
0xa4: {  	s25 =	simm.s32 $0x1B8E;
	s24 =	sld [smem:$0x3FFE];
	[sflag:s23] =	ssyncadd.s32 $0xFFFFFFFF  }
0xa5: {  	s26 =	simm.s32 $execute0_lowered;
	[smem:$0x3FD2] =	sst s25  }
0xa6: {  	s5 =	sshll.u32 s26, $0x1;
	_ =	strace $0x8000004C;
	[dreg:$0x1] =	wrdreg $0xFFFFFFFF  }
0xa7: {  	s28 =	simm.s32 $_size_execute0_lowered;
	s3 =	sadd.s32 s3, s5;
	[dreg:$0x0] =	wrdreg $0x0  }
0xa8: {  	s5 =	sshll.u32 s28, $0x1;
	[dreg:$0x2] =	wrdreg s3  }
0xa9: {  	[dreg:$0x3] =	wrdreg s5  }
0xaa: {  	[dreg:$0x4] =	wrdreg $0xC0  }
0xab: {  	_ =	task [dreg:s7], $0x5FFFF  }
0xac: {  	[dreg:$0x1] =	wrdreg $0xFFFFFFFF  }
0xad: {  	[dreg:$0x0] =	wrdreg $0x60  }
0xae: {  	[dreg:$0x2] =	wrdreg s2  }
0xaf: {  	[dreg:$0x3] =	wrdreg s24  }
0xb0: {  	[dreg:$0x4] =	wrdreg $0xA4000  }
0xb1: {  	[dreg:$0x5] =	wrdreg $0x9  }
0xb2: {  	_ =	task.clear_ibuf [dreg:s7], $0x6FFFF;
	_ =	strace $0x9000004C  }
0xb3: {  	s29 =	simm.s32 $0x9;
	_ =	strace $0x8000004E  }
0xb4: {  	_ =	swait.ge [sflag:s29], $0x1  }
0xb5: {  	[sflag:s29] =	ssyncadd.s32 $0xFFFFFFFF  }
0xb6: {  	_ =	strace $0x9000004E  }
0xb7: {  	_ =	sfence  }
0xb8: {  	s30 =	sld [smem:$0x0];
	_ =	sdelay $0x2  }
0xb9: {  	s31 =	sshll.u32 s1, $0xD;
	s1 =	sshrl.u32 s1, $0x2  }
0xba: {  	s3 =	sand.u32 $0x4000, s31;
	s1 =	sadd.s32 s1, s30  }
0xbb: {  	s0 =	sor.u32 s3, s0;
	s1 =	sshll.u32 s1, $0x11  }
0xbc: {  	s0 =	sor.u32 s1, s0  }
0xbd: {  	s0 =	sadd.s32 $0x8F2B, s0  }
0xbe: {  	[sflag:s0] =	ssyncadd.remote.s32 $0x1  }
0xbf: {  	_ =	sfence.sel $0xFFFF  }
0xc0: {  	[dreg:$0x0] =	wrdreg $0xFFFFFFFF;
	(pc) =	sbr.abs _section_cstart, $3  }
0xc1: {  	[dreg:$0x1] =	wrdreg $0xFFFFFFFF  }
0xc2: {  	_ =	task.clear_ibuf [dreg:s7], $0x2FFFF;
	_ =	strace $0x9FFFFFFF  }
0xc3: {  	(tm) =	ssettm $0x7FFFFFFF  }
tec
execute0_lowered:
.L_overlay_start_1:
0x0: {  	(tag) =	ssettag $0x1  }
0x1: {  	s1 =	rddreg [dreg:$0x0]  }
0x2: {  	s0 =	rddreg [dreg:$0x1]  }
0x3: {  	s2 =	rddreg [dreg:$0x2];
	s3 =	simm.s32 $0x0  }
0x4: {  	s4 =	srdreg.scid;
	s15 =	stileid.u32;
	s19 =	simm.s32 $0x200  }
0x5: {  	s28 =	simm.s32 $0x2;
	s30 =	simm.s32 $0x180;
	s31 =	simm.s32 $0x380  }
0x6: {  	[smem:$0x7FF] =	sst s3;
	s5 =	sadd.s32 $0x2600, s0;
	s8 =	smul.u32 $0x50000, s15  }
0x7: {  	s4 =	sand.u32 $0x1, s4;
	s6 =	sadd.s32 $0x7600, s0;
	s10 =	smul.u32 $0x50, s15  }
0x8: {  	s7 =	sadd.s32 $0xC600, s0;
	s0 =	sadd.s32 $0xEE00, s0;
	s21 =	smul.u32 $0xA, s15  }
0x9: {  	s12 =	smul.u32 $0x280, s15;
	s22 =	sadd.s32 $0x12C000, s2;
	p0 =	seq.s32 s15, $0xF  }
0xa: {  	_ =	strace $0x8000004D;
	s11 =	smul.u32 $0x2710, s4;
	[dreg:$0x4] =	wrdreg s7  }
0xb: {  	s20 =	ssub.s32 $0x2, s4;
	[dreg:$0x6] =	wrdreg s22;
	s4 =	smul.u32 $0x138800, s4  }
0xc: {  	s22 =	simm.s32 $0x1;
	s9 =	sshrl.u32 s20, $0x1;
	s8 =	sshrl.u32 s8, $0x2  }
0xd: {  	s10 =	sshrl.u32 s10, $0x3;
	s7 =	ssub.s32 s20, s9;
	s8 =	sadd.s32 s8, s2  }
0xe: {  	s13 =	sadd.s32 $0xA0, s10;
	s9 =	sadd.s32 s6, s21;
	s23 =	sadd.s32 $0x140, s10  }
0xf: {  	s10 =	sadd.s32 $0x1E0, s10;
	s12 =	sadd.s32 s12, s11;
	s4 =	sshrl.u32 s4, $0x3  }
0x10: {  	s20 =	simm.s32 $0x80;
	v0 =	vmov s11;
	s11 =	simm.s32 $0x8;
	[dreg:$0x5] =	wrdreg s8  }
0x11: {  	s8 =	sadd.s32 s5, s21;
	s14 =	sadd.s32 s5, s13;
	s13 =	sadd.s32 s6, s13  }
0x12: {  	s24 =	sadd.s32 s5, s23;
	s25 =	sadd.s32 s6, s23;
	[dreg:$0x7] =	wrdreg s14  }
0x13: {  	s5 =	sadd.s32 s5, s10;
	s26 =	sshll.u32 s12, $0x4;
	[dreg:$0x8] =	wrdreg s13  }
0x14: {  	s6 =	sadd.s32 s6, s10;
	s29 =	smax.u32 s7, $0x1;
	[dreg:$0x9] =	wrdreg s24  }
0x15: {  	s23 =	simm.s32 $0x50;
	s21 =	simm.s32 $0x5400;
	[dreg:$0xa] =	wrdreg s25  }
0x16: {  	s7 =	simm.s32 $0x4;
	s10 =	simm.s32 $0x7C00;
	[dreg:$0xb] =	wrdreg s5  }
.Ltmp0:
0x17: {  	s12 =	simm.s32 $0xC;
	[dreg:$0xc] =	wrdreg s6;
	(pc) =	sbr.rel .LBB2_1-.Ltmp0, $4  }
0x18: {  	s5 =	sadd.s32 s0, s26;
	s0 =	sadd.s32 s0, s4;
	[dreg:$0xf] =	wrdreg s29  }
0x19: {  	s24 =	simm.s32 $0x400;
	s25 =	simm.s32 $0x100;
	s4 =	simm.s32 $0x5  }
0x1a: {  	s6 =	simm.s32 $0x9;
	[dreg:$0xd] =	wrdreg s5;
	s0 =	sadd.s32 $0x25800, s0  }
0x1b: {  	s13 =	simm.s32 $0x0;
	[dreg:$0xe] =	wrdreg s0;
	s0 =	simm.s32 $0x3  }
.LBB2_7:
0x1c: {  	[bflag:$0x0] =	sbarrier.arrive $0xFFFF  }
0x1d: {  	s14 =	rddreg [dreg:$0xe]  }
0x1e: {  	s5 =	simm.s32 @p0 $0x1FCE;
	s15 =	rddreg [dreg:$0x12]  }
0x1f: {  	[hbm:s14], [sflag:s5] =	dma.local @p0 [spmem:s15], $0x1900  }
0x20: {  	s5 =	simm.s32 @p0 $0xE  }
0x21: {  	_ =	swait.ge @p0 [sflag:s5], $0x1900  }
0x22: {  	[sflag:s5] =	ssyncset.done @p0 $0x0;
	s14 =	rddreg [dreg:$0xd]  }
0x23: {  	[sflag:s5] =	ssyncadd.s32 @p0 $0xFFFFE700;
	s5 =	rddreg [dreg:$0x10]  }
0x24: {  	s15 =	rddreg [dreg:$0x11];
	s5 =	sor.u32 @!p0 $0x1C0E, s5  }
0x25: {  	[hbm:s14], [sflag:s5] =	dma.local @!p0 [spmem:s15], $0x2800  }
0x26: {  	s5 =	simm.s32 @!p0 $0xE  }
0x27: {  	_ =	swait.ge @!p0 [sflag:s5], $0x2800  }
0x28: {  	s13 =	sadd.s32 $0x1, s13;
	s29 =	rddreg [dreg:$0xf]  }
0x29: {  	p1 =	sne.s32 s13, s29  }
.Ltmp1:
0x2a: {  	_ = 	snop;
	(pc) =	sbr.rel @!p1 .LBB2_8-.Ltmp1, $3  }
0x2b: {  	_ =	sdelay $0x1  }
0x2c: {  	[sflag:s5] =	ssyncset.done @!p0 $0x0  }
0x2d: {  	[sflag:s5] =	ssyncadd.s32 @!p0 $0xFFFFD800  }
.LBB2_1:
0x2e: {  	s5 =	rddreg [dreg:$0x6]  }
0x2f: {  	s14 =	rddreg [dreg:$0x4];
	s15 =	sshrl.u32 @p0 s5, $0x3  }
0x30: {  	s5 =	simm.s32 @p0 $0x1FCD;
	[dreg:$0x12] =	wrdreg s15  }
0x31: {  	[spmem:s15], [sflag:s5] =	dma.local @p0 [hbm:s14], $0x1900  }
0x32: {  	s5 =	stileid.u32  }
0x33: {  	s5 =	sshll.u32 @!p0 s5, $0x6;
	s15 =	rddreg [dreg:$0x5]  }
0x34: {  	[dreg:$0x10] =	wrdreg s5;
	s15 =	sshrl.u32 @!p0 s15, $0x3  }
0x35: {  	s5 =	sor.u32 @!p0 $0x1C0D, s5;
	[dreg:$0x11] =	wrdreg s15  }
0x36: {  	[spmem:s15], [sflag:s5] =	dma.local @!p0 [hbm:s14], $0x2800  }
0x37: {  	[tilespmem:s3], [sflag:$0x1] =	stream.linear.gather [hbm4b:s8+s3], $0x50, $0x38;
	[tilespmem:$0x1DC80] =	vst v63  }
0x38: {  	_ = 	snop  }
0x39: {  	[tilespmem:s19], [sflag:$0x1] =	stream.linear.gather [hbm4b:s9+s3], $0x50, $0x38;
	[tilespmem:$0x1DC80] =	vst v63  }
0x3a: {  	s5 =	rddreg [dreg:$0x7]  }
0x3b: {  	[tilespmem:s20], [sflag:$0x2] =	stream.linear.gather [hbm4b:s5+s3], $0x50, $0x38;
	[tilespmem:$0x1DC80] =	vst v63  }
0x3c: {  	s29 =	simm.s32 $0x280;
	s26 =	rddreg [dreg:$0x8]  }
0x3d: {  	[tilespmem:s29], [sflag:$0x2] =	stream.linear.gather [hbm4b:s26+s3], $0x50, $0x38;
	[tilespmem:$0x1DC80] =	vst v63  }
0x3e: {  	_ =	swait.ge [sflag:s22], $0x50  }
0x3f: {  	[sflag:s22] =	ssyncset.done $0x0  }
0x40: {  	[sflag:s22] =	ssyncadd.s32 $0xFFFFFFB0  }
0x41: {  	_ =	swait.ge [sflag:s22], $0x50  }
0x42: {  	[sflag:s22] =	ssyncset.done $0x0  }
0x43: {  	[sflag:s22] =	ssyncadd.s32 $0xFFFFFFB0  }
0x44: {  	v1 =	vld [tilespmem:$0x0]  }
0x45: {  	v2 =	vld [tilespmem:$0x10]  }
0x46: {  	v3 =	vld [tilespmem:$0x20]  }
0x47: {  	v4 =	vld [tilespmem:$0x30]  }
0x48: {  	v5 =	vld [tilespmem:$0x40]  }
0x49: {  	v1 =	vadd.s32 v0, v1  }
0x4a: {  	[tilespmem:$0x0] =	vst v1;
	v1 =	vadd.s32 v0, v2  }
0x4b: {  	[tilespmem:$0x10] =	vst v1;
	v1 =	vadd.s32 v0, v3  }
0x4c: {  	[tilespmem:$0x20] =	vst v1;
	v1 =	vadd.s32 v0, v4  }
0x4d: {  	[tilespmem:$0x30] =	vst v1;
	v1 =	vadd.s32 v0, v5  }
0x4e: {  	[tilespmem:$0x40] =	vst v1  }
0x4f: {  	[tilespmem:s24], [sflag:$0x5] =	stream.indirect.gather [hbm4b:s1+s23], $0x80, s3, s23, $0xb8;
	[tilespmem:$0x1DC80] =	vst v63  }
0x50: {  	s15 =	rddreg [dreg:$0x9]  }
0x51: {  	[tilespmem:s25], [sflag:$0x3] =	stream.linear.gather [hbm4b:s15+s3], $0x50, $0x38;
	[tilespmem:$0x1DC80] =	vst v63  }
0x52: {  	s17 =	simm.s32 $0x300;
	s16 =	rddreg [dreg:$0xa]  }
0x53: {  	[tilespmem:s17], [sflag:$0x3] =	stream.linear.gather [hbm4b:s16+s3], $0x50, $0x38;
	[tilespmem:$0x1DC80] =	vst v63  }
0x54: {  	_ =	swait.ge [sflag:s28], $0x50  }
0x55: {  	[sflag:s28] =	ssyncset.done $0x0  }
0x56: {  	[sflag:s28] =	ssyncadd.s32 $0xFFFFFFB0  }
0x57: {  	_ =	swait.ge [sflag:s28], $0x50  }
0x58: {  	[sflag:s28] =	ssyncset.done $0x0  }
0x59: {  	[sflag:s28] =	ssyncadd.s32 $0xFFFFFFB0  }
0x5a: {  	v1 =	vld [tilespmem:$0x80]  }
0x5b: {  	v2 =	vld [tilespmem:$0x90]  }
0x5c: {  	v3 =	vld [tilespmem:$0xA0]  }
0x5d: {  	v60 =	vld [tilespmem:$0xB0]  }
0x5e: {  	v61 =	vld [tilespmem:$0xC0]  }
0x5f: {  	v1 =	vadd.s32 v0, v1  }
0x60: {  	[tilespmem:$0x80] =	vst v1;
	v1 =	vadd.s32 v0, v2  }
0x61: {  	[tilespmem:$0x90] =	vst v1;
	v1 =	vadd.s32 v0, v3  }
0x62: {  	[tilespmem:$0xA0] =	vst v1;
	v1 =	vadd.s32 v0, v60  }
0x63: {  	[tilespmem:$0xB0] =	vst v1;
	v1 =	vadd.s32 v0, v61  }
0x64: {  	s18 =	simm.s32 $0x2C00;
	[tilespmem:$0xC0] =	vst v1  }
0x65: {  	[tilespmem:s18], [sflag:$0x6] =	stream.indirect.gather [hbm4b:s1+s23], $0x80, s20, s23, $0xb8;
	[tilespmem:$0x1DC80] =	vst v63  }
0x66: {  	s26 =	rddreg [dreg:$0xb]  }
0x67: {  	[tilespmem:s30], [sflag:$0x4] =	stream.linear.gather [hbm4b:s26+s3], $0x50, $0x38;
	[tilespmem:$0x1DC80] =	vst v63  }
0x68: {  	s29 =	rddreg [dreg:$0xc]  }
0x69: {  	[tilespmem:s31], [sflag:$0x4] =	stream.linear.gather [hbm4b:s29+s3], $0x50, $0x38;
	[tilespmem:$0x1DC80] =	vst v63  }
0x6a: {  	_ =	swait.ge [sflag:s0], $0x50  }
0x6b: {  	[sflag:s0] =	ssyncset.done $0x0  }
0x6c: {  	[sflag:s0] =	ssyncadd.s32 $0xFFFFFFB0  }
0x6d: {  	_ =	swait.ge [sflag:s0], $0x50  }
0x6e: {  	[sflag:s0] =	ssyncset.done $0x0  }
0x6f: {  	[sflag:s0] =	ssyncadd.s32 $0xFFFFFFB0  }
0x70: {  	v1 =	vld [tilespmem:$0x100]  }
0x71: {  	v2 =	vld [tilespmem:$0x110]  }
0x72: {  	v3 =	vld [tilespmem:$0x120]  }
0x73: {  	v62 =	vld [tilespmem:$0x130]  }
0x74: {  	v63 =	vld [tilespmem:$0x140]  }
0x75: {  	v1 =	vadd.s32 v0, v1  }
0x76: {  	[tilespmem:$0x100] =	vst v1;
	v1 =	vadd.s32 v0, v2  }
0x77: {  	[tilespmem:$0x110] =	vst v1;
	v1 =	vadd.s32 v0, v3  }
0x78: {  	[tilespmem:$0x120] =	vst v1;
	v1 =	vadd.s32 v0, v62  }
0x79: {  	[tilespmem:$0x130] =	vst v1;
	v1 =	vadd.s32 v0, v63  }
0x7a: {  	s5 =	simm.s32 @p0 $0xD;
	[tilespmem:$0x140] =	vst v1  }
0x7b: {  	[tilespmem:s21], [sflag:$0x7] =	stream.indirect.gather [hbm4b:s1+s23], $0x80, s25, s23, $0xb8;
	[tilespmem:$0x1DC80] =	vst v63  }
0x7c: {  	_ =	swait.ge @p0 [sflag:s5], $0x1900  }
0x7d: {  	[sflag:s5] =	ssyncset.done @p0 $0x0  }
0x7e: {  	[sflag:s5] =	ssyncadd.s32 @p0 $0xFFFFE700;
	s5 =	simm.s32 @!p0 $0xD  }
0x7f: {  	_ =	swait.ge @!p0 [sflag:s5], $0x2800  }
0x80: {  	[sflag:s5] =	ssyncset.done @!p0 $0x0  }
0x81: {  	[sflag:s5] =	ssyncadd.s32 @!p0 $0xFFFFD800  }
.Ltmp2:
0x82: {  	[bflag:$0x0] =	sbarrier.arrive $0xFFFF;
	(pc) =	sbr.rel .LBB2_2-.Ltmp2, $4  }
0x83: {  	_ =	swait.ge [sflag:s4], $0x2800  }
0x84: {  	[sflag:s4] =	ssyncset.done $0x0  }
0x85: {  	s17 =	simm.s32 $0x0;
	s18 =	simm.s32 $0x0;
	[sflag:s4] =	ssyncadd.s32 $0xFFFFD800  }
0x86: {  	[spmem:s2] =	stream.indirect.scatter.add.f32 [tilespmem:s24], [sflag:$0x9], $0x80, s19, s23, $0xb8;
	[tilespmem:$0x1DC80] =	vst v63  }
.LBB2_5:
0x87: {  	_ =	swait.ge [sflag:s11], $0x2800  }
0x88: {  	[sflag:s11] =	ssyncset.done $0x0  }
0x89: {  	[sflag:s11] =	ssyncadd.s32 $0xFFFFD800  }
0x8a: {  	[spmem:s2] =	stream.indirect.scatter.add.f32 [tilespmem:s10], [sflag:$0xC], $0x80, s31, s23, $0xb8;
	[tilespmem:$0x1DC80] =	vst v63  }
0x8b: {  	_ =	swait.ge [sflag:s12], $0x2800  }
0x8c: {  	[sflag:s12] =	ssyncset.done $0x0  }
0x8d: {  	[sflag:s12] =	ssyncadd.s32 $0xFFFFD800  }
.LBB2_6:
0x8e: {  	s17 =	sadd.s32 $0x280, s17  }
0x8f: {  	p1 =	sne.s32 s17, $0x5000  }
.Ltmp3:
0x90: {  	_ = 	snop;
	(pc) =	sbr.rel @!p1 .LBB2_7-.Ltmp3, $4  }
0x91: {  	_ =	swait.ge [sflag:s4], $0x2800  }
0x92: {  	[sflag:s4] =	ssyncset.done $0x0  }
0x93: {  	s18 =	sadd.s32 $0x1, s18;
	[sflag:s4] =	ssyncadd.s32 $0xFFFFD800  }
0x94: {  	[spmem:s2] =	stream.indirect.scatter.add.f32 [tilespmem:s24], [sflag:$0x9], $0x80, s19, s23, $0xb8;
	[tilespmem:$0x1DC80] =	vst v63  }
.LBB2_2:
0x95: {  	p1 =	seq.s32 s17, $0x4D80  }
.Ltmp4:
0x96: {  	_ = 	snop;
	(pc) =	sbr.rel @p1 .LBB2_7-.Ltmp4, $4  }
0x97: {  	_ = 	snop  }
0x98: {  	_ =	swait.ge [sflag:s6], $0x2800  }
0x99: {  	[sflag:s6] =	ssyncset.done $0x0  }
0x9a: {  	[sflag:s6] =	ssyncadd.s32 $0xFFFFD800  }
0x9b: {  	s5 =	sadd.s32 s17, s8  }
0x9c: {  	s14 =	sadd.s32 $0x280, s5  }
0x9d: {  	[tilespmem:s3], [sflag:$0x1] =	stream.linear.gather [hbm4b:s14+s3], $0x50, $0x38;
	[tilespmem:$0x1DC80] =	vst v63  }
0x9e: {  	s14 =	sadd.s32 s17, s9  }
0x9f: {  	s15 =	sadd.s32 $0x280, s14  }
0xa0: {  	[tilespmem:s19], [sflag:$0x1] =	stream.linear.gather [hbm4b:s15+s3], $0x50, $0x38;
	[tilespmem:$0x1DC80] =	vst v63  }
0xa1: {  	_ =	swait.ge [sflag:s7], $0x50  }
0xa2: {  	[sflag:s7] =	ssyncset.done $0x0  }
0xa3: {  	[sflag:s7] =	ssyncadd.s32 $0xFFFFFFB0  }
0xa4: {  	_ =	swait.ge [sflag:s7], $0x50  }
0xa5: {  	[sflag:s7] =	ssyncset.done $0x0  }
0xa6: {  	[sflag:s7] =	ssyncadd.s32 $0xFFFFFFB0  }
0xa7: {  	v1 =	vld [tilespmem:$0x180]  }
0xa8: {  	v2 =	vld [tilespmem:$0x190]  }
0xa9: {  	v3 =	vld [tilespmem:$0x1A0]  }
0xaa: {  	v4 =	vld [tilespmem:$0x1B0]  }
0xab: {  	v5 =	vld [tilespmem:$0x1C0]  }
0xac: {  	v1 =	vadd.s32 v0, v1  }
0xad: {  	[tilespmem:$0x180] =	vst v1;
	v1 =	vadd.s32 v0, v2  }
0xae: {  	[tilespmem:$0x190] =	vst v1;
	v1 =	vadd.s32 v0, v3  }
0xaf: {  	[tilespmem:$0x1A0] =	vst v1;
	v1 =	vadd.s32 v0, v4  }
0xb0: {  	p1 =	sgt.u32 s18, $0x1E;
	[tilespmem:$0x1B0] =	vst v1;
	v1 =	vadd.s32 v0, v5  }
0xb1: {  	s15 =	simm.s32 @!p1 $0x6;
	[tilespmem:$0x1C0] =	vst v1  }
0xb2: {  	[tilespmem:s10], [sflag:$0x8] =	stream.indirect.gather [hbm4b:s1+s23], $0x80, s30, s23, $0xb8;
	[tilespmem:$0x1DC80] =	vst v63  }
0xb3: {  	_ =	swait.ge @!p1 [sflag:s15], $0x2800  }
0xb4: {  	s16 =	simm.s32 @!p1 $0x280;
	[sflag:s15] =	ssyncset.done @!p1 $0x0  }
0xb5: {  	s26 =	simm.s32 @!p1 $0x2C00;
	[sflag:s15] =	ssyncadd.s32 @!p1 $0xFFFFD800;
	s15 =	simm.s32 @!p1 $0x50  }
0xb6: {  	[spmem:s2] =	stream.indirect.scatter.add.f32 @!p1 [tilespmem:s26], [sflag:$0xA], $0x80, s16, s15, $0xb8;
	[tilespmem:$0x1DC80] =	vst v63  }
0xb7: {  	s16 =	simm.s32 @!p1 $0xA  }
0xb8: {  	p2 =	seq.s32 @!p1 s17, $0x4B00;
	_ =	swait.ge @!p1 [sflag:s16], $0x2800  }
0xb9: {  	p3 =	por p2, p1;
	[sflag:s16] =	ssyncset.done @!p1 $0x0  }
0xba: {  	[sflag:s16] =	ssyncadd.s32 @!p1 $0xFFFFD800;
	s16 =	sadd.s32 @!p3 s17, s8  }
0xbb: {  	s29 =	simm.s32 @!p3 $0x80;
	s26 =	simm.s32 @!p3 $0x0;
	s16 =	sadd.s32 @!p3 $0x320, s16  }
0xbc: {  	[tilespmem:s29], [sflag:$0x2] =	stream.linear.gather @!p3 [hbm4b:s16+s26], $0x50, $0x38;
	[tilespmem:$0x1DC80] =	vst v63  }
0xbd: {  	s16 =	sadd.s32 @!p3 s17, s9  }
0xbe: {  	s29 =	simm.s32 @!p3 $0x280;
	s16 =	sadd.s32 @!p3 $0x320, s16  }
0xbf: {  	[tilespmem:s29], [sflag:$0x2] =	stream.linear.gather @!p3 [hbm4b:s16+s26], $0x50, $0x38;
	[tilespmem:$0x1DC80] =	vst v63  }
0xc0: {  	_ =	swait.ge [sflag:s22], $0x50  }
0xc1: {  	[sflag:s22] =	ssyncset.done $0x0  }
0xc2: {  	[sflag:s22] =	ssyncadd.s32 $0xFFFFFFB0  }
0xc3: {  	_ =	swait.ge [sflag:s22], $0x50  }
0xc4: {  	[sflag:s22] =	ssyncset.done $0x0  }
0xc5: {  	[sflag:s22] =	ssyncadd.s32 $0xFFFFFFB0  }
0xc6: {  	v1 =	vld [tilespmem:$0x0]  }
0xc7: {  	v2 =	vld [tilespmem:$0x10]  }
0xc8: {  	v3 =	vld [tilespmem:$0x20]  }
0xc9: {  	v62 =	vld [tilespmem:$0x30]  }
0xca: {  	v63 =	vld [tilespmem:$0x40]  }
0xcb: {  	v1 =	vadd.s32 v0, v1  }
0xcc: {  	[tilespmem:$0x0] =	vst v1;
	v1 =	vadd.s32 v0, v2  }
0xcd: {  	[tilespmem:$0x10] =	vst v1;
	v1 =	vadd.s32 v0, v3  }
0xce: {  	[tilespmem:$0x20] =	vst v1;
	v1 =	vadd.s32 v0, v62  }
0xcf: {  	p4 =	por @!p1 $0x0, $0x0;
	[tilespmem:$0x30] =	vst v1;
	v1 =	vadd.s32 v0, v63  }
0xd0: {  	p2 =	por !p2, p1;
	s16 =	simm.s32 @!p1 $0x7;
	p3 =	por @!p3 $0x1, $0x1;
	[tilespmem:$0x40] =	vst v1  }
0xd1: {  	[tilespmem:s24], [sflag:$0x5] =	stream.indirect.gather [hbm4b:s1+s23], $0x80, s3, s23, $0xb8;
	[tilespmem:$0x1DC80] =	vst v63  }
0xd2: {  	p3 =	por @!p2 p4, p4;
	p2 =	por $0x0, $0x0;
	_ =	swait.ge @!p1 [sflag:s16], $0x2800  }
0xd3: {  	s26 =	simm.s32 @!p1 $0x5400;
	p2 =	por @!p1 p3, p3;
	[sflag:s16] =	ssyncset.done @!p1 $0x0  }
0xd4: {  	p2 =	por p1, !p2;
	[sflag:s16] =	ssyncadd.s32 @!p1 $0xFFFFD800;
	s16 =	simm.s32 @!p1 $0x300  }
0xd5: {  	[spmem:s2] =	stream.indirect.scatter.add.f32 @!p1 [tilespmem:s26], [sflag:$0xB], $0x80, s16, s15, $0xb8;
	[tilespmem:$0x1DC80] =	vst v63  }
.Ltmp5:
0xd6: {  	_ = 	snop;
	(pc) =	sbr.rel @p2 .LBB2_5-.Ltmp5, $4  }
0xd7: {  	s15 =	simm.s32 @!p1 $0xB  }
0xd8: {  	_ =	swait.ge @!p1 [sflag:s15], $0x2800  }
0xd9: {  	[sflag:s15] =	ssyncset.done @!p1 $0x0  }
0xda: {  	[sflag:s15] =	ssyncadd.s32 @!p1 $0xFFFFD800  }
0xdb: {  	s15 =	sadd.s32 $0x3C0, s5  }
0xdc: {  	[tilespmem:s25], [sflag:$0x3] =	stream.linear.gather [hbm4b:s15+s3], $0x50, $0x38;
	[tilespmem:$0x1DC80] =	vst v63  }
0xdd: {  	s29 =	sadd.s32 $0x3C0, s14;
	s16 =	simm.s32 $0x300  }
0xde: {  	[tilespmem:s16], [sflag:$0x3] =	stream.linear.gather [hbm4b:s29+s3], $0x50, $0x38;
	[tilespmem:$0x1DC80] =	vst v63  }
0xdf: {  	_ =	swait.ge [sflag:s28], $0x50  }
0xe0: {  	[sflag:s28] =	ssyncset.done $0x0  }
0xe1: {  	[sflag:s28] =	ssyncadd.s32 $0xFFFFFFB0  }
0xe2: {  	_ =	swait.ge [sflag:s28], $0x50  }
0xe3: {  	[sflag:s28] =	ssyncset.done $0x0  }
0xe4: {  	[sflag:s28] =	ssyncadd.s32 $0xFFFFFFB0  }
0xe5: {  	v1 =	vld [tilespmem:$0x80]  }
0xe6: {  	v2 =	vld [tilespmem:$0x90]  }
0xe7: {  	v3 =	vld [tilespmem:$0xA0]  }
0xe8: {  	v4 =	vld [tilespmem:$0xB0]  }
0xe9: {  	v5 =	vld [tilespmem:$0xC0]  }
0xea: {  	v1 =	vadd.s32 v0, v1  }
0xeb: {  	[tilespmem:$0x80] =	vst v1;
	v1 =	vadd.s32 v0, v2  }
0xec: {  	[tilespmem:$0x90] =	vst v1;
	v1 =	vadd.s32 v0, v3  }
0xed: {  	[tilespmem:$0xA0] =	vst v1;
	v1 =	vadd.s32 v0, v4  }
0xee: {  	[tilespmem:$0xB0] =	vst v1;
	v1 =	vadd.s32 v0, v5  }
0xef: {  	s16 =	simm.s32 $0x2C00;
	[tilespmem:$0xC0] =	vst v1  }
0xf0: {  	[tilespmem:s16], [sflag:$0x6] =	stream.indirect.gather [hbm4b:s1+s23], $0x80, s20, s23, $0xb8;
	[tilespmem:$0x1DC80] =	vst v63  }
0xf1: {  	_ =	swait.ge [sflag:s11], $0x2800  }
0xf2: {  	[sflag:s11] =	ssyncset.done $0x0  }
0xf3: {  	[sflag:s11] =	ssyncadd.s32 $0xFFFFD800  }
0xf4: {  	[spmem:s2] =	stream.indirect.scatter.add.f32 [tilespmem:s10], [sflag:$0xC], $0x80, s31, s23, $0xb8;
	[tilespmem:$0x1DC80] =	vst v63  }
0xf5: {  	_ =	swait.ge [sflag:s12], $0x2800  }
0xf6: {  	[sflag:s12] =	ssyncset.done $0x0  }
0xf7: {  	s26 =	sadd.s32 $0x460, s5;
	[sflag:s12] =	ssyncadd.s32 $0xFFFFD800  }
0xf8: {  	[tilespmem:s30], [sflag:$0x4] =	stream.linear.gather [hbm4b:s26+s3], $0x50, $0x38;
	[tilespmem:$0x1DC80] =	vst v63  }
0xf9: {  	s29 =	sadd.s32 $0x460, s14  }
0xfa: {  	[tilespmem:s31], [sflag:$0x4] =	stream.linear.gather [hbm4b:s29+s3], $0x50, $0x38;
	[tilespmem:$0x1DC80] =	vst v63  }
0xfb: {  	_ =	swait.ge [sflag:s0], $0x50  }
0xfc: {  	[sflag:s0] =	ssyncset.done $0x0  }
0xfd: {  	[sflag:s0] =	ssyncadd.s32 $0xFFFFFFB0  }
0xfe: {  	_ =	swait.ge [sflag:s0], $0x50  }
0xff: {  	[sflag:s0] =	ssyncset.done $0x0  }
0x100: {  	[sflag:s0] =	ssyncadd.s32 $0xFFFFFFB0  }
0x101: {  	v1 =	vld [tilespmem:$0x100]  }
0x102: {  	v2 =	vld [tilespmem:$0x110]  }
0x103: {  	v3 =	vld [tilespmem:$0x120]  }
0x104: {  	v62 =	vld [tilespmem:$0x130]  }
0x105: {  	v63 =	vld [tilespmem:$0x140]  }
0x106: {  	v1 =	vadd.s32 v0, v1  }
0x107: {  	[tilespmem:$0x100] =	vst v1;
	v1 =	vadd.s32 v0, v2  }
.Ltmp6:
0x108: {  	[tilespmem:$0x110] =	vst v1;
	v1 =	vadd.s32 v0, v3;
	(pc) =	sbr.rel .LBB2_6-.Ltmp6, $4  }
0x109: {  	[tilespmem:$0x120] =	vst v1;
	v1 =	vadd.s32 v0, v62  }
0x10a: {  	[tilespmem:$0x130] =	vst v1;
	v1 =	vadd.s32 v0, v63  }
0x10b: {  	[tilespmem:$0x140] =	vst v1  }
0x10c: {  	[tilespmem:s21], [sflag:$0x7] =	stream.indirect.gather [hbm4b:s1+s23], $0x80, s25, s23, $0xb8;
	[tilespmem:$0x1DC80] =	vst v63  }
.LBB2_8:
0x10d: {  	_ =	sfence.sel $0x180000  }
0x10e: {  	[bflag:$0x0] =	sbarrier.arrive $0xFFFF  }
0x10f: {  	_ =	strace $0x9000004D  }
0x110: {  	s0 =	stileid.u32;
	[bflag:$0x2] =	sbarrier.arrive $0xFFFF  }
0x111: {  	p0 =	sne.s32 s0, $0x0;
	s0 =	rddreg [dreg:$0x3]  }
0x112: {  	s0 =	sadd.s32 @!p0 $0x100000, s0  }
0x113: {  	[sflag:s0] =	ssyncadd.tile.s32 @!p0 $0x1;
	_ =	shalt  }
.Lfunc_end2:
_tile_overlayer_lowered:
.L_overlay_start_2:
0x114: {  	(tag) =	ssettag $0x2  }
0x115: {  	s0 =	rddreg [dreg:$0x0];
	s2 =	stileid.u32  }
0x116: {  	s1 =	rddreg [dreg:$0x1];
	p0 =	sne.s32 s2, $0x0  }
0x117: {  	s3 =	rddreg [dreg:$0x2];
	[bflag:$0x3] =	sbarrier.arrive $0xFFFF;
	s2 =	simm.s32 @!p0 $0x1C0E  }
0x118: {  	[timem:s3], [sflag:s2] =	dma.local @!p0 [hbm:s0], s1  }
0x119: {  	s0 =	simm.s32 @!p0 $0xE  }
0x11a: {  	_ =	swait.ge @!p0 [sflag:s0], s1  }
0x11b: {  	s1 =	ssub.s32 @!p0 $0x0, s1;
	[sflag:s0] =	ssyncset.done @!p0 $0x0  }
0x11c: {  	[sflag:s0] =	ssyncadd.s32 @!p0 s1  }
0x11d: {  	[bflag:$0x3] =	sbarrier.arrive $0xFFFF  }
0x11e: {  	_ =	shalt  }

// kernel: kernel.19.cloned.1.call-start
scs
__scs_entry_jumppad:
0x0: {  	(pc) =	sbr.rel $0x88, $3  }
0x1: {  	(tag) =	ssettag $0x0;
	lr =	simm.s32 $0x1  }
0x2: {  	[smem:$0x3F99] =	sst lr;
	_ =	strace $0xD0000000  }
0x3: {  	_ = 	snop  }
0x4: {  	_ = 	snop  }
0x5: {  	_ = 	snop  }
0x6: {  	_ = 	snop  }
0x7: {  	_ = 	snop  }
__scs_overlays_trampoline_lowered:
0x8: {  	[smem:$0x3FA8] =	sst s0  }
0x9: {  	[smem:$0x3FA9] =	sst s1  }
0xa: {  	[smem:$0x3FAA] =	sst s2  }
0xb: {  	[smem:$0x3FAB] =	sst s3  }
0xc: {  	[smem:$0x3FAC] =	sst s4  }
0xd: {  	[smem:$0x3FAD] =	sst s5  }
0xe: {  	[smem:$0x3FAE] =	sst s6  }
0xf: {  	[smem:$0x3FAF] =	sst s7  }
0x10: {  	[smem:$0x3FB0] =	sst s8  }
0x11: {  	[smem:$0x3FB1] =	sst s9;
	s0 =	simm.s32 @!p0 $0x0  }
0x12: {  	s1 =	sld [smem:$0x3F97];
	s0 =	simm.s32 @p0 $0x1  }
0x13: {  	[smem:$0x3FB2] =	sst s0;
	s0 =	simm.s32 @!p1 $0x0  }
0x14: {  	s2 =	sld [smem:$0x3F96];
	s0 =	simm.s32 @p1 $0x1  }
0x15: {  	[smem:$0x3FB3] =	sst s0;
	s0 =	simm.s32 @!p2 $0x0  }
0x16: {  	s3 =	sld [smem:$0x3FDB];
	s0 =	simm.s32 @p2 $0x1  }
0x17: {  	s4 =	simm.s32 $0x1BF5;
	[smem:$0x3FB5] =	sst s0  }
0x18: {  	s0 =	sld [smem:$0x3F98];
	_ =	swait.ge [sflag:s4], $0x0  }
0x19: {  	s7 =	sld [smem:$0x3F99]  }
0x1a: {  	s8 =	sadd.s32 $0xFFFFE003, lr  }
0x1b: {  	s9 =	sadd.s32 $0xFFFFFEF7, lr;
	s5 =	simm.s32 $0xFFFFFFFF;
	p2 =	slt.u32 s8, $0xFFFFF086  }
0x1c: {  	p1 =	slt.u32 s9, $0xF7A;
	s5 =	simm.s32 @!p2 $0x0  }
0x1d: {  	s5 =	simm.s32 @p1 $0x1;
	p0 =	seq.s32 s7, s2  }
0x1e: {  	s7 =	smul.u32 @!p0 $0xF7A, s2;
	p2 =	seq.s32 @!p0 s5, $0x0  }
0x1f: {  	s9 =	smul.u32 $0xF7A, s1;
	s8 =	simm.s32 @!p0 $0x1BF5;
	p2 =	por !p2, p0  }
0x20: {  	[sflag:s8] =	ssyncset.s32 @!p0 $0xFFFFF086;
	s6 =	sadd.s32 @!p0 s3, s7;
	s7 =	simm.s32 @!p0 $0x108  }
0x21: {  	s3 =	sadd.s32 s3, s9;
	s6 =	sadd.s32 @!p0 $0x88, s6;
	s7 =	simm.s32 @p2 $0x1082  }
0x22: {  	[simem:s7], [sflag:s8] =	dma.local @!p0 [hbm:s6], $0xF7A  }
0x23: {  	s9 =	sor.u32 $0xD0000000, s2;
	s6 =	simm.s32 $0x108;
	_ =	swait.ge @!p0 [sflag:s8], $0x0  }
0x24: {  	s3 =	sadd.s32 $0x88, s3;
	s6 =	simm.s32 @!p1 $0x1082;
	[sflag:s4] =	ssyncset.s32 $0xFFFFF086  }
0x25: {  	[simem:s6], [sflag:s4] =	dma.local [hbm:s3], $0xF7A  }
0x26: {  	[smem:$0x3F99] =	sst s1;
	(tag) =	ssettag s2;
	_ =	strace s9  }
0x27: {  	s1 =	sld [smem:$0x3FA9]  }
0x28: {  	s2 =	sld [smem:$0x3FAA]  }
0x29: {  	s4 =	sld [smem:$0x3FAC]  }
0x2a: {  	p0 =	seq.s32 s5, $0x0;
	s5 =	sld [smem:$0x3FAD]  }
0x2b: {  	s6 =	sld [smem:$0x3FAE]  }
0x2c: {  	s7 =	sld [smem:$0x3FAF]  }
0x2d: {  	s3 =	simm.s32 $0x108;
	s8 =	sld [smem:$0x3FB0]  }
0x2e: {  	s3 =	simm.s32 @!p0 $0x1082;
	s9 =	sld [smem:$0x3FB1]  }
0x2f: {  	lr =	sadd.s32 s0, s3;
	s0 =	sld [smem:$0x3FA8]  }
0x30: {  	s3 =	sld [smem:$0x3FAB]  }
0x31: {  	[smem:$0x3FB4] =	sst s10  }
0x32: {  	s10 =	sld [smem:$0x3FB2];
	_ =	sdelay $0x3  }
0x33: {  	p0 =	seq.s32 s10, $0x1;
	s10 =	sld [smem:$0x3FB4];
	_ =	sdelay $0x3  }
0x34: {  	[smem:$0x3FB4] =	sst s10  }
0x35: {  	s10 =	sld [smem:$0x3FB3];
	_ =	sdelay $0x3  }
0x36: {  	p1 =	seq.s32 s10, $0x1;
	s10 =	sld [smem:$0x3FB4];
	_ =	sdelay $0x3  }
0x37: {  	[smem:$0x3FB4] =	sst s10  }
0x38: {  	s10 =	sld [smem:$0x3FB5]  }
0x39: {  	_ = 	snop;
	(pc) =	sbr.ind lr, $3  }
0x3a: {  	_ = 	snop  }
0x3b: {  	_ = 	snop  }
0x3c: {  	p2 =	seq.s32 s10, $0x1;
	s10 =	sld [smem:$0x3FB4]  }
0x3d: {  	_ =	shalt  }
0x3e: {  	_ =	shalt  }
0x3f: {  	_ =	shalt  }
0x40: {  	_ =	shalt  }
0x41: {  	_ =	shalt  }
0x42: {  	_ =	shalt  }
0x43: {  	_ =	shalt  }
0x44: {  	_ =	shalt  }
0x45: {  	_ =	shalt  }
0x46: {  	_ =	shalt  }
0x47: {  	_ =	shalt  }
0x48: {  	_ =	shalt  }
0x49: {  	_ =	shalt  }
0x4a: {  	_ =	shalt  }
0x4b: {  	_ =	shalt  }
0x4c: {  	_ =	shalt  }
0x4d: {  	_ =	shalt  }
0x4e: {  	_ =	shalt  }
0x4f: {  	_ =	shalt  }
0x50: {  	_ =	shalt  }
0x51: {  	_ =	shalt  }
0x52: {  	_ =	shalt  }
0x53: {  	_ =	shalt  }
0x54: {  	_ =	shalt  }
0x55: {  	_ =	shalt  }
0x56: {  	_ =	shalt  }
0x57: {  	_ =	shalt  }
0x58: {  	_ =	shalt  }
0x59: {  	_ =	shalt  }
0x5a: {  	_ =	shalt  }
0x5b: {  	_ =	shalt  }
0x5c: {  	_ =	shalt  }
0x5d: {  	_ =	shalt  }
0x5e: {  	_ =	shalt  }
0x5f: {  	_ =	shalt  }
0x60: {  	_ =	shalt  }
0x61: {  	_ =	shalt  }
0x62: {  	_ =	shalt  }
0x63: {  	_ =	shalt  }
0x64: {  	_ =	shalt  }
0x65: {  	_ =	shalt  }
0x66: {  	_ =	shalt  }
0x67: {  	_ =	shalt  }
0x68: {  	_ =	shalt  }
0x69: {  	_ =	shalt  }
0x6a: {  	_ =	shalt  }
0x6b: {  	_ =	shalt  }
0x6c: {  	_ =	shalt  }
0x6d: {  	_ =	shalt  }
0x6e: {  	_ =	shalt  }
0x6f: {  	_ =	shalt  }
0x70: {  	_ =	shalt  }
0x71: {  	_ =	shalt  }
0x72: {  	_ =	shalt  }
0x73: {  	_ =	shalt  }
0x74: {  	_ =	shalt  }
0x75: {  	_ =	shalt  }
0x76: {  	_ =	shalt  }
0x77: {  	_ =	shalt  }
0x78: {  	_ =	shalt  }
0x79: {  	_ =	shalt  }
0x7a: {  	_ =	shalt  }
0x7b: {  	_ =	shalt  }
0x7c: {  	_ =	shalt  }
0x7d: {  	_ =	shalt  }
0x7e: {  	_ =	shalt  }
0x7f: {  	_ =	shalt  }
0x80: {  	_ =	shalt  }
0x81: {  	_ =	shalt  }
0x82: {  	_ =	shalt  }
0x83: {  	_ =	shalt  }
0x84: {  	_ =	shalt  }
0x85: {  	_ =	shalt  }
0x86: {  	_ =	shalt  }
0x87: {  	_ =	shalt  }
.Lfunc_end0:
.L_simem_size_0:
called_computation.3_lowered:
.L_overlay_start_0:
0x88: {  	s2 =	sld [smem:$0x3FD9]  }
0x89: {  	s3 =	sld [smem:$0x3FFE];
	_ =	sdelay $0x1  }
0x8a: {  	s1 =	srdreg.scid  }
0x8b: {  	s0 =	sand.u32 $0x1, s1  }
0x8c: {  	s17 =	sshll.u32 s0, $0xA;
	s2 =	sadd.s32 s3, s2  }
0x8d: {  	s2 =	sadd.s32 s2, s17  }
0x8e: {  	[smem:$0x3FC0] =	sst s2  }
0x8f: {  	_ = 	snop  }
0x90: {  	s2 =	sld [smem:$0x3FD0];
	(tm) =	ssettm $0x1  }
0x91: {  	s18 =	sld [smem:$0x3FFB];
	_ =	sdelay $0x3  }
0x92: {  	_ =	strace s18  }
0x93: {  	s3 =	sld [smem:$0x3FFC];
	_ =	sdelay $0x3  }
0x94: {  	_ =	strace s3  }
0x95: {  	s3 =	sld [smem:$0x3FFD];
	_ =	sdelay $0x3  }
0x96: {  	_ =	strace s3  }
0x97: {  	_ =	strace $0x8FFFFFFF  }
0x98: {  	s19 =	sld [smem:$0x3FDB];
	_ =	sdelay $0x1  }
0x99: {  	s4 =	simm.s32 $_scs_section_size  }
0x9a: {  	s5 =	simm.s32 $_size__tile_overlayer_lowered;
	s6 =	simm.s32 $_tile_overlayer_lowered  }
0x9b: {  	s22 =	simm.s32 $0x1BFF;
	s21 =	sshll.u32 s6, $0x1;
	s3 =	sadd.s32 s4, s19  }
0x9c: {  	s7 =	simm.s32 $0x0;
	s20 =	sshll.u32 s5, $0x1;
	s5 =	sadd.s32 s21, s3  }
0x9d: {  	[timem:s7], [sflag:s22] =	dma.local [hbm:s5], s20  }
0x9e: {  	_ =	swait.ge [sflag:s22], s20  }
0x9f: {  	s4 =	ssub.s32 $0x0, s20;
	[sflag:s22] =	ssyncset.done $0x0  }
0xa0: {  	[sflag:s22] =	ssyncadd.s32 s4;
	_ =	sdelay $0x1  }
0xa1: {  	s23 =	simm.s32 $0x1B8B  }
0xa2: {  	_ =	swait.ge [sflag:s23], $0x1  }
0xa3: {  	[sflag:s23] =	ssyncset.done $0x0  }
0xa4: {  	s25 =	simm.s32 $0x1B8E;
	s24 =	sld [smem:$0x3FFE];
	[sflag:s23] =	ssyncadd.s32 $0xFFFFFFFF  }
0xa5: {  	s26 =	simm.s32 $execute0_lowered;
	[smem:$0x3FD2] =	sst s25  }
0xa6: {  	s5 =	sshll.u32 s26, $0x1;
	_ =	strace $0x8000004F;
	[dreg:$0x1] =	wrdreg $0xFFFFFFFF  }
0xa7: {  	s28 =	simm.s32 $_size_execute0_lowered;
	s3 =	sadd.s32 s3, s5;
	[dreg:$0x0] =	wrdreg $0x0  }
0xa8: {  	s5 =	sshll.u32 s28, $0x1;
	[dreg:$0x2] =	wrdreg s3  }
0xa9: {  	[dreg:$0x3] =	wrdreg s5  }
0xaa: {  	[dreg:$0x4] =	wrdreg $0xC0  }
0xab: {  	_ =	task [dreg:s7], $0x5FFFF  }
0xac: {  	[dreg:$0x1] =	wrdreg $0xFFFFFFFF  }
0xad: {  	[dreg:$0x0] =	wrdreg $0x60  }
0xae: {  	[dreg:$0x2] =	wrdreg s2  }
0xaf: {  	[dreg:$0x3] =	wrdreg s24  }
0xb0: {  	[dreg:$0x4] =	wrdreg $0xA4000  }
0xb1: {  	[dreg:$0x5] =	wrdreg $0x9  }
0xb2: {  	_ =	task.clear_ibuf [dreg:s7], $0x6FFFF;
	_ =	strace $0x9000004F  }
0xb3: {  	s29 =	simm.s32 $0x9;
	_ =	strace $0x80000051  }
0xb4: {  	_ =	swait.ge [sflag:s29], $0x1  }
0xb5: {  	[sflag:s29] =	ssyncadd.s32 $0xFFFFFFFF  }
0xb6: {  	_ =	strace $0x90000051  }
0xb7: {  	_ =	sfence  }
0xb8: {  	s30 =	sld [smem:$0x0];
	_ =	sdelay $0x2  }
0xb9: {  	s31 =	sshll.u32 s1, $0xD;
	s1 =	sshrl.u32 s1, $0x2  }
0xba: {  	s3 =	sand.u32 $0x4000, s31;
	s1 =	sadd.s32 s1, s30  }
0xbb: {  	s0 =	sor.u32 s3, s0;
	s1 =	sshll.u32 s1, $0x11  }
0xbc: {  	s0 =	sor.u32 s1, s0  }
0xbd: {  	s0 =	sadd.s32 $0x8F2B, s0  }
0xbe: {  	[sflag:s0] =	ssyncadd.remote.s32 $0x1  }
0xbf: {  	_ =	sfence.sel $0xFFFF  }
0xc0: {  	[dreg:$0x0] =	wrdreg $0xFFFFFFFF;
	(pc) =	sbr.abs _section_cstart, $3  }
0xc1: {  	[dreg:$0x1] =	wrdreg $0xFFFFFFFF  }
0xc2: {  	_ =	task.clear_ibuf [dreg:s7], $0x2FFFF;
	_ =	strace $0x9FFFFFFF  }
0xc3: {  	(tm) =	ssettm $0x7FFFFFFF  }
tec
execute0_lowered:
.L_overlay_start_1:
0x0: {  	(tag) =	ssettag $0x1  }
0x1: {  	s1 =	rddreg [dreg:$0x0]  }
0x2: {  	s0 =	rddreg [dreg:$0x1]  }
0x3: {  	s2 =	rddreg [dreg:$0x2];
	s3 =	simm.s32 $0x0  }
0x4: {  	s4 =	srdreg.scid;
	s15 =	stileid.u32;
	s19 =	simm.s32 $0x200  }
0x5: {  	s28 =	simm.s32 $0x2;
	s30 =	simm.s32 $0x180;
	s31 =	simm.s32 $0x380  }
0x6: {  	[smem:$0x7FF] =	sst s3;
	s5 =	sadd.s32 $0x2600, s0;
	s8 =	smul.u32 $0x50000, s15  }
0x7: {  	s4 =	sand.u32 $0x1, s4;
	s6 =	sadd.s32 $0x7600, s0;
	s10 =	smul.u32 $0x50, s15  }
0x8: {  	s7 =	sadd.s32 $0xC600, s0;
	s0 =	sadd.s32 $0xEE00, s0;
	s21 =	smul.u32 $0xA, s15  }
0x9: {  	s12 =	smul.u32 $0x280, s15;
	s22 =	sadd.s32 $0x12C000, s2;
	p0 =	seq.s32 s15, $0xF  }
0xa: {  	_ =	strace $0x80000050;
	s11 =	smul.u32 $0x2710, s4;
	[dreg:$0x4] =	wrdreg s7  }
0xb: {  	s20 =	ssub.s32 $0x2, s4;
	[dreg:$0x6] =	wrdreg s22;
	s4 =	smul.u32 $0x138800, s4  }
0xc: {  	s22 =	simm.s32 $0x1;
	s9 =	sshrl.u32 s20, $0x1;
	s8 =	sshrl.u32 s8, $0x2  }
0xd: {  	s10 =	sshrl.u32 s10, $0x3;
	s7 =	ssub.s32 s20, s9;
	s8 =	sadd.s32 s8, s2  }
0xe: {  	s13 =	sadd.s32 $0xA0, s10;
	s9 =	sadd.s32 s6, s21;
	s23 =	sadd.s32 $0x140, s10  }
0xf: {  	s10 =	sadd.s32 $0x1E0, s10;
	s12 =	sadd.s32 s12, s11;
	s4 =	sshrl.u32 s4, $0x3  }
0x10: {  	s20 =	simm.s32 $0x80;
	v0 =	vmov s11;
	s11 =	simm.s32 $0x8;
	[dreg:$0x5] =	wrdreg s8  }
0x11: {  	s8 =	sadd.s32 s5, s21;
	s14 =	sadd.s32 s5, s13;
	s13 =	sadd.s32 s6, s13  }
0x12: {  	s24 =	sadd.s32 s5, s23;
	s25 =	sadd.s32 s6, s23;
	[dreg:$0x7] =	wrdreg s14  }
0x13: {  	s5 =	sadd.s32 s5, s10;
	s26 =	sshll.u32 s12, $0x4;
	[dreg:$0x8] =	wrdreg s13  }
0x14: {  	s6 =	sadd.s32 s6, s10;
	s29 =	smax.u32 s7, $0x1;
	[dreg:$0x9] =	wrdreg s24  }
0x15: {  	s23 =	simm.s32 $0x50;
	s21 =	simm.s32 $0x5400;
	[dreg:$0xa] =	wrdreg s25  }
0x16: {  	s7 =	simm.s32 $0x4;
	s10 =	simm.s32 $0x7C00;
	[dreg:$0xb] =	wrdreg s5  }
.Ltmp0:
0x17: {  	s12 =	simm.s32 $0xC;
	[dreg:$0xc] =	wrdreg s6;
	(pc) =	sbr.rel .LBB2_1-.Ltmp0, $4  }
0x18: {  	s5 =	sadd.s32 s0, s26;
	s0 =	sadd.s32 s0, s4;
	[dreg:$0xf] =	wrdreg s29  }
0x19: {  	s24 =	simm.s32 $0x400;
	s25 =	simm.s32 $0x100;
	s4 =	simm.s32 $0x5  }
0x1a: {  	s6 =	simm.s32 $0x9;
	[dreg:$0xd] =	wrdreg s5;
	s0 =	sadd.s32 $0x25800, s0  }
0x1b: {  	s13 =	simm.s32 $0x0;
	[dreg:$0xe] =	wrdreg s0;
	s0 =	simm.s32 $0x3  }
.LBB2_7:
0x1c: {  	[bflag:$0x0] =	sbarrier.arrive $0xFFFF  }
0x1d: {  	s14 =	rddreg [dreg:$0xe]  }
0x1e: {  	s5 =	simm.s32 @p0 $0x1FCE;
	s15 =	rddreg [dreg:$0x12]  }
0x1f: {  	[hbm:s14], [sflag:s5] =	dma.local @p0 [spmem:s15], $0x1900  }
0x20: {  	s5 =	simm.s32 @p0 $0xE  }
0x21: {  	_ =	swait.ge @p0 [sflag:s5], $0x1900  }
0x22: {  	[sflag:s5] =	ssyncset.done @p0 $0x0;
	s14 =	rddreg [dreg:$0xd]  }
0x23: {  	[sflag:s5] =	ssyncadd.s32 @p0 $0xFFFFE700;
	s5 =	rddreg [dreg:$0x10]  }
0x24: {  	s15 =	rddreg [dreg:$0x11];
	s5 =	sor.u32 @!p0 $0x1C0E, s5  }
0x25: {  	[hbm:s14], [sflag:s5] =	dma.local @!p0 [spmem:s15], $0x2800  }
0x26: {  	s5 =	simm.s32 @!p0 $0xE  }
0x27: {  	_ =	swait.ge @!p0 [sflag:s5], $0x2800  }
0x28: {  	s13 =	sadd.s32 $0x1, s13;
	s29 =	rddreg [dreg:$0xf]  }
0x29: {  	p1 =	sne.s32 s13, s29  }
.Ltmp1:
0x2a: {  	_ = 	snop;
	(pc) =	sbr.rel @!p1 .LBB2_8-.Ltmp1, $3  }
0x2b: {  	_ =	sdelay $0x1  }
0x2c: {  	[sflag:s5] =	ssyncset.done @!p0 $0x0  }
0x2d: {  	[sflag:s5] =	ssyncadd.s32 @!p0 $0xFFFFD800  }
.LBB2_1:
0x2e: {  	s5 =	rddreg [dreg:$0x6]  }
0x2f: {  	s14 =	rddreg [dreg:$0x4];
	s15 =	sshrl.u32 @p0 s5, $0x3  }
0x30: {  	s5 =	simm.s32 @p0 $0x1FCD;
	[dreg:$0x12] =	wrdreg s15  }
0x31: {  	[spmem:s15], [sflag:s5] =	dma.local @p0 [hbm:s14], $0x1900  }
0x32: {  	s5 =	stileid.u32  }
0x33: {  	s5 =	sshll.u32 @!p0 s5, $0x6;
	s15 =	rddreg [dreg:$0x5]  }
0x34: {  	[dreg:$0x10] =	wrdreg s5;
	s15 =	sshrl.u32 @!p0 s15, $0x3  }
0x35: {  	s5 =	sor.u32 @!p0 $0x1C0D, s5;
	[dreg:$0x11] =	wrdreg s15  }
0x36: {  	[spmem:s15], [sflag:s5] =	dma.local @!p0 [hbm:s14], $0x2800  }
0x37: {  	[tilespmem:s3], [sflag:$0x1] =	stream.linear.gather [hbm4b:s8+s3], $0x50, $0x38;
	[tilespmem:$0x1DC80] =	vst v63  }
0x38: {  	_ = 	snop  }
0x39: {  	[tilespmem:s19], [sflag:$0x1] =	stream.linear.gather [hbm4b:s9+s3], $0x50, $0x38;
	[tilespmem:$0x1DC80] =	vst v63  }
0x3a: {  	s5 =	rddreg [dreg:$0x7]  }
0x3b: {  	[tilespmem:s20], [sflag:$0x2] =	stream.linear.gather [hbm4b:s5+s3], $0x50, $0x38;
	[tilespmem:$0x1DC80] =	vst v63  }
0x3c: {  	s29 =	simm.s32 $0x280;
	s26 =	rddreg [dreg:$0x8]  }
0x3d: {  	[tilespmem:s29], [sflag:$0x2] =	stream.linear.gather [hbm4b:s26+s3], $0x50, $0x38;
	[tilespmem:$0x1DC80] =	vst v63  }
0x3e: {  	_ =	swait.ge [sflag:s22], $0x50  }
0x3f: {  	[sflag:s22] =	ssyncset.done $0x0  }
0x40: {  	[sflag:s22] =	ssyncadd.s32 $0xFFFFFFB0  }
0x41: {  	_ =	swait.ge [sflag:s22], $0x50  }
0x42: {  	[sflag:s22] =	ssyncset.done $0x0  }
0x43: {  	[sflag:s22] =	ssyncadd.s32 $0xFFFFFFB0  }
0x44: {  	v1 =	vld [tilespmem:$0x0]  }
0x45: {  	v2 =	vld [tilespmem:$0x10]  }
0x46: {  	v3 =	vld [tilespmem:$0x20]  }
0x47: {  	v4 =	vld [tilespmem:$0x30]  }
0x48: {  	v5 =	vld [tilespmem:$0x40]  }
0x49: {  	v1 =	vadd.s32 v0, v1  }
0x4a: {  	[tilespmem:$0x0] =	vst v1;
	v1 =	vadd.s32 v0, v2  }
0x4b: {  	[tilespmem:$0x10] =	vst v1;
	v1 =	vadd.s32 v0, v3  }
0x4c: {  	[tilespmem:$0x20] =	vst v1;
	v1 =	vadd.s32 v0, v4  }
0x4d: {  	[tilespmem:$0x30] =	vst v1;
	v1 =	vadd.s32 v0, v5  }
0x4e: {  	[tilespmem:$0x40] =	vst v1  }
0x4f: {  	[tilespmem:s24], [sflag:$0x5] =	stream.indirect.gather [hbm4b:s1+s23], $0x80, s3, s23, $0xb8;
	[tilespmem:$0x1DC80] =	vst v63  }
0x50: {  	s15 =	rddreg [dreg:$0x9]  }
0x51: {  	[tilespmem:s25], [sflag:$0x3] =	stream.linear.gather [hbm4b:s15+s3], $0x50, $0x38;
	[tilespmem:$0x1DC80] =	vst v63  }
0x52: {  	s17 =	simm.s32 $0x300;
	s16 =	rddreg [dreg:$0xa]  }
0x53: {  	[tilespmem:s17], [sflag:$0x3] =	stream.linear.gather [hbm4b:s16+s3], $0x50, $0x38;
	[tilespmem:$0x1DC80] =	vst v63  }
0x54: {  	_ =	swait.ge [sflag:s28], $0x50  }
0x55: {  	[sflag:s28] =	ssyncset.done $0x0  }
0x56: {  	[sflag:s28] =	ssyncadd.s32 $0xFFFFFFB0  }
0x57: {  	_ =	swait.ge [sflag:s28], $0x50  }
0x58: {  	[sflag:s28] =	ssyncset.done $0x0  }
0x59: {  	[sflag:s28] =	ssyncadd.s32 $0xFFFFFFB0  }
0x5a: {  	v1 =	vld [tilespmem:$0x80]  }
0x5b: {  	v2 =	vld [tilespmem:$0x90]  }
0x5c: {  	v3 =	vld [tilespmem:$0xA0]  }
0x5d: {  	v60 =	vld [tilespmem:$0xB0]  }
0x5e: {  	v61 =	vld [tilespmem:$0xC0]  }
0x5f: {  	v1 =	vadd.s32 v0, v1  }
0x60: {  	[tilespmem:$0x80] =	vst v1;
	v1 =	vadd.s32 v0, v2  }
0x61: {  	[tilespmem:$0x90] =	vst v1;
	v1 =	vadd.s32 v0, v3  }
0x62: {  	[tilespmem:$0xA0] =	vst v1;
	v1 =	vadd.s32 v0, v60  }
0x63: {  	[tilespmem:$0xB0] =	vst v1;
	v1 =	vadd.s32 v0, v61  }
0x64: {  	s18 =	simm.s32 $0x2C00;
	[tilespmem:$0xC0] =	vst v1  }
0x65: {  	[tilespmem:s18], [sflag:$0x6] =	stream.indirect.gather [hbm4b:s1+s23], $0x80, s20, s23, $0xb8;
	[tilespmem:$0x1DC80] =	vst v63  }
0x66: {  	s26 =	rddreg [dreg:$0xb]  }
0x67: {  	[tilespmem:s30], [sflag:$0x4] =	stream.linear.gather [hbm4b:s26+s3], $0x50, $0x38;
	[tilespmem:$0x1DC80] =	vst v63  }
0x68: {  	s29 =	rddreg [dreg:$0xc]  }
0x69: {  	[tilespmem:s31], [sflag:$0x4] =	stream.linear.gather [hbm4b:s29+s3], $0x50, $0x38;
	[tilespmem:$0x1DC80] =	vst v63  }
0x6a: {  	_ =	swait.ge [sflag:s0], $0x50  }
0x6b: {  	[sflag:s0] =	ssyncset.done $0x0  }
0x6c: {  	[sflag:s0] =	ssyncadd.s32 $0xFFFFFFB0  }
0x6d: {  	_ =	swait.ge [sflag:s0], $0x50  }
0x6e: {  	[sflag:s0] =	ssyncset.done $0x0  }
0x6f: {  	[sflag:s0] =	ssyncadd.s32 $0xFFFFFFB0  }
0x70: {  	v1 =	vld [tilespmem:$0x100]  }
0x71: {  	v2 =	vld [tilespmem:$0x110]  }
0x72: {  	v3 =	vld [tilespmem:$0x120]  }
0x73: {  	v62 =	vld [tilespmem:$0x130]  }
0x74: {  	v63 =	vld [tilespmem:$0x140]  }
0x75: {  	v1 =	vadd.s32 v0, v1  }
0x76: {  	[tilespmem:$0x100] =	vst v1;
	v1 =	vadd.s32 v0, v2  }
0x77: {  	[tilespmem:$0x110] =	vst v1;
	v1 =	vadd.s32 v0, v3  }
0x78: {  	[tilespmem:$0x120] =	vst v1;
	v1 =	vadd.s32 v0, v62  }
0x79: {  	[tilespmem:$0x130] =	vst v1;
	v1 =	vadd.s32 v0, v63  }
0x7a: {  	s5 =	simm.s32 @p0 $0xD;
	[tilespmem:$0x140] =	vst v1  }
0x7b: {  	[tilespmem:s21], [sflag:$0x7] =	stream.indirect.gather [hbm4b:s1+s23], $0x80, s25, s23, $0xb8;
	[tilespmem:$0x1DC80] =	vst v63  }
0x7c: {  	_ =	swait.ge @p0 [sflag:s5], $0x1900  }
0x7d: {  	[sflag:s5] =	ssyncset.done @p0 $0x0  }
0x7e: {  	[sflag:s5] =	ssyncadd.s32 @p0 $0xFFFFE700;
	s5 =	simm.s32 @!p0 $0xD  }
0x7f: {  	_ =	swait.ge @!p0 [sflag:s5], $0x2800  }
0x80: {  	[sflag:s5] =	ssyncset.done @!p0 $0x0  }
0x81: {  	[sflag:s5] =	ssyncadd.s32 @!p0 $0xFFFFD800  }
.Ltmp2:
0x82: {  	[bflag:$0x0] =	sbarrier.arrive $0xFFFF;
	(pc) =	sbr.rel .LBB2_2-.Ltmp2, $4  }
0x83: {  	_ =	swait.ge [sflag:s4], $0x2800  }
0x84: {  	[sflag:s4] =	ssyncset.done $0x0  }
0x85: {  	s17 =	simm.s32 $0x0;
	s18 =	simm.s32 $0x0;
	[sflag:s4] =	ssyncadd.s32 $0xFFFFD800  }
0x86: {  	[spmem:s2] =	stream.indirect.scatter.add.f32 [tilespmem:s24], [sflag:$0x9], $0x80, s19, s23, $0xb8;
	[tilespmem:$0x1DC80] =	vst v63  }
.LBB2_5:
0x87: {  	_ =	swait.ge [sflag:s11], $0x2800  }
0x88: {  	[sflag:s11] =	ssyncset.done $0x0  }
0x89: {  	[sflag:s11] =	ssyncadd.s32 $0xFFFFD800  }
0x8a: {  	[spmem:s2] =	stream.indirect.scatter.add.f32 [tilespmem:s10], [sflag:$0xC], $0x80, s31, s23, $0xb8;
	[tilespmem:$0x1DC80] =	vst v63  }
0x8b: {  	_ =	swait.ge [sflag:s12], $0x2800  }
0x8c: {  	[sflag:s12] =	ssyncset.done $0x0  }
0x8d: {  	[sflag:s12] =	ssyncadd.s32 $0xFFFFD800  }
.LBB2_6:
0x8e: {  	s17 =	sadd.s32 $0x280, s17  }
0x8f: {  	p1 =	sne.s32 s17, $0x5000  }
.Ltmp3:
0x90: {  	_ = 	snop;
	(pc) =	sbr.rel @!p1 .LBB2_7-.Ltmp3, $4  }
0x91: {  	_ =	swait.ge [sflag:s4], $0x2800  }
0x92: {  	[sflag:s4] =	ssyncset.done $0x0  }
0x93: {  	s18 =	sadd.s32 $0x1, s18;
	[sflag:s4] =	ssyncadd.s32 $0xFFFFD800  }
0x94: {  	[spmem:s2] =	stream.indirect.scatter.add.f32 [tilespmem:s24], [sflag:$0x9], $0x80, s19, s23, $0xb8;
	[tilespmem:$0x1DC80] =	vst v63  }
.LBB2_2:
0x95: {  	p1 =	seq.s32 s17, $0x4D80  }
.Ltmp4:
0x96: {  	_ = 	snop;
	(pc) =	sbr.rel @p1 .LBB2_7-.Ltmp4, $4  }
0x97: {  	_ = 	snop  }
0x98: {  	_ =	swait.ge [sflag:s6], $0x2800  }
0x99: {  	[sflag:s6] =	ssyncset.done $0x0  }
0x9a: {  	[sflag:s6] =	ssyncadd.s32 $0xFFFFD800  }
0x9b: {  	s5 =	sadd.s32 s17, s8  }
0x9c: {  	s14 =	sadd.s32 $0x280, s5  }
0x9d: {  	[tilespmem:s3], [sflag:$0x1] =	stream.linear.gather [hbm4b:s14+s3], $0x50, $0x38;
	[tilespmem:$0x1DC80] =	vst v63  }
0x9e: {  	s14 =	sadd.s32 s17, s9  }
0x9f: {  	s15 =	sadd.s32 $0x280, s14  }
0xa0: {  	[tilespmem:s19], [sflag:$0x1] =	stream.linear.gather [hbm4b:s15+s3], $0x50, $0x38;
	[tilespmem:$0x1DC80] =	vst v63  }
0xa1: {  	_ =	swait.ge [sflag:s7], $0x50  }
0xa2: {  	[sflag:s7] =	ssyncset.done $0x0  }
0xa3: {  	[sflag:s7] =	ssyncadd.s32 $0xFFFFFFB0  }
0xa4: {  	_ =	swait.ge [sflag:s7], $0x50  }
0xa5: {  	[sflag:s7] =	ssyncset.done $0x0  }
0xa6: {  	[sflag:s7] =	ssyncadd.s32 $0xFFFFFFB0  }
0xa7: {  	v1 =	vld [tilespmem:$0x180]  }
0xa8: {  	v2 =	vld [tilespmem:$0x190]  }
0xa9: {  	v3 =	vld [tilespmem:$0x1A0]  }
0xaa: {  	v4 =	vld [tilespmem:$0x1B0]  }
0xab: {  	v5 =	vld [tilespmem:$0x1C0]  }
0xac: {  	v1 =	vadd.s32 v0, v1  }
0xad: {  	[tilespmem:$0x180] =	vst v1;
	v1 =	vadd.s32 v0, v2  }
0xae: {  	[tilespmem:$0x190] =	vst v1;
	v1 =	vadd.s32 v0, v3  }
0xaf: {  	[tilespmem:$0x1A0] =	vst v1;
	v1 =	vadd.s32 v0, v4  }
0xb0: {  	p1 =	sgt.u32 s18, $0x1E;
	[tilespmem:$0x1B0] =	vst v1;
	v1 =	vadd.s32 v0, v5  }
0xb1: {  	s15 =	simm.s32 @!p1 $0x6;
	[tilespmem:$0x1C0] =	vst v1  }
0xb2: {  	[tilespmem:s10], [sflag:$0x8] =	stream.indirect.gather [hbm4b:s1+s23], $0x80, s30, s23, $0xb8;
	[tilespmem:$0x1DC80] =	vst v63  }
0xb3: {  	_ =	swait.ge @!p1 [sflag:s15], $0x2800  }
0xb4: {  	s16 =	simm.s32 @!p1 $0x280;
	[sflag:s15] =	ssyncset.done @!p1 $0x0  }
0xb5: {  	s26 =	simm.s32 @!p1 $0x2C00;
	[sflag:s15] =	ssyncadd.s32 @!p1 $0xFFFFD800;
	s15 =	simm.s32 @!p1 $0x50  }
0xb6: {  	[spmem:s2] =	stream.indirect.scatter.add.f32 @!p1 [tilespmem:s26], [sflag:$0xA], $0x80, s16, s15, $0xb8;
	[tilespmem:$0x1DC80] =	vst v63  }
0xb7: {  	s16 =	simm.s32 @!p1 $0xA  }
0xb8: {  	p2 =	seq.s32 @!p1 s17, $0x4B00;
	_ =	swait.ge @!p1 [sflag:s16], $0x2800  }
0xb9: {  	p3 =	por p2, p1;
	[sflag:s16] =	ssyncset.done @!p1 $0x0  }
0xba: {  	[sflag:s16] =	ssyncadd.s32 @!p1 $0xFFFFD800;
	s16 =	sadd.s32 @!p3 s17, s8  }
0xbb: {  	s29 =	simm.s32 @!p3 $0x80;
	s26 =	simm.s32 @!p3 $0x0;
	s16 =	sadd.s32 @!p3 $0x320, s16  }
0xbc: {  	[tilespmem:s29], [sflag:$0x2] =	stream.linear.gather @!p3 [hbm4b:s16+s26], $0x50, $0x38;
	[tilespmem:$0x1DC80] =	vst v63  }
0xbd: {  	s16 =	sadd.s32 @!p3 s17, s9  }
0xbe: {  	s29 =	simm.s32 @!p3 $0x280;
	s16 =	sadd.s32 @!p3 $0x320, s16  }
0xbf: {  	[tilespmem:s29], [sflag:$0x2] =	stream.linear.gather @!p3 [hbm4b:s16+s26], $0x50, $0x38;
	[tilespmem:$0x1DC80] =	vst v63  }
0xc0: {  	_ =	swait.ge [sflag:s22], $0x50  }
0xc1: {  	[sflag:s22] =	ssyncset.done $0x0  }
0xc2: {  	[sflag:s22] =	ssyncadd.s32 $0xFFFFFFB0  }
0xc3: {  	_ =	swait.ge [sflag:s22], $0x50  }
0xc4: {  	[sflag:s22] =	ssyncset.done $0x0  }
0xc5: {  	[sflag:s22] =	ssyncadd.s32 $0xFFFFFFB0  }
0xc6: {  	v1 =	vld [tilespmem:$0x0]  }
0xc7: {  	v2 =	vld [tilespmem:$0x10]  }
0xc8: {  	v3 =	vld [tilespmem:$0x20]  }
0xc9: {  	v62 =	vld [tilespmem:$0x30]  }
0xca: {  	v63 =	vld [tilespmem:$0x40]  }
0xcb: {  	v1 =	vadd.s32 v0, v1  }
0xcc: {  	[tilespmem:$0x0] =	vst v1;
	v1 =	vadd.s32 v0, v2  }
0xcd: {  	[tilespmem:$0x10] =	vst v1;
	v1 =	vadd.s32 v0, v3  }
0xce: {  	[tilespmem:$0x20] =	vst v1;
	v1 =	vadd.s32 v0, v62  }
0xcf: {  	p4 =	por @!p1 $0x0, $0x0;
	[tilespmem:$0x30] =	vst v1;
	v1 =	vadd.s32 v0, v63  }
0xd0: {  	p2 =	por !p2, p1;
	s16 =	simm.s32 @!p1 $0x7;
	p3 =	por @!p3 $0x1, $0x1;
	[tilespmem:$0x40] =	vst v1  }
0xd1: {  	[tilespmem:s24], [sflag:$0x5] =	stream.indirect.gather [hbm4b:s1+s23], $0x80, s3, s23, $0xb8;
	[tilespmem:$0x1DC80] =	vst v63  }
0xd2: {  	p3 =	por @!p2 p4, p4;
	p2 =	por $0x0, $0x0;
	_ =	swait.ge @!p1 [sflag:s16], $0x2800  }
0xd3: {  	s26 =	simm.s32 @!p1 $0x5400;
	p2 =	por @!p1 p3, p3;
	[sflag:s16] =	ssyncset.done @!p1 $0x0  }
0xd4: {  	p2 =	por p1, !p2;
	[sflag:s16] =	ssyncadd.s32 @!p1 $0xFFFFD800;
	s16 =	simm.s32 @!p1 $0x300  }
0xd5: {  	[spmem:s2] =	stream.indirect.scatter.add.f32 @!p1 [tilespmem:s26], [sflag:$0xB], $0x80, s16, s15, $0xb8;
	[tilespmem:$0x1DC80] =	vst v63  }
.Ltmp5:
0xd6: {  	_ = 	snop;
	(pc) =	sbr.rel @p2 .LBB2_5-.Ltmp5, $4  }
0xd7: {  	s15 =	simm.s32 @!p1 $0xB  }
0xd8: {  	_ =	swait.ge @!p1 [sflag:s15], $0x2800  }
0xd9: {  	[sflag:s15] =	ssyncset.done @!p1 $0x0  }
0xda: {  	[sflag:s15] =	ssyncadd.s32 @!p1 $0xFFFFD800  }
0xdb: {  	s15 =	sadd.s32 $0x3C0, s5  }
0xdc: {  	[tilespmem:s25], [sflag:$0x3] =	stream.linear.gather [hbm4b:s15+s3], $0x50, $0x38;
	[tilespmem:$0x1DC80] =	vst v63  }
0xdd: {  	s29 =	sadd.s32 $0x3C0, s14;
	s16 =	simm.s32 $0x300  }
0xde: {  	[tilespmem:s16], [sflag:$0x3] =	stream.linear.gather [hbm4b:s29+s3], $0x50, $0x38;
	[tilespmem:$0x1DC80] =	vst v63  }
0xdf: {  	_ =	swait.ge [sflag:s28], $0x50  }
0xe0: {  	[sflag:s28] =	ssyncset.done $0x0  }
0xe1: {  	[sflag:s28] =	ssyncadd.s32 $0xFFFFFFB0  }
0xe2: {  	_ =	swait.ge [sflag:s28], $0x50  }
0xe3: {  	[sflag:s28] =	ssyncset.done $0x0  }
0xe4: {  	[sflag:s28] =	ssyncadd.s32 $0xFFFFFFB0  }
0xe5: {  	v1 =	vld [tilespmem:$0x80]  }
0xe6: {  	v2 =	vld [tilespmem:$0x90]  }
0xe7: {  	v3 =	vld [tilespmem:$0xA0]  }
0xe8: {  	v4 =	vld [tilespmem:$0xB0]  }
0xe9: {  	v5 =	vld [tilespmem:$0xC0]  }
0xea: {  	v1 =	vadd.s32 v0, v1  }
0xeb: {  	[tilespmem:$0x80] =	vst v1;
	v1 =	vadd.s32 v0, v2  }
0xec: {  	[tilespmem:$0x90] =	vst v1;
	v1 =	vadd.s32 v0, v3  }
0xed: {  	[tilespmem:$0xA0] =	vst v1;
	v1 =	vadd.s32 v0, v4  }
0xee: {  	[tilespmem:$0xB0] =	vst v1;
	v1 =	vadd.s32 v0, v5  }
0xef: {  	s16 =	simm.s32 $0x2C00;
	[tilespmem:$0xC0] =	vst v1  }
0xf0: {  	[tilespmem:s16], [sflag:$0x6] =	stream.indirect.gather [hbm4b:s1+s23], $0x80, s20, s23, $0xb8;
	[tilespmem:$0x1DC80] =	vst v63  }
0xf1: {  	_ =	swait.ge [sflag:s11], $0x2800  }
0xf2: {  	[sflag:s11] =	ssyncset.done $0x0  }
0xf3: {  	[sflag:s11] =	ssyncadd.s32 $0xFFFFD800  }
0xf4: {  	[spmem:s2] =	stream.indirect.scatter.add.f32 [tilespmem:s10], [sflag:$0xC], $0x80, s31, s23, $0xb8;
	[tilespmem:$0x1DC80] =	vst v63  }
0xf5: {  	_ =	swait.ge [sflag:s12], $0x2800  }
0xf6: {  	[sflag:s12] =	ssyncset.done $0x0  }
0xf7: {  	s26 =	sadd.s32 $0x460, s5;
	[sflag:s12] =	ssyncadd.s32 $0xFFFFD800  }
0xf8: {  	[tilespmem:s30], [sflag:$0x4] =	stream.linear.gather [hbm4b:s26+s3], $0x50, $0x38;
	[tilespmem:$0x1DC80] =	vst v63  }
0xf9: {  	s29 =	sadd.s32 $0x460, s14  }
0xfa: {  	[tilespmem:s31], [sflag:$0x4] =	stream.linear.gather [hbm4b:s29+s3], $0x50, $0x38;
	[tilespmem:$0x1DC80] =	vst v63  }
0xfb: {  	_ =	swait.ge [sflag:s0], $0x50  }
0xfc: {  	[sflag:s0] =	ssyncset.done $0x0  }
0xfd: {  	[sflag:s0] =	ssyncadd.s32 $0xFFFFFFB0  }
0xfe: {  	_ =	swait.ge [sflag:s0], $0x50  }
0xff: {  	[sflag:s0] =	ssyncset.done $0x0  }
0x100: {  	[sflag:s0] =	ssyncadd.s32 $0xFFFFFFB0  }
0x101: {  	v1 =	vld [tilespmem:$0x100]  }
0x102: {  	v2 =	vld [tilespmem:$0x110]  }
0x103: {  	v3 =	vld [tilespmem:$0x120]  }
0x104: {  	v62 =	vld [tilespmem:$0x130]  }
0x105: {  	v63 =	vld [tilespmem:$0x140]  }
0x106: {  	v1 =	vadd.s32 v0, v1  }
0x107: {  	[tilespmem:$0x100] =	vst v1;
	v1 =	vadd.s32 v0, v2  }
.Ltmp6:
0x108: {  	[tilespmem:$0x110] =	vst v1;
	v1 =	vadd.s32 v0, v3;
	(pc) =	sbr.rel .LBB2_6-.Ltmp6, $4  }
0x109: {  	[tilespmem:$0x120] =	vst v1;
	v1 =	vadd.s32 v0, v62  }
0x10a: {  	[tilespmem:$0x130] =	vst v1;
	v1 =	vadd.s32 v0, v63  }
0x10b: {  	[tilespmem:$0x140] =	vst v1  }
0x10c: {  	[tilespmem:s21], [sflag:$0x7] =	stream.indirect.gather [hbm4b:s1+s23], $0x80, s25, s23, $0xb8;
	[tilespmem:$0x1DC80] =	vst v63  }
.LBB2_8:
0x10d: {  	_ =	sfence.sel $0x180000  }
0x10e: {  	[bflag:$0x0] =	sbarrier.arrive $0xFFFF  }
0x10f: {  	_ =	strace $0x90000050  }
0x110: {  	s0 =	stileid.u32;
	[bflag:$0x2] =	sbarrier.arrive $0xFFFF  }
0x111: {  	p0 =	sne.s32 s0, $0x0;
	s0 =	rddreg [dreg:$0x3]  }
0x112: {  	s0 =	sadd.s32 @!p0 $0x100000, s0  }
0x113: {  	[sflag:s0] =	ssyncadd.tile.s32 @!p0 $0x1;
	_ =	shalt  }
.Lfunc_end2:
_tile_overlayer_lowered:
.L_overlay_start_2:
0x114: {  	(tag) =	ssettag $0x2  }
0x115: {  	s0 =	rddreg [dreg:$0x0];
	s2 =	stileid.u32  }
0x116: {  	s1 =	rddreg [dreg:$0x1];
	p0 =	sne.s32 s2, $0x0  }
0x117: {  	s3 =	rddreg [dreg:$0x2];
	[bflag:$0x3] =	sbarrier.arrive $0xFFFF;
	s2 =	simm.s32 @!p0 $0x1C0E  }
0x118: {  	[timem:s3], [sflag:s2] =	dma.local @!p0 [hbm:s0], s1  }
0x119: {  	s0 =	simm.s32 @!p0 $0xE  }
0x11a: {  	_ =	swait.ge @!p0 [sflag:s0], s1  }
0x11b: {  	s1 =	ssub.s32 @!p0 $0x0, s1;
	[sflag:s0] =	ssyncset.done @!p0 $0x0  }
0x11c: {  	[sflag:s0] =	ssyncadd.s32 @!p0 s1  }
0x11d: {  	[bflag:$0x3] =	sbarrier.arrive $0xFFFF  }
0x11e: {  	_ =	shalt  }

</sc_bundles>
